<compile_context>
chip_gen: v7x
topology: tpu7x:2x2x1
jax: 0.10.2.dev20260603
libtpu: 0.0.44.dev20260713+nightly
codegen_flags: <defaults>
</compile_context>

<pallas_src>
import functools

import jax
import jax.numpy as jnp
from jax import lax
from jax.experimental import pallas as pl
from jax.experimental.pallas import tpu as pltpu
from jax.experimental.pallas import tpu_sc as plsc

N = 10000
E = 320000
DIN = 128
D = 256
DH = 128
DP = 144
BM = 400
GRID = N // BM
NS = 16
L = 16
EPT = E // NS
CH = 80
NCHUNK = EPT // CH
RPT = N // NS
F32 = jnp.float32


def _leaky(v):
    return jnp.where(v >= 0, v, 0.2 * v)


def _prep_body(x_ref, w_ref, asv_ref, adv_ref, ha_ref, hb_ref, asad_ref):
    h = jnp.dot(x_ref[...], w_ref[...], preferred_element_type=F32)
    a_s = jnp.dot(h, asv_ref[...], preferred_element_type=F32)
    a_d = jnp.dot(h, adv_ref[...], preferred_element_type=F32)
    tail_i = lax.broadcasted_iota(jnp.int32, (BM, DP - DH), 1)
    tail = jnp.where(tail_i == 0, 1.0, 0.0).astype(F32)
    ha_ref[:, :DH] = h[:, :DH]
    ha_ref[:, DH:] = tail
    hb_ref[:, :DH] = h[:, DH:]
    hb_ref[:, DH:] = tail
    t8 = lax.broadcasted_iota(jnp.int32, (BM, 8), 1)
    asad_ref[...] = jnp.where(t8 == 0, a_s, jnp.where(t8 == 1, a_d, 0.0)).astype(F32)


def _prep(x, w, asv, adv):
    return pl.pallas_call(
        _prep_body,
        grid=(GRID,),
        in_specs=[
            pl.BlockSpec((BM, DIN), lambda i: (i, 0)),
            pl.BlockSpec((DIN, D), lambda i: (0, 0)),
            pl.BlockSpec((D, 1), lambda i: (0, 0)),
            pl.BlockSpec((D, 1), lambda i: (0, 0)),
        ],
        out_specs=[
            pl.BlockSpec((BM, DP), lambda i: (i, 0)),
            pl.BlockSpec((BM, DP), lambda i: (i, 0)),
            pl.BlockSpec((BM, 8), lambda i: (i, 0)),
        ],
        out_shape=[
            jax.ShapeDtypeStruct((N, DP), F32),
            jax.ShapeDtypeStruct((N, DP), F32),
            jax.ShapeDtypeStruct((N, 8), F32),
        ],
    )(x, w, asv, adv)


def _norm_body(sa_ref, sb_ref, ha_ref, hb_ref, asad_ref, b_ref, w2_ref,
               asv_ref, adv_ref, x1_ref, ha2_ref, hb2_ref, asad2_ref):
    ws = jnp.exp(_leaky(asad_ref[:, 0:1] + asad_ref[:, 1:2]))
    den = sa_ref[:, DH:DH + 1] + ws + 1e-16
    xa = (sa_ref[:, :DH] + ws * ha_ref[:, :DH]) / den + b_ref[:, :DH]
    xb = (sb_ref[:, :DH] + ws * hb_ref[:, :DH]) / den + b_ref[:, DH:]
    x1 = jnp.maximum(jnp.concatenate([xa, xb], axis=1), 0.0)
    x1_ref[...] = x1
    h2 = jnp.dot(x1, w2_ref[...], preferred_element_type=F32)
    a_s = jnp.dot(h2, asv_ref[...], preferred_element_type=F32)
    a_d = jnp.dot(h2, adv_ref[...], preferred_element_type=F32)
    tail_i = lax.broadcasted_iota(jnp.int32, (BM, DP - DH), 1)
    tail = jnp.where(tail_i == 0, 1.0, 0.0).astype(F32)
    ha2_ref[:, :DH] = h2[:, :DH]
    ha2_ref[:, DH:] = tail
    hb2_ref[:, :DH] = h2[:, DH:]
    hb2_ref[:, DH:] = tail
    t8 = lax.broadcasted_iota(jnp.int32, (BM, 8), 1)
    asad2_ref[...] = jnp.where(t8 == 0, a_s, jnp.where(t8 == 1, a_d, 0.0)).astype(F32)


def _norm(sa, sb, ha, hb, asad, b, w2, asv, adv):
    return pl.pallas_call(
        _norm_body,
        grid=(GRID,),
        in_specs=[
            pl.BlockSpec((BM, DP), lambda i: (i, 0)),
            pl.BlockSpec((BM, DP), lambda i: (i, 0)),
            pl.BlockSpec((BM, DP), lambda i: (i, 0)),
            pl.BlockSpec((BM, DP), lambda i: (i, 0)),
            pl.BlockSpec((BM, 8), lambda i: (i, 0)),
            pl.BlockSpec((1, D), lambda i: (0, 0)),
            pl.BlockSpec((D, D), lambda i: (0, 0)),
            pl.BlockSpec((D, 1), lambda i: (0, 0)),
            pl.BlockSpec((D, 1), lambda i: (0, 0)),
        ],
        out_specs=[
            pl.BlockSpec((BM, D), lambda i: (i, 0)),
            pl.BlockSpec((BM, DP), lambda i: (i, 0)),
            pl.BlockSpec((BM, DP), lambda i: (i, 0)),
            pl.BlockSpec((BM, 8), lambda i: (i, 0)),
        ],
        out_shape=[
            jax.ShapeDtypeStruct((N, D), F32),
            jax.ShapeDtypeStruct((N, DP), F32),
            jax.ShapeDtypeStruct((N, DP), F32),
            jax.ShapeDtypeStruct((N, 8), F32),
        ],
    )(sa, sb, ha, hb, asad, b, w2, asv, adv)


def _final_body(sa_ref, sb_ref, ha_ref, hb_ref, asad_ref, b_ref, x1_ref,
                wihf_ref, whhf_ref, wihr_ref, whhr_ref,
                bihf_ref, bhhf_ref, bihr_ref, bhhr_ref,
                wpa_ref, wpb_ref, out_ref):
    ws = jnp.exp(_leaky(asad_ref[:, 0:1] + asad_ref[:, 1:2]))
    den = sa_ref[:, DH:DH + 1] + ws + 1e-16
    xa = (sa_ref[:, :DH] + ws * ha_ref[:, :DH]) / den + b_ref[:, :DH]
    xb = (sb_ref[:, :DH] + ws * hb_ref[:, :DH]) / den + b_ref[:, DH:]
    x2 = jnp.maximum(jnp.concatenate([xa, xb], axis=1), 0.0)
    x1 = x1_ref[...]

    bf = bihf_ref[...] + bhhf_ref[...]
    br = bihr_ref[...] + bhhr_ref[...]

    bf16 = jnp.bfloat16

    def cell(xt, hprev, cprev, wih_ref, whh_ref, bb):
        g = jnp.dot(xt.astype(bf16), wih_ref[...].astype(bf16),
                    preferred_element_type=F32) + bb
        if hprev is not None:
            g = g + jnp.dot(hprev.astype(bf16), whh_ref[...].astype(bf16),
                            preferred_element_type=F32)
        i = jax.nn.sigmoid(g[:, :D])
        f = jax.nn.sigmoid(g[:, D:2 * D])
        gg = jnp.tanh(g[:, 2 * D:3 * D])
        o = jax.nn.sigmoid(g[:, 3 * D:])
        c = i * gg
        if cprev is not None:
            c = c + f * cprev
        return o * jnp.tanh(c), c

    hf1, cf1 = cell(x1, None, None, wihf_ref, whhf_ref, bf)
    hf2, _ = cell(x2, hf1, cf1, wihf_ref, whhf_ref, bf)
    hr2, cr2 = cell(x2, None, None, wihr_ref, whhr_ref, br)
    hr1, _ = cell(x1, hr2, cr2, wihr_ref, whhr_ref, br)

    s1 = (jnp.dot(hf1, wpa_ref[...], preferred_element_type=F32)
          + jnp.dot(hr1, wpb_ref[...], preferred_element_type=F32))
    s2 = (jnp.dot(hf2, wpa_ref[...], preferred_element_type=F32)
          + jnp.dot(hr2, wpb_ref[...], preferred_element_type=F32))
    a1 = jax.nn.sigmoid(s1 - s2)
    a2 = jax.nn.sigmoid(s2 - s1)
    out_ref[...] = a1 * x1 + a2 * x2


def _final(sa, sb, ha, hb, asad, b, x1, wihf, whhf, wihr, whhr,
           bihf, bhhf, bihr, bhhr, wpa, wpb):
    c0 = lambda i: (0, 0)
    return pl.pallas_call(
        _final_body,
        grid=(GRID,),
        in_specs=[
            pl.BlockSpec((BM, DP), lambda i: (i, 0)),
            pl.BlockSpec((BM, DP), lambda i: (i, 0)),
            pl.BlockSpec((BM, DP), lambda i: (i, 0)),
            pl.BlockSpec((BM, DP), lambda i: (i, 0)),
            pl.BlockSpec((BM, 8), lambda i: (i, 0)),
            pl.BlockSpec((1, D), c0),
            pl.BlockSpec((BM, D), lambda i: (i, 0)),
            pl.BlockSpec((D, 4 * D), c0),
            pl.BlockSpec((D, 4 * D), c0),
            pl.BlockSpec((D, 4 * D), c0),
            pl.BlockSpec((D, 4 * D), c0),
            pl.BlockSpec((1, 4 * D), c0),
            pl.BlockSpec((1, 4 * D), c0),
            pl.BlockSpec((1, 4 * D), c0),
            pl.BlockSpec((1, 4 * D), c0),
            pl.BlockSpec((D, 1), c0),
            pl.BlockSpec((D, 1), c0),
        ],
        out_specs=pl.BlockSpec((BM, D), lambda i: (i, 0)),
        out_shape=jax.ShapeDtypeStruct((N, D), F32),
    )(sa, sb, ha, hb, asad, b, x1, wihf, whhf, wihr, whhr,
      bihf, bhhf, bihr, bhhr, wpa, wpb)


def _build_edge_kernel():
    mesh = plsc.VectorSubcoreMesh(core_axis_name="c", subcore_axis_name="s")

    @functools.partial(
        pl.kernel,
        out_type=(jax.ShapeDtypeStruct((N, DP), F32),
                  jax.ShapeDtypeStruct((N, DP), F32)),
        mesh=mesh,
        scratch_types=[
            [pltpu.VMEM((CH, 8), F32)] * 2,
            [pltpu.VMEM((CH, 8), F32)] * 2,
            [pltpu.VMEM((CH,), jnp.int32)] * 2,
            [pltpu.VMEM((CH,), jnp.int32)] * 2,
            [pltpu.VMEM((CH,), jnp.int32)] * 2,
            [pltpu.VMEM((CH,), jnp.int32)] * 2,
            pltpu.VMEM((CH,), F32),
            [pltpu.VMEM((CH, DP), F32)] * 2,
            pltpu.VMEM_SHARED((N, DP), F32),
            [pltpu.SemaphoreType.DMA] * 2,
            [pltpu.SemaphoreType.DMA] * 2,
        ],
        compiler_params=pltpu.CompilerParams(use_tc_tiling_on_sc=False,
                                             needs_layout_passes=False),
    )
    def edge_kernel(hs_hbm, src_hbm, dst_hbm, asad_hbm, sa_out, sb_out,
                    asv_v, adv_v, src_v, srcg_v, dst_v, dsts_v, w_v, rows_v,
                    s_sh, sem_g, sem_s):
        c = lax.axis_index("c")
        s = lax.axis_index("s")

        def zero_body(r, _):
            for g in range(DP // L):
                rows_v[0][r, pl.ds(g * L, L)] = jnp.zeros((L,), F32)
            return 0
        lax.fori_loop(0, CH, zero_body, 0)
        row0 = pl.multiple_of(s * RPT, RPT)
        for j in range(RPT // CH):
            pltpu.sync_copy(rows_v[0], s_sh.at[pl.ds(row0 + j * CH, CH)])
        rem = RPT - (RPT // CH) * CH
        if rem:
            pltpu.sync_copy(rows_v[0].at[pl.ds(0, rem)],
                            s_sh.at[pl.ds(row0 + (RPT // CH) * CH, rem)])
        plsc.subcore_barrier()

        ebase = pl.multiple_of(s * EPT, EPT)
        z16 = jnp.zeros((L,), jnp.int32)
        o16 = jnp.ones((L,), jnp.int32)
        i16 = lax.iota(jnp.int32, L)

        def load_idx(j, b):
            jc = jnp.minimum(j, NCHUNK - 1)
            off = pl.multiple_of(ebase + jc * CH, CH)
            pltpu.sync_copy(src_hbm.at[pl.ds(off, CH)], src_v[b])
            pltpu.sync_copy(dst_hbm.at[pl.ds(off, CH)], dst_v[b])
            for g in range(CH // L):
                srcg_v[b][pl.ds(g * L, L)] = src_v[b][pl.ds(g * L, L)] + c * N

        def fire_gathers(b):
            pltpu.async_copy(hs_hbm.at[srcg_v[b]], rows_v[b], sem_g[b])
            pltpu.async_copy(asad_hbm.at[src_v[b]], asv_v[b], sem_g[b])
            pltpu.async_copy(asad_hbm.at[dst_v[b]], adv_v[b], sem_g[b])

        def wait_gathers(b):
            pltpu.make_async_copy(hs_hbm.at[srcg_v[b]], rows_v[b], sem_g[b]).wait()
            pltpu.make_async_copy(asad_hbm.at[src_v[b]], asv_v[b], sem_g[b]).wait()
            pltpu.make_async_copy(asad_hbm.at[dst_v[b]], adv_v[b], sem_g[b]).wait()

        def wait_scatter(b):
            pltpu.make_async_copy(rows_v[b], s_sh.at[dsts_v[b]], sem_s[b]).wait()

        load_idx(jnp.int32(0), 0)
        fire_gathers(0)

        def outer_body(jo, _):
            for b in range(2):
                nb = 1 - b
                j = jo * 2 + b
                load_idx(j + 1, nb)
                wait_gathers(b)
                if b == 0:
                    @pl.when(jo > 0)
                    def _():
                        wait_scatter(nb)
                else:
                    wait_scatter(nb)
                fire_gathers(nb)
                for g in range(CH // L):
                    ridx = i16 + g * L
                    av = plsc.load_gather(asv_v[b], [ridx, z16])
                    dv = plsc.load_gather(adv_v[b], [ridx, o16])
                    e = _leaky(av + dv)
                    w_v[pl.ds(g * L, L)] = jnp.exp(e)

                def scale_body(k, _):
                    wsp = plsc.load_gather(w_v, [jnp.full((L,), k, jnp.int32)])
                    for g in range(DP // L):
                        rows_v[b][k, pl.ds(g * L, L)] = (
                            rows_v[b][k, pl.ds(g * L, L)] * wsp)
                    return 0
                lax.fori_loop(0, CH, scale_body, 0)
                for g in range(CH // L):
                    dsts_v[b][pl.ds(g * L, L)] = dst_v[b][pl.ds(g * L, L)]
                pltpu.async_copy(rows_v[b], s_sh.at[dsts_v[b]], sem_s[b],
                                 add=True)
            return 0
        lax.fori_loop(0, NCHUNK // 2, outer_body, 0)
        wait_gathers(0)
        wait_scatter(1)
        plsc.subcore_barrier()

        @pl.when(c == 0)
        def _():
            pltpu.sync_copy(s_sh.at[pl.ds(row0, RPT)], sa_out.at[pl.ds(row0, RPT)])

        @pl.when(c == 1)
        def _():
            pltpu.sync_copy(s_sh.at[pl.ds(row0, RPT)], sb_out.at[pl.ds(row0, RPT)])

    return edge_kernel


_edge_cache = []


def _edge_pass(ha, hb, src, dst, asad):
    if not _edge_cache:
        _edge_cache.append(_build_edge_kernel())
    hs = jnp.concatenate([ha, hb], axis=0)
    return _edge_cache[0](hs, src, dst, asad)


def kernel(x, edge_index, W1, a_src1, a_dst1, b1, W2, a_src2, a_dst2, b2,
           Wih_f, Whh_f, bih_f, bhh_f, Wih_r, Whh_r, bih_r, bhh_r, Wp):
    src = edge_index[0]
    dst = edge_index[1]
    ha1, hb1, asad1 = _prep(x, W1, a_src1.reshape(-1, 1), a_dst1.reshape(-1, 1))
    sa1, sb1 = _edge_pass(ha1, hb1, src, dst, asad1)
    x1, ha2, hb2, asad2 = _norm(sa1, sb1, ha1, hb1, asad1, b1.reshape(1, -1),
                                W2, a_src2.reshape(-1, 1), a_dst2.reshape(-1, 1))
    sa2, sb2 = _edge_pass(ha2, hb2, src, dst, asad2)
    out = _final(sa2, sb2, ha2, hb2, asad2, b2.reshape(1, -1), x1,
                 Wih_f.T, Whh_f.T, Wih_r.T, Whh_r.T,
                 bih_f.reshape(1, -1), bhh_f.reshape(1, -1),
                 bih_r.reshape(1, -1), bhh_r.reshape(1, -1),
                 Wp[:, :D].reshape(-1, 1), Wp[:, D:].reshape(-1, 1))
    return out

# --- scband reference (transcript-rebuilt; emitter-appended) ---
"""Pipeline reference for scband-lstmattention-jknetgat-29987461661047 (READ-ONLY COPY).

The authoritative reference and input builder live on the scoring server;
editing this copy changes nothing except your own understanding.
"""

import jax, jax.numpy as jnp
import numpy as np

N = 10000
E = 320000
D_IN = 128
D_HID = 256
HEADS = 1


def _w(key, shape, fan_in):
    return (jax.random.normal(key, shape, dtype=jnp.float32) / np.sqrt(fan_in)).astype(jnp.float32)


def setup_inputs(seed: int = 0) -> dict:
    key = jax.random.key(seed)
    ks = jax.random.split(key, 24)
    inp = {}
    inp["x"] = jax.random.normal(ks[0], (N, D_IN), dtype=jnp.float32)
    inp["edge_index"] = jax.random.randint(ks[1], (2, E), 0, N, dtype=jnp.int32)
    # GATConv 1: lin weight [D_IN, HEADS*D_HID], att_src/att_dst [1, HEADS, D_HID], bias [D_HID]
    inp["W1"] = _w(ks[2], (D_IN, HEADS * D_HID), D_IN)
    inp["a_src1"] = _w(ks[3], (1, HEADS, D_HID), D_HID)
    inp["a_dst1"] = _w(ks[4], (1, HEADS, D_HID), D_HID)
    inp["b1"] = jnp.zeros((D_HID,), dtype=jnp.float32)
    # GATConv 2
    inp["W2"] = _w(ks[5], (D_HID, HEADS * D_HID), D_HID)
    inp["a_src2"] = _w(ks[6], (1, HEADS, D_HID), D_HID)
    inp["a_dst2"] = _w(ks[7], (1, HEADS, D_HID), D_HID)
    inp["b2"] = jnp.zeros((D_HID,), dtype=jnp.float32)
    # Bidirectional LSTM (input_size=D_HID, hidden_size=D_HID); torch gate order i,f,g,o
    inp["Wih_f"] = _w(ks[8], (4 * D_HID, D_HID), D_HID)
    inp["Whh_f"] = _w(ks[9], (4 * D_HID, D_HID), D_HID)
    inp["bih_f"] = jnp.zeros((4 * D_HID,), dtype=jnp.float32)
    inp["bhh_f"] = jnp.zeros((4 * D_HID,), dtype=jnp.float32)
    inp["Wih_r"] = _w(ks[10], (4 * D_HID, D_HID), D_HID)
    inp["Whh_r"] = _w(ks[11], (4 * D_HID, D_HID), D_HID)
    inp["bih_r"] = jnp.zeros((4 * D_HID,), dtype=jnp.float32)
    inp["bhh_r"] = jnp.zeros((4 * D_HID,), dtype=jnp.float32)
    # attention_project: Linear(2*D_HID, 1, bias=False), weight [1, 2*D_HID]
    inp["Wp"] = _w(ks[12], (1, 2 * D_HID), 2 * D_HID)
    return inp


def gat_conv(x, edge_index, W, a_src_w, a_dst_w, bias):
    n = x.shape[0]
    loops = jnp.arange(n, dtype=edge_index.dtype)
    src = jnp.concatenate([edge_index[0], loops])
    dst = jnp.concatenate([edge_index[1], loops])
    h = (x @ W).reshape(n, HEADS, D_HID)
    a_src = jnp.sum(h * a_src_w, axis=-1)  # [n, H]
    a_dst = jnp.sum(h * a_dst_w, axis=-1)  # [n, H]
    e = a_src[src] + a_dst[dst]            # [E', H]
    e = jax.nn.leaky_relu(e, negative_slope=0.2)
    e_max = jax.ops.segment_max(e, dst, num_segments=n)
    e_max = jnp.where(jnp.isfinite(e_max), e_max, 0.0)
    ex = jnp.exp(e - e_max[dst])
    denom = jax.ops.segment_sum(ex, dst, num_segments=n)
    alpha = ex / (denom[dst] + 1e-16)
    msg = h[src] * alpha[:, :, None]
    out = jax.ops.segment_sum(msg, dst, num_segments=n)  # [n, H, D_HID]
    return jnp.mean(out, axis=1) + bias  # concat=False -> mean over heads


def _lstm_cell(xt, h, c, Wih, Whh, bih, bhh):
    g = xt @ Wih.T + h @ Whh.T + bih + bhh
    i, f, gg, o = jnp.split(g, 4, axis=-1)
    i = jax.nn.sigmoid(i)
    f = jax.nn.sigmoid(f)
    gg = jnp.tanh(gg)
    o = jax.nn.sigmoid(o)
    c = f * c + i * gg
    h = o * jnp.tanh(c)
    return h, c


def bilstm(seq, Wih_f, Whh_f, bih_f, bhh_f, Wih_r, Whh_r, bih_r, bhh_r):
    T, B, _ = seq.shape
    H = Whh_f.shape[1]
    h = jnp.zeros((B, H), dtype=seq.dtype)
    c = jnp.zeros((B, H), dtype=seq.dtype)
    outs_f = []
    for t in range(T):
        h, c = _lstm_cell(seq[t], h, c, Wih_f, Whh_f, bih_f, bhh_f)
        outs_f.append(h)
    h = jnp.zeros((B, H), dtype=seq.dtype)
    c = jnp.zeros((B, H), dtype=seq.dtype)
    outs_r = [None] * T
    for t in range(T - 1, -1, -1):
        h, c = _lstm_cell(seq[t], h, c, Wih_r, Whh_r, bih_r, bhh_r)
        outs_r[t] = h
    return jnp.stack([jnp.concatenate([outs_f[t], outs_r[t]], axis=-1) for t in range(T)])


def reference(x, edge_index, W1, a_src1, a_dst1, b1, W2, a_src2, a_dst2, b2,
              Wih_f, Whh_f, bih_f, bhh_f, Wih_r, Whh_r, bih_r, bhh_r, Wp):
    x1 = jax.nn.relu(gat_conv(x, edge_index, W1, a_src1, a_dst1, b1))
    x2 = jax.nn.relu(gat_conv(x1, edge_index, W2, a_src2, a_dst2, b2))
    out = jnp.stack([x1, x2], axis=0)  # [2, N, D_HID]
    lstm_out = bilstm(out, Wih_f, Whh_f, bih_f, bhh_f, Wih_r, Whh_r, bih_r, bhh_r)  # [2, N, 2*D_HID]
    scores = lstm_out @ Wp.T  # [2, N, 1]
    A = jax.nn.softmax(scores, axis=0)[:, :, 0].T  # [N, 2]
    return jnp.einsum('nk,knd->nd', A, out)

if __name__ == "__main__":
    import jax
    _d = setup_inputs()
    print(jax.jit(kernel)(*tuple(_d.values())))

</pallas_src>

<mosaic_0001>
#map = affine_map<(d0, d1) -> (0, 0)>
#map1 = affine_map<(d0, d1) -> (0)>
module attributes {stable_mosaic.version = 14 : i64} {
  func.func @edge_kernel(%arg0: i32, %arg1: i32, %arg2: memref<20000x144xf32, #tpu.memory_space<hbm>>, %arg3: memref<320000xi32, #tpu.memory_space<hbm>>, %arg4: memref<320000xi32, #tpu.memory_space<hbm>>, %arg5: memref<10000x8xf32, #tpu.memory_space<hbm>>, %arg6: memref<10000x144xf32, #tpu.memory_space<hbm>>, %arg7: memref<10000x144xf32, #tpu.memory_space<hbm>>, %arg8: memref<80x8xf32, #tpu.memory_space<vmem>>, %arg9: memref<80x8xf32, #tpu.memory_space<vmem>>, %arg10: memref<80x8xf32, #tpu.memory_space<vmem>>, %arg11: memref<80x8xf32, #tpu.memory_space<vmem>>, %arg12: memref<80xi32, #tpu.memory_space<vmem>>, %arg13: memref<80xi32, #tpu.memory_space<vmem>>, %arg14: memref<80xi32, #tpu.memory_space<vmem>>, %arg15: memref<80xi32, #tpu.memory_space<vmem>>, %arg16: memref<80xi32, #tpu.memory_space<vmem>>, %arg17: memref<80xi32, #tpu.memory_space<vmem>>, %arg18: memref<80xi32, #tpu.memory_space<vmem>>, %arg19: memref<80xi32, #tpu.memory_space<vmem>>, %arg20: memref<80xf32, #tpu.memory_space<vmem>>, %arg21: memref<80x144xf32, #tpu.memory_space<vmem>>, %arg22: memref<80x144xf32, #tpu.memory_space<vmem>>, %arg23: memref<10000x144xf32, #tpu.memory_space<vmem_shared>>, %arg24: memref<!tpu.dma_semaphore, #tpu.memory_space<semaphore_mem>>, %arg25: memref<!tpu.dma_semaphore, #tpu.memory_space<semaphore_mem>>, %arg26: memref<!tpu.dma_semaphore, #tpu.memory_space<semaphore_mem>>, %arg27: memref<!tpu.dma_semaphore, #tpu.memory_space<semaphore_mem>>) attributes {dimension_semantics = [#tpu.dimension_semantics<core_parallel>, #tpu.dimension_semantics<subcore_parallel>], iteration_bounds = array<i64: 2, 16>, scalar_prefetch = 0 : i64, scratch_operands = 20 : i64, tpu.core_type = #tpu.core_type<sc_vector_subcore>, window_params = [{transform_indices = #map}, {transform_indices = #map1}, {transform_indices = #map1}, {transform_indices = #map}, {transform_indices = #map}, {transform_indices = #map}]} {
    %scan3A = arith.constant 0 : i32
    %scan3A_0 = arith.constant 0 : i32
    %scan3A_1 = arith.constant 80 : i32
    %scan3A_2 = arith.addi %scan3A_0, %scan3A_1 : i32
    %scan3A_3 = arith.constant 1 : i32
    %scan3A_4 = scf.for %scan3A_106 = %scan3A_0 to %scan3A_2 step %scan3A_3 iter_args(%scan3A_107 = %scan3A) -> (i32)  : i32 {
      %broadcast_in_dim3A_108 = arith.constant 0.000000e+00 : f32
      %broadcast_in_dim3A_109 = vector.broadcast %broadcast_in_dim3A_108 : f32 to vector<16xf32>
      %swap3A_110 = arith.index_cast %scan3A_106 : i32 to index
      %swap3A_111 = arith.constant 0 : index
      %swap3A_112 = tpu.vector_load %arg21[%swap3A_110, %swap3A_111] {strides = array<i32>} : memref<80x144xf32, #tpu.memory_space<vmem>>, vector<16xf32>,
      tpu.vector_store %arg21[%swap3A_110, %swap3A_111], %broadcast_in_dim3A_109 {strides = array<i32>} : memref<80x144xf32, #tpu.memory_space<vmem>>, vector<16xf32>,
      %broadcast_in_dim3A_113 = arith.constant 0.000000e+00 : f32
      %broadcast_in_dim3A_114 = vector.broadcast %broadcast_in_dim3A_113 : f32 to vector<16xf32>
      %swap3A_115 = arith.index_cast %scan3A_106 : i32 to index
      %swap3A_116 = arith.constant 16 : index
      %swap3A_117 = tpu.vector_load %arg21[%swap3A_115, %swap3A_116] {strides = array<i32>} : memref<80x144xf32, #tpu.memory_space<vmem>>, vector<16xf32>,
      tpu.vector_store %arg21[%swap3A_115, %swap3A_116], %broadcast_in_dim3A_114 {strides = array<i32>} : memref<80x144xf32, #tpu.memory_space<vmem>>, vector<16xf32>,
      %broadcast_in_dim3A_118 = arith.constant 0.000000e+00 : f32
      %broadcast_in_dim3A_119 = vector.broadcast %broadcast_in_dim3A_118 : f32 to vector<16xf32>
      %swap3A_120 = arith.index_cast %scan3A_106 : i32 to index
      %swap3A_121 = arith.constant 32 : index
      %swap3A_122 = tpu.vector_load %arg21[%swap3A_120, %swap3A_121] {strides = array<i32>} : memref<80x144xf32, #tpu.memory_space<vmem>>, vector<16xf32>,
      tpu.vector_store %arg21[%swap3A_120, %swap3A_121], %broadcast_in_dim3A_119 {strides = array<i32>} : memref<80x144xf32, #tpu.memory_space<vmem>>, vector<16xf32>,
      %broadcast_in_dim3A_123 = arith.constant 0.000000e+00 : f32
      %broadcast_in_dim3A_124 = vector.broadcast %broadcast_in_dim3A_123 : f32 to vector<16xf32>
      %swap3A_125 = arith.index_cast %scan3A_106 : i32 to index
      %swap3A_126 = arith.constant 48 : index
      %swap3A_127 = tpu.vector_load %arg21[%swap3A_125, %swap3A_126] {strides = array<i32>} : memref<80x144xf32, #tpu.memory_space<vmem>>, vector<16xf32>,
      tpu.vector_store %arg21[%swap3A_125, %swap3A_126], %broadcast_in_dim3A_124 {strides = array<i32>} : memref<80x144xf32, #tpu.memory_space<vmem>>, vector<16xf32>,
      %broadcast_in_dim3A_128 = arith.constant 0.000000e+00 : f32
      %broadcast_in_dim3A_129 = vector.broadcast %broadcast_in_dim3A_128 : f32 to vector<16xf32>
      %swap3A_130 = arith.index_cast %scan3A_106 : i32 to index
      %swap3A_131 = arith.constant 64 : index
      %swap3A_132 = tpu.vector_load %arg21[%swap3A_130, %swap3A_131] {strides = array<i32>} : memref<80x144xf32, #tpu.memory_space<vmem>>, vector<16xf32>,
      tpu.vector_store %arg21[%swap3A_130, %swap3A_131], %broadcast_in_dim3A_129 {strides = array<i32>} : memref<80x144xf32, #tpu.memory_space<vmem>>, vector<16xf32>,
      %broadcast_in_dim3A_133 = arith.constant 0.000000e+00 : f32
      %broadcast_in_dim3A_134 = vector.broadcast %broadcast_in_dim3A_133 : f32 to vector<16xf32>
      %swap3A_135 = arith.index_cast %scan3A_106 : i32 to index
      %swap3A_136 = arith.constant 80 : index
      %swap3A_137 = tpu.vector_load %arg21[%swap3A_135, %swap3A_136] {strides = array<i32>} : memref<80x144xf32, #tpu.memory_space<vmem>>, vector<16xf32>,
      tpu.vector_store %arg21[%swap3A_135, %swap3A_136], %broadcast_in_dim3A_134 {strides = array<i32>} : memref<80x144xf32, #tpu.memory_space<vmem>>, vector<16xf32>,
      %broadcast_in_dim3A_138 = arith.constant 0.000000e+00 : f32
      %broadcast_in_dim3A_139 = vector.broadcast %broadcast_in_dim3A_138 : f32 to vector<16xf32>
      %swap3A_140 = arith.index_cast %scan3A_106 : i32 to index
      %swap3A_141 = arith.constant 96 : index
      %swap3A_142 = tpu.vector_load %arg21[%swap3A_140, %swap3A_141] {strides = array<i32>} : memref<80x144xf32, #tpu.memory_space<vmem>>, vector<16xf32>,
      tpu.vector_store %arg21[%swap3A_140, %swap3A_141], %broadcast_in_dim3A_139 {strides = array<i32>} : memref<80x144xf32, #tpu.memory_space<vmem>>, vector<16xf32>,
      %broadcast_in_dim3A_143 = arith.constant 0.000000e+00 : f32
      %broadcast_in_dim3A_144 = vector.broadcast %broadcast_in_dim3A_143 : f32 to vector<16xf32>
      %swap3A_145 = arith.index_cast %scan3A_106 : i32 to index
      %swap3A_146 = arith.constant 112 : index
      %swap3A_147 = tpu.vector_load %arg21[%swap3A_145, %swap3A_146] {strides = array<i32>} : memref<80x144xf32, #tpu.memory_space<vmem>>, vector<16xf32>,
      tpu.vector_store %arg21[%swap3A_145, %swap3A_146], %broadcast_in_dim3A_144 {strides = array<i32>} : memref<80x144xf32, #tpu.memory_space<vmem>>, vector<16xf32>,
      %broadcast_in_dim3A_148 = arith.constant 0.000000e+00 : f32
      %broadcast_in_dim3A_149 = vector.broadcast %broadcast_in_dim3A_148 : f32 to vector<16xf32>
      %swap3A_150 = arith.index_cast %scan3A_106 : i32 to index
      %swap3A_151 = arith.constant 128 : index
      %swap3A_152 = tpu.vector_load %arg21[%swap3A_150, %swap3A_151] {strides = array<i32>} : memref<80x144xf32, #tpu.memory_space<vmem>>, vector<16xf32>,
      tpu.vector_store %arg21[%swap3A_150, %swap3A_151], %broadcast_in_dim3A_149 {strides = array<i32>} : memref<80x144xf32, #tpu.memory_space<vmem>>, vector<16xf32>,
      %scan3A_153 = arith.constant 0 : i32
      scf.yield %scan3A_153 : i32
    }
    %scan3A_5 = arith.constant 80 : i32
    %mul3A = arith.constant 625 : i32
    %mul3A_6 = arith.muli %arg1, %mul3A : i32
    %multiple_of3A = tpu.assume_multiple %mul3A_6, 625 : i32
    %add3A = arith.constant 0 : i32
    %add3A_7 = arith.addi %multiple_of3A, %add3A : i32
    "tpu.region"() ({
      %run_scoped3A = tpu.sem_alloc : memref<!tpu.dma_semaphore, #tpu.memory_space<semaphore_mem>>
      %dma_start3A_106 = arith.constant 0 : i32
      %dma_start3A_107 = tpu.memref_slice %arg23[%add3A_7, %dma_start3A_106] : memref<10000x144xf32, #tpu.memory_space<vmem_shared>> -> memref<80x144xf32, #tpu.memory_space<vmem_shared>>
      %dma_start3A_108 = arith.constant 0 : i32
      %dma_start3A_109 = tpu.memref_slice %arg23[%add3A_7, %dma_start3A_108] : memref<10000x144xf32, #tpu.memory_space<vmem_shared>> -> memref<80x144xf32, #tpu.memory_space<vmem_shared>>
      tpu.enqueue_dma source(%arg21 : memref<80x144xf32, #tpu.memory_space<vmem>>) target(%dma_start3A_109 : memref<80x144xf32, #tpu.memory_space<vmem_shared>>) target_semaphore(%run_scoped3A : memref<!tpu.dma_semaphore, #tpu.memory_space<semaphore_mem>>)
      %dma_wait3A_110 = arith.constant 0 : i32
      %dma_wait3A_111 = tpu.memref_slice %arg23[%add3A_7, %dma_wait3A_110] : memref<10000x144xf32, #tpu.memory_space<vmem_shared>> -> memref<80x144xf32, #tpu.memory_space<vmem_shared>>
      %dma_wait3A_112 = arith.constant 0 : i32
      %dma_wait3A_113 = tpu.memref_slice %arg23[%add3A_7, %dma_wait3A_112] : memref<10000x144xf32, #tpu.memory_space<vmem_shared>> -> memref<80x144xf32, #tpu.memory_space<vmem_shared>>
      tpu.wait_dma2 semaphore(%run_scoped3A : memref<!tpu.dma_semaphore, #tpu.memory_space<semaphore_mem>>) src(%arg21 : memref<80x144xf32, #tpu.memory_space<vmem>>) dst(%dma_wait3A_113 : memref<80x144xf32, #tpu.memory_space<vmem_shared>>)
      tpu.yield
    }) : () -> ()
    %add3A_8 = arith.constant 80 : i32
    %add3A_9 = arith.addi %multiple_of3A, %add3A_8 : i32
    "tpu.region"() ({
      %run_scoped3A = tpu.sem_alloc : memref<!tpu.dma_semaphore, #tpu.memory_space<semaphore_mem>>
      %dma_start3A_106 = arith.constant 0 : i32
      %dma_start3A_107 = tpu.memref_slice %arg23[%add3A_9, %dma_start3A_106] : memref<10000x144xf32, #tpu.memory_space<vmem_shared>> -> memref<80x144xf32, #tpu.memory_space<vmem_shared>>
      %dma_start3A_108 = arith.constant 0 : i32
      %dma_start3A_109 = tpu.memref_slice %arg23[%add3A_9, %dma_start3A_108] : memref<10000x144xf32, #tpu.memory_space<vmem_shared>> -> memref<80x144xf32, #tpu.memory_space<vmem_shared>>
      tpu.enqueue_dma source(%arg21 : memref<80x144xf32, #tpu.memory_space<vmem>>) target(%dma_start3A_109 : memref<80x144xf32, #tpu.memory_space<vmem_shared>>) target_semaphore(%run_scoped3A : memref<!tpu.dma_semaphore, #tpu.memory_space<semaphore_mem>>)
      %dma_wait3A_110 = arith.constant 0 : i32
      %dma_wait3A_111 = tpu.memref_slice %arg23[%add3A_9, %dma_wait3A_110] : memref<10000x144xf32, #tpu.memory_space<vmem_shared>> -> memref<80x144xf32, #tpu.memory_space<vmem_shared>>
      %dma_wait3A_112 = arith.constant 0 : i32
      %dma_wait3A_113 = tpu.memref_slice %arg23[%add3A_9, %dma_wait3A_112] : memref<10000x144xf32, #tpu.memory_space<vmem_shared>> -> memref<80x144xf32, #tpu.memory_space<vmem_shared>>
      tpu.wait_dma2 semaphore(%run_scoped3A : memref<!tpu.dma_semaphore, #tpu.memory_space<semaphore_mem>>) src(%arg21 : memref<80x144xf32, #tpu.memory_space<vmem>>) dst(%dma_wait3A_113 : memref<80x144xf32, #tpu.memory_space<vmem_shared>>)
      tpu.yield
    }) : () -> ()
    %add3A_10 = arith.constant 160 : i32
    %add3A_11 = arith.addi %multiple_of3A, %add3A_10 : i32
    "tpu.region"() ({
      %run_scoped3A = tpu.sem_alloc : memref<!tpu.dma_semaphore, #tpu.memory_space<semaphore_mem>>
      %dma_start3A_106 = arith.constant 0 : i32
      %dma_start3A_107 = tpu.memref_slice %arg23[%add3A_11, %dma_start3A_106] : memref<10000x144xf32, #tpu.memory_space<vmem_shared>> -> memref<80x144xf32, #tpu.memory_space<vmem_shared>>
      %dma_start3A_108 = arith.constant 0 : i32
      %dma_start3A_109 = tpu.memref_slice %arg23[%add3A_11, %dma_start3A_108] : memref<10000x144xf32, #tpu.memory_space<vmem_shared>> -> memref<80x144xf32, #tpu.memory_space<vmem_shared>>
      tpu.enqueue_dma source(%arg21 : memref<80x144xf32, #tpu.memory_space<vmem>>) target(%dma_start3A_109 : memref<80x144xf32, #tpu.memory_space<vmem_shared>>) target_semaphore(%run_scoped3A : memref<!tpu.dma_semaphore, #tpu.memory_space<semaphore_mem>>)
      %dma_wait3A_110 = arith.constant 0 : i32
      %dma_wait3A_111 = tpu.memref_slice %arg23[%add3A_11, %dma_wait3A_110] : memref<10000x144xf32, #tpu.memory_space<vmem_shared>> -> memref<80x144xf32, #tpu.memory_space<vmem_shared>>
      %dma_wait3A_112 = arith.constant 0 : i32
      %dma_wait3A_113 = tpu.memref_slice %arg23[%add3A_11, %dma_wait3A_112] : memref<10000x144xf32, #tpu.memory_space<vmem_shared>> -> memref<80x144xf32, #tpu.memory_space<vmem_shared>>
      tpu.wait_dma2 semaphore(%run_scoped3A : memref<!tpu.dma_semaphore, #tpu.memory_space<semaphore_mem>>) src(%arg21 : memref<80x144xf32, #tpu.memory_space<vmem>>) dst(%dma_wait3A_113 : memref<80x144xf32, #tpu.memory_space<vmem_shared>>)
      tpu.yield
    }) : () -> ()
    %add3A_12 = arith.constant 240 : i32
    %add3A_13 = arith.addi %multiple_of3A, %add3A_12 : i32
    "tpu.region"() ({
      %run_scoped3A = tpu.sem_alloc : memref<!tpu.dma_semaphore, #tpu.memory_space<semaphore_mem>>
      %dma_start3A_106 = arith.constant 0 : i32
      %dma_start3A_107 = tpu.memref_slice %arg23[%add3A_13, %dma_start3A_106] : memref<10000x144xf32, #tpu.memory_space<vmem_shared>> -> memref<80x144xf32, #tpu.memory_space<vmem_shared>>
      %dma_start3A_108 = arith.constant 0 : i32
      %dma_start3A_109 = tpu.memref_slice %arg23[%add3A_13, %dma_start3A_108] : memref<10000x144xf32, #tpu.memory_space<vmem_shared>> -> memref<80x144xf32, #tpu.memory_space<vmem_shared>>
      tpu.enqueue_dma source(%arg21 : memref<80x144xf32, #tpu.memory_space<vmem>>) target(%dma_start3A_109 : memref<80x144xf32, #tpu.memory_space<vmem_shared>>) target_semaphore(%run_scoped3A : memref<!tpu.dma_semaphore, #tpu.memory_space<semaphore_mem>>)
      %dma_wait3A_110 = arith.constant 0 : i32
      %dma_wait3A_111 = tpu.memref_slice %arg23[%add3A_13, %dma_wait3A_110] : memref<10000x144xf32, #tpu.memory_space<vmem_shared>> -> memref<80x144xf32, #tpu.memory_space<vmem_shared>>
      %dma_wait3A_112 = arith.constant 0 : i32
      %dma_wait3A_113 = tpu.memref_slice %arg23[%add3A_13, %dma_wait3A_112] : memref<10000x144xf32, #tpu.memory_space<vmem_shared>> -> memref<80x144xf32, #tpu.memory_space<vmem_shared>>
      tpu.wait_dma2 semaphore(%run_scoped3A : memref<!tpu.dma_semaphore, #tpu.memory_space<semaphore_mem>>) src(%arg21 : memref<80x144xf32, #tpu.memory_space<vmem>>) dst(%dma_wait3A_113 : memref<80x144xf32, #tpu.memory_space<vmem_shared>>)
      tpu.yield
    }) : () -> ()
    %add3A_14 = arith.constant 320 : i32
    %add3A_15 = arith.addi %multiple_of3A, %add3A_14 : i32
    "tpu.region"() ({
      %run_scoped3A = tpu.sem_alloc : memref<!tpu.dma_semaphore, #tpu.memory_space<semaphore_mem>>
      %dma_start3A_106 = arith.constant 0 : i32
      %dma_start3A_107 = tpu.memref_slice %arg23[%add3A_15, %dma_start3A_106] : memref<10000x144xf32, #tpu.memory_space<vmem_shared>> -> memref<80x144xf32, #tpu.memory_space<vmem_shared>>
      %dma_start3A_108 = arith.constant 0 : i32
      %dma_start3A_109 = tpu.memref_slice %arg23[%add3A_15, %dma_start3A_108] : memref<10000x144xf32, #tpu.memory_space<vmem_shared>> -> memref<80x144xf32, #tpu.memory_space<vmem_shared>>
      tpu.enqueue_dma source(%arg21 : memref<80x144xf32, #tpu.memory_space<vmem>>) target(%dma_start3A_109 : memref<80x144xf32, #tpu.memory_space<vmem_shared>>) target_semaphore(%run_scoped3A : memref<!tpu.dma_semaphore, #tpu.memory_space<semaphore_mem>>)
      %dma_wait3A_110 = arith.constant 0 : i32
      %dma_wait3A_111 = tpu.memref_slice %arg23[%add3A_15, %dma_wait3A_110] : memref<10000x144xf32, #tpu.memory_space<vmem_shared>> -> memref<80x144xf32, #tpu.memory_space<vmem_shared>>
      %dma_wait3A_112 = arith.constant 0 : i32
      %dma_wait3A_113 = tpu.memref_slice %arg23[%add3A_15, %dma_wait3A_112] : memref<10000x144xf32, #tpu.memory_space<vmem_shared>> -> memref<80x144xf32, #tpu.memory_space<vmem_shared>>
      tpu.wait_dma2 semaphore(%run_scoped3A : memref<!tpu.dma_semaphore, #tpu.memory_space<semaphore_mem>>) src(%arg21 : memref<80x144xf32, #tpu.memory_space<vmem>>) dst(%dma_wait3A_113 : memref<80x144xf32, #tpu.memory_space<vmem_shared>>)
      tpu.yield
    }) : () -> ()
    %add3A_16 = arith.constant 400 : i32
    %add3A_17 = arith.addi %multiple_of3A, %add3A_16 : i32
    "tpu.region"() ({
      %run_scoped3A = tpu.sem_alloc : memref<!tpu.dma_semaphore, #tpu.memory_space<semaphore_mem>>
      %dma_start3A_106 = arith.constant 0 : i32
      %dma_start3A_107 = tpu.memref_slice %arg23[%add3A_17, %dma_start3A_106] : memref<10000x144xf32, #tpu.memory_space<vmem_shared>> -> memref<80x144xf32, #tpu.memory_space<vmem_shared>>
      %dma_start3A_108 = arith.constant 0 : i32
      %dma_start3A_109 = tpu.memref_slice %arg23[%add3A_17, %dma_start3A_108] : memref<10000x144xf32, #tpu.memory_space<vmem_shared>> -> memref<80x144xf32, #tpu.memory_space<vmem_shared>>
      tpu.enqueue_dma source(%arg21 : memref<80x144xf32, #tpu.memory_space<vmem>>) target(%dma_start3A_109 : memref<80x144xf32, #tpu.memory_space<vmem_shared>>) target_semaphore(%run_scoped3A : memref<!tpu.dma_semaphore, #tpu.memory_space<semaphore_mem>>)
      %dma_wait3A_110 = arith.constant 0 : i32
      %dma_wait3A_111 = tpu.memref_slice %arg23[%add3A_17, %dma_wait3A_110] : memref<10000x144xf32, #tpu.memory_space<vmem_shared>> -> memref<80x144xf32, #tpu.memory_space<vmem_shared>>
      %dma_wait3A_112 = arith.constant 0 : i32
      %dma_wait3A_113 = tpu.memref_slice %arg23[%add3A_17, %dma_wait3A_112] : memref<10000x144xf32, #tpu.memory_space<vmem_shared>> -> memref<80x144xf32, #tpu.memory_space<vmem_shared>>
      tpu.wait_dma2 semaphore(%run_scoped3A : memref<!tpu.dma_semaphore, #tpu.memory_space<semaphore_mem>>) src(%arg21 : memref<80x144xf32, #tpu.memory_space<vmem>>) dst(%dma_wait3A_113 : memref<80x144xf32, #tpu.memory_space<vmem_shared>>)
      tpu.yield
    }) : () -> ()
    %add3A_18 = arith.constant 480 : i32
    %add3A_19 = arith.addi %multiple_of3A, %add3A_18 : i32
    "tpu.region"() ({
      %run_scoped3A = tpu.sem_alloc : memref<!tpu.dma_semaphore, #tpu.memory_space<semaphore_mem>>
      %dma_start3A_106 = arith.constant 0 : i32
      %dma_start3A_107 = tpu.memref_slice %arg23[%add3A_19, %dma_start3A_106] : memref<10000x144xf32, #tpu.memory_space<vmem_shared>> -> memref<80x144xf32, #tpu.memory_space<vmem_shared>>
      %dma_start3A_108 = arith.constant 0 : i32
      %dma_start3A_109 = tpu.memref_slice %arg23[%add3A_19, %dma_start3A_108] : memref<10000x144xf32, #tpu.memory_space<vmem_shared>> -> memref<80x144xf32, #tpu.memory_space<vmem_shared>>
      tpu.enqueue_dma source(%arg21 : memref<80x144xf32, #tpu.memory_space<vmem>>) target(%dma_start3A_109 : memref<80x144xf32, #tpu.memory_space<vmem_shared>>) target_semaphore(%run_scoped3A : memref<!tpu.dma_semaphore, #tpu.memory_space<semaphore_mem>>)
      %dma_wait3A_110 = arith.constant 0 : i32
      %dma_wait3A_111 = tpu.memref_slice %arg23[%add3A_19, %dma_wait3A_110] : memref<10000x144xf32, #tpu.memory_space<vmem_shared>> -> memref<80x144xf32, #tpu.memory_space<vmem_shared>>
      %dma_wait3A_112 = arith.constant 0 : i32
      %dma_wait3A_113 = tpu.memref_slice %arg23[%add3A_19, %dma_wait3A_112] : memref<10000x144xf32, #tpu.memory_space<vmem_shared>> -> memref<80x144xf32, #tpu.memory_space<vmem_shared>>
      tpu.wait_dma2 semaphore(%run_scoped3A : memref<!tpu.dma_semaphore, #tpu.memory_space<semaphore_mem>>) src(%arg21 : memref<80x144xf32, #tpu.memory_space<vmem>>) dst(%dma_wait3A_113 : memref<80x144xf32, #tpu.memory_space<vmem_shared>>)
      tpu.yield
    }) : () -> ()
    %add3A_20 = arith.constant 560 : i32
    %add3A_21 = arith.addi %multiple_of3A, %add3A_20 : i32
    "tpu.region"() ({
      %run_scoped3A = tpu.sem_alloc : memref<!tpu.dma_semaphore, #tpu.memory_space<semaphore_mem>>
      %dma_start3A_106 = arith.constant 0 : i32
      %dma_start3A_107 = arith.constant 0 : i32
      %dma_start3A_108 = tpu.memref_slice %arg21[%dma_start3A_106, %dma_start3A_107] : memref<80x144xf32, #tpu.memory_space<vmem>> -> memref<65x144xf32, #tpu.memory_space<vmem>>
      %dma_start3A_109 = arith.constant 0 : i32
      %dma_start3A_110 = tpu.memref_slice %arg23[%add3A_21, %dma_start3A_109] : memref<10000x144xf32, #tpu.memory_space<vmem_shared>> -> memref<65x144xf32, #tpu.memory_space<vmem_shared>>
      %dma_start3A_111 = arith.constant 0 : i32
      %dma_start3A_112 = tpu.memref_slice %arg23[%add3A_21, %dma_start3A_111] : memref<10000x144xf32, #tpu.memory_space<vmem_shared>> -> memref<65x144xf32, #tpu.memory_space<vmem_shared>>
      %dma_start3A_113 = arith.constant 0 : i32
      %dma_start3A_114 = arith.constant 0 : i32
      %dma_start3A_115 = tpu.memref_slice %arg21[%dma_start3A_113, %dma_start3A_114] : memref<80x144xf32, #tpu.memory_space<vmem>> -> memref<65x144xf32, #tpu.memory_space<vmem>>
      tpu.enqueue_dma source(%dma_start3A_115 : memref<65x144xf32, #tpu.memory_space<vmem>>) target(%dma_start3A_112 : memref<65x144xf32, #tpu.memory_space<vmem_shared>>) target_semaphore(%run_scoped3A : memref<!tpu.dma_semaphore, #tpu.memory_space<semaphore_mem>>)
      %dma_wait3A_116 = arith.constant 0 : i32
      %dma_wait3A_117 = arith.constant 0 : i32
      %dma_wait3A_118 = tpu.memref_slice %arg21[%dma_wait3A_116, %dma_wait3A_117] : memref<80x144xf32, #tpu.memory_space<vmem>> -> memref<65x144xf32, #tpu.memory_space<vmem>>
      %dma_wait3A_119 = arith.constant 0 : i32
      %dma_wait3A_120 = tpu.memref_slice %arg23[%add3A_21, %dma_wait3A_119] : memref<10000x144xf32, #tpu.memory_space<vmem_shared>> -> memref<65x144xf32, #tpu.memory_space<vmem_shared>>
      %dma_wait3A_121 = arith.constant 0 : i32
      %dma_wait3A_122 = tpu.memref_slice %arg23[%add3A_21, %dma_wait3A_121] : memref<10000x144xf32, #tpu.memory_space<vmem_shared>> -> memref<65x144xf32, #tpu.memory_space<vmem_shared>>
      %dma_wait3A_123 = arith.constant 0 : i32
      %dma_wait3A_124 = arith.constant 0 : i32
      %dma_wait3A_125 = tpu.memref_slice %arg21[%dma_wait3A_123, %dma_wait3A_124] : memref<80x144xf32, #tpu.memory_space<vmem>> -> memref<65x144xf32, #tpu.memory_space<vmem>>
      tpu.wait_dma2 semaphore(%run_scoped3A : memref<!tpu.dma_semaphore, #tpu.memory_space<semaphore_mem>>) src(%dma_wait3A_125 : memref<65x144xf32, #tpu.memory_space<vmem>>) dst(%dma_wait3A_122 : memref<65x144xf32, #tpu.memory_space<vmem_shared>>)
      tpu.yield
    }) : () -> ()
    %barrier3A = arith.constant 0 : index
    tpu.barrier barrier_id(%barrier3A)
    %mul3A_22 = arith.constant 20000 : i32
    %mul3A_23 = arith.muli %arg1, %mul3A_22 : i32
    %multiple_of3A_24 = tpu.assume_multiple %mul3A_23, 20000 : i32
    %broadcast_in_dim3A = arith.constant 0 : i32
    %broadcast_in_dim3A_25 = vector.broadcast %broadcast_in_dim3A : i32 to vector<16xi32>
    %broadcast_in_dim3A_26 = arith.constant 1 : i32
    %broadcast_in_dim3A_27 = vector.broadcast %broadcast_in_dim3A_26 : i32 to vector<16xi32>
    %iota3A = tpu.iota {dimensions = array<i32: 0>} : vector<16xi32>
    %min3A = arith.constant 0 : i32
    %min3A_28 = arith.constant 249 : i32
    %min3A_29 = arith.minsi %min3A, %min3A_28 : i32
    %mul3A_30 = arith.constant 80 : i32
    %mul3A_31 = arith.muli %min3A_29, %mul3A_30 : i32
    %add3A_32 = arith.addi %multiple_of3A_24, %mul3A_31 : i32
    %multiple_of3A_33 = tpu.assume_multiple %add3A_32, 80 : i32
    "tpu.region"() ({
      %run_scoped3A = tpu.sem_alloc : memref<!tpu.dma_semaphore, #tpu.memory_space<semaphore_mem>>
      %dma_start3A_106 = tpu.memref_slice %arg3[%multiple_of3A_33] : memref<320000xi32, #tpu.memory_space<hbm>> -> memref<80xi32, #tpu.memory_space<hbm>>
      %dma_start3A_107 = tpu.memref_slice %arg3[%multiple_of3A_33] : memref<320000xi32, #tpu.memory_space<hbm>> -> memref<80xi32, #tpu.memory_space<hbm>>
      tpu.enqueue_dma source(%dma_start3A_107 : memref<80xi32, #tpu.memory_space<hbm>>) target(%arg12 : memref<80xi32, #tpu.memory_space<vmem>>) target_semaphore(%run_scoped3A : memref<!tpu.dma_semaphore, #tpu.memory_space<semaphore_mem>>)
      %dma_wait3A_108 = tpu.memref_slice %arg3[%multiple_of3A_33] : memref<320000xi32, #tpu.memory_space<hbm>> -> memref<80xi32, #tpu.memory_space<hbm>>
      %dma_wait3A_109 = tpu.memref_slice %arg3[%multiple_of3A_33] : memref<320000xi32, #tpu.memory_space<hbm>> -> memref<80xi32, #tpu.memory_space<hbm>>
      tpu.wait_dma2 semaphore(%run_scoped3A : memref<!tpu.dma_semaphore, #tpu.memory_space<semaphore_mem>>) src(%dma_wait3A_109 : memref<80xi32, #tpu.memory_space<hbm>>) dst(%arg12 : memref<80xi32, #tpu.memory_space<vmem>>)
      tpu.yield
    }) : () -> ()
    "tpu.region"() ({
      %run_scoped3A = tpu.sem_alloc : memref<!tpu.dma_semaphore, #tpu.memory_space<semaphore_mem>>
      %dma_start3A_106 = tpu.memref_slice %arg4[%multiple_of3A_33] : memref<320000xi32, #tpu.memory_space<hbm>> -> memref<80xi32, #tpu.memory_space<hbm>>
      %dma_start3A_107 = tpu.memref_slice %arg4[%multiple_of3A_33] : memref<320000xi32, #tpu.memory_space<hbm>> -> memref<80xi32, #tpu.memory_space<hbm>>
      tpu.enqueue_dma source(%dma_start3A_107 : memref<80xi32, #tpu.memory_space<hbm>>) target(%arg16 : memref<80xi32, #tpu.memory_space<vmem>>) target_semaphore(%run_scoped3A : memref<!tpu.dma_semaphore, #tpu.memory_space<semaphore_mem>>)
      %dma_wait3A_108 = tpu.memref_slice %arg4[%multiple_of3A_33] : memref<320000xi32, #tpu.memory_space<hbm>> -> memref<80xi32, #tpu.memory_space<hbm>>
      %dma_wait3A_109 = tpu.memref_slice %arg4[%multiple_of3A_33] : memref<320000xi32, #tpu.memory_space<hbm>> -> memref<80xi32, #tpu.memory_space<hbm>>
      tpu.wait_dma2 semaphore(%run_scoped3A : memref<!tpu.dma_semaphore, #tpu.memory_space<semaphore_mem>>) src(%dma_wait3A_109 : memref<80xi32, #tpu.memory_space<hbm>>) dst(%arg16 : memref<80xi32, #tpu.memory_space<vmem>>)
      tpu.yield
    }) : () -> ()
    %get3A = arith.constant 0 : index
    %get3A_34 = tpu.vector_load %arg12[%get3A] {strides = array<i32>} : memref<80xi32, #tpu.memory_space<vmem>>, vector<16xi32>,
    %mul3A_35 = arith.constant 10000 : i32
    %mul3A_36 = arith.muli %arg0, %mul3A_35 : i32
    %add3A_37 = vector.broadcast %mul3A_36 : i32 to vector<16xi32>
    %add3A_38 = arith.addi %get3A_34, %add3A_37 : vector<16xi32>
    %swap3A = arith.constant 0 : index
    %swap3A_39 = tpu.vector_load %arg14[%swap3A] {strides = array<i32>} : memref<80xi32, #tpu.memory_space<vmem>>, vector<16xi32>,
    tpu.vector_store %arg14[%swap3A], %add3A_38 {strides = array<i32>} : memref<80xi32, #tpu.memory_space<vmem>>, vector<16xi32>,
    %get3A_40 = arith.constant 16 : index
    %get3A_41 = tpu.vector_load %arg12[%get3A_40] {strides = array<i32>} : memref<80xi32, #tpu.memory_space<vmem>>, vector<16xi32>,
    %mul3A_42 = arith.constant 10000 : i32
    %mul3A_43 = arith.muli %arg0, %mul3A_42 : i32
    %add3A_44 = vector.broadcast %mul3A_43 : i32 to vector<16xi32>
    %add3A_45 = arith.addi %get3A_41, %add3A_44 : vector<16xi32>
    %swap3A_46 = arith.constant 16 : index
    %swap3A_47 = tpu.vector_load %arg14[%swap3A_46] {strides = array<i32>} : memref<80xi32, #tpu.memory_space<vmem>>, vector<16xi32>,
    tpu.vector_store %arg14[%swap3A_46], %add3A_45 {strides = array<i32>} : memref<80xi32, #tpu.memory_space<vmem>>, vector<16xi32>,
    %get3A_48 = arith.constant 32 : index
    %get3A_49 = tpu.vector_load %arg12[%get3A_48] {strides = array<i32>} : memref<80xi32, #tpu.memory_space<vmem>>, vector<16xi32>,
    %mul3A_50 = arith.constant 10000 : i32
    %mul3A_51 = arith.muli %arg0, %mul3A_50 : i32
    %add3A_52 = vector.broadcast %mul3A_51 : i32 to vector<16xi32>
    %add3A_53 = arith.addi %get3A_49, %add3A_52 : vector<16xi32>
    %swap3A_54 = arith.constant 32 : index
    %swap3A_55 = tpu.vector_load %arg14[%swap3A_54] {strides = array<i32>} : memref<80xi32, #tpu.memory_space<vmem>>, vector<16xi32>,
    tpu.vector_store %arg14[%swap3A_54], %add3A_53 {strides = array<i32>} : memref<80xi32, #tpu.memory_space<vmem>>, vector<16xi32>,
    %get3A_56 = arith.constant 48 : index
    %get3A_57 = tpu.vector_load %arg12[%get3A_56] {strides = array<i32>} : memref<80xi32, #tpu.memory_space<vmem>>, vector<16xi32>,
    %mul3A_58 = arith.constant 10000 : i32
    %mul3A_59 = arith.muli %arg0, %mul3A_58 : i32
    %add3A_60 = vector.broadcast %mul3A_59 : i32 to vector<16xi32>
    %add3A_61 = arith.addi %get3A_57, %add3A_60 : vector<16xi32>
    %swap3A_62 = arith.constant 48 : index
    %swap3A_63 = tpu.vector_load %arg14[%swap3A_62] {strides = array<i32>} : memref<80xi32, #tpu.memory_space<vmem>>, vector<16xi32>,
    tpu.vector_store %arg14[%swap3A_62], %add3A_61 {strides = array<i32>} : memref<80xi32, #tpu.memory_space<vmem>>, vector<16xi32>,
    %get3A_64 = arith.constant 64 : index
    %get3A_65 = tpu.vector_load %arg12[%get3A_64] {strides = array<i32>} : memref<80xi32, #tpu.memory_space<vmem>>, vector<16xi32>,
    %mul3A_66 = arith.constant 10000 : i32
    %mul3A_67 = arith.muli %arg0, %mul3A_66 : i32
    %add3A_68 = vector.broadcast %mul3A_67 : i32 to vector<16xi32>
    %add3A_69 = arith.addi %get3A_65, %add3A_68 : vector<16xi32>
    %swap3A_70 = arith.constant 64 : index
    %swap3A_71 = tpu.vector_load %arg14[%swap3A_70] {strides = array<i32>} : memref<80xi32, #tpu.memory_space<vmem>>, vector<16xi32>,
    tpu.vector_store %arg14[%swap3A_70], %add3A_69 {strides = array<i32>} : memref<80xi32, #tpu.memory_space<vmem>>, vector<16xi32>,
    %dma_start3A = arith.constant 0 : i32
    %dma_start3A_72 = arith.constant 0 : i32
    %dma_start3A_73 = tpu.memref_slice %arg2[%dma_start3A, %dma_start3A_72] : memref<20000x144xf32, #tpu.memory_space<hbm>> -> memref<20000x144xf32, #tpu.memory_space<hbm>>
    tpu.enqueue_indirect_dma source(%dma_start3A_73 : memref<20000x144xf32, #tpu.memory_space<hbm>>) target(%arg21 : memref<80x144xf32, #tpu.memory_space<vmem>>) offsets(%arg14 : memref<80xi32, #tpu.memory_space<vmem>>) semaphore(%arg24 : memref<!tpu.dma_semaphore, #tpu.memory_space<semaphore_mem>>)
    %dma_start3A_74 = arith.constant 0 : i32
    %dma_start3A_75 = arith.constant 0 : i32
    %dma_start3A_76 = tpu.memref_slice %arg5[%dma_start3A_74, %dma_start3A_75] : memref<10000x8xf32, #tpu.memory_space<hbm>> -> memref<10000x8xf32, #tpu.memory_space<hbm>>
    tpu.enqueue_indirect_dma source(%dma_start3A_76 : memref<10000x8xf32, #tpu.memory_space<hbm>>) target(%arg8 : memref<80x8xf32, #tpu.memory_space<vmem>>) offsets(%arg12 : memref<80xi32, #tpu.memory_space<vmem>>) semaphore(%arg24 : memref<!tpu.dma_semaphore, #tpu.memory_space<semaphore_mem>>)
    %dma_start3A_77 = arith.constant 0 : i32
    %dma_start3A_78 = arith.constant 0 : i32
    %dma_start3A_79 = tpu.memref_slice %arg5[%dma_start3A_77, %dma_start3A_78] : memref<10000x8xf32, #tpu.memory_space<hbm>> -> memref<10000x8xf32, #tpu.memory_space<hbm>>
    tpu.enqueue_indirect_dma source(%dma_start3A_79 : memref<10000x8xf32, #tpu.memory_space<hbm>>) target(%arg10 : memref<80x8xf32, #tpu.memory_space<vmem>>) offsets(%arg16 : memref<80xi32, #tpu.memory_space<vmem>>) semaphore(%arg24 : memref<!tpu.dma_semaphore, #tpu.memory_space<semaphore_mem>>)
    %scan3A_80 = arith.constant 0 : i32
    %scan3A_81 = arith.constant 0 : i32
    %scan3A_82 = arith.constant 125 : i32
    %scan3A_83 = arith.addi %scan3A_81, %scan3A_82 : i32
    %scan3A_84 = arith.constant 1 : i32
    %scan3A_85 = scf.for %scan3A_106 = %scan3A_81 to %scan3A_83 step %scan3A_84 iter_args(%scan3A_107 = %scan3A_80) -> (i32)  : i32 {
      %mul3A_108 = arith.constant 2 : i32
      %mul3A_109 = arith.muli %scan3A_106, %mul3A_108 : i32
      %add3A_110 = arith.constant 0 : i32
      %add3A_111 = arith.addi %mul3A_109, %add3A_110 : i32
      %add3A_112 = arith.constant 1 : i32
      %add3A_113 = arith.addi %add3A_111, %add3A_112 : i32
      %min3A_114 = arith.constant 249 : i32
      %min3A_115 = arith.minsi %add3A_113, %min3A_114 : i32
      %mul3A_116 = arith.constant 80 : i32
      %mul3A_117 = arith.muli %min3A_115, %mul3A_116 : i32
      %add3A_118 = arith.addi %multiple_of3A_24, %mul3A_117 : i32
      %multiple_of3A_119 = tpu.assume_multiple %add3A_118, 80 : i32
      "tpu.region"() ({
        %run_scoped3A = tpu.sem_alloc : memref<!tpu.dma_semaphore, #tpu.memory_space<semaphore_mem>>
        %dma_start3A_472 = tpu.memref_slice %arg3[%multiple_of3A_119] : memref<320000xi32, #tpu.memory_space<hbm>> -> memref<80xi32, #tpu.memory_space<hbm>>
        %dma_start3A_473 = tpu.memref_slice %arg3[%multiple_of3A_119] : memref<320000xi32, #tpu.memory_space<hbm>> -> memref<80xi32, #tpu.memory_space<hbm>>
        tpu.enqueue_dma source(%dma_start3A_473 : memref<80xi32, #tpu.memory_space<hbm>>) target(%arg13 : memref<80xi32, #tpu.memory_space<vmem>>) target_semaphore(%run_scoped3A : memref<!tpu.dma_semaphore, #tpu.memory_space<semaphore_mem>>)
        %dma_wait3A_474 = tpu.memref_slice %arg3[%multiple_of3A_119] : memref<320000xi32, #tpu.memory_space<hbm>> -> memref<80xi32, #tpu.memory_space<hbm>>
        %dma_wait3A_475 = tpu.memref_slice %arg3[%multiple_of3A_119] : memref<320000xi32, #tpu.memory_space<hbm>> -> memref<80xi32, #tpu.memory_space<hbm>>
        tpu.wait_dma2 semaphore(%run_scoped3A : memref<!tpu.dma_semaphore, #tpu.memory_space<semaphore_mem>>) src(%dma_wait3A_475 : memref<80xi32, #tpu.memory_space<hbm>>) dst(%arg13 : memref<80xi32, #tpu.memory_space<vmem>>)
        tpu.yield
      }) : () -> ()
      "tpu.region"() ({
        %run_scoped3A = tpu.sem_alloc : memref<!tpu.dma_semaphore, #tpu.memory_space<semaphore_mem>>
        %dma_start3A_472 = tpu.memref_slice %arg4[%multiple_of3A_119] : memref<320000xi32, #tpu.memory_space<hbm>> -> memref<80xi32, #tpu.memory_space<hbm>>
        %dma_start3A_473 = tpu.memref_slice %arg4[%multiple_of3A_119] : memref<320000xi32, #tpu.memory_space<hbm>> -> memref<80xi32, #tpu.memory_space<hbm>>
        tpu.enqueue_dma source(%dma_start3A_473 : memref<80xi32, #tpu.memory_space<hbm>>) target(%arg17 : memref<80xi32, #tpu.memory_space<vmem>>) target_semaphore(%run_scoped3A : memref<!tpu.dma_semaphore, #tpu.memory_space<semaphore_mem>>)
        %dma_wait3A_474 = tpu.memref_slice %arg4[%multiple_of3A_119] : memref<320000xi32, #tpu.memory_space<hbm>> -> memref<80xi32, #tpu.memory_space<hbm>>
        %dma_wait3A_475 = tpu.memref_slice %arg4[%multiple_of3A_119] : memref<320000xi32, #tpu.memory_space<hbm>> -> memref<80xi32, #tpu.memory_space<hbm>>
        tpu.wait_dma2 semaphore(%run_scoped3A : memref<!tpu.dma_semaphore, #tpu.memory_space<semaphore_mem>>) src(%dma_wait3A_475 : memref<80xi32, #tpu.memory_space<hbm>>) dst(%arg17 : memref<80xi32, #tpu.memory_space<vmem>>)
        tpu.yield
      }) : () -> ()
      %get3A_120 = arith.constant 0 : index
      %get3A_121 = tpu.vector_load %arg13[%get3A_120] {strides = array<i32>} : memref<80xi32, #tpu.memory_space<vmem>>, vector<16xi32>,
      %mul3A_122 = arith.constant 10000 : i32
      %mul3A_123 = arith.muli %arg0, %mul3A_122 : i32
      %add3A_124 = vector.broadcast %mul3A_123 : i32 to vector<16xi32>
      %add3A_125 = arith.addi %get3A_121, %add3A_124 : vector<16xi32>
      %swap3A_126 = arith.constant 0 : index
      %swap3A_127 = tpu.vector_load %arg15[%swap3A_126] {strides = array<i32>} : memref<80xi32, #tpu.memory_space<vmem>>, vector<16xi32>,
      tpu.vector_store %arg15[%swap3A_126], %add3A_125 {strides = array<i32>} : memref<80xi32, #tpu.memory_space<vmem>>, vector<16xi32>,
      %get3A_128 = arith.constant 16 : index
      %get3A_129 = tpu.vector_load %arg13[%get3A_128] {strides = array<i32>} : memref<80xi32, #tpu.memory_space<vmem>>, vector<16xi32>,
      %mul3A_130 = arith.constant 10000 : i32
      %mul3A_131 = arith.muli %arg0, %mul3A_130 : i32
      %add3A_132 = vector.broadcast %mul3A_131 : i32 to vector<16xi32>
      %add3A_133 = arith.addi %get3A_129, %add3A_132 : vector<16xi32>
      %swap3A_134 = arith.constant 16 : index
      %swap3A_135 = tpu.vector_load %arg15[%swap3A_134] {strides = array<i32>} : memref<80xi32, #tpu.memory_space<vmem>>, vector<16xi32>,
      tpu.vector_store %arg15[%swap3A_134], %add3A_133 {strides = array<i32>} : memref<80xi32, #tpu.memory_space<vmem>>, vector<16xi32>,
      %get3A_136 = arith.constant 32 : index
      %get3A_137 = tpu.vector_load %arg13[%get3A_136] {strides = array<i32>} : memref<80xi32, #tpu.memory_space<vmem>>, vector<16xi32>,
      %mul3A_138 = arith.constant 10000 : i32
      %mul3A_139 = arith.muli %arg0, %mul3A_138 : i32
      %add3A_140 = vector.broadcast %mul3A_139 : i32 to vector<16xi32>
      %add3A_141 = arith.addi %get3A_137, %add3A_140 : vector<16xi32>
      %swap3A_142 = arith.constant 32 : index
      %swap3A_143 = tpu.vector_load %arg15[%swap3A_142] {strides = array<i32>} : memref<80xi32, #tpu.memory_space<vmem>>, vector<16xi32>,
      tpu.vector_store %arg15[%swap3A_142], %add3A_141 {strides = array<i32>} : memref<80xi32, #tpu.memory_space<vmem>>, vector<16xi32>,
      %get3A_144 = arith.constant 48 : index
      %get3A_145 = tpu.vector_load %arg13[%get3A_144] {strides = array<i32>} : memref<80xi32, #tpu.memory_space<vmem>>, vector<16xi32>,
      %mul3A_146 = arith.constant 10000 : i32
      %mul3A_147 = arith.muli %arg0, %mul3A_146 : i32
      %add3A_148 = vector.broadcast %mul3A_147 : i32 to vector<16xi32>
      %add3A_149 = arith.addi %get3A_145, %add3A_148 : vector<16xi32>
      %swap3A_150 = arith.constant 48 : index
      %swap3A_151 = tpu.vector_load %arg15[%swap3A_150] {strides = array<i32>} : memref<80xi32, #tpu.memory_space<vmem>>, vector<16xi32>,
      tpu.vector_store %arg15[%swap3A_150], %add3A_149 {strides = array<i32>} : memref<80xi32, #tpu.memory_space<vmem>>, vector<16xi32>,
      %get3A_152 = arith.constant 64 : index
      %get3A_153 = tpu.vector_load %arg13[%get3A_152] {strides = array<i32>} : memref<80xi32, #tpu.memory_space<vmem>>, vector<16xi32>,
      %mul3A_154 = arith.constant 10000 : i32
      %mul3A_155 = arith.muli %arg0, %mul3A_154 : i32
      %add3A_156 = vector.broadcast %mul3A_155 : i32 to vector<16xi32>
      %add3A_157 = arith.addi %get3A_153, %add3A_156 : vector<16xi32>
      %swap3A_158 = arith.constant 64 : index
      %swap3A_159 = tpu.vector_load %arg15[%swap3A_158] {strides = array<i32>} : memref<80xi32, #tpu.memory_space<vmem>>, vector<16xi32>,
      tpu.vector_store %arg15[%swap3A_158], %add3A_157 {strides = array<i32>} : memref<80xi32, #tpu.memory_space<vmem>>, vector<16xi32>,
      %dma_wait3A_160 = arith.constant 0 : i32
      %dma_wait3A_161 = arith.constant 0 : i32
      %dma_wait3A_162 = tpu.memref_slice %arg2[%dma_wait3A_160, %dma_wait3A_161] : memref<20000x144xf32, #tpu.memory_space<hbm>> -> memref<20000x144xf32, #tpu.memory_space<hbm>>
      tpu.wait_indirect_dma semaphore(%arg24 : memref<!tpu.dma_semaphore, #tpu.memory_space<semaphore_mem>>) src(%dma_wait3A_162 : memref<20000x144xf32, #tpu.memory_space<hbm>>) dst(%arg21 : memref<80x144xf32, #tpu.memory_space<vmem>>)
      %dma_wait3A_163 = arith.constant 0 : i32
      %dma_wait3A_164 = arith.constant 0 : i32
      %dma_wait3A_165 = tpu.memref_slice %arg5[%dma_wait3A_163, %dma_wait3A_164] : memref<10000x8xf32, #tpu.memory_space<hbm>> -> memref<10000x8xf32, #tpu.memory_space<hbm>>
      tpu.wait_indirect_dma semaphore(%arg24 : memref<!tpu.dma_semaphore, #tpu.memory_space<semaphore_mem>>) src(%dma_wait3A_165 : memref<10000x8xf32, #tpu.memory_space<hbm>>) dst(%arg8 : memref<80x8xf32, #tpu.memory_space<vmem>>)
      %dma_wait3A_166 = arith.constant 0 : i32
      %dma_wait3A_167 = arith.constant 0 : i32
      %dma_wait3A_168 = tpu.memref_slice %arg5[%dma_wait3A_166, %dma_wait3A_167] : memref<10000x8xf32, #tpu.memory_space<hbm>> -> memref<10000x8xf32, #tpu.memory_space<hbm>>
      tpu.wait_indirect_dma semaphore(%arg24 : memref<!tpu.dma_semaphore, #tpu.memory_space<semaphore_mem>>) src(%dma_wait3A_168 : memref<10000x8xf32, #tpu.memory_space<hbm>>) dst(%arg10 : memref<80x8xf32, #tpu.memory_space<vmem>>)
      %gt3A = arith.constant 0 : i32
      %gt3A_169 = arith.cmpi sgt, %scan3A_106, %gt3A : i32
      %convert_element_type3A_170 = arith.extui %gt3A_169 : i1 to i32
      %cond3A_171 = arith.constant 0 : i32
      %cond3A_172 = arith.cmpi ne, %convert_element_type3A_170, %cond3A_171 : i32
      scf.if %cond3A_172 {
        %dma_wait3A_472 = arith.constant 0 : i32
        %dma_wait3A_473 = arith.constant 0 : i32
        %dma_wait3A_474 = tpu.memref_slice %arg23[%dma_wait3A_472, %dma_wait3A_473] : memref<10000x144xf32, #tpu.memory_space<vmem_shared>> -> memref<10000x144xf32, #tpu.memory_space<vmem_shared>>
        tpu.wait_indirect_dma semaphore(%arg27 : memref<!tpu.dma_semaphore, #tpu.memory_space<semaphore_mem>>) src(%arg22 : memref<80x144xf32, #tpu.memory_space<vmem>>) dst(%dma_wait3A_474 : memref<10000x144xf32, #tpu.memory_space<vmem_shared>>)
      } else {
      }
      %dma_start3A_173 = arith.constant 0 : i32
      %dma_start3A_174 = arith.constant 0 : i32
      %dma_start3A_175 = tpu.memref_slice %arg2[%dma_start3A_173, %dma_start3A_174] : memref<20000x144xf32, #tpu.memory_space<hbm>> -> memref<20000x144xf32, #tpu.memory_space<hbm>>
      tpu.enqueue_indirect_dma source(%dma_start3A_175 : memref<20000x144xf32, #tpu.memory_space<hbm>>) target(%arg22 : memref<80x144xf32, #tpu.memory_space<vmem>>) offsets(%arg15 : memref<80xi32, #tpu.memory_space<vmem>>) semaphore(%arg25 : memref<!tpu.dma_semaphore, #tpu.memory_space<semaphore_mem>>)
      %dma_start3A_176 = arith.constant 0 : i32
      %dma_start3A_177 = arith.constant 0 : i32
      %dma_start3A_178 = tpu.memref_slice %arg5[%dma_start3A_176, %dma_start3A_177] : memref<10000x8xf32, #tpu.memory_space<hbm>> -> memref<10000x8xf32, #tpu.memory_space<hbm>>
      tpu.enqueue_indirect_dma source(%dma_start3A_178 : memref<10000x8xf32, #tpu.memory_space<hbm>>) target(%arg9 : memref<80x8xf32, #tpu.memory_space<vmem>>) offsets(%arg13 : memref<80xi32, #tpu.memory_space<vmem>>) semaphore(%arg25 : memref<!tpu.dma_semaphore, #tpu.memory_space<semaphore_mem>>)
      %dma_start3A_179 = arith.constant 0 : i32
      %dma_start3A_180 = arith.constant 0 : i32
      %dma_start3A_181 = tpu.memref_slice %arg5[%dma_start3A_179, %dma_start3A_180] : memref<10000x8xf32, #tpu.memory_space<hbm>> -> memref<10000x8xf32, #tpu.memory_space<hbm>>
      tpu.enqueue_indirect_dma source(%dma_start3A_181 : memref<10000x8xf32, #tpu.memory_space<hbm>>) target(%arg11 : memref<80x8xf32, #tpu.memory_space<vmem>>) offsets(%arg17 : memref<80xi32, #tpu.memory_space<vmem>>) semaphore(%arg25 : memref<!tpu.dma_semaphore, #tpu.memory_space<semaphore_mem>>)
      %add3A_182 = arith.constant 0 : i32
      %add3A_183 = vector.broadcast %add3A_182 : i32 to vector<16xi32>
      %add3A_184 = arith.addi %iota3A, %add3A_183 : vector<16xi32>
      %gather3A = tpu.vector_load_idx %arg8[%add3A_184, %broadcast_in_dim3A_25] : memref<80x8xf32, #tpu.memory_space<vmem>>[vector<16xi32>, vector<16xi32>], vector<16xf32>,
      %gather3A_185 = tpu.vector_load_idx %arg10[%add3A_184, %broadcast_in_dim3A_27] : memref<80x8xf32, #tpu.memory_space<vmem>>[vector<16xi32>, vector<16xi32>], vector<16xf32>,
      %add3A_186 = arith.addf %gather3A, %gather3A_185 : vector<16xf32>
      %ge3A = arith.constant 0.000000e+00 : f32
      %ge3A_187 = vector.broadcast %ge3A : f32 to vector<16xf32>
      %ge3A_188 = arith.cmpf oge, %add3A_186, %ge3A_187 : vector<16xf32>
      %mul3A_189 = arith.constant 2.000000e-01 : f32
      %mul3A_190 = vector.broadcast %mul3A_189 : f32 to vector<16xf32>
      %mul3A_191 = arith.mulf %mul3A_190, %add3A_186 : vector<16xf32>
      %select_n3A = arith.select %ge3A_188, %add3A_186, %mul3A_191 : vector<16xi1>, vector<16xf32>
      %exp3A = math.exp %select_n3A : vector<16xf32>
      %swap3A_192 = arith.constant 0 : index
      %swap3A_193 = tpu.vector_load %arg20[%swap3A_192] {strides = array<i32>} : memref<80xf32, #tpu.memory_space<vmem>>, vector<16xf32>,
      tpu.vector_store %arg20[%swap3A_192], %exp3A {strides = array<i32>} : memref<80xf32, #tpu.memory_space<vmem>>, vector<16xf32>,
      %add3A_194 = arith.constant 16 : i32
      %add3A_195 = vector.broadcast %add3A_194 : i32 to vector<16xi32>
      %add3A_196 = arith.addi %iota3A, %add3A_195 : vector<16xi32>
      %gather3A_197 = tpu.vector_load_idx %arg8[%add3A_196, %broadcast_in_dim3A_25] : memref<80x8xf32, #tpu.memory_space<vmem>>[vector<16xi32>, vector<16xi32>], vector<16xf32>,
      %gather3A_198 = tpu.vector_load_idx %arg10[%add3A_196, %broadcast_in_dim3A_27] : memref<80x8xf32, #tpu.memory_space<vmem>>[vector<16xi32>, vector<16xi32>], vector<16xf32>,
      %add3A_199 = arith.addf %gather3A_197, %gather3A_198 : vector<16xf32>
      %ge3A_200 = arith.constant 0.000000e+00 : f32
      %ge3A_201 = vector.broadcast %ge3A_200 : f32 to vector<16xf32>
      %ge3A_202 = arith.cmpf oge, %add3A_199, %ge3A_201 : vector<16xf32>
      %mul3A_203 = arith.constant 2.000000e-01 : f32
      %mul3A_204 = vector.broadcast %mul3A_203 : f32 to vector<16xf32>
      %mul3A_205 = arith.mulf %mul3A_204, %add3A_199 : vector<16xf32>
      %select_n3A_206 = arith.select %ge3A_202, %add3A_199, %mul3A_205 : vector<16xi1>, vector<16xf32>
      %exp3A_207 = math.exp %select_n3A_206 : vector<16xf32>
      %swap3A_208 = arith.constant 16 : index
      %swap3A_209 = tpu.vector_load %arg20[%swap3A_208] {strides = array<i32>} : memref<80xf32, #tpu.memory_space<vmem>>, vector<16xf32>,
      tpu.vector_store %arg20[%swap3A_208], %exp3A_207 {strides = array<i32>} : memref<80xf32, #tpu.memory_space<vmem>>, vector<16xf32>,
      %add3A_210 = arith.constant 32 : i32
      %add3A_211 = vector.broadcast %add3A_210 : i32 to vector<16xi32>
      %add3A_212 = arith.addi %iota3A, %add3A_211 : vector<16xi32>
      %gather3A_213 = tpu.vector_load_idx %arg8[%add3A_212, %broadcast_in_dim3A_25] : memref<80x8xf32, #tpu.memory_space<vmem>>[vector<16xi32>, vector<16xi32>], vector<16xf32>,
      %gather3A_214 = tpu.vector_load_idx %arg10[%add3A_212, %broadcast_in_dim3A_27] : memref<80x8xf32, #tpu.memory_space<vmem>>[vector<16xi32>, vector<16xi32>], vector<16xf32>,
      %add3A_215 = arith.addf %gather3A_213, %gather3A_214 : vector<16xf32>
      %ge3A_216 = arith.constant 0.000000e+00 : f32
      %ge3A_217 = vector.broadcast %ge3A_216 : f32 to vector<16xf32>
      %ge3A_218 = arith.cmpf oge, %add3A_215, %ge3A_217 : vector<16xf32>
      %mul3A_219 = arith.constant 2.000000e-01 : f32
      %mul3A_220 = vector.broadcast %mul3A_219 : f32 to vector<16xf32>
      %mul3A_221 = arith.mulf %mul3A_220, %add3A_215 : vector<16xf32>
      %select_n3A_222 = arith.select %ge3A_218, %add3A_215, %mul3A_221 : vector<16xi1>, vector<16xf32>
      %exp3A_223 = math.exp %select_n3A_222 : vector<16xf32>
      %swap3A_224 = arith.constant 32 : index
      %swap3A_225 = tpu.vector_load %arg20[%swap3A_224] {strides = array<i32>} : memref<80xf32, #tpu.memory_space<vmem>>, vector<16xf32>,
      tpu.vector_store %arg20[%swap3A_224], %exp3A_223 {strides = array<i32>} : memref<80xf32, #tpu.memory_space<vmem>>, vector<16xf32>,
      %add3A_226 = arith.constant 48 : i32
      %add3A_227 = vector.broadcast %add3A_226 : i32 to vector<16xi32>
      %add3A_228 = arith.addi %iota3A, %add3A_227 : vector<16xi32>
      %gather3A_229 = tpu.vector_load_idx %arg8[%add3A_228, %broadcast_in_dim3A_25] : memref<80x8xf32, #tpu.memory_space<vmem>>[vector<16xi32>, vector<16xi32>], vector<16xf32>,
      %gather3A_230 = tpu.vector_load_idx %arg10[%add3A_228, %broadcast_in_dim3A_27] : memref<80x8xf32, #tpu.memory_space<vmem>>[vector<16xi32>, vector<16xi32>], vector<16xf32>,
      %add3A_231 = arith.addf %gather3A_229, %gather3A_230 : vector<16xf32>
      %ge3A_232 = arith.constant 0.000000e+00 : f32
      %ge3A_233 = vector.broadcast %ge3A_232 : f32 to vector<16xf32>
      %ge3A_234 = arith.cmpf oge, %add3A_231, %ge3A_233 : vector<16xf32>
      %mul3A_235 = arith.constant 2.000000e-01 : f32
      %mul3A_236 = vector.broadcast %mul3A_235 : f32 to vector<16xf32>
      %mul3A_237 = arith.mulf %mul3A_236, %add3A_231 : vector<16xf32>
      %select_n3A_238 = arith.select %ge3A_234, %add3A_231, %mul3A_237 : vector<16xi1>, vector<16xf32>
      %exp3A_239 = math.exp %select_n3A_238 : vector<16xf32>
      %swap3A_240 = arith.constant 48 : index
      %swap3A_241 = tpu.vector_load %arg20[%swap3A_240] {strides = array<i32>} : memref<80xf32, #tpu.memory_space<vmem>>, vector<16xf32>,
      tpu.vector_store %arg20[%swap3A_240], %exp3A_239 {strides = array<i32>} : memref<80xf32, #tpu.memory_space<vmem>>, vector<16xf32>,
      %add3A_242 = arith.constant 64 : i32
      %add3A_243 = vector.broadcast %add3A_242 : i32 to vector<16xi32>
      %add3A_244 = arith.addi %iota3A, %add3A_243 : vector<16xi32>
      %gather3A_245 = tpu.vector_load_idx %arg8[%add3A_244, %broadcast_in_dim3A_25] : memref<80x8xf32, #tpu.memory_space<vmem>>[vector<16xi32>, vector<16xi32>], vector<16xf32>,
      %gather3A_246 = tpu.vector_load_idx %arg10[%add3A_244, %broadcast_in_dim3A_27] : memref<80x8xf32, #tpu.memory_space<vmem>>[vector<16xi32>, vector<16xi32>], vector<16xf32>,
      %add3A_247 = arith.addf %gather3A_245, %gather3A_246 : vector<16xf32>
      %ge3A_248 = arith.constant 0.000000e+00 : f32
      %ge3A_249 = vector.broadcast %ge3A_248 : f32 to vector<16xf32>
      %ge3A_250 = arith.cmpf oge, %add3A_247, %ge3A_249 : vector<16xf32>
      %mul3A_251 = arith.constant 2.000000e-01 : f32
      %mul3A_252 = vector.broadcast %mul3A_251 : f32 to vector<16xf32>
      %mul3A_253 = arith.mulf %mul3A_252, %add3A_247 : vector<16xf32>
      %select_n3A_254 = arith.select %ge3A_250, %add3A_247, %mul3A_253 : vector<16xi1>, vector<16xf32>
      %exp3A_255 = math.exp %select_n3A_254 : vector<16xf32>
      %swap3A_256 = arith.constant 64 : index
      %swap3A_257 = tpu.vector_load %arg20[%swap3A_256] {strides = array<i32>} : memref<80xf32, #tpu.memory_space<vmem>>, vector<16xf32>,
      tpu.vector_store %arg20[%swap3A_256], %exp3A_255 {strides = array<i32>} : memref<80xf32, #tpu.memory_space<vmem>>, vector<16xf32>,
      %scan3A_258 = arith.constant 0 : i32
      %scan3A_259 = arith.constant 0 : i32
      %scan3A_260 = arith.constant 80 : i32
      %scan3A_261 = arith.addi %scan3A_259, %scan3A_260 : i32
      %scan3A_262 = arith.constant 1 : i32
      %scan3A_263 = scf.for %scan3A_472 = %scan3A_259 to %scan3A_261 step %scan3A_262 iter_args(%scan3A_473 = %scan3A_258) -> (i32)  : i32 {
        %broadcast_in_dim3A_474 = vector.broadcast %scan3A_472 : i32 to vector<16xi32>
        %gather3A_475 = tpu.vector_load_idx %arg20[%broadcast_in_dim3A_474] : memref<80xf32, #tpu.memory_space<vmem>>[vector<16xi32>], vector<16xf32>,
        %get3A_476 = arith.index_cast %scan3A_472 : i32 to index
        %get3A_477 = arith.constant 0 : index
        %get3A_478 = tpu.vector_load %arg21[%get3A_476, %get3A_477] {strides = array<i32>} : memref<80x144xf32, #tpu.memory_space<vmem>>, vector<16xf32>,
        %mul3A_479 = arith.mulf %get3A_478, %gather3A_475 : vector<16xf32>
        %swap3A_480 = arith.index_cast %scan3A_472 : i32 to index
        %swap3A_481 = arith.constant 0 : index
        %swap3A_482 = tpu.vector_load %arg21[%swap3A_480, %swap3A_481] {strides = array<i32>} : memref<80x144xf32, #tpu.memory_space<vmem>>, vector<16xf32>,
        tpu.vector_store %arg21[%swap3A_480, %swap3A_481], %mul3A_479 {strides = array<i32>} : memref<80x144xf32, #tpu.memory_space<vmem>>, vector<16xf32>,
        %get3A_483 = arith.index_cast %scan3A_472 : i32 to index
        %get3A_484 = arith.constant 16 : index
        %get3A_485 = tpu.vector_load %arg21[%get3A_483, %get3A_484] {strides = array<i32>} : memref<80x144xf32, #tpu.memory_space<vmem>>, vector<16xf32>,
        %mul3A_486 = arith.mulf %get3A_485, %gather3A_475 : vector<16xf32>
        %swap3A_487 = arith.index_cast %scan3A_472 : i32 to index
        %swap3A_488 = arith.constant 16 : index
        %swap3A_489 = tpu.vector_load %arg21[%swap3A_487, %swap3A_488] {strides = array<i32>} : memref<80x144xf32, #tpu.memory_space<vmem>>, vector<16xf32>,
        tpu.vector_store %arg21[%swap3A_487, %swap3A_488], %mul3A_486 {strides = array<i32>} : memref<80x144xf32, #tpu.memory_space<vmem>>, vector<16xf32>,
        %get3A_490 = arith.index_cast %scan3A_472 : i32 to index
        %get3A_491 = arith.constant 32 : index
        %get3A_492 = tpu.vector_load %arg21[%get3A_490, %get3A_491] {strides = array<i32>} : memref<80x144xf32, #tpu.memory_space<vmem>>, vector<16xf32>,
        %mul3A_493 = arith.mulf %get3A_492, %gather3A_475 : vector<16xf32>
        %swap3A_494 = arith.index_cast %scan3A_472 : i32 to index
        %swap3A_495 = arith.constant 32 : index
        %swap3A_496 = tpu.vector_load %arg21[%swap3A_494, %swap3A_495] {strides = array<i32>} : memref<80x144xf32, #tpu.memory_space<vmem>>, vector<16xf32>,
        tpu.vector_store %arg21[%swap3A_494, %swap3A_495], %mul3A_493 {strides = array<i32>} : memref<80x144xf32, #tpu.memory_space<vmem>>, vector<16xf32>,
        %get3A_497 = arith.index_cast %scan3A_472 : i32 to index
        %get3A_498 = arith.constant 48 : index
        %get3A_499 = tpu.vector_load %arg21[%get3A_497, %get3A_498] {strides = array<i32>} : memref<80x144xf32, #tpu.memory_space<vmem>>, vector<16xf32>,
        %mul3A_500 = arith.mulf %get3A_499, %gather3A_475 : vector<16xf32>
        %swap3A_501 = arith.index_cast %scan3A_472 : i32 to index
        %swap3A_502 = arith.constant 48 : index
        %swap3A_503 = tpu.vector_load %arg21[%swap3A_501, %swap3A_502] {strides = array<i32>} : memref<80x144xf32, #tpu.memory_space<vmem>>, vector<16xf32>,
        tpu.vector_store %arg21[%swap3A_501, %swap3A_502], %mul3A_500 {strides = array<i32>} : memref<80x144xf32, #tpu.memory_space<vmem>>, vector<16xf32>,
        %get3A_504 = arith.index_cast %scan3A_472 : i32 to index
        %get3A_505 = arith.constant 64 : index
        %get3A_506 = tpu.vector_load %arg21[%get3A_504, %get3A_505] {strides = array<i32>} : memref<80x144xf32, #tpu.memory_space<vmem>>, vector<16xf32>,
        %mul3A_507 = arith.mulf %get3A_506, %gather3A_475 : vector<16xf32>
        %swap3A_508 = arith.index_cast %scan3A_472 : i32 to index
        %swap3A_509 = arith.constant 64 : index
        %swap3A_510 = tpu.vector_load %arg21[%swap3A_508, %swap3A_509] {strides = array<i32>} : memref<80x144xf32, #tpu.memory_space<vmem>>, vector<16xf32>,
        tpu.vector_store %arg21[%swap3A_508, %swap3A_509], %mul3A_507 {strides = array<i32>} : memref<80x144xf32, #tpu.memory_space<vmem>>, vector<16xf32>,
        %get3A_511 = arith.index_cast %scan3A_472 : i32 to index
        %get3A_512 = arith.constant 80 : index
        %get3A_513 = tpu.vector_load %arg21[%get3A_511, %get3A_512] {strides = array<i32>} : memref<80x144xf32, #tpu.memory_space<vmem>>, vector<16xf32>,
        %mul3A_514 = arith.mulf %get3A_513, %gather3A_475 : vector<16xf32>
        %swap3A_515 = arith.index_cast %scan3A_472 : i32 to index
        %swap3A_516 = arith.constant 80 : index
        %swap3A_517 = tpu.vector_load %arg21[%swap3A_515, %swap3A_516] {strides = array<i32>} : memref<80x144xf32, #tpu.memory_space<vmem>>, vector<16xf32>,
        tpu.vector_store %arg21[%swap3A_515, %swap3A_516], %mul3A_514 {strides = array<i32>} : memref<80x144xf32, #tpu.memory_space<vmem>>, vector<16xf32>,
        %get3A_518 = arith.index_cast %scan3A_472 : i32 to index
        %get3A_519 = arith.constant 96 : index
        %get3A_520 = tpu.vector_load %arg21[%get3A_518, %get3A_519] {strides = array<i32>} : memref<80x144xf32, #tpu.memory_space<vmem>>, vector<16xf32>,
        %mul3A_521 = arith.mulf %get3A_520, %gather3A_475 : vector<16xf32>
        %swap3A_522 = arith.index_cast %scan3A_472 : i32 to index
        %swap3A_523 = arith.constant 96 : index
        %swap3A_524 = tpu.vector_load %arg21[%swap3A_522, %swap3A_523] {strides = array<i32>} : memref<80x144xf32, #tpu.memory_space<vmem>>, vector<16xf32>,
        tpu.vector_store %arg21[%swap3A_522, %swap3A_523], %mul3A_521 {strides = array<i32>} : memref<80x144xf32, #tpu.memory_space<vmem>>, vector<16xf32>,
        %get3A_525 = arith.index_cast %scan3A_472 : i32 to index
        %get3A_526 = arith.constant 112 : index
        %get3A_527 = tpu.vector_load %arg21[%get3A_525, %get3A_526] {strides = array<i32>} : memref<80x144xf32, #tpu.memory_space<vmem>>, vector<16xf32>,
        %mul3A_528 = arith.mulf %get3A_527, %gather3A_475 : vector<16xf32>
        %swap3A_529 = arith.index_cast %scan3A_472 : i32 to index
        %swap3A_530 = arith.constant 112 : index
        %swap3A_531 = tpu.vector_load %arg21[%swap3A_529, %swap3A_530] {strides = array<i32>} : memref<80x144xf32, #tpu.memory_space<vmem>>, vector<16xf32>,
        tpu.vector_store %arg21[%swap3A_529, %swap3A_530], %mul3A_528 {strides = array<i32>} : memref<80x144xf32, #tpu.memory_space<vmem>>, vector<16xf32>,
        %get3A_532 = arith.index_cast %scan3A_472 : i32 to index
        %get3A_533 = arith.constant 128 : index
        %get3A_534 = tpu.vector_load %arg21[%get3A_532, %get3A_533] {strides = array<i32>} : memref<80x144xf32, #tpu.memory_space<vmem>>, vector<16xf32>,
        %mul3A_535 = arith.mulf %get3A_534, %gather3A_475 : vector<16xf32>
        %swap3A_536 = arith.index_cast %scan3A_472 : i32 to index
        %swap3A_537 = arith.constant 128 : index
        %swap3A_538 = tpu.vector_load %arg21[%swap3A_536, %swap3A_537] {strides = array<i32>} : memref<80x144xf32, #tpu.memory_space<vmem>>, vector<16xf32>,
        tpu.vector_store %arg21[%swap3A_536, %swap3A_537], %mul3A_535 {strides = array<i32>} : memref<80x144xf32, #tpu.memory_space<vmem>>, vector<16xf32>,
        %scan3A_539 = arith.constant 0 : i32
        scf.yield %scan3A_539 : i32
      }
      %scan3A_264 = arith.constant 80 : i32
      %get3A_265 = arith.constant 0 : index
      %get3A_266 = tpu.vector_load %arg16[%get3A_265] {strides = array<i32>} : memref<80xi32, #tpu.memory_space<vmem>>, vector<16xi32>,
      %swap3A_267 = arith.constant 0 : index
      %swap3A_268 = tpu.vector_load %arg18[%swap3A_267] {strides = array<i32>} : memref<80xi32, #tpu.memory_space<vmem>>, vector<16xi32>,
      tpu.vector_store %arg18[%swap3A_267], %get3A_266 {strides = array<i32>} : memref<80xi32, #tpu.memory_space<vmem>>, vector<16xi32>,
      %get3A_269 = arith.constant 16 : index
      %get3A_270 = tpu.vector_load %arg16[%get3A_269] {strides = array<i32>} : memref<80xi32, #tpu.memory_space<vmem>>, vector<16xi32>,
      %swap3A_271 = arith.constant 16 : index
      %swap3A_272 = tpu.vector_load %arg18[%swap3A_271] {strides = array<i32>} : memref<80xi32, #tpu.memory_space<vmem>>, vector<16xi32>,
      tpu.vector_store %arg18[%swap3A_271], %get3A_270 {strides = array<i32>} : memref<80xi32, #tpu.memory_space<vmem>>, vector<16xi32>,
      %get3A_273 = arith.constant 32 : index
      %get3A_274 = tpu.vector_load %arg16[%get3A_273] {strides = array<i32>} : memref<80xi32, #tpu.memory_space<vmem>>, vector<16xi32>,
      %swap3A_275 = arith.constant 32 : index
      %swap3A_276 = tpu.vector_load %arg18[%swap3A_275] {strides = array<i32>} : memref<80xi32, #tpu.memory_space<vmem>>, vector<16xi32>,
      tpu.vector_store %arg18[%swap3A_275], %get3A_274 {strides = array<i32>} : memref<80xi32, #tpu.memory_space<vmem>>, vector<16xi32>,
      %get3A_277 = arith.constant 48 : index
      %get3A_278 = tpu.vector_load %arg16[%get3A_277] {strides = array<i32>} : memref<80xi32, #tpu.memory_space<vmem>>, vector<16xi32>,
      %swap3A_279 = arith.constant 48 : index
      %swap3A_280 = tpu.vector_load %arg18[%swap3A_279] {strides = array<i32>} : memref<80xi32, #tpu.memory_space<vmem>>, vector<16xi32>,
      tpu.vector_store %arg18[%swap3A_279], %get3A_278 {strides = array<i32>} : memref<80xi32, #tpu.memory_space<vmem>>, vector<16xi32>,
      %get3A_281 = arith.constant 64 : index
      %get3A_282 = tpu.vector_load %arg16[%get3A_281] {strides = array<i32>} : memref<80xi32, #tpu.memory_space<vmem>>, vector<16xi32>,
      %swap3A_283 = arith.constant 64 : index
      %swap3A_284 = tpu.vector_load %arg18[%swap3A_283] {strides = array<i32>} : memref<80xi32, #tpu.memory_space<vmem>>, vector<16xi32>,
      tpu.vector_store %arg18[%swap3A_283], %get3A_282 {strides = array<i32>} : memref<80xi32, #tpu.memory_space<vmem>>, vector<16xi32>,
      %dma_start3A_285 = arith.constant 0 : i32
      %dma_start3A_286 = arith.constant 0 : i32
      %dma_start3A_287 = tpu.memref_slice %arg23[%dma_start3A_285, %dma_start3A_286] : memref<10000x144xf32, #tpu.memory_space<vmem_shared>> -> memref<10000x144xf32, #tpu.memory_space<vmem_shared>>
      tpu.enqueue_indirect_dma source(%arg21 : memref<80x144xf32, #tpu.memory_space<vmem>>) target(%dma_start3A_287 : memref<10000x144xf32, #tpu.memory_space<vmem_shared>>) offsets(%arg18 : memref<80xi32, #tpu.memory_space<vmem>>) semaphore(%arg26 : memref<!tpu.dma_semaphore, #tpu.memory_space<semaphore_mem>>) {add = true}
      %mul3A_288 = arith.constant 2 : i32
      %mul3A_289 = arith.muli %scan3A_106, %mul3A_288 : i32
      %add3A_290 = arith.constant 1 : i32
      %add3A_291 = arith.addi %mul3A_289, %add3A_290 : i32
      %add3A_292 = arith.constant 1 : i32
      %add3A_293 = arith.addi %add3A_291, %add3A_292 : i32
      %min3A_294 = arith.constant 249 : i32
      %min3A_295 = arith.minsi %add3A_293, %min3A_294 : i32
      %mul3A_296 = arith.constant 80 : i32
      %mul3A_297 = arith.muli %min3A_295, %mul3A_296 : i32
      %add3A_298 = arith.addi %multiple_of3A_24, %mul3A_297 : i32
      %multiple_of3A_299 = tpu.assume_multiple %add3A_298, 80 : i32
      "tpu.region"() ({
        %run_scoped3A = tpu.sem_alloc : memref<!tpu.dma_semaphore, #tpu.memory_space<semaphore_mem>>
        %dma_start3A_472 = tpu.memref_slice %arg3[%multiple_of3A_299] : memref<320000xi32, #tpu.memory_space<hbm>> -> memref<80xi32, #tpu.memory_space<hbm>>
        %dma_start3A_473 = tpu.memref_slice %arg3[%multiple_of3A_299] : memref<320000xi32, #tpu.memory_space<hbm>> -> memref<80xi32, #tpu.memory_space<hbm>>
        tpu.enqueue_dma source(%dma_start3A_473 : memref<80xi32, #tpu.memory_space<hbm>>) target(%arg12 : memref<80xi32, #tpu.memory_space<vmem>>) target_semaphore(%run_scoped3A : memref<!tpu.dma_semaphore, #tpu.memory_space<semaphore_mem>>)
        %dma_wait3A_474 = tpu.memref_slice %arg3[%multiple_of3A_299] : memref<320000xi32, #tpu.memory_space<hbm>> -> memref<80xi32, #tpu.memory_space<hbm>>
        %dma_wait3A_475 = tpu.memref_slice %arg3[%multiple_of3A_299] : memref<320000xi32, #tpu.memory_space<hbm>> -> memref<80xi32, #tpu.memory_space<hbm>>
        tpu.wait_dma2 semaphore(%run_scoped3A : memref<!tpu.dma_semaphore, #tpu.memory_space<semaphore_mem>>) src(%dma_wait3A_475 : memref<80xi32, #tpu.memory_space<hbm>>) dst(%arg12 : memref<80xi32, #tpu.memory_space<vmem>>)
        tpu.yield
      }) : () -> ()
      "tpu.region"() ({
        %run_scoped3A = tpu.sem_alloc : memref<!tpu.dma_semaphore, #tpu.memory_space<semaphore_mem>>
        %dma_start3A_472 = tpu.memref_slice %arg4[%multiple_of3A_299] : memref<320000xi32, #tpu.memory_space<hbm>> -> memref<80xi32, #tpu.memory_space<hbm>>
        %dma_start3A_473 = tpu.memref_slice %arg4[%multiple_of3A_299] : memref<320000xi32, #tpu.memory_space<hbm>> -> memref<80xi32, #tpu.memory_space<hbm>>
        tpu.enqueue_dma source(%dma_start3A_473 : memref<80xi32, #tpu.memory_space<hbm>>) target(%arg16 : memref<80xi32, #tpu.memory_space<vmem>>) target_semaphore(%run_scoped3A : memref<!tpu.dma_semaphore, #tpu.memory_space<semaphore_mem>>)
        %dma_wait3A_474 = tpu.memref_slice %arg4[%multiple_of3A_299] : memref<320000xi32, #tpu.memory_space<hbm>> -> memref<80xi32, #tpu.memory_space<hbm>>
        %dma_wait3A_475 = tpu.memref_slice %arg4[%multiple_of3A_299] : memref<320000xi32, #tpu.memory_space<hbm>> -> memref<80xi32, #tpu.memory_space<hbm>>
        tpu.wait_dma2 semaphore(%run_scoped3A : memref<!tpu.dma_semaphore, #tpu.memory_space<semaphore_mem>>) src(%dma_wait3A_475 : memref<80xi32, #tpu.memory_space<hbm>>) dst(%arg16 : memref<80xi32, #tpu.memory_space<vmem>>)
        tpu.yield
      }) : () -> ()
      %get3A_300 = arith.constant 0 : index
      %get3A_301 = tpu.vector_load %arg12[%get3A_300] {strides = array<i32>} : memref<80xi32, #tpu.memory_space<vmem>>, vector<16xi32>,
      %mul3A_302 = arith.constant 10000 : i32
      %mul3A_303 = arith.muli %arg0, %mul3A_302 : i32
      %add3A_304 = vector.broadcast %mul3A_303 : i32 to vector<16xi32>
      %add3A_305 = arith.addi %get3A_301, %add3A_304 : vector<16xi32>
      %swap3A_306 = arith.constant 0 : index
      %swap3A_307 = tpu.vector_load %arg14[%swap3A_306] {strides = array<i32>} : memref<80xi32, #tpu.memory_space<vmem>>, vector<16xi32>,
      tpu.vector_store %arg14[%swap3A_306], %add3A_305 {strides = array<i32>} : memref<80xi32, #tpu.memory_space<vmem>>, vector<16xi32>,
      %get3A_308 = arith.constant 16 : index
      %get3A_309 = tpu.vector_load %arg12[%get3A_308] {strides = array<i32>} : memref<80xi32, #tpu.memory_space<vmem>>, vector<16xi32>,
      %mul3A_310 = arith.constant 10000 : i32
      %mul3A_311 = arith.muli %arg0, %mul3A_310 : i32
      %add3A_312 = vector.broadcast %mul3A_311 : i32 to vector<16xi32>
      %add3A_313 = arith.addi %get3A_309, %add3A_312 : vector<16xi32>
      %swap3A_314 = arith.constant 16 : index
      %swap3A_315 = tpu.vector_load %arg14[%swap3A_314] {strides = array<i32>} : memref<80xi32, #tpu.memory_space<vmem>>, vector<16xi32>,
      tpu.vector_store %arg14[%swap3A_314], %add3A_313 {strides = array<i32>} : memref<80xi32, #tpu.memory_space<vmem>>, vector<16xi32>,
      %get3A_316 = arith.constant 32 : index
      %get3A_317 = tpu.vector_load %arg12[%get3A_316] {strides = array<i32>} : memref<80xi32, #tpu.memory_space<vmem>>, vector<16xi32>,
      %mul3A_318 = arith.constant 10000 : i32
      %mul3A_319 = arith.muli %arg0, %mul3A_318 : i32
      %add3A_320 = vector.broadcast %mul3A_319 : i32 to vector<16xi32>
      %add3A_321 = arith.addi %get3A_317, %add3A_320 : vector<16xi32>
      %swap3A_322 = arith.constant 32 : index
      %swap3A_323 = tpu.vector_load %arg14[%swap3A_322] {strides = array<i32>} : memref<80xi32, #tpu.memory_space<vmem>>, vector<16xi32>,
      tpu.vector_store %arg14[%swap3A_322], %add3A_321 {strides = array<i32>} : memref<80xi32, #tpu.memory_space<vmem>>, vector<16xi32>,
      %get3A_324 = arith.constant 48 : index
      %get3A_325 = tpu.vector_load %arg12[%get3A_324] {strides = array<i32>} : memref<80xi32, #tpu.memory_space<vmem>>, vector<16xi32>,
      %mul3A_326 = arith.constant 10000 : i32
      %mul3A_327 = arith.muli %arg0, %mul3A_326 : i32
      %add3A_328 = vector.broadcast %mul3A_327 : i32 to vector<16xi32>
      %add3A_329 = arith.addi %get3A_325, %add3A_328 : vector<16xi32>
      %swap3A_330 = arith.constant 48 : index
      %swap3A_331 = tpu.vector_load %arg14[%swap3A_330] {strides = array<i32>} : memref<80xi32, #tpu.memory_space<vmem>>, vector<16xi32>,
      tpu.vector_store %arg14[%swap3A_330], %add3A_329 {strides = array<i32>} : memref<80xi32, #tpu.memory_space<vmem>>, vector<16xi32>,
      %get3A_332 = arith.constant 64 : index
      %get3A_333 = tpu.vector_load %arg12[%get3A_332] {strides = array<i32>} : memref<80xi32, #tpu.memory_space<vmem>>, vector<16xi32>,
      %mul3A_334 = arith.constant 10000 : i32
      %mul3A_335 = arith.muli %arg0, %mul3A_334 : i32
      %add3A_336 = vector.broadcast %mul3A_335 : i32 to vector<16xi32>
      %add3A_337 = arith.addi %get3A_333, %add3A_336 : vector<16xi32>
      %swap3A_338 = arith.constant 64 : index
      %swap3A_339 = tpu.vector_load %arg14[%swap3A_338] {strides = array<i32>} : memref<80xi32, #tpu.memory_space<vmem>>, vector<16xi32>,
      tpu.vector_store %arg14[%swap3A_338], %add3A_337 {strides = array<i32>} : memref<80xi32, #tpu.memory_space<vmem>>, vector<16xi32>,
      %dma_wait3A_340 = arith.constant 0 : i32
      %dma_wait3A_341 = arith.constant 0 : i32
      %dma_wait3A_342 = tpu.memref_slice %arg2[%dma_wait3A_340, %dma_wait3A_341] : memref<20000x144xf32, #tpu.memory_space<hbm>> -> memref<20000x144xf32, #tpu.memory_space<hbm>>
      tpu.wait_indirect_dma semaphore(%arg25 : memref<!tpu.dma_semaphore, #tpu.memory_space<semaphore_mem>>) src(%dma_wait3A_342 : memref<20000x144xf32, #tpu.memory_space<hbm>>) dst(%arg22 : memref<80x144xf32, #tpu.memory_space<vmem>>)
      %dma_wait3A_343 = arith.constant 0 : i32
      %dma_wait3A_344 = arith.constant 0 : i32
      %dma_wait3A_345 = tpu.memref_slice %arg5[%dma_wait3A_343, %dma_wait3A_344] : memref<10000x8xf32, #tpu.memory_space<hbm>> -> memref<10000x8xf32, #tpu.memory_space<hbm>>
      tpu.wait_indirect_dma semaphore(%arg25 : memref<!tpu.dma_semaphore, #tpu.memory_space<semaphore_mem>>) src(%dma_wait3A_345 : memref<10000x8xf32, #tpu.memory_space<hbm>>) dst(%arg9 : memref<80x8xf32, #tpu.memory_space<vmem>>)
      %dma_wait3A_346 = arith.constant 0 : i32
      %dma_wait3A_347 = arith.constant 0 : i32
      %dma_wait3A_348 = tpu.memref_slice %arg5[%dma_wait3A_346, %dma_wait3A_347] : memref<10000x8xf32, #tpu.memory_space<hbm>> -> memref<10000x8xf32, #tpu.memory_space<hbm>>
      tpu.wait_indirect_dma semaphore(%arg25 : memref<!tpu.dma_semaphore, #tpu.memory_space<semaphore_mem>>) src(%dma_wait3A_348 : memref<10000x8xf32, #tpu.memory_space<hbm>>) dst(%arg11 : memref<80x8xf32, #tpu.memory_space<vmem>>)
      %dma_wait3A_349 = arith.constant 0 : i32
      %dma_wait3A_350 = arith.constant 0 : i32
      %dma_wait3A_351 = tpu.memref_slice %arg23[%dma_wait3A_349, %dma_wait3A_350] : memref<10000x144xf32, #tpu.memory_space<vmem_shared>> -> memref<10000x144xf32, #tpu.memory_space<vmem_shared>>
      tpu.wait_indirect_dma semaphore(%arg26 : memref<!tpu.dma_semaphore, #tpu.memory_space<semaphore_mem>>) src(%arg21 : memref<80x144xf32, #tpu.memory_space<vmem>>) dst(%dma_wait3A_351 : memref<10000x144xf32, #tpu.memory_space<vmem_shared>>)
      %dma_start3A_352 = arith.constant 0 : i32
      %dma_start3A_353 = arith.constant 0 : i32
      %dma_start3A_354 = tpu.memref_slice %arg2[%dma_start3A_352, %dma_start3A_353] : memref<20000x144xf32, #tpu.memory_space<hbm>> -> memref<20000x144xf32, #tpu.memory_space<hbm>>
      tpu.enqueue_indirect_dma source(%dma_start3A_354 : memref<20000x144xf32, #tpu.memory_space<hbm>>) target(%arg21 : memref<80x144xf32, #tpu.memory_space<vmem>>) offsets(%arg14 : memref<80xi32, #tpu.memory_space<vmem>>) semaphore(%arg24 : memref<!tpu.dma_semaphore, #tpu.memory_space<semaphore_mem>>)
      %dma_start3A_355 = arith.constant 0 : i32
      %dma_start3A_356 = arith.constant 0 : i32
      %dma_start3A_357 = tpu.memref_slice %arg5[%dma_start3A_355, %dma_start3A_356] : memref<10000x8xf32, #tpu.memory_space<hbm>> -> memref<10000x8xf32, #tpu.memory_space<hbm>>
      tpu.enqueue_indirect_dma source(%dma_start3A_357 : memref<10000x8xf32, #tpu.memory_space<hbm>>) target(%arg8 : memref<80x8xf32, #tpu.memory_space<vmem>>) offsets(%arg12 : memref<80xi32, #tpu.memory_space<vmem>>) semaphore(%arg24 : memref<!tpu.dma_semaphore, #tpu.memory_space<semaphore_mem>>)
      %dma_start3A_358 = arith.constant 0 : i32
      %dma_start3A_359 = arith.constant 0 : i32
      %dma_start3A_360 = tpu.memref_slice %arg5[%dma_start3A_358, %dma_start3A_359] : memref<10000x8xf32, #tpu.memory_space<hbm>> -> memref<10000x8xf32, #tpu.memory_space<hbm>>
      tpu.enqueue_indirect_dma source(%dma_start3A_360 : memref<10000x8xf32, #tpu.memory_space<hbm>>) target(%arg10 : memref<80x8xf32, #tpu.memory_space<vmem>>) offsets(%arg16 : memref<80xi32, #tpu.memory_space<vmem>>) semaphore(%arg24 : memref<!tpu.dma_semaphore, #tpu.memory_space<semaphore_mem>>)
      %add3A_361 = arith.constant 0 : i32
      %add3A_362 = vector.broadcast %add3A_361 : i32 to vector<16xi32>
      %add3A_363 = arith.addi %iota3A, %add3A_362 : vector<16xi32>
      %gather3A_364 = tpu.vector_load_idx %arg9[%add3A_363, %broadcast_in_dim3A_25] : memref<80x8xf32, #tpu.memory_space<vmem>>[vector<16xi32>, vector<16xi32>], vector<16xf32>,
      %gather3A_365 = tpu.vector_load_idx %arg11[%add3A_363, %broadcast_in_dim3A_27] : memref<80x8xf32, #tpu.memory_space<vmem>>[vector<16xi32>, vector<16xi32>], vector<16xf32>,
      %add3A_366 = arith.addf %gather3A_364, %gather3A_365 : vector<16xf32>
      %ge3A_367 = arith.constant 0.000000e+00 : f32
      %ge3A_368 = vector.broadcast %ge3A_367 : f32 to vector<16xf32>
      %ge3A_369 = arith.cmpf oge, %add3A_366, %ge3A_368 : vector<16xf32>
      %mul3A_370 = arith.constant 2.000000e-01 : f32
      %mul3A_371 = vector.broadcast %mul3A_370 : f32 to vector<16xf32>
      %mul3A_372 = arith.mulf %mul3A_371, %add3A_366 : vector<16xf32>
      %select_n3A_373 = arith.select %ge3A_369, %add3A_366, %mul3A_372 : vector<16xi1>, vector<16xf32>
      %exp3A_374 = math.exp %select_n3A_373 : vector<16xf32>
      %swap3A_375 = arith.constant 0 : index
      %swap3A_376 = tpu.vector_load %arg20[%swap3A_375] {strides = array<i32>} : memref<80xf32, #tpu.memory_space<vmem>>, vector<16xf32>,
      tpu.vector_store %arg20[%swap3A_375], %exp3A_374 {strides = array<i32>} : memref<80xf32, #tpu.memory_space<vmem>>, vector<16xf32>,
      %add3A_377 = arith.constant 16 : i32
      %add3A_378 = vector.broadcast %add3A_377 : i32 to vector<16xi32>
      %add3A_379 = arith.addi %iota3A, %add3A_378 : vector<16xi32>
      %gather3A_380 = tpu.vector_load_idx %arg9[%add3A_379, %broadcast_in_dim3A_25] : memref<80x8xf32, #tpu.memory_space<vmem>>[vector<16xi32>, vector<16xi32>], vector<16xf32>,
      %gather3A_381 = tpu.vector_load_idx %arg11[%add3A_379, %broadcast_in_dim3A_27] : memref<80x8xf32, #tpu.memory_space<vmem>>[vector<16xi32>, vector<16xi32>], vector<16xf32>,
      %add3A_382 = arith.addf %gather3A_380, %gather3A_381 : vector<16xf32>
      %ge3A_383 = arith.constant 0.000000e+00 : f32
      %ge3A_384 = vector.broadcast %ge3A_383 : f32 to vector<16xf32>
      %ge3A_385 = arith.cmpf oge, %add3A_382, %ge3A_384 : vector<16xf32>
      %mul3A_386 = arith.constant 2.000000e-01 : f32
      %mul3A_387 = vector.broadcast %mul3A_386 : f32 to vector<16xf32>
      %mul3A_388 = arith.mulf %mul3A_387, %add3A_382 : vector<16xf32>
      %select_n3A_389 = arith.select %ge3A_385, %add3A_382, %mul3A_388 : vector<16xi1>, vector<16xf32>
      %exp3A_390 = math.exp %select_n3A_389 : vector<16xf32>
      %swap3A_391 = arith.constant 16 : index
      %swap3A_392 = tpu.vector_load %arg20[%swap3A_391] {strides = array<i32>} : memref<80xf32, #tpu.memory_space<vmem>>, vector<16xf32>,
      tpu.vector_store %arg20[%swap3A_391], %exp3A_390 {strides = array<i32>} : memref<80xf32, #tpu.memory_space<vmem>>, vector<16xf32>,
      %add3A_393 = arith.constant 32 : i32
      %add3A_394 = vector.broadcast %add3A_393 : i32 to vector<16xi32>
      %add3A_395 = arith.addi %iota3A, %add3A_394 : vector<16xi32>
      %gather3A_396 = tpu.vector_load_idx %arg9[%add3A_395, %broadcast_in_dim3A_25] : memref<80x8xf32, #tpu.memory_space<vmem>>[vector<16xi32>, vector<16xi32>], vector<16xf32>,
      %gather3A_397 = tpu.vector_load_idx %arg11[%add3A_395, %broadcast_in_dim3A_27] : memref<80x8xf32, #tpu.memory_space<vmem>>[vector<16xi32>, vector<16xi32>], vector<16xf32>,
      %add3A_398 = arith.addf %gather3A_396, %gather3A_397 : vector<16xf32>
      %ge3A_399 = arith.constant 0.000000e+00 : f32
      %ge3A_400 = vector.broadcast %ge3A_399 : f32 to vector<16xf32>
      %ge3A_401 = arith.cmpf oge, %add3A_398, %ge3A_400 : vector<16xf32>
      %mul3A_402 = arith.constant 2.000000e-01 : f32
      %mul3A_403 = vector.broadcast %mul3A_402 : f32 to vector<16xf32>
      %mul3A_404 = arith.mulf %mul3A_403, %add3A_398 : vector<16xf32>
      %select_n3A_405 = arith.select %ge3A_401, %add3A_398, %mul3A_404 : vector<16xi1>, vector<16xf32>
      %exp3A_406 = math.exp %select_n3A_405 : vector<16xf32>
      %swap3A_407 = arith.constant 32 : index
      %swap3A_408 = tpu.vector_load %arg20[%swap3A_407] {strides = array<i32>} : memref<80xf32, #tpu.memory_space<vmem>>, vector<16xf32>,
      tpu.vector_store %arg20[%swap3A_407], %exp3A_406 {strides = array<i32>} : memref<80xf32, #tpu.memory_space<vmem>>, vector<16xf32>,
      %add3A_409 = arith.constant 48 : i32
      %add3A_410 = vector.broadcast %add3A_409 : i32 to vector<16xi32>
      %add3A_411 = arith.addi %iota3A, %add3A_410 : vector<16xi32>
      %gather3A_412 = tpu.vector_load_idx %arg9[%add3A_411, %broadcast_in_dim3A_25] : memref<80x8xf32, #tpu.memory_space<vmem>>[vector<16xi32>, vector<16xi32>], vector<16xf32>,
      %gather3A_413 = tpu.vector_load_idx %arg11[%add3A_411, %broadcast_in_dim3A_27] : memref<80x8xf32, #tpu.memory_space<vmem>>[vector<16xi32>, vector<16xi32>], vector<16xf32>,
      %add3A_414 = arith.addf %gather3A_412, %gather3A_413 : vector<16xf32>
      %ge3A_415 = arith.constant 0.000000e+00 : f32
      %ge3A_416 = vector.broadcast %ge3A_415 : f32 to vector<16xf32>
      %ge3A_417 = arith.cmpf oge, %add3A_414, %ge3A_416 : vector<16xf32>
      %mul3A_418 = arith.constant 2.000000e-01 : f32
      %mul3A_419 = vector.broadcast %mul3A_418 : f32 to vector<16xf32>
      %mul3A_420 = arith.mulf %mul3A_419, %add3A_414 : vector<16xf32>
      %select_n3A_421 = arith.select %ge3A_417, %add3A_414, %mul3A_420 : vector<16xi1>, vector<16xf32>
      %exp3A_422 = math.exp %select_n3A_421 : vector<16xf32>
      %swap3A_423 = arith.constant 48 : index
      %swap3A_424 = tpu.vector_load %arg20[%swap3A_423] {strides = array<i32>} : memref<80xf32, #tpu.memory_space<vmem>>, vector<16xf32>,
      tpu.vector_store %arg20[%swap3A_423], %exp3A_422 {strides = array<i32>} : memref<80xf32, #tpu.memory_space<vmem>>, vector<16xf32>,
      %add3A_425 = arith.constant 64 : i32
      %add3A_426 = vector.broadcast %add3A_425 : i32 to vector<16xi32>
      %add3A_427 = arith.addi %iota3A, %add3A_426 : vector<16xi32>
      %gather3A_428 = tpu.vector_load_idx %arg9[%add3A_427, %broadcast_in_dim3A_25] : memref<80x8xf32, #tpu.memory_space<vmem>>[vector<16xi32>, vector<16xi32>], vector<16xf32>,
      %gather3A_429 = tpu.vector_load_idx %arg11[%add3A_427, %broadcast_in_dim3A_27] : memref<80x8xf32, #tpu.memory_space<vmem>>[vector<16xi32>, vector<16xi32>], vector<16xf32>,
      %add3A_430 = arith.addf %gather3A_428, %gather3A_429 : vector<16xf32>
      %ge3A_431 = arith.constant 0.000000e+00 : f32
      %ge3A_432 = vector.broadcast %ge3A_431 : f32 to vector<16xf32>
      %ge3A_433 = arith.cmpf oge, %add3A_430, %ge3A_432 : vector<16xf32>
      %mul3A_434 = arith.constant 2.000000e-01 : f32
      %mul3A_435 = vector.broadcast %mul3A_434 : f32 to vector<16xf32>
      %mul3A_436 = arith.mulf %mul3A_435, %add3A_430 : vector<16xf32>
      %select_n3A_437 = arith.select %ge3A_433, %add3A_430, %mul3A_436 : vector<16xi1>, vector<16xf32>
      %exp3A_438 = math.exp %select_n3A_437 : vector<16xf32>
      %swap3A_439 = arith.constant 64 : index
      %swap3A_440 = tpu.vector_load %arg20[%swap3A_439] {strides = array<i32>} : memref<80xf32, #tpu.memory_space<vmem>>, vector<16xf32>,
      tpu.vector_store %arg20[%swap3A_439], %exp3A_438 {strides = array<i32>} : memref<80xf32, #tpu.memory_space<vmem>>, vector<16xf32>,
      %scan3A_441 = arith.constant 0 : i32
      %scan3A_442 = arith.constant 0 : i32
      %scan3A_443 = arith.constant 80 : i32
      %scan3A_444 = arith.addi %scan3A_442, %scan3A_443 : i32
      %scan3A_445 = arith.constant 1 : i32
      %scan3A_446 = scf.for %scan3A_472 = %scan3A_442 to %scan3A_444 step %scan3A_445 iter_args(%scan3A_473 = %scan3A_441) -> (i32)  : i32 {
        %broadcast_in_dim3A_474 = vector.broadcast %scan3A_472 : i32 to vector<16xi32>
        %gather3A_475 = tpu.vector_load_idx %arg20[%broadcast_in_dim3A_474] : memref<80xf32, #tpu.memory_space<vmem>>[vector<16xi32>], vector<16xf32>,
        %get3A_476 = arith.index_cast %scan3A_472 : i32 to index
        %get3A_477 = arith.constant 0 : index
        %get3A_478 = tpu.vector_load %arg22[%get3A_476, %get3A_477] {strides = array<i32>} : memref<80x144xf32, #tpu.memory_space<vmem>>, vector<16xf32>,
        %mul3A_479 = arith.mulf %get3A_478, %gather3A_475 : vector<16xf32>
        %swap3A_480 = arith.index_cast %scan3A_472 : i32 to index
        %swap3A_481 = arith.constant 0 : index
        %swap3A_482 = tpu.vector_load %arg22[%swap3A_480, %swap3A_481] {strides = array<i32>} : memref<80x144xf32, #tpu.memory_space<vmem>>, vector<16xf32>,
        tpu.vector_store %arg22[%swap3A_480, %swap3A_481], %mul3A_479 {strides = array<i32>} : memref<80x144xf32, #tpu.memory_space<vmem>>, vector<16xf32>,
        %get3A_483 = arith.index_cast %scan3A_472 : i32 to index
        %get3A_484 = arith.constant 16 : index
        %get3A_485 = tpu.vector_load %arg22[%get3A_483, %get3A_484] {strides = array<i32>} : memref<80x144xf32, #tpu.memory_space<vmem>>, vector<16xf32>,
        %mul3A_486 = arith.mulf %get3A_485, %gather3A_475 : vector<16xf32>
        %swap3A_487 = arith.index_cast %scan3A_472 : i32 to index
        %swap3A_488 = arith.constant 16 : index
        %swap3A_489 = tpu.vector_load %arg22[%swap3A_487, %swap3A_488] {strides = array<i32>} : memref<80x144xf32, #tpu.memory_space<vmem>>, vector<16xf32>,
        tpu.vector_store %arg22[%swap3A_487, %swap3A_488], %mul3A_486 {strides = array<i32>} : memref<80x144xf32, #tpu.memory_space<vmem>>, vector<16xf32>,
        %get3A_490 = arith.index_cast %scan3A_472 : i32 to index
        %get3A_491 = arith.constant 32 : index
        %get3A_492 = tpu.vector_load %arg22[%get3A_490, %get3A_491] {strides = array<i32>} : memref<80x144xf32, #tpu.memory_space<vmem>>, vector<16xf32>,
        %mul3A_493 = arith.mulf %get3A_492, %gather3A_475 : vector<16xf32>
        %swap3A_494 = arith.index_cast %scan3A_472 : i32 to index
        %swap3A_495 = arith.constant 32 : index
        %swap3A_496 = tpu.vector_load %arg22[%swap3A_494, %swap3A_495] {strides = array<i32>} : memref<80x144xf32, #tpu.memory_space<vmem>>, vector<16xf32>,
        tpu.vector_store %arg22[%swap3A_494, %swap3A_495], %mul3A_493 {strides = array<i32>} : memref<80x144xf32, #tpu.memory_space<vmem>>, vector<16xf32>,
        %get3A_497 = arith.index_cast %scan3A_472 : i32 to index
        %get3A_498 = arith.constant 48 : index
        %get3A_499 = tpu.vector_load %arg22[%get3A_497, %get3A_498] {strides = array<i32>} : memref<80x144xf32, #tpu.memory_space<vmem>>, vector<16xf32>,
        %mul3A_500 = arith.mulf %get3A_499, %gather3A_475 : vector<16xf32>
        %swap3A_501 = arith.index_cast %scan3A_472 : i32 to index
        %swap3A_502 = arith.constant 48 : index
        %swap3A_503 = tpu.vector_load %arg22[%swap3A_501, %swap3A_502] {strides = array<i32>} : memref<80x144xf32, #tpu.memory_space<vmem>>, vector<16xf32>,
        tpu.vector_store %arg22[%swap3A_501, %swap3A_502], %mul3A_500 {strides = array<i32>} : memref<80x144xf32, #tpu.memory_space<vmem>>, vector<16xf32>,
        %get3A_504 = arith.index_cast %scan3A_472 : i32 to index
        %get3A_505 = arith.constant 64 : index
        %get3A_506 = tpu.vector_load %arg22[%get3A_504, %get3A_505] {strides = array<i32>} : memref<80x144xf32, #tpu.memory_space<vmem>>, vector<16xf32>,
        %mul3A_507 = arith.mulf %get3A_506, %gather3A_475 : vector<16xf32>
        %swap3A_508 = arith.index_cast %scan3A_472 : i32 to index
        %swap3A_509 = arith.constant 64 : index
        %swap3A_510 = tpu.vector_load %arg22[%swap3A_508, %swap3A_509] {strides = array<i32>} : memref<80x144xf32, #tpu.memory_space<vmem>>, vector<16xf32>,
        tpu.vector_store %arg22[%swap3A_508, %swap3A_509], %mul3A_507 {strides = array<i32>} : memref<80x144xf32, #tpu.memory_space<vmem>>, vector<16xf32>,
        %get3A_511 = arith.index_cast %scan3A_472 : i32 to index
        %get3A_512 = arith.constant 80 : index
        %get3A_513 = tpu.vector_load %arg22[%get3A_511, %get3A_512] {strides = array<i32>} : memref<80x144xf32, #tpu.memory_space<vmem>>, vector<16xf32>,
        %mul3A_514 = arith.mulf %get3A_513, %gather3A_475 : vector<16xf32>
        %swap3A_515 = arith.index_cast %scan3A_472 : i32 to index
        %swap3A_516 = arith.constant 80 : index
        %swap3A_517 = tpu.vector_load %arg22[%swap3A_515, %swap3A_516] {strides = array<i32>} : memref<80x144xf32, #tpu.memory_space<vmem>>, vector<16xf32>,
        tpu.vector_store %arg22[%swap3A_515, %swap3A_516], %mul3A_514 {strides = array<i32>} : memref<80x144xf32, #tpu.memory_space<vmem>>, vector<16xf32>,
        %get3A_518 = arith.index_cast %scan3A_472 : i32 to index
        %get3A_519 = arith.constant 96 : index
        %get3A_520 = tpu.vector_load %arg22[%get3A_518, %get3A_519] {strides = array<i32>} : memref<80x144xf32, #tpu.memory_space<vmem>>, vector<16xf32>,
        %mul3A_521 = arith.mulf %get3A_520, %gather3A_475 : vector<16xf32>
        %swap3A_522 = arith.index_cast %scan3A_472 : i32 to index
        %swap3A_523 = arith.constant 96 : index
        %swap3A_524 = tpu.vector_load %arg22[%swap3A_522, %swap3A_523] {strides = array<i32>} : memref<80x144xf32, #tpu.memory_space<vmem>>, vector<16xf32>,
        tpu.vector_store %arg22[%swap3A_522, %swap3A_523], %mul3A_521 {strides = array<i32>} : memref<80x144xf32, #tpu.memory_space<vmem>>, vector<16xf32>,
        %get3A_525 = arith.index_cast %scan3A_472 : i32 to index
        %get3A_526 = arith.constant 112 : index
        %get3A_527 = tpu.vector_load %arg22[%get3A_525, %get3A_526] {strides = array<i32>} : memref<80x144xf32, #tpu.memory_space<vmem>>, vector<16xf32>,
        %mul3A_528 = arith.mulf %get3A_527, %gather3A_475 : vector<16xf32>
        %swap3A_529 = arith.index_cast %scan3A_472 : i32 to index
        %swap3A_530 = arith.constant 112 : index
        %swap3A_531 = tpu.vector_load %arg22[%swap3A_529, %swap3A_530] {strides = array<i32>} : memref<80x144xf32, #tpu.memory_space<vmem>>, vector<16xf32>,
        tpu.vector_store %arg22[%swap3A_529, %swap3A_530], %mul3A_528 {strides = array<i32>} : memref<80x144xf32, #tpu.memory_space<vmem>>, vector<16xf32>,
        %get3A_532 = arith.index_cast %scan3A_472 : i32 to index
        %get3A_533 = arith.constant 128 : index
        %get3A_534 = tpu.vector_load %arg22[%get3A_532, %get3A_533] {strides = array<i32>} : memref<80x144xf32, #tpu.memory_space<vmem>>, vector<16xf32>,
        %mul3A_535 = arith.mulf %get3A_534, %gather3A_475 : vector<16xf32>
        %swap3A_536 = arith.index_cast %scan3A_472 : i32 to index
        %swap3A_537 = arith.constant 128 : index
        %swap3A_538 = tpu.vector_load %arg22[%swap3A_536, %swap3A_537] {strides = array<i32>} : memref<80x144xf32, #tpu.memory_space<vmem>>, vector<16xf32>,
        tpu.vector_store %arg22[%swap3A_536, %swap3A_537], %mul3A_535 {strides = array<i32>} : memref<80x144xf32, #tpu.memory_space<vmem>>, vector<16xf32>,
        %scan3A_539 = arith.constant 0 : i32
        scf.yield %scan3A_539 : i32
      }
      %scan3A_447 = arith.constant 80 : i32
      %get3A_448 = arith.constant 0 : index
      %get3A_449 = tpu.vector_load %arg17[%get3A_448] {strides = array<i32>} : memref<80xi32, #tpu.memory_space<vmem>>, vector<16xi32>,
      %swap3A_450 = arith.constant 0 : index
      %swap3A_451 = tpu.vector_load %arg19[%swap3A_450] {strides = array<i32>} : memref<80xi32, #tpu.memory_space<vmem>>, vector<16xi32>,
      tpu.vector_store %arg19[%swap3A_450], %get3A_449 {strides = array<i32>} : memref<80xi32, #tpu.memory_space<vmem>>, vector<16xi32>,
      %get3A_452 = arith.constant 16 : index
      %get3A_453 = tpu.vector_load %arg17[%get3A_452] {strides = array<i32>} : memref<80xi32, #tpu.memory_space<vmem>>, vector<16xi32>,
      %swap3A_454 = arith.constant 16 : index
      %swap3A_455 = tpu.vector_load %arg19[%swap3A_454] {strides = array<i32>} : memref<80xi32, #tpu.memory_space<vmem>>, vector<16xi32>,
      tpu.vector_store %arg19[%swap3A_454], %get3A_453 {strides = array<i32>} : memref<80xi32, #tpu.memory_space<vmem>>, vector<16xi32>,
      %get3A_456 = arith.constant 32 : index
      %get3A_457 = tpu.vector_load %arg17[%get3A_456] {strides = array<i32>} : memref<80xi32, #tpu.memory_space<vmem>>, vector<16xi32>,
      %swap3A_458 = arith.constant 32 : index
      %swap3A_459 = tpu.vector_load %arg19[%swap3A_458] {strides = array<i32>} : memref<80xi32, #tpu.memory_space<vmem>>, vector<16xi32>,
      tpu.vector_store %arg19[%swap3A_458], %get3A_457 {strides = array<i32>} : memref<80xi32, #tpu.memory_space<vmem>>, vector<16xi32>,
      %get3A_460 = arith.constant 48 : index
      %get3A_461 = tpu.vector_load %arg17[%get3A_460] {strides = array<i32>} : memref<80xi32, #tpu.memory_space<vmem>>, vector<16xi32>,
      %swap3A_462 = arith.constant 48 : index
      %swap3A_463 = tpu.vector_load %arg19[%swap3A_462] {strides = array<i32>} : memref<80xi32, #tpu.memory_space<vmem>>, vector<16xi32>,
      tpu.vector_store %arg19[%swap3A_462], %get3A_461 {strides = array<i32>} : memref<80xi32, #tpu.memory_space<vmem>>, vector<16xi32>,
      %get3A_464 = arith.constant 64 : index
      %get3A_465 = tpu.vector_load %arg17[%get3A_464] {strides = array<i32>} : memref<80xi32, #tpu.memory_space<vmem>>, vector<16xi32>,
      %swap3A_466 = arith.constant 64 : index
      %swap3A_467 = tpu.vector_load %arg19[%swap3A_466] {strides = array<i32>} : memref<80xi32, #tpu.memory_space<vmem>>, vector<16xi32>,
      tpu.vector_store %arg19[%swap3A_466], %get3A_465 {strides = array<i32>} : memref<80xi32, #tpu.memory_space<vmem>>, vector<16xi32>,
      %dma_start3A_468 = arith.constant 0 : i32
      %dma_start3A_469 = arith.constant 0 : i32
      %dma_start3A_470 = tpu.memref_slice %arg23[%dma_start3A_468, %dma_start3A_469] : memref<10000x144xf32, #tpu.memory_space<vmem_shared>> -> memref<10000x144xf32, #tpu.memory_space<vmem_shared>>
      tpu.enqueue_indirect_dma source(%arg22 : memref<80x144xf32, #tpu.memory_space<vmem>>) target(%dma_start3A_470 : memref<10000x144xf32, #tpu.memory_space<vmem_shared>>) offsets(%arg19 : memref<80xi32, #tpu.memory_space<vmem>>) semaphore(%arg27 : memref<!tpu.dma_semaphore, #tpu.memory_space<semaphore_mem>>) {add = true}
      %scan3A_471 = arith.constant 0 : i32
      scf.yield %scan3A_471 : i32
    }
    %scan3A_86 = arith.constant 125 : i32
    %dma_wait3A = arith.constant 0 : i32
    %dma_wait3A_87 = arith.constant 0 : i32
    %dma_wait3A_88 = tpu.memref_slice %arg2[%dma_wait3A, %dma_wait3A_87] : memref<20000x144xf32, #tpu.memory_space<hbm>> -> memref<20000x144xf32, #tpu.memory_space<hbm>>
    tpu.wait_indirect_dma semaphore(%arg24 : memref<!tpu.dma_semaphore, #tpu.memory_space<semaphore_mem>>) src(%dma_wait3A_88 : memref<20000x144xf32, #tpu.memory_space<hbm>>) dst(%arg21 : memref<80x144xf32, #tpu.memory_space<vmem>>)
    %dma_wait3A_89 = arith.constant 0 : i32
    %dma_wait3A_90 = arith.constant 0 : i32
    %dma_wait3A_91 = tpu.memref_slice %arg5[%dma_wait3A_89, %dma_wait3A_90] : memref<10000x8xf32, #tpu.memory_space<hbm>> -> memref<10000x8xf32, #tpu.memory_space<hbm>>
    tpu.wait_indirect_dma semaphore(%arg24 : memref<!tpu.dma_semaphore, #tpu.memory_space<semaphore_mem>>) src(%dma_wait3A_91 : memref<10000x8xf32, #tpu.memory_space<hbm>>) dst(%arg8 : memref<80x8xf32, #tpu.memory_space<vmem>>)
    %dma_wait3A_92 = arith.constant 0 : i32
    %dma_wait3A_93 = arith.constant 0 : i32
    %dma_wait3A_94 = tpu.memref_slice %arg5[%dma_wait3A_92, %dma_wait3A_93] : memref<10000x8xf32, #tpu.memory_space<hbm>> -> memref<10000x8xf32, #tpu.memory_space<hbm>>
    tpu.wait_indirect_dma semaphore(%arg24 : memref<!tpu.dma_semaphore, #tpu.memory_space<semaphore_mem>>) src(%dma_wait3A_94 : memref<10000x8xf32, #tpu.memory_space<hbm>>) dst(%arg10 : memref<80x8xf32, #tpu.memory_space<vmem>>)
    %dma_wait3A_95 = arith.constant 0 : i32
    %dma_wait3A_96 = arith.constant 0 : i32
    %dma_wait3A_97 = tpu.memref_slice %arg23[%dma_wait3A_95, %dma_wait3A_96] : memref<10000x144xf32, #tpu.memory_space<vmem_shared>> -> memref<10000x144xf32, #tpu.memory_space<vmem_shared>>
    tpu.wait_indirect_dma semaphore(%arg27 : memref<!tpu.dma_semaphore, #tpu.memory_space<semaphore_mem>>) src(%arg22 : memref<80x144xf32, #tpu.memory_space<vmem>>) dst(%dma_wait3A_97 : memref<10000x144xf32, #tpu.memory_space<vmem_shared>>)
    %barrier3A_98 = arith.constant 0 : index
    tpu.barrier barrier_id(%barrier3A_98)
    %eq3A = arith.constant 0 : i32
    %eq3A_99 = arith.cmpi eq, %arg0, %eq3A : i32
    %convert_element_type3A = arith.extui %eq3A_99 : i1 to i32
    %cond3A = arith.constant 0 : i32
    %cond3A_100 = arith.cmpi ne, %convert_element_type3A, %cond3A : i32
    scf.if %cond3A_100 {
      "tpu.region"() ({
        %run_scoped3A = tpu.sem_alloc : memref<!tpu.dma_semaphore, #tpu.memory_space<semaphore_mem>>
        %dma_start3A_106 = arith.constant 0 : i32
        %dma_start3A_107 = tpu.memref_slice %arg6[%multiple_of3A, %dma_start3A_106] : memref<10000x144xf32, #tpu.memory_space<hbm>> -> memref<625x144xf32, #tpu.memory_space<hbm>>
        %dma_start3A_108 = arith.constant 0 : i32
        %dma_start3A_109 = tpu.memref_slice %arg23[%multiple_of3A, %dma_start3A_108] : memref<10000x144xf32, #tpu.memory_space<vmem_shared>> -> memref<625x144xf32, #tpu.memory_space<vmem_shared>>
        tpu.enqueue_dma source(%dma_start3A_109 : memref<625x144xf32, #tpu.memory_space<vmem_shared>>) target(%dma_start3A_107 : memref<625x144xf32, #tpu.memory_space<hbm>>) target_semaphore(%run_scoped3A : memref<!tpu.dma_semaphore, #tpu.memory_space<semaphore_mem>>)
        %dma_wait3A_110 = arith.constant 0 : i32
        %dma_wait3A_111 = tpu.memref_slice %arg6[%multiple_of3A, %dma_wait3A_110] : memref<10000x144xf32, #tpu.memory_space<hbm>> -> memref<625x144xf32, #tpu.memory_space<hbm>>
        %dma_wait3A_112 = arith.constant 0 : i32
        %dma_wait3A_113 = tpu.memref_slice %arg23[%multiple_of3A, %dma_wait3A_112] : memref<10000x144xf32, #tpu.memory_space<vmem_shared>> -> memref<625x144xf32, #tpu.memory_space<vmem_shared>>
        tpu.wait_dma2 semaphore(%run_scoped3A : memref<!tpu.dma_semaphore, #tpu.memory_space<semaphore_mem>>) src(%dma_wait3A_113 : memref<625x144xf32, #tpu.memory_space<vmem_shared>>) dst(%dma_wait3A_111 : memref<625x144xf32, #tpu.memory_space<hbm>>)
        tpu.yield
      }) : () -> ()
    } else {
    }
    %eq3A_101 = arith.constant 1 : i32
    %eq3A_102 = arith.cmpi eq, %arg0, %eq3A_101 : i32
    %convert_element_type3A_103 = arith.extui %eq3A_102 : i1 to i32
    %cond3A_104 = arith.constant 0 : i32
    %cond3A_105 = arith.cmpi ne, %convert_element_type3A_103, %cond3A_104 : i32
    scf.if %cond3A_105 {
      "tpu.region"() ({
        %run_scoped3A = tpu.sem_alloc : memref<!tpu.dma_semaphore, #tpu.memory_space<semaphore_mem>>
        %dma_start3A_106 = arith.constant 0 : i32
        %dma_start3A_107 = tpu.memref_slice %arg7[%multiple_of3A, %dma_start3A_106] : memref<10000x144xf32, #tpu.memory_space<hbm>> -> memref<625x144xf32, #tpu.memory_space<hbm>>
        %dma_start3A_108 = arith.constant 0 : i32
        %dma_start3A_109 = tpu.memref_slice %arg23[%multiple_of3A, %dma_start3A_108] : memref<10000x144xf32, #tpu.memory_space<vmem_shared>> -> memref<625x144xf32, #tpu.memory_space<vmem_shared>>
        tpu.enqueue_dma source(%dma_start3A_109 : memref<625x144xf32, #tpu.memory_space<vmem_shared>>) target(%dma_start3A_107 : memref<625x144xf32, #tpu.memory_space<hbm>>) target_semaphore(%run_scoped3A : memref<!tpu.dma_semaphore, #tpu.memory_space<semaphore_mem>>)
        %dma_wait3A_110 = arith.constant 0 : i32
        %dma_wait3A_111 = tpu.memref_slice %arg7[%multiple_of3A, %dma_wait3A_110] : memref<10000x144xf32, #tpu.memory_space<hbm>> -> memref<625x144xf32, #tpu.memory_space<hbm>>
        %dma_wait3A_112 = arith.constant 0 : i32
        %dma_wait3A_113 = tpu.memref_slice %arg23[%multiple_of3A, %dma_wait3A_112] : memref<10000x144xf32, #tpu.memory_space<vmem_shared>> -> memref<625x144xf32, #tpu.memory_space<vmem_shared>>
        tpu.wait_dma2 semaphore(%run_scoped3A : memref<!tpu.dma_semaphore, #tpu.memory_space<semaphore_mem>>) src(%dma_wait3A_113 : memref<625x144xf32, #tpu.memory_space<vmem_shared>>) dst(%dma_wait3A_111 : memref<625x144xf32, #tpu.memory_space<hbm>>)
        tpu.yield
      }) : () -> ()
    } else {
    }
    return
  }
}

#map = affine_map<(d0, d1) -> (0, 0)>
#map1 = affine_map<(d0, d1) -> (0)>
module attributes {stable_mosaic.version = 14 : i64} {
  func.func @edge_kernel(%arg0: i32, %arg1: i32, %arg2: memref<20000x144xf32, #tpu.memory_space<hbm>>, %arg3: memref<320000xi32, #tpu.memory_space<hbm>>, %arg4: memref<320000xi32, #tpu.memory_space<hbm>>, %arg5: memref<10000x8xf32, #tpu.memory_space<hbm>>, %arg6: memref<10000x144xf32, #tpu.memory_space<hbm>>, %arg7: memref<10000x144xf32, #tpu.memory_space<hbm>>, %arg8: memref<80x8xf32, #tpu.memory_space<vmem>>, %arg9: memref<80x8xf32, #tpu.memory_space<vmem>>, %arg10: memref<80x8xf32, #tpu.memory_space<vmem>>, %arg11: memref<80x8xf32, #tpu.memory_space<vmem>>, %arg12: memref<80xi32, #tpu.memory_space<vmem>>, %arg13: memref<80xi32, #tpu.memory_space<vmem>>, %arg14: memref<80xi32, #tpu.memory_space<vmem>>, %arg15: memref<80xi32, #tpu.memory_space<vmem>>, %arg16: memref<80xi32, #tpu.memory_space<vmem>>, %arg17: memref<80xi32, #tpu.memory_space<vmem>>, %arg18: memref<80xi32, #tpu.memory_space<vmem>>, %arg19: memref<80xi32, #tpu.memory_space<vmem>>, %arg20: memref<80xf32, #tpu.memory_space<vmem>>, %arg21: memref<80x144xf32, #tpu.memory_space<vmem>>, %arg22: memref<80x144xf32, #tpu.memory_space<vmem>>, %arg23: memref<10000x144xf32, #tpu.memory_space<vmem_shared>>, %arg24: memref<!tpu.dma_semaphore, #tpu.memory_space<semaphore_mem>>, %arg25: memref<!tpu.dma_semaphore, #tpu.memory_space<semaphore_mem>>, %arg26: memref<!tpu.dma_semaphore, #tpu.memory_space<semaphore_mem>>, %arg27: memref<!tpu.dma_semaphore, #tpu.memory_space<semaphore_mem>>) attributes {dimension_semantics = [#tpu.dimension_semantics<core_parallel>, #tpu.dimension_semantics<subcore_parallel>], iteration_bounds = array<i64: 2, 16>, scalar_prefetch = 0 : i64, scratch_operands = 20 : i64, tpu.core_type = #tpu.core_type<sc_vector_subcore>, window_params = [{transform_indices = #map}, {transform_indices = #map1}, {transform_indices = #map1}, {transform_indices = #map}, {transform_indices = #map}, {transform_indices = #map}]} {
    %scan3A = arith.constant 0 : i32
    %scan3A_0 = arith.constant 0 : i32
    %scan3A_1 = arith.constant 80 : i32
    %scan3A_2 = arith.addi %scan3A_0, %scan3A_1 : i32
    %scan3A_3 = arith.constant 1 : i32
    %scan3A_4 = scf.for %scan3A_106 = %scan3A_0 to %scan3A_2 step %scan3A_3 iter_args(%scan3A_107 = %scan3A) -> (i32)  : i32 {
      %broadcast_in_dim3A_108 = arith.constant 0.000000e+00 : f32
      %broadcast_in_dim3A_109 = vector.broadcast %broadcast_in_dim3A_108 : f32 to vector<16xf32>
      %swap3A_110 = arith.index_cast %scan3A_106 : i32 to index
      %swap3A_111 = arith.constant 0 : index
      %swap3A_112 = tpu.vector_load %arg21[%swap3A_110, %swap3A_111] {strides = array<i32>} : memref<80x144xf32, #tpu.memory_space<vmem>>, vector<16xf32>,
      tpu.vector_store %arg21[%swap3A_110, %swap3A_111], %broadcast_in_dim3A_109 {strides = array<i32>} : memref<80x144xf32, #tpu.memory_space<vmem>>, vector<16xf32>,
      %broadcast_in_dim3A_113 = arith.constant 0.000000e+00 : f32
      %broadcast_in_dim3A_114 = vector.broadcast %broadcast_in_dim3A_113 : f32 to vector<16xf32>
      %swap3A_115 = arith.index_cast %scan3A_106 : i32 to index
      %swap3A_116 = arith.constant 16 : index
      %swap3A_117 = tpu.vector_load %arg21[%swap3A_115, %swap3A_116] {strides = array<i32>} : memref<80x144xf32, #tpu.memory_space<vmem>>, vector<16xf32>,
      tpu.vector_store %arg21[%swap3A_115, %swap3A_116], %broadcast_in_dim3A_114 {strides = array<i32>} : memref<80x144xf32, #tpu.memory_space<vmem>>, vector<16xf32>,
      %broadcast_in_dim3A_118 = arith.constant 0.000000e+00 : f32
      %broadcast_in_dim3A_119 = vector.broadcast %broadcast_in_dim3A_118 : f32 to vector<16xf32>
      %swap3A_120 = arith.index_cast %scan3A_106 : i32 to index
      %swap3A_121 = arith.constant 32 : index
      %swap3A_122 = tpu.vector_load %arg21[%swap3A_120, %swap3A_121] {strides = array<i32>} : memref<80x144xf32, #tpu.memory_space<vmem>>, vector<16xf32>,
      tpu.vector_store %arg21[%swap3A_120, %swap3A_121], %broadcast_in_dim3A_119 {strides = array<i32>} : memref<80x144xf32, #tpu.memory_space<vmem>>, vector<16xf32>,
      %broadcast_in_dim3A_123 = arith.constant 0.000000e+00 : f32
      %broadcast_in_dim3A_124 = vector.broadcast %broadcast_in_dim3A_123 : f32 to vector<16xf32>
      %swap3A_125 = arith.index_cast %scan3A_106 : i32 to index
      %swap3A_126 = arith.constant 48 : index
      %swap3A_127 = tpu.vector_load %arg21[%swap3A_125, %swap3A_126] {strides = array<i32>} : memref<80x144xf32, #tpu.memory_space<vmem>>, vector<16xf32>,
      tpu.vector_store %arg21[%swap3A_125, %swap3A_126], %broadcast_in_dim3A_124 {strides = array<i32>} : memref<80x144xf32, #tpu.memory_space<vmem>>, vector<16xf32>,
      %broadcast_in_dim3A_128 = arith.constant 0.000000e+00 : f32
      %broadcast_in_dim3A_129 = vector.broadcast %broadcast_in_dim3A_128 : f32 to vector<16xf32>
      %swap3A_130 = arith.index_cast %scan3A_106 : i32 to index
      %swap3A_131 = arith.constant 64 : index
      %swap3A_132 = tpu.vector_load %arg21[%swap3A_130, %swap3A_131] {strides = array<i32>} : memref<80x144xf32, #tpu.memory_space<vmem>>, vector<16xf32>,
      tpu.vector_store %arg21[%swap3A_130, %swap3A_131], %broadcast_in_dim3A_129 {strides = array<i32>} : memref<80x144xf32, #tpu.memory_space<vmem>>, vector<16xf32>,
      %broadcast_in_dim3A_133 = arith.constant 0.000000e+00 : f32
      %broadcast_in_dim3A_134 = vector.broadcast %broadcast_in_dim3A_133 : f32 to vector<16xf32>
      %swap3A_135 = arith.index_cast %scan3A_106 : i32 to index
      %swap3A_136 = arith.constant 80 : index
      %swap3A_137 = tpu.vector_load %arg21[%swap3A_135, %swap3A_136] {strides = array<i32>} : memref<80x144xf32, #tpu.memory_space<vmem>>, vector<16xf32>,
      tpu.vector_store %arg21[%swap3A_135, %swap3A_136], %broadcast_in_dim3A_134 {strides = array<i32>} : memref<80x144xf32, #tpu.memory_space<vmem>>, vector<16xf32>,
      %broadcast_in_dim3A_138 = arith.constant 0.000000e+00 : f32
      %broadcast_in_dim3A_139 = vector.broadcast %broadcast_in_dim3A_138 : f32 to vector<16xf32>
      %swap3A_140 = arith.index_cast %scan3A_106 : i32 to index
      %swap3A_141 = arith.constant 96 : index
      %swap3A_142 = tpu.vector_load %arg21[%swap3A_140, %swap3A_141] {strides = array<i32>} : memref<80x144xf32, #tpu.memory_space<vmem>>, vector<16xf32>,
      tpu.vector_store %arg21[%swap3A_140, %swap3A_141], %broadcast_in_dim3A_139 {strides = array<i32>} : memref<80x144xf32, #tpu.memory_space<vmem>>, vector<16xf32>,
      %broadcast_in_dim3A_143 = arith.constant 0.000000e+00 : f32
      %broadcast_in_dim3A_144 = vector.broadcast %broadcast_in_dim3A_143 : f32 to vector<16xf32>
      %swap3A_145 = arith.index_cast %scan3A_106 : i32 to index
      %swap3A_146 = arith.constant 112 : index
      %swap3A_147 = tpu.vector_load %arg21[%swap3A_145, %swap3A_146] {strides = array<i32>} : memref<80x144xf32, #tpu.memory_space<vmem>>, vector<16xf32>,
      tpu.vector_store %arg21[%swap3A_145, %swap3A_146], %broadcast_in_dim3A_144 {strides = array<i32>} : memref<80x144xf32, #tpu.memory_space<vmem>>, vector<16xf32>,
      %broadcast_in_dim3A_148 = arith.constant 0.000000e+00 : f32
      %broadcast_in_dim3A_149 = vector.broadcast %broadcast_in_dim3A_148 : f32 to vector<16xf32>
      %swap3A_150 = arith.index_cast %scan3A_106 : i32 to index
      %swap3A_151 = arith.constant 128 : index
      %swap3A_152 = tpu.vector_load %arg21[%swap3A_150, %swap3A_151] {strides = array<i32>} : memref<80x144xf32, #tpu.memory_space<vmem>>, vector<16xf32>,
      tpu.vector_store %arg21[%swap3A_150, %swap3A_151], %broadcast_in_dim3A_149 {strides = array<i32>} : memref<80x144xf32, #tpu.memory_space<vmem>>, vector<16xf32>,
      %scan3A_153 = arith.constant 0 : i32
      scf.yield %scan3A_153 : i32
    }
    %scan3A_5 = arith.constant 80 : i32
    %mul3A = arith.constant 625 : i32
    %mul3A_6 = arith.muli %arg1, %mul3A : i32
    %multiple_of3A = tpu.assume_multiple %mul3A_6, 625 : i32
    %add3A = arith.constant 0 : i32
    %add3A_7 = arith.addi %multiple_of3A, %add3A : i32
    "tpu.region"() ({
      %run_scoped3A = tpu.sem_alloc : memref<!tpu.dma_semaphore, #tpu.memory_space<semaphore_mem>>
      %dma_start3A_106 = arith.constant 0 : i32
      %dma_start3A_107 = tpu.memref_slice %arg23[%add3A_7, %dma_start3A_106] : memref<10000x144xf32, #tpu.memory_space<vmem_shared>> -> memref<80x144xf32, #tpu.memory_space<vmem_shared>>
      %dma_start3A_108 = arith.constant 0 : i32
      %dma_start3A_109 = tpu.memref_slice %arg23[%add3A_7, %dma_start3A_108] : memref<10000x144xf32, #tpu.memory_space<vmem_shared>> -> memref<80x144xf32, #tpu.memory_space<vmem_shared>>
      tpu.enqueue_dma source(%arg21 : memref<80x144xf32, #tpu.memory_space<vmem>>) target(%dma_start3A_109 : memref<80x144xf32, #tpu.memory_space<vmem_shared>>) target_semaphore(%run_scoped3A : memref<!tpu.dma_semaphore, #tpu.memory_space<semaphore_mem>>)
      %dma_wait3A_110 = arith.constant 0 : i32
      %dma_wait3A_111 = tpu.memref_slice %arg23[%add3A_7, %dma_wait3A_110] : memref<10000x144xf32, #tpu.memory_space<vmem_shared>> -> memref<80x144xf32, #tpu.memory_space<vmem_shared>>
      %dma_wait3A_112 = arith.constant 0 : i32
      %dma_wait3A_113 = tpu.memref_slice %arg23[%add3A_7, %dma_wait3A_112] : memref<10000x144xf32, #tpu.memory_space<vmem_shared>> -> memref<80x144xf32, #tpu.memory_space<vmem_shared>>
      tpu.wait_dma2 semaphore(%run_scoped3A : memref<!tpu.dma_semaphore, #tpu.memory_space<semaphore_mem>>) src(%arg21 : memref<80x144xf32, #tpu.memory_space<vmem>>) dst(%dma_wait3A_113 : memref<80x144xf32, #tpu.memory_space<vmem_shared>>)
      tpu.yield
    }) : () -> ()
    %add3A_8 = arith.constant 80 : i32
    %add3A_9 = arith.addi %multiple_of3A, %add3A_8 : i32
    "tpu.region"() ({
      %run_scoped3A = tpu.sem_alloc : memref<!tpu.dma_semaphore, #tpu.memory_space<semaphore_mem>>
      %dma_start3A_106 = arith.constant 0 : i32
      %dma_start3A_107 = tpu.memref_slice %arg23[%add3A_9, %dma_start3A_106] : memref<10000x144xf32, #tpu.memory_space<vmem_shared>> -> memref<80x144xf32, #tpu.memory_space<vmem_shared>>
      %dma_start3A_108 = arith.constant 0 : i32
      %dma_start3A_109 = tpu.memref_slice %arg23[%add3A_9, %dma_start3A_108] : memref<10000x144xf32, #tpu.memory_space<vmem_shared>> -> memref<80x144xf32, #tpu.memory_space<vmem_shared>>
      tpu.enqueue_dma source(%arg21 : memref<80x144xf32, #tpu.memory_space<vmem>>) target(%dma_start3A_109 : memref<80x144xf32, #tpu.memory_space<vmem_shared>>) target_semaphore(%run_scoped3A : memref<!tpu.dma_semaphore, #tpu.memory_space<semaphore_mem>>)
      %dma_wait3A_110 = arith.constant 0 : i32
      %dma_wait3A_111 = tpu.memref_slice %arg23[%add3A_9, %dma_wait3A_110] : memref<10000x144xf32, #tpu.memory_space<vmem_shared>> -> memref<80x144xf32, #tpu.memory_space<vmem_shared>>
      %dma_wait3A_112 = arith.constant 0 : i32
      %dma_wait3A_113 = tpu.memref_slice %arg23[%add3A_9, %dma_wait3A_112] : memref<10000x144xf32, #tpu.memory_space<vmem_shared>> -> memref<80x144xf32, #tpu.memory_space<vmem_shared>>
      tpu.wait_dma2 semaphore(%run_scoped3A : memref<!tpu.dma_semaphore, #tpu.memory_space<semaphore_mem>>) src(%arg21 : memref<80x144xf32, #tpu.memory_space<vmem>>) dst(%dma_wait3A_113 : memref<80x144xf32, #tpu.memory_space<vmem_shared>>)
      tpu.yield
    }) : () -> ()
    %add3A_10 = arith.constant 160 : i32
    %add3A_11 = arith.addi %multiple_of3A, %add3A_10 : i32
    "tpu.region"() ({
      %run_scoped3A = tpu.sem_alloc : memref<!tpu.dma_semaphore, #tpu.memory_space<semaphore_mem>>
      %dma_start3A_106 = arith.constant 0 : i32
      %dma_start3A_107 = tpu.memref_slice %arg23[%add3A_11, %dma_start3A_106] : memref<10000x144xf32, #tpu.memory_space<vmem_shared>> -> memref<80x144xf32, #tpu.memory_space<vmem_shared>>
      %dma_start3A_108 = arith.constant 0 : i32
      %dma_start3A_109 = tpu.memref_slice %arg23[%add3A_11, %dma_start3A_108] : memref<10000x144xf32, #tpu.memory_space<vmem_shared>> -> memref<80x144xf32, #tpu.memory_space<vmem_shared>>
      tpu.enqueue_dma source(%arg21 : memref<80x144xf32, #tpu.memory_space<vmem>>) target(%dma_start3A_109 : memref<80x144xf32, #tpu.memory_space<vmem_shared>>) target_semaphore(%run_scoped3A : memref<!tpu.dma_semaphore, #tpu.memory_space<semaphore_mem>>)
      %dma_wait3A_110 = arith.constant 0 : i32
      %dma_wait3A_111 = tpu.memref_slice %arg23[%add3A_11, %dma_wait3A_110] : memref<10000x144xf32, #tpu.memory_space<vmem_shared>> -> memref<80x144xf32, #tpu.memory_space<vmem_shared>>
      %dma_wait3A_112 = arith.constant 0 : i32
      %dma_wait3A_113 = tpu.memref_slice %arg23[%add3A_11, %dma_wait3A_112] : memref<10000x144xf32, #tpu.memory_space<vmem_shared>> -> memref<80x144xf32, #tpu.memory_space<vmem_shared>>
      tpu.wait_dma2 semaphore(%run_scoped3A : memref<!tpu.dma_semaphore, #tpu.memory_space<semaphore_mem>>) src(%arg21 : memref<80x144xf32, #tpu.memory_space<vmem>>) dst(%dma_wait3A_113 : memref<80x144xf32, #tpu.memory_space<vmem_shared>>)
      tpu.yield
    }) : () -> ()
    %add3A_12 = arith.constant 240 : i32
    %add3A_13 = arith.addi %multiple_of3A, %add3A_12 : i32
    "tpu.region"() ({
      %run_scoped3A = tpu.sem_alloc : memref<!tpu.dma_semaphore, #tpu.memory_space<semaphore_mem>>
      %dma_start3A_106 = arith.constant 0 : i32
      %dma_start3A_107 = tpu.memref_slice %arg23[%add3A_13, %dma_start3A_106] : memref<10000x144xf32, #tpu.memory_space<vmem_shared>> -> memref<80x144xf32, #tpu.memory_space<vmem_shared>>
      %dma_start3A_108 = arith.constant 0 : i32
      %dma_start3A_109 = tpu.memref_slice %arg23[%add3A_13, %dma_start3A_108] : memref<10000x144xf32, #tpu.memory_space<vmem_shared>> -> memref<80x144xf32, #tpu.memory_space<vmem_shared>>
      tpu.enqueue_dma source(%arg21 : memref<80x144xf32, #tpu.memory_space<vmem>>) target(%dma_start3A_109 : memref<80x144xf32, #tpu.memory_space<vmem_shared>>) target_semaphore(%run_scoped3A : memref<!tpu.dma_semaphore, #tpu.memory_space<semaphore_mem>>)
      %dma_wait3A_110 = arith.constant 0 : i32
      %dma_wait3A_111 = tpu.memref_slice %arg23[%add3A_13, %dma_wait3A_110] : memref<10000x144xf32, #tpu.memory_space<vmem_shared>> -> memref<80x144xf32, #tpu.memory_space<vmem_shared>>
      %dma_wait3A_112 = arith.constant 0 : i32
      %dma_wait3A_113 = tpu.memref_slice %arg23[%add3A_13, %dma_wait3A_112] : memref<10000x144xf32, #tpu.memory_space<vmem_shared>> -> memref<80x144xf32, #tpu.memory_space<vmem_shared>>
      tpu.wait_dma2 semaphore(%run_scoped3A : memref<!tpu.dma_semaphore, #tpu.memory_space<semaphore_mem>>) src(%arg21 : memref<80x144xf32, #tpu.memory_space<vmem>>) dst(%dma_wait3A_113 : memref<80x144xf32, #tpu.memory_space<vmem_shared>>)
      tpu.yield
    }) : () -> ()
    %add3A_14 = arith.constant 320 : i32
    %add3A_15 = arith.addi %multiple_of3A, %add3A_14 : i32
    "tpu.region"() ({
      %run_scoped3A = tpu.sem_alloc : memref<!tpu.dma_semaphore, #tpu.memory_space<semaphore_mem>>
      %dma_start3A_106 = arith.constant 0 : i32
      %dma_start3A_107 = tpu.memref_slice %arg23[%add3A_15, %dma_start3A_106] : memref<10000x144xf32, #tpu.memory_space<vmem_shared>> -> memref<80x144xf32, #tpu.memory_space<vmem_shared>>
      %dma_start3A_108 = arith.constant 0 : i32
      %dma_start3A_109 = tpu.memref_slice %arg23[%add3A_15, %dma_start3A_108] : memref<10000x144xf32, #tpu.memory_space<vmem_shared>> -> memref<80x144xf32, #tpu.memory_space<vmem_shared>>
      tpu.enqueue_dma source(%arg21 : memref<80x144xf32, #tpu.memory_space<vmem>>) target(%dma_start3A_109 : memref<80x144xf32, #tpu.memory_space<vmem_shared>>) target_semaphore(%run_scoped3A : memref<!tpu.dma_semaphore, #tpu.memory_space<semaphore_mem>>)
      %dma_wait3A_110 = arith.constant 0 : i32
      %dma_wait3A_111 = tpu.memref_slice %arg23[%add3A_15, %dma_wait3A_110] : memref<10000x144xf32, #tpu.memory_space<vmem_shared>> -> memref<80x144xf32, #tpu.memory_space<vmem_shared>>
      %dma_wait3A_112 = arith.constant 0 : i32
      %dma_wait3A_113 = tpu.memref_slice %arg23[%add3A_15, %dma_wait3A_112] : memref<10000x144xf32, #tpu.memory_space<vmem_shared>> -> memref<80x144xf32, #tpu.memory_space<vmem_shared>>
      tpu.wait_dma2 semaphore(%run_scoped3A : memref<!tpu.dma_semaphore, #tpu.memory_space<semaphore_mem>>) src(%arg21 : memref<80x144xf32, #tpu.memory_space<vmem>>) dst(%dma_wait3A_113 : memref<80x144xf32, #tpu.memory_space<vmem_shared>>)
      tpu.yield
    }) : () -> ()
    %add3A_16 = arith.constant 400 : i32
    %add3A_17 = arith.addi %multiple_of3A, %add3A_16 : i32
    "tpu.region"() ({
      %run_scoped3A = tpu.sem_alloc : memref<!tpu.dma_semaphore, #tpu.memory_space<semaphore_mem>>
      %dma_start3A_106 = arith.constant 0 : i32
      %dma_start3A_107 = tpu.memref_slice %arg23[%add3A_17, %dma_start3A_106] : memref<10000x144xf32, #tpu.memory_space<vmem_shared>> -> memref<80x144xf32, #tpu.memory_space<vmem_shared>>
      %dma_start3A_108 = arith.constant 0 : i32
      %dma_start3A_109 = tpu.memref_slice %arg23[%add3A_17, %dma_start3A_108] : memref<10000x144xf32, #tpu.memory_space<vmem_shared>> -> memref<80x144xf32, #tpu.memory_space<vmem_shared>>
      tpu.enqueue_dma source(%arg21 : memref<80x144xf32, #tpu.memory_space<vmem>>) target(%dma_start3A_109 : memref<80x144xf32, #tpu.memory_space<vmem_shared>>) target_semaphore(%run_scoped3A : memref<!tpu.dma_semaphore, #tpu.memory_space<semaphore_mem>>)
      %dma_wait3A_110 = arith.constant 0 : i32
      %dma_wait3A_111 = tpu.memref_slice %arg23[%add3A_17, %dma_wait3A_110] : memref<10000x144xf32, #tpu.memory_space<vmem_shared>> -> memref<80x144xf32, #tpu.memory_space<vmem_shared>>
      %dma_wait3A_112 = arith.constant 0 : i32
      %dma_wait3A_113 = tpu.memref_slice %arg23[%add3A_17, %dma_wait3A_112] : memref<10000x144xf32, #tpu.memory_space<vmem_shared>> -> memref<80x144xf32, #tpu.memory_space<vmem_shared>>
      tpu.wait_dma2 semaphore(%run_scoped3A : memref<!tpu.dma_semaphore, #tpu.memory_space<semaphore_mem>>) src(%arg21 : memref<80x144xf32, #tpu.memory_space<vmem>>) dst(%dma_wait3A_113 : memref<80x144xf32, #tpu.memory_space<vmem_shared>>)
      tpu.yield
    }) : () -> ()
    %add3A_18 = arith.constant 480 : i32
    %add3A_19 = arith.addi %multiple_of3A, %add3A_18 : i32
    "tpu.region"() ({
      %run_scoped3A = tpu.sem_alloc : memref<!tpu.dma_semaphore, #tpu.memory_space<semaphore_mem>>
      %dma_start3A_106 = arith.constant 0 : i32
      %dma_start3A_107 = tpu.memref_slice %arg23[%add3A_19, %dma_start3A_106] : memref<10000x144xf32, #tpu.memory_space<vmem_shared>> -> memref<80x144xf32, #tpu.memory_space<vmem_shared>>
      %dma_start3A_108 = arith.constant 0 : i32
      %dma_start3A_109 = tpu.memref_slice %arg23[%add3A_19, %dma_start3A_108] : memref<10000x144xf32, #tpu.memory_space<vmem_shared>> -> memref<80x144xf32, #tpu.memory_space<vmem_shared>>
      tpu.enqueue_dma source(%arg21 : memref<80x144xf32, #tpu.memory_space<vmem>>) target(%dma_start3A_109 : memref<80x144xf32, #tpu.memory_space<vmem_shared>>) target_semaphore(%run_scoped3A : memref<!tpu.dma_semaphore, #tpu.memory_space<semaphore_mem>>)
      %dma_wait3A_110 = arith.constant 0 : i32
      %dma_wait3A_111 = tpu.memref_slice %arg23[%add3A_19, %dma_wait3A_110] : memref<10000x144xf32, #tpu.memory_space<vmem_shared>> -> memref<80x144xf32, #tpu.memory_space<vmem_shared>>
      %dma_wait3A_112 = arith.constant 0 : i32
      %dma_wait3A_113 = tpu.memref_slice %arg23[%add3A_19, %dma_wait3A_112] : memref<10000x144xf32, #tpu.memory_space<vmem_shared>> -> memref<80x144xf32, #tpu.memory_space<vmem_shared>>
      tpu.wait_dma2 semaphore(%run_scoped3A : memref<!tpu.dma_semaphore, #tpu.memory_space<semaphore_mem>>) src(%arg21 : memref<80x144xf32, #tpu.memory_space<vmem>>) dst(%dma_wait3A_113 : memref<80x144xf32, #tpu.memory_space<vmem_shared>>)
      tpu.yield
    }) : () -> ()
    %add3A_20 = arith.constant 560 : i32
    %add3A_21 = arith.addi %multiple_of3A, %add3A_20 : i32
    "tpu.region"() ({
      %run_scoped3A = tpu.sem_alloc : memref<!tpu.dma_semaphore, #tpu.memory_space<semaphore_mem>>
      %dma_start3A_106 = arith.constant 0 : i32
      %dma_start3A_107 = arith.constant 0 : i32
      %dma_start3A_108 = tpu.memref_slice %arg21[%dma_start3A_106, %dma_start3A_107] : memref<80x144xf32, #tpu.memory_space<vmem>> -> memref<65x144xf32, #tpu.memory_space<vmem>>
      %dma_start3A_109 = arith.constant 0 : i32
      %dma_start3A_110 = tpu.memref_slice %arg23[%add3A_21, %dma_start3A_109] : memref<10000x144xf32, #tpu.memory_space<vmem_shared>> -> memref<65x144xf32, #tpu.memory_space<vmem_shared>>
      %dma_start3A_111 = arith.constant 0 : i32
      %dma_start3A_112 = tpu.memref_slice %arg23[%add3A_21, %dma_start3A_111] : memref<10000x144xf32, #tpu.memory_space<vmem_shared>> -> memref<65x144xf32, #tpu.memory_space<vmem_shared>>
      %dma_start3A_113 = arith.constant 0 : i32
      %dma_start3A_114 = arith.constant 0 : i32
      %dma_start3A_115 = tpu.memref_slice %arg21[%dma_start3A_113, %dma_start3A_114] : memref<80x144xf32, #tpu.memory_space<vmem>> -> memref<65x144xf32, #tpu.memory_space<vmem>>
      tpu.enqueue_dma source(%dma_start3A_115 : memref<65x144xf32, #tpu.memory_space<vmem>>) target(%dma_start3A_112 : memref<65x144xf32, #tpu.memory_space<vmem_shared>>) target_semaphore(%run_scoped3A : memref<!tpu.dma_semaphore, #tpu.memory_space<semaphore_mem>>)
      %dma_wait3A_116 = arith.constant 0 : i32
      %dma_wait3A_117 = arith.constant 0 : i32
      %dma_wait3A_118 = tpu.memref_slice %arg21[%dma_wait3A_116, %dma_wait3A_117] : memref<80x144xf32, #tpu.memory_space<vmem>> -> memref<65x144xf32, #tpu.memory_space<vmem>>
      %dma_wait3A_119 = arith.constant 0 : i32
      %dma_wait3A_120 = tpu.memref_slice %arg23[%add3A_21, %dma_wait3A_119] : memref<10000x144xf32, #tpu.memory_space<vmem_shared>> -> memref<65x144xf32, #tpu.memory_space<vmem_shared>>
      %dma_wait3A_121 = arith.constant 0 : i32
      %dma_wait3A_122 = tpu.memref_slice %arg23[%add3A_21, %dma_wait3A_121] : memref<10000x144xf32, #tpu.memory_space<vmem_shared>> -> memref<65x144xf32, #tpu.memory_space<vmem_shared>>
      %dma_wait3A_123 = arith.constant 0 : i32
      %dma_wait3A_124 = arith.constant 0 : i32
      %dma_wait3A_125 = tpu.memref_slice %arg21[%dma_wait3A_123, %dma_wait3A_124] : memref<80x144xf32, #tpu.memory_space<vmem>> -> memref<65x144xf32, #tpu.memory_space<vmem>>
      tpu.wait_dma2 semaphore(%run_scoped3A : memref<!tpu.dma_semaphore, #tpu.memory_space<semaphore_mem>>) src(%dma_wait3A_125 : memref<65x144xf32, #tpu.memory_space<vmem>>) dst(%dma_wait3A_122 : memref<65x144xf32, #tpu.memory_space<vmem_shared>>)
      tpu.yield
    }) : () -> ()
    %barrier3A = arith.constant 0 : index
    tpu.barrier barrier_id(%barrier3A)
    %mul3A_22 = arith.constant 20000 : i32
    %mul3A_23 = arith.muli %arg1, %mul3A_22 : i32
    %multiple_of3A_24 = tpu.assume_multiple %mul3A_23, 20000 : i32
    %broadcast_in_dim3A = arith.constant 0 : i32
    %broadcast_in_dim3A_25 = vector.broadcast %broadcast_in_dim3A : i32 to vector<16xi32>
    %broadcast_in_dim3A_26 = arith.constant 1 : i32
    %broadcast_in_dim3A_27 = vector.broadcast %broadcast_in_dim3A_26 : i32 to vector<16xi32>
    %iota3A = tpu.iota {dimensions = array<i32: 0>} : vector<16xi32>
    %min3A = arith.constant 0 : i32
    %min3A_28 = arith.constant 249 : i32
    %min3A_29 = arith.minsi %min3A, %min3A_28 : i32
    %mul3A_30 = arith.constant 80 : i32
    %mul3A_31 = arith.muli %min3A_29, %mul3A_30 : i32
    %add3A_32 = arith.addi %multiple_of3A_24, %mul3A_31 : i32
    %multiple_of3A_33 = tpu.assume_multiple %add3A_32, 80 : i32
    "tpu.region"() ({
      %run_scoped3A = tpu.sem_alloc : memref<!tpu.dma_semaphore, #tpu.memory_space<semaphore_mem>>
      %dma_start3A_106 = tpu.memref_slice %arg3[%multiple_of3A_33] : memref<320000xi32, #tpu.memory_space<hbm>> -> memref<80xi32, #tpu.memory_space<hbm>>
      %dma_start3A_107 = tpu.memref_slice %arg3[%multiple_of3A_33] : memref<320000xi32, #tpu.memory_space<hbm>> -> memref<80xi32, #tpu.memory_space<hbm>>
      tpu.enqueue_dma source(%dma_start3A_107 : memref<80xi32, #tpu.memory_space<hbm>>) target(%arg12 : memref<80xi32, #tpu.memory_space<vmem>>) target_semaphore(%run_scoped3A : memref<!tpu.dma_semaphore, #tpu.memory_space<semaphore_mem>>)
      %dma_wait3A_108 = tpu.memref_slice %arg3[%multiple_of3A_33] : memref<320000xi32, #tpu.memory_space<hbm>> -> memref<80xi32, #tpu.memory_space<hbm>>
      %dma_wait3A_109 = tpu.memref_slice %arg3[%multiple_of3A_33] : memref<320000xi32, #tpu.memory_space<hbm>> -> memref<80xi32, #tpu.memory_space<hbm>>
      tpu.wait_dma2 semaphore(%run_scoped3A : memref<!tpu.dma_semaphore, #tpu.memory_space<semaphore_mem>>) src(%dma_wait3A_109 : memref<80xi32, #tpu.memory_space<hbm>>) dst(%arg12 : memref<80xi32, #tpu.memory_space<vmem>>)
      tpu.yield
    }) : () -> ()
    "tpu.region"() ({
      %run_scoped3A = tpu.sem_alloc : memref<!tpu.dma_semaphore, #tpu.memory_space<semaphore_mem>>
      %dma_start3A_106 = tpu.memref_slice %arg4[%multiple_of3A_33] : memref<320000xi32, #tpu.memory_space<hbm>> -> memref<80xi32, #tpu.memory_space<hbm>>
      %dma_start3A_107 = tpu.memref_slice %arg4[%multiple_of3A_33] : memref<320000xi32, #tpu.memory_space<hbm>> -> memref<80xi32, #tpu.memory_space<hbm>>
      tpu.enqueue_dma source(%dma_start3A_107 : memref<80xi32, #tpu.memory_space<hbm>>) target(%arg16 : memref<80xi32, #tpu.memory_space<vmem>>) target_semaphore(%run_scoped3A : memref<!tpu.dma_semaphore, #tpu.memory_space<semaphore_mem>>)
      %dma_wait3A_108 = tpu.memref_slice %arg4[%multiple_of3A_33] : memref<320000xi32, #tpu.memory_space<hbm>> -> memref<80xi32, #tpu.memory_space<hbm>>
      %dma_wait3A_109 = tpu.memref_slice %arg4[%multiple_of3A_33] : memref<320000xi32, #tpu.memory_space<hbm>> -> memref<80xi32, #tpu.memory_space<hbm>>
      tpu.wait_dma2 semaphore(%run_scoped3A : memref<!tpu.dma_semaphore, #tpu.memory_space<semaphore_mem>>) src(%dma_wait3A_109 : memref<80xi32, #tpu.memory_space<hbm>>) dst(%arg16 : memref<80xi32, #tpu.memory_space<vmem>>)
      tpu.yield
    }) : () -> ()
    %get3A = arith.constant 0 : index
    %get3A_34 = tpu.vector_load %arg12[%get3A] {strides = array<i32>} : memref<80xi32, #tpu.memory_space<vmem>>, vector<16xi32>,
    %mul3A_35 = arith.constant 10000 : i32
    %mul3A_36 = arith.muli %arg0, %mul3A_35 : i32
    %add3A_37 = vector.broadcast %mul3A_36 : i32 to vector<16xi32>
    %add3A_38 = arith.addi %get3A_34, %add3A_37 : vector<16xi32>
    %swap3A = arith.constant 0 : index
    %swap3A_39 = tpu.vector_load %arg14[%swap3A] {strides = array<i32>} : memref<80xi32, #tpu.memory_space<vmem>>, vector<16xi32>,
    tpu.vector_store %arg14[%swap3A], %add3A_38 {strides = array<i32>} : memref<80xi32, #tpu.memory_space<vmem>>, vector<16xi32>,
    %get3A_40 = arith.constant 16 : index
    %get3A_41 = tpu.vector_load %arg12[%get3A_40] {strides = array<i32>} : memref<80xi32, #tpu.memory_space<vmem>>, vector<16xi32>,
    %mul3A_42 = arith.constant 10000 : i32
    %mul3A_43 = arith.muli %arg0, %mul3A_42 : i32
    %add3A_44 = vector.broadcast %mul3A_43 : i32 to vector<16xi32>
    %add3A_45 = arith.addi %get3A_41, %add3A_44 : vector<16xi32>
    %swap3A_46 = arith.constant 16 : index
    %swap3A_47 = tpu.vector_load %arg14[%swap3A_46] {strides = array<i32>} : memref<80xi32, #tpu.memory_space<vmem>>, vector<16xi32>,
    tpu.vector_store %arg14[%swap3A_46], %add3A_45 {strides = array<i32>} : memref<80xi32, #tpu.memory_space<vmem>>, vector<16xi32>,
    %get3A_48 = arith.constant 32 : index
    %get3A_49 = tpu.vector_load %arg12[%get3A_48] {strides = array<i32>} : memref<80xi32, #tpu.memory_space<vmem>>, vector<16xi32>,
    %mul3A_50 = arith.constant 10000 : i32
    %mul3A_51 = arith.muli %arg0, %mul3A_50 : i32
    %add3A_52 = vector.broadcast %mul3A_51 : i32 to vector<16xi32>
    %add3A_53 = arith.addi %get3A_49, %add3A_52 : vector<16xi32>
    %swap3A_54 = arith.constant 32 : index
    %swap3A_55 = tpu.vector_load %arg14[%swap3A_54] {strides = array<i32>} : memref<80xi32, #tpu.memory_space<vmem>>, vector<16xi32>,
    tpu.vector_store %arg14[%swap3A_54], %add3A_53 {strides = array<i32>} : memref<80xi32, #tpu.memory_space<vmem>>, vector<16xi32>,
    %get3A_56 = arith.constant 48 : index
    %get3A_57 = tpu.vector_load %arg12[%get3A_56] {strides = array<i32>} : memref<80xi32, #tpu.memory_space<vmem>>, vector<16xi32>,
    %mul3A_58 = arith.constant 10000 : i32
    %mul3A_59 = arith.muli %arg0, %mul3A_58 : i32
    %add3A_60 = vector.broadcast %mul3A_59 : i32 to vector<16xi32>
    %add3A_61 = arith.addi %get3A_57, %add3A_60 : vector<16xi32>
    %swap3A_62 = arith.constant 48 : index
    %swap3A_63 = tpu.vector_load %arg14[%swap3A_62] {strides = array<i32>} : memref<80xi32, #tpu.memory_space<vmem>>, vector<16xi32>,
    tpu.vector_store %arg14[%swap3A_62], %add3A_61 {strides = array<i32>} : memref<80xi32, #tpu.memory_space<vmem>>, vector<16xi32>,
    %get3A_64 = arith.constant 64 : index
    %get3A_65 = tpu.vector_load %arg12[%get3A_64] {strides = array<i32>} : memref<80xi32, #tpu.memory_space<vmem>>, vector<16xi32>,
    %mul3A_66 = arith.constant 10000 : i32
    %mul3A_67 = arith.muli %arg0, %mul3A_66 : i32
    %add3A_68 = vector.broadcast %mul3A_67 : i32 to vector<16xi32>
    %add3A_69 = arith.addi %get3A_65, %add3A_68 : vector<16xi32>
    %swap3A_70 = arith.constant 64 : index
    %swap3A_71 = tpu.vector_load %arg14[%swap3A_70] {strides = array<i32>} : memref<80xi32, #tpu.memory_space<vmem>>, vector<16xi32>,
    tpu.vector_store %arg14[%swap3A_70], %add3A_69 {strides = array<i32>} : memref<80xi32, #tpu.memory_space<vmem>>, vector<16xi32>,
    %dma_start3A = arith.constant 0 : i32
    %dma_start3A_72 = arith.constant 0 : i32
    %dma_start3A_73 = tpu.memref_slice %arg2[%dma_start3A, %dma_start3A_72] : memref<20000x144xf32, #tpu.memory_space<hbm>> -> memref<20000x144xf32, #tpu.memory_space<hbm>>
    tpu.enqueue_indirect_dma source(%dma_start3A_73 : memref<20000x144xf32, #tpu.memory_space<hbm>>) target(%arg21 : memref<80x144xf32, #tpu.memory_space<vmem>>) offsets(%arg14 : memref<80xi32, #tpu.memory_space<vmem>>) semaphore(%arg24 : memref<!tpu.dma_semaphore, #tpu.memory_space<semaphore_mem>>)
    %dma_start3A_74 = arith.constant 0 : i32
    %dma_start3A_75 = arith.constant 0 : i32
    %dma_start3A_76 = tpu.memref_slice %arg5[%dma_start3A_74, %dma_start3A_75] : memref<10000x8xf32, #tpu.memory_space<hbm>> -> memref<10000x8xf32, #tpu.memory_space<hbm>>
    tpu.enqueue_indirect_dma source(%dma_start3A_76 : memref<10000x8xf32, #tpu.memory_space<hbm>>) target(%arg8 : memref<80x8xf32, #tpu.memory_space<vmem>>) offsets(%arg12 : memref<80xi32, #tpu.memory_space<vmem>>) semaphore(%arg24 : memref<!tpu.dma_semaphore, #tpu.memory_space<semaphore_mem>>)
    %dma_start3A_77 = arith.constant 0 : i32
    %dma_start3A_78 = arith.constant 0 : i32
    %dma_start3A_79 = tpu.memref_slice %arg5[%dma_start3A_77, %dma_start3A_78] : memref<10000x8xf32, #tpu.memory_space<hbm>> -> memref<10000x8xf32, #tpu.memory_space<hbm>>
    tpu.enqueue_indirect_dma source(%dma_start3A_79 : memref<10000x8xf32, #tpu.memory_space<hbm>>) target(%arg10 : memref<80x8xf32, #tpu.memory_space<vmem>>) offsets(%arg16 : memref<80xi32, #tpu.memory_space<vmem>>) semaphore(%arg24 : memref<!tpu.dma_semaphore, #tpu.memory_space<semaphore_mem>>)
    %scan3A_80 = arith.constant 0 : i32
    %scan3A_81 = arith.constant 0 : i32
    %scan3A_82 = arith.constant 125 : i32
    %scan3A_83 = arith.addi %scan3A_81, %scan3A_82 : i32
    %scan3A_84 = arith.constant 1 : i32
    %scan3A_85 = scf.for %scan3A_106 = %scan3A_81 to %scan3A_83 step %scan3A_84 iter_args(%scan3A_107 = %scan3A_80) -> (i32)  : i32 {
      %mul3A_108 = arith.constant 2 : i32
      %mul3A_109 = arith.muli %scan3A_106, %mul3A_108 : i32
      %add3A_110 = arith.constant 0 : i32
      %add3A_111 = arith.addi %mul3A_109, %add3A_110 : i32
      %add3A_112 = arith.constant 1 : i32
      %add3A_113 = arith.addi %add3A_111, %add3A_112 : i32
      %min3A_114 = arith.constant 249 : i32
      %min3A_115 = arith.minsi %add3A_113, %min3A_114 : i32
      %mul3A_116 = arith.constant 80 : i32
      %mul3A_117 = arith.muli %min3A_115, %mul3A_116 : i32
      %add3A_118 = arith.addi %multiple_of3A_24, %mul3A_117 : i32
      %multiple_of3A_119 = tpu.assume_multiple %add3A_118, 80 : i32
      "tpu.region"() ({
        %run_scoped3A = tpu.sem_alloc : memref<!tpu.dma_semaphore, #tpu.memory_space<semaphore_mem>>
        %dma_start3A_472 = tpu.memref_slice %arg3[%multiple_of3A_119] : memref<320000xi32, #tpu.memory_space<hbm>> -> memref<80xi32, #tpu.memory_space<hbm>>
        %dma_start3A_473 = tpu.memref_slice %arg3[%multiple_of3A_119] : memref<320000xi32, #tpu.memory_space<hbm>> -> memref<80xi32, #tpu.memory_space<hbm>>
        tpu.enqueue_dma source(%dma_start3A_473 : memref<80xi32, #tpu.memory_space<hbm>>) target(%arg13 : memref<80xi32, #tpu.memory_space<vmem>>) target_semaphore(%run_scoped3A : memref<!tpu.dma_semaphore, #tpu.memory_space<semaphore_mem>>)
        %dma_wait3A_474 = tpu.memref_slice %arg3[%multiple_of3A_119] : memref<320000xi32, #tpu.memory_space<hbm>> -> memref<80xi32, #tpu.memory_space<hbm>>
        %dma_wait3A_475 = tpu.memref_slice %arg3[%multiple_of3A_119] : memref<320000xi32, #tpu.memory_space<hbm>> -> memref<80xi32, #tpu.memory_space<hbm>>
        tpu.wait_dma2 semaphore(%run_scoped3A : memref<!tpu.dma_semaphore, #tpu.memory_space<semaphore_mem>>) src(%dma_wait3A_475 : memref<80xi32, #tpu.memory_space<hbm>>) dst(%arg13 : memref<80xi32, #tpu.memory_space<vmem>>)
        tpu.yield
      }) : () -> ()
      "tpu.region"() ({
        %run_scoped3A = tpu.sem_alloc : memref<!tpu.dma_semaphore, #tpu.memory_space<semaphore_mem>>
        %dma_start3A_472 = tpu.memref_slice %arg4[%multiple_of3A_119] : memref<320000xi32, #tpu.memory_space<hbm>> -> memref<80xi32, #tpu.memory_space<hbm>>
        %dma_start3A_473 = tpu.memref_slice %arg4[%multiple_of3A_119] : memref<320000xi32, #tpu.memory_space<hbm>> -> memref<80xi32, #tpu.memory_space<hbm>>
        tpu.enqueue_dma source(%dma_start3A_473 : memref<80xi32, #tpu.memory_space<hbm>>) target(%arg17 : memref<80xi32, #tpu.memory_space<vmem>>) target_semaphore(%run_scoped3A : memref<!tpu.dma_semaphore, #tpu.memory_space<semaphore_mem>>)
        %dma_wait3A_474 = tpu.memref_slice %arg4[%multiple_of3A_119] : memref<320000xi32, #tpu.memory_space<hbm>> -> memref<80xi32, #tpu.memory_space<hbm>>
        %dma_wait3A_475 = tpu.memref_slice %arg4[%multiple_of3A_119] : memref<320000xi32, #tpu.memory_space<hbm>> -> memref<80xi32, #tpu.memory_space<hbm>>
        tpu.wait_dma2 semaphore(%run_scoped3A : memref<!tpu.dma_semaphore, #tpu.memory_space<semaphore_mem>>) src(%dma_wait3A_475 : memref<80xi32, #tpu.memory_space<hbm>>) dst(%arg17 : memref<80xi32, #tpu.memory_space<vmem>>)
        tpu.yield
      }) : () -> ()
      %get3A_120 = arith.constant 0 : index
      %get3A_121 = tpu.vector_load %arg13[%get3A_120] {strides = array<i32>} : memref<80xi32, #tpu.memory_space<vmem>>, vector<16xi32>,
      %mul3A_122 = arith.constant 10000 : i32
      %mul3A_123 = arith.muli %arg0, %mul3A_122 : i32
      %add3A_124 = vector.broadcast %mul3A_123 : i32 to vector<16xi32>
      %add3A_125 = arith.addi %get3A_121, %add3A_124 : vector<16xi32>
      %swap3A_126 = arith.constant 0 : index
      %swap3A_127 = tpu.vector_load %arg15[%swap3A_126] {strides = array<i32>} : memref<80xi32, #tpu.memory_space<vmem>>, vector<16xi32>,
      tpu.vector_store %arg15[%swap3A_126], %add3A_125 {strides = array<i32>} : memref<80xi32, #tpu.memory_space<vmem>>, vector<16xi32>,
      %get3A_128 = arith.constant 16 : index
      %get3A_129 = tpu.vector_load %arg13[%get3A_128] {strides = array<i32>} : memref<80xi32, #tpu.memory_space<vmem>>, vector<16xi32>,
      %mul3A_130 = arith.constant 10000 : i32
      %mul3A_131 = arith.muli %arg0, %mul3A_130 : i32
      %add3A_132 = vector.broadcast %mul3A_131 : i32 to vector<16xi32>
      %add3A_133 = arith.addi %get3A_129, %add3A_132 : vector<16xi32>
      %swap3A_134 = arith.constant 16 : index
      %swap3A_135 = tpu.vector_load %arg15[%swap3A_134] {strides = array<i32>} : memref<80xi32, #tpu.memory_space<vmem>>, vector<16xi32>,
      tpu.vector_store %arg15[%swap3A_134], %add3A_133 {strides = array<i32>} : memref<80xi32, #tpu.memory_space<vmem>>, vector<16xi32>,
      %get3A_136 = arith.constant 32 : index
      %get3A_137 = tpu.vector_load %arg13[%get3A_136] {strides = array<i32>} : memref<80xi32, #tpu.memory_space<vmem>>, vector<16xi32>,
      %mul3A_138 = arith.constant 10000 : i32
      %mul3A_139 = arith.muli %arg0, %mul3A_138 : i32
      %add3A_140 = vector.broadcast %mul3A_139 : i32 to vector<16xi32>
      %add3A_141 = arith.addi %get3A_137, %add3A_140 : vector<16xi32>
      %swap3A_142 = arith.constant 32 : index
      %swap3A_143 = tpu.vector_load %arg15[%swap3A_142] {strides = array<i32>} : memref<80xi32, #tpu.memory_space<vmem>>, vector<16xi32>,
      tpu.vector_store %arg15[%swap3A_142], %add3A_141 {strides = array<i32>} : memref<80xi32, #tpu.memory_space<vmem>>, vector<16xi32>,
      %get3A_144 = arith.constant 48 : index
      %get3A_145 = tpu.vector_load %arg13[%get3A_144] {strides = array<i32>} : memref<80xi32, #tpu.memory_space<vmem>>, vector<16xi32>,
      %mul3A_146 = arith.constant 10000 : i32
      %mul3A_147 = arith.muli %arg0, %mul3A_146 : i32
      %add3A_148 = vector.broadcast %mul3A_147 : i32 to vector<16xi32>
      %add3A_149 = arith.addi %get3A_145, %add3A_148 : vector<16xi32>
      %swap3A_150 = arith.constant 48 : index
      %swap3A_151 = tpu.vector_load %arg15[%swap3A_150] {strides = array<i32>} : memref<80xi32, #tpu.memory_space<vmem>>, vector<16xi32>,
      tpu.vector_store %arg15[%swap3A_150], %add3A_149 {strides = array<i32>} : memref<80xi32, #tpu.memory_space<vmem>>, vector<16xi32>,
      %get3A_152 = arith.constant 64 : index
      %get3A_153 = tpu.vector_load %arg13[%get3A_152] {strides = array<i32>} : memref<80xi32, #tpu.memory_space<vmem>>, vector<16xi32>,
      %mul3A_154 = arith.constant 10000 : i32
      %mul3A_155 = arith.muli %arg0, %mul3A_154 : i32
      %add3A_156 = vector.broadcast %mul3A_155 : i32 to vector<16xi32>
      %add3A_157 = arith.addi %get3A_153, %add3A_156 : vector<16xi32>
      %swap3A_158 = arith.constant 64 : index
      %swap3A_159 = tpu.vector_load %arg15[%swap3A_158] {strides = array<i32>} : memref<80xi32, #tpu.memory_space<vmem>>, vector<16xi32>,
      tpu.vector_store %arg15[%swap3A_158], %add3A_157 {strides = array<i32>} : memref<80xi32, #tpu.memory_space<vmem>>, vector<16xi32>,
      %dma_wait3A_160 = arith.constant 0 : i32
      %dma_wait3A_161 = arith.constant 0 : i32
      %dma_wait3A_162 = tpu.memref_slice %arg2[%dma_wait3A_160, %dma_wait3A_161] : memref<20000x144xf32, #tpu.memory_space<hbm>> -> memref<20000x144xf32, #tpu.memory_space<hbm>>
      tpu.wait_indirect_dma semaphore(%arg24 : memref<!tpu.dma_semaphore, #tpu.memory_space<semaphore_mem>>) src(%dma_wait3A_162 : memref<20000x144xf32, #tpu.memory_space<hbm>>) dst(%arg21 : memref<80x144xf32, #tpu.memory_space<vmem>>)
      %dma_wait3A_163 = arith.constant 0 : i32
      %dma_wait3A_164 = arith.constant 0 : i32
      %dma_wait3A_165 = tpu.memref_slice %arg5[%dma_wait3A_163, %dma_wait3A_164] : memref<10000x8xf32, #tpu.memory_space<hbm>> -> memref<10000x8xf32, #tpu.memory_space<hbm>>
      tpu.wait_indirect_dma semaphore(%arg24 : memref<!tpu.dma_semaphore, #tpu.memory_space<semaphore_mem>>) src(%dma_wait3A_165 : memref<10000x8xf32, #tpu.memory_space<hbm>>) dst(%arg8 : memref<80x8xf32, #tpu.memory_space<vmem>>)
      %dma_wait3A_166 = arith.constant 0 : i32
      %dma_wait3A_167 = arith.constant 0 : i32
      %dma_wait3A_168 = tpu.memref_slice %arg5[%dma_wait3A_166, %dma_wait3A_167] : memref<10000x8xf32, #tpu.memory_space<hbm>> -> memref<10000x8xf32, #tpu.memory_space<hbm>>
      tpu.wait_indirect_dma semaphore(%arg24 : memref<!tpu.dma_semaphore, #tpu.memory_space<semaphore_mem>>) src(%dma_wait3A_168 : memref<10000x8xf32, #tpu.memory_space<hbm>>) dst(%arg10 : memref<80x8xf32, #tpu.memory_space<vmem>>)
      %gt3A = arith.constant 0 : i32
      %gt3A_169 = arith.cmpi sgt, %scan3A_106, %gt3A : i32
      %convert_element_type3A_170 = arith.extui %gt3A_169 : i1 to i32
      %cond3A_171 = arith.constant 0 : i32
      %cond3A_172 = arith.cmpi ne, %convert_element_type3A_170, %cond3A_171 : i32
      scf.if %cond3A_172 {
        %dma_wait3A_472 = arith.constant 0 : i32
        %dma_wait3A_473 = arith.constant 0 : i32
        %dma_wait3A_474 = tpu.memref_slice %arg23[%dma_wait3A_472, %dma_wait3A_473] : memref<10000x144xf32, #tpu.memory_space<vmem_shared>> -> memref<10000x144xf32, #tpu.memory_space<vmem_shared>>
        tpu.wait_indirect_dma semaphore(%arg27 : memref<!tpu.dma_semaphore, #tpu.memory_space<semaphore_mem>>) src(%arg22 : memref<80x144xf32, #tpu.memory_space<vmem>>) dst(%dma_wait3A_474 : memref<10000x144xf32, #tpu.memory_space<vmem_shared>>)
      } else {
      }
      %dma_start3A_173 = arith.constant 0 : i32
      %dma_start3A_174 = arith.constant 0 : i32
      %dma_start3A_175 = tpu.memref_slice %arg2[%dma_start3A_173, %dma_start3A_174] : memref<20000x144xf32, #tpu.memory_space<hbm>> -> memref<20000x144xf32, #tpu.memory_space<hbm>>
      tpu.enqueue_indirect_dma source(%dma_start3A_175 : memref<20000x144xf32, #tpu.memory_space<hbm>>) target(%arg22 : memref<80x144xf32, #tpu.memory_space<vmem>>) offsets(%arg15 : memref<80xi32, #tpu.memory_space<vmem>>) semaphore(%arg25 : memref<!tpu.dma_semaphore, #tpu.memory_space<semaphore_mem>>)
      %dma_start3A_176 = arith.constant 0 : i32
      %dma_start3A_177 = arith.constant 0 : i32
      %dma_start3A_178 = tpu.memref_slice %arg5[%dma_start3A_176, %dma_start3A_177] : memref<10000x8xf32, #tpu.memory_space<hbm>> -> memref<10000x8xf32, #tpu.memory_space<hbm>>
      tpu.enqueue_indirect_dma source(%dma_start3A_178 : memref<10000x8xf32, #tpu.memory_space<hbm>>) target(%arg9 : memref<80x8xf32, #tpu.memory_space<vmem>>) offsets(%arg13 : memref<80xi32, #tpu.memory_space<vmem>>) semaphore(%arg25 : memref<!tpu.dma_semaphore, #tpu.memory_space<semaphore_mem>>)
      %dma_start3A_179 = arith.constant 0 : i32
      %dma_start3A_180 = arith.constant 0 : i32
      %dma_start3A_181 = tpu.memref_slice %arg5[%dma_start3A_179, %dma_start3A_180] : memref<10000x8xf32, #tpu.memory_space<hbm>> -> memref<10000x8xf32, #tpu.memory_space<hbm>>
      tpu.enqueue_indirect_dma source(%dma_start3A_181 : memref<10000x8xf32, #tpu.memory_space<hbm>>) target(%arg11 : memref<80x8xf32, #tpu.memory_space<vmem>>) offsets(%arg17 : memref<80xi32, #tpu.memory_space<vmem>>) semaphore(%arg25 : memref<!tpu.dma_semaphore, #tpu.memory_space<semaphore_mem>>)
      %add3A_182 = arith.constant 0 : i32
      %add3A_183 = vector.broadcast %add3A_182 : i32 to vector<16xi32>
      %add3A_184 = arith.addi %iota3A, %add3A_183 : vector<16xi32>
      %gather3A = tpu.vector_load_idx %arg8[%add3A_184, %broadcast_in_dim3A_25] : memref<80x8xf32, #tpu.memory_space<vmem>>[vector<16xi32>, vector<16xi32>], vector<16xf32>,
      %gather3A_185 = tpu.vector_load_idx %arg10[%add3A_184, %broadcast_in_dim3A_27] : memref<80x8xf32, #tpu.memory_space<vmem>>[vector<16xi32>, vector<16xi32>], vector<16xf32>,
      %add3A_186 = arith.addf %gather3A, %gather3A_185 : vector<16xf32>
      %ge3A = arith.constant 0.000000e+00 : f32
      %ge3A_187 = vector.broadcast %ge3A : f32 to vector<16xf32>
      %ge3A_188 = arith.cmpf oge, %add3A_186, %ge3A_187 : vector<16xf32>
      %mul3A_189 = arith.constant 2.000000e-01 : f32
      %mul3A_190 = vector.broadcast %mul3A_189 : f32 to vector<16xf32>
      %mul3A_191 = arith.mulf %mul3A_190, %add3A_186 : vector<16xf32>
      %select_n3A = arith.select %ge3A_188, %add3A_186, %mul3A_191 : vector<16xi1>, vector<16xf32>
      %exp3A = math.exp %select_n3A : vector<16xf32>
      %swap3A_192 = arith.constant 0 : index
      %swap3A_193 = tpu.vector_load %arg20[%swap3A_192] {strides = array<i32>} : memref<80xf32, #tpu.memory_space<vmem>>, vector<16xf32>,
      tpu.vector_store %arg20[%swap3A_192], %exp3A {strides = array<i32>} : memref<80xf32, #tpu.memory_space<vmem>>, vector<16xf32>,
      %add3A_194 = arith.constant 16 : i32
      %add3A_195 = vector.broadcast %add3A_194 : i32 to vector<16xi32>
      %add3A_196 = arith.addi %iota3A, %add3A_195 : vector<16xi32>
      %gather3A_197 = tpu.vector_load_idx %arg8[%add3A_196, %broadcast_in_dim3A_25] : memref<80x8xf32, #tpu.memory_space<vmem>>[vector<16xi32>, vector<16xi32>], vector<16xf32>,
      %gather3A_198 = tpu.vector_load_idx %arg10[%add3A_196, %broadcast_in_dim3A_27] : memref<80x8xf32, #tpu.memory_space<vmem>>[vector<16xi32>, vector<16xi32>], vector<16xf32>,
      %add3A_199 = arith.addf %gather3A_197, %gather3A_198 : vector<16xf32>
      %ge3A_200 = arith.constant 0.000000e+00 : f32
      %ge3A_201 = vector.broadcast %ge3A_200 : f32 to vector<16xf32>
      %ge3A_202 = arith.cmpf oge, %add3A_199, %ge3A_201 : vector<16xf32>
      %mul3A_203 = arith.constant 2.000000e-01 : f32
      %mul3A_204 = vector.broadcast %mul3A_203 : f32 to vector<16xf32>
      %mul3A_205 = arith.mulf %mul3A_204, %add3A_199 : vector<16xf32>
      %select_n3A_206 = arith.select %ge3A_202, %add3A_199, %mul3A_205 : vector<16xi1>, vector<16xf32>
      %exp3A_207 = math.exp %select_n3A_206 : vector<16xf32>
      %swap3A_208 = arith.constant 16 : index
      %swap3A_209 = tpu.vector_load %arg20[%swap3A_208] {strides = array<i32>} : memref<80xf32, #tpu.memory_space<vmem>>, vector<16xf32>,
      tpu.vector_store %arg20[%swap3A_208], %exp3A_207 {strides = array<i32>} : memref<80xf32, #tpu.memory_space<vmem>>, vector<16xf32>,
      %add3A_210 = arith.constant 32 : i32
      %add3A_211 = vector.broadcast %add3A_210 : i32 to vector<16xi32>
      %add3A_212 = arith.addi %iota3A, %add3A_211 : vector<16xi32>
      %gather3A_213 = tpu.vector_load_idx %arg8[%add3A_212, %broadcast_in_dim3A_25] : memref<80x8xf32, #tpu.memory_space<vmem>>[vector<16xi32>, vector<16xi32>], vector<16xf32>,
      %gather3A_214 = tpu.vector_load_idx %arg10[%add3A_212, %broadcast_in_dim3A_27] : memref<80x8xf32, #tpu.memory_space<vmem>>[vector<16xi32>, vector<16xi32>], vector<16xf32>,
      %add3A_215 = arith.addf %gather3A_213, %gather3A_214 : vector<16xf32>
      %ge3A_216 = arith.constant 0.000000e+00 : f32
      %ge3A_217 = vector.broadcast %ge3A_216 : f32 to vector<16xf32>
      %ge3A_218 = arith.cmpf oge, %add3A_215, %ge3A_217 : vector<16xf32>
      %mul3A_219 = arith.constant 2.000000e-01 : f32
      %mul3A_220 = vector.broadcast %mul3A_219 : f32 to vector<16xf32>
      %mul3A_221 = arith.mulf %mul3A_220, %add3A_215 : vector<16xf32>
      %select_n3A_222 = arith.select %ge3A_218, %add3A_215, %mul3A_221 : vector<16xi1>, vector<16xf32>
      %exp3A_223 = math.exp %select_n3A_222 : vector<16xf32>
      %swap3A_224 = arith.constant 32 : index
      %swap3A_225 = tpu.vector_load %arg20[%swap3A_224] {strides = array<i32>} : memref<80xf32, #tpu.memory_space<vmem>>, vector<16xf32>,
      tpu.vector_store %arg20[%swap3A_224], %exp3A_223 {strides = array<i32>} : memref<80xf32, #tpu.memory_space<vmem>>, vector<16xf32>,
      %add3A_226 = arith.constant 48 : i32
      %add3A_227 = vector.broadcast %add3A_226 : i32 to vector<16xi32>
      %add3A_228 = arith.addi %iota3A, %add3A_227 : vector<16xi32>
      %gather3A_229 = tpu.vector_load_idx %arg8[%add3A_228, %broadcast_in_dim3A_25] : memref<80x8xf32, #tpu.memory_space<vmem>>[vector<16xi32>, vector<16xi32>], vector<16xf32>,
      %gather3A_230 = tpu.vector_load_idx %arg10[%add3A_228, %broadcast_in_dim3A_27] : memref<80x8xf32, #tpu.memory_space<vmem>>[vector<16xi32>, vector<16xi32>], vector<16xf32>,
      %add3A_231 = arith.addf %gather3A_229, %gather3A_230 : vector<16xf32>
      %ge3A_232 = arith.constant 0.000000e+00 : f32
      %ge3A_233 = vector.broadcast %ge3A_232 : f32 to vector<16xf32>
      %ge3A_234 = arith.cmpf oge, %add3A_231, %ge3A_233 : vector<16xf32>
      %mul3A_235 = arith.constant 2.000000e-01 : f32
      %mul3A_236 = vector.broadcast %mul3A_235 : f32 to vector<16xf32>
      %mul3A_237 = arith.mulf %mul3A_236, %add3A_231 : vector<16xf32>
      %select_n3A_238 = arith.select %ge3A_234, %add3A_231, %mul3A_237 : vector<16xi1>, vector<16xf32>
      %exp3A_239 = math.exp %select_n3A_238 : vector<16xf32>
      %swap3A_240 = arith.constant 48 : index
      %swap3A_241 = tpu.vector_load %arg20[%swap3A_240] {strides = array<i32>} : memref<80xf32, #tpu.memory_space<vmem>>, vector<16xf32>,
      tpu.vector_store %arg20[%swap3A_240], %exp3A_239 {strides = array<i32>} : memref<80xf32, #tpu.memory_space<vmem>>, vector<16xf32>,
      %add3A_242 = arith.constant 64 : i32
      %add3A_243 = vector.broadcast %add3A_242 : i32 to vector<16xi32>
      %add3A_244 = arith.addi %iota3A, %add3A_243 : vector<16xi32>
      %gather3A_245 = tpu.vector_load_idx %arg8[%add3A_244, %broadcast_in_dim3A_25] : memref<80x8xf32, #tpu.memory_space<vmem>>[vector<16xi32>, vector<16xi32>], vector<16xf32>,
      %gather3A_246 = tpu.vector_load_idx %arg10[%add3A_244, %broadcast_in_dim3A_27] : memref<80x8xf32, #tpu.memory_space<vmem>>[vector<16xi32>, vector<16xi32>], vector<16xf32>,
      %add3A_247 = arith.addf %gather3A_245, %gather3A_246 : vector<16xf32>
      %ge3A_248 = arith.constant 0.000000e+00 : f32
      %ge3A_249 = vector.broadcast %ge3A_248 : f32 to vector<16xf32>
      %ge3A_250 = arith.cmpf oge, %add3A_247, %ge3A_249 : vector<16xf32>
      %mul3A_251 = arith.constant 2.000000e-01 : f32
      %mul3A_252 = vector.broadcast %mul3A_251 : f32 to vector<16xf32>
      %mul3A_253 = arith.mulf %mul3A_252, %add3A_247 : vector<16xf32>
      %select_n3A_254 = arith.select %ge3A_250, %add3A_247, %mul3A_253 : vector<16xi1>, vector<16xf32>
      %exp3A_255 = math.exp %select_n3A_254 : vector<16xf32>
      %swap3A_256 = arith.constant 64 : index
      %swap3A_257 = tpu.vector_load %arg20[%swap3A_256] {strides = array<i32>} : memref<80xf32, #tpu.memory_space<vmem>>, vector<16xf32>,
      tpu.vector_store %arg20[%swap3A_256], %exp3A_255 {strides = array<i32>} : memref<80xf32, #tpu.memory_space<vmem>>, vector<16xf32>,
      %scan3A_258 = arith.constant 0 : i32
      %scan3A_259 = arith.constant 0 : i32
      %scan3A_260 = arith.constant 80 : i32
      %scan3A_261 = arith.addi %scan3A_259, %scan3A_260 : i32
      %scan3A_262 = arith.constant 1 : i32
      %scan3A_263 = scf.for %scan3A_472 = %scan3A_259 to %scan3A_261 step %scan3A_262 iter_args(%scan3A_473 = %scan3A_258) -> (i32)  : i32 {
        %broadcast_in_dim3A_474 = vector.broadcast %scan3A_472 : i32 to vector<16xi32>
        %gather3A_475 = tpu.vector_load_idx %arg20[%broadcast_in_dim3A_474] : memref<80xf32, #tpu.memory_space<vmem>>[vector<16xi32>], vector<16xf32>,
        %get3A_476 = arith.index_cast %scan3A_472 : i32 to index
        %get3A_477 = arith.constant 0 : index
        %get3A_478 = tpu.vector_load %arg21[%get3A_476, %get3A_477] {strides = array<i32>} : memref<80x144xf32, #tpu.memory_space<vmem>>, vector<16xf32>,
        %mul3A_479 = arith.mulf %get3A_478, %gather3A_475 : vector<16xf32>
        %swap3A_480 = arith.index_cast %scan3A_472 : i32 to index
        %swap3A_481 = arith.constant 0 : index
        %swap3A_482 = tpu.vector_load %arg21[%swap3A_480, %swap3A_481] {strides = array<i32>} : memref<80x144xf32, #tpu.memory_space<vmem>>, vector<16xf32>,
        tpu.vector_store %arg21[%swap3A_480, %swap3A_481], %mul3A_479 {strides = array<i32>} : memref<80x144xf32, #tpu.memory_space<vmem>>, vector<16xf32>,
        %get3A_483 = arith.index_cast %scan3A_472 : i32 to index
        %get3A_484 = arith.constant 16 : index
        %get3A_485 = tpu.vector_load %arg21[%get3A_483, %get3A_484] {strides = array<i32>} : memref<80x144xf32, #tpu.memory_space<vmem>>, vector<16xf32>,
        %mul3A_486 = arith.mulf %get3A_485, %gather3A_475 : vector<16xf32>
        %swap3A_487 = arith.index_cast %scan3A_472 : i32 to index
        %swap3A_488 = arith.constant 16 : index
        %swap3A_489 = tpu.vector_load %arg21[%swap3A_487, %swap3A_488] {strides = array<i32>} : memref<80x144xf32, #tpu.memory_space<vmem>>, vector<16xf32>,
        tpu.vector_store %arg21[%swap3A_487, %swap3A_488], %mul3A_486 {strides = array<i32>} : memref<80x144xf32, #tpu.memory_space<vmem>>, vector<16xf32>,
        %get3A_490 = arith.index_cast %scan3A_472 : i32 to index
        %get3A_491 = arith.constant 32 : index
        %get3A_492 = tpu.vector_load %arg21[%get3A_490, %get3A_491] {strides = array<i32>} : memref<80x144xf32, #tpu.memory_space<vmem>>, vector<16xf32>,
        %mul3A_493 = arith.mulf %get3A_492, %gather3A_475 : vector<16xf32>
        %swap3A_494 = arith.index_cast %scan3A_472 : i32 to index
        %swap3A_495 = arith.constant 32 : index
        %swap3A_496 = tpu.vector_load %arg21[%swap3A_494, %swap3A_495] {strides = array<i32>} : memref<80x144xf32, #tpu.memory_space<vmem>>, vector<16xf32>,
        tpu.vector_store %arg21[%swap3A_494, %swap3A_495], %mul3A_493 {strides = array<i32>} : memref<80x144xf32, #tpu.memory_space<vmem>>, vector<16xf32>,
        %get3A_497 = arith.index_cast %scan3A_472 : i32 to index
        %get3A_498 = arith.constant 48 : index
        %get3A_499 = tpu.vector_load %arg21[%get3A_497, %get3A_498] {strides = array<i32>} : memref<80x144xf32, #tpu.memory_space<vmem>>, vector<16xf32>,
        %mul3A_500 = arith.mulf %get3A_499, %gather3A_475 : vector<16xf32>
        %swap3A_501 = arith.index_cast %scan3A_472 : i32 to index
        %swap3A_502 = arith.constant 48 : index
        %swap3A_503 = tpu.vector_load %arg21[%swap3A_501, %swap3A_502] {strides = array<i32>} : memref<80x144xf32, #tpu.memory_space<vmem>>, vector<16xf32>,
        tpu.vector_store %arg21[%swap3A_501, %swap3A_502], %mul3A_500 {strides = array<i32>} : memref<80x144xf32, #tpu.memory_space<vmem>>, vector<16xf32>,
        %get3A_504 = arith.index_cast %scan3A_472 : i32 to index
        %get3A_505 = arith.constant 64 : index
        %get3A_506 = tpu.vector_load %arg21[%get3A_504, %get3A_505] {strides = array<i32>} : memref<80x144xf32, #tpu.memory_space<vmem>>, vector<16xf32>,
        %mul3A_507 = arith.mulf %get3A_506, %gather3A_475 : vector<16xf32>
        %swap3A_508 = arith.index_cast %scan3A_472 : i32 to index
        %swap3A_509 = arith.constant 64 : index
        %swap3A_510 = tpu.vector_load %arg21[%swap3A_508, %swap3A_509] {strides = array<i32>} : memref<80x144xf32, #tpu.memory_space<vmem>>, vector<16xf32>,
        tpu.vector_store %arg21[%swap3A_508, %swap3A_509], %mul3A_507 {strides = array<i32>} : memref<80x144xf32, #tpu.memory_space<vmem>>, vector<16xf32>,
        %get3A_511 = arith.index_cast %scan3A_472 : i32 to index
        %get3A_512 = arith.constant 80 : index
        %get3A_513 = tpu.vector_load %arg21[%get3A_511, %get3A_512] {strides = array<i32>} : memref<80x144xf32, #tpu.memory_space<vmem>>, vector<16xf32>,
        %mul3A_514 = arith.mulf %get3A_513, %gather3A_475 : vector<16xf32>
        %swap3A_515 = arith.index_cast %scan3A_472 : i32 to index
        %swap3A_516 = arith.constant 80 : index
        %swap3A_517 = tpu.vector_load %arg21[%swap3A_515, %swap3A_516] {strides = array<i32>} : memref<80x144xf32, #tpu.memory_space<vmem>>, vector<16xf32>,
        tpu.vector_store %arg21[%swap3A_515, %swap3A_516], %mul3A_514 {strides = array<i32>} : memref<80x144xf32, #tpu.memory_space<vmem>>, vector<16xf32>,
        %get3A_518 = arith.index_cast %scan3A_472 : i32 to index
        %get3A_519 = arith.constant 96 : index
        %get3A_520 = tpu.vector_load %arg21[%get3A_518, %get3A_519] {strides = array<i32>} : memref<80x144xf32, #tpu.memory_space<vmem>>, vector<16xf32>,
        %mul3A_521 = arith.mulf %get3A_520, %gather3A_475 : vector<16xf32>
        %swap3A_522 = arith.index_cast %scan3A_472 : i32 to index
        %swap3A_523 = arith.constant 96 : index
        %swap3A_524 = tpu.vector_load %arg21[%swap3A_522, %swap3A_523] {strides = array<i32>} : memref<80x144xf32, #tpu.memory_space<vmem>>, vector<16xf32>,
        tpu.vector_store %arg21[%swap3A_522, %swap3A_523], %mul3A_521 {strides = array<i32>} : memref<80x144xf32, #tpu.memory_space<vmem>>, vector<16xf32>,
        %get3A_525 = arith.index_cast %scan3A_472 : i32 to index
        %get3A_526 = arith.constant 112 : index
        %get3A_527 = tpu.vector_load %arg21[%get3A_525, %get3A_526] {strides = array<i32>} : memref<80x144xf32, #tpu.memory_space<vmem>>, vector<16xf32>,
        %mul3A_528 = arith.mulf %get3A_527, %gather3A_475 : vector<16xf32>
        %swap3A_529 = arith.index_cast %scan3A_472 : i32 to index
        %swap3A_530 = arith.constant 112 : index
        %swap3A_531 = tpu.vector_load %arg21[%swap3A_529, %swap3A_530] {strides = array<i32>} : memref<80x144xf32, #tpu.memory_space<vmem>>, vector<16xf32>,
        tpu.vector_store %arg21[%swap3A_529, %swap3A_530], %mul3A_528 {strides = array<i32>} : memref<80x144xf32, #tpu.memory_space<vmem>>, vector<16xf32>,
        %get3A_532 = arith.index_cast %scan3A_472 : i32 to index
        %get3A_533 = arith.constant 128 : index
        %get3A_534 = tpu.vector_load %arg21[%get3A_532, %get3A_533] {strides = array<i32>} : memref<80x144xf32, #tpu.memory_space<vmem>>, vector<16xf32>,
        %mul3A_535 = arith.mulf %get3A_534, %gather3A_475 : vector<16xf32>
        %swap3A_536 = arith.index_cast %scan3A_472 : i32 to index
        %swap3A_537 = arith.constant 128 : index
        %swap3A_538 = tpu.vector_load %arg21[%swap3A_536, %swap3A_537] {strides = array<i32>} : memref<80x144xf32, #tpu.memory_space<vmem>>, vector<16xf32>,
        tpu.vector_store %arg21[%swap3A_536, %swap3A_537], %mul3A_535 {strides = array<i32>} : memref<80x144xf32, #tpu.memory_space<vmem>>, vector<16xf32>,
        %scan3A_539 = arith.constant 0 : i32
        scf.yield %scan3A_539 : i32
      }
      %scan3A_264 = arith.constant 80 : i32
      %get3A_265 = arith.constant 0 : index
      %get3A_266 = tpu.vector_load %arg16[%get3A_265] {strides = array<i32>} : memref<80xi32, #tpu.memory_space<vmem>>, vector<16xi32>,
      %swap3A_267 = arith.constant 0 : index
      %swap3A_268 = tpu.vector_load %arg18[%swap3A_267] {strides = array<i32>} : memref<80xi32, #tpu.memory_space<vmem>>, vector<16xi32>,
      tpu.vector_store %arg18[%swap3A_267], %get3A_266 {strides = array<i32>} : memref<80xi32, #tpu.memory_space<vmem>>, vector<16xi32>,
      %get3A_269 = arith.constant 16 : index
      %get3A_270 = tpu.vector_load %arg16[%get3A_269] {strides = array<i32>} : memref<80xi32, #tpu.memory_space<vmem>>, vector<16xi32>,
      %swap3A_271 = arith.constant 16 : index
      %swap3A_272 = tpu.vector_load %arg18[%swap3A_271] {strides = array<i32>} : memref<80xi32, #tpu.memory_space<vmem>>, vector<16xi32>,
      tpu.vector_store %arg18[%swap3A_271], %get3A_270 {strides = array<i32>} : memref<80xi32, #tpu.memory_space<vmem>>, vector<16xi32>,
      %get3A_273 = arith.constant 32 : index
      %get3A_274 = tpu.vector_load %arg16[%get3A_273] {strides = array<i32>} : memref<80xi32, #tpu.memory_space<vmem>>, vector<16xi32>,
      %swap3A_275 = arith.constant 32 : index
      %swap3A_276 = tpu.vector_load %arg18[%swap3A_275] {strides = array<i32>} : memref<80xi32, #tpu.memory_space<vmem>>, vector<16xi32>,
      tpu.vector_store %arg18[%swap3A_275], %get3A_274 {strides = array<i32>} : memref<80xi32, #tpu.memory_space<vmem>>, vector<16xi32>,
      %get3A_277 = arith.constant 48 : index
      %get3A_278 = tpu.vector_load %arg16[%get3A_277] {strides = array<i32>} : memref<80xi32, #tpu.memory_space<vmem>>, vector<16xi32>,
      %swap3A_279 = arith.constant 48 : index
      %swap3A_280 = tpu.vector_load %arg18[%swap3A_279] {strides = array<i32>} : memref<80xi32, #tpu.memory_space<vmem>>, vector<16xi32>,
      tpu.vector_store %arg18[%swap3A_279], %get3A_278 {strides = array<i32>} : memref<80xi32, #tpu.memory_space<vmem>>, vector<16xi32>,
      %get3A_281 = arith.constant 64 : index
      %get3A_282 = tpu.vector_load %arg16[%get3A_281] {strides = array<i32>} : memref<80xi32, #tpu.memory_space<vmem>>, vector<16xi32>,
      %swap3A_283 = arith.constant 64 : index
      %swap3A_284 = tpu.vector_load %arg18[%swap3A_283] {strides = array<i32>} : memref<80xi32, #tpu.memory_space<vmem>>, vector<16xi32>,
      tpu.vector_store %arg18[%swap3A_283], %get3A_282 {strides = array<i32>} : memref<80xi32, #tpu.memory_space<vmem>>, vector<16xi32>,
      %dma_start3A_285 = arith.constant 0 : i32
      %dma_start3A_286 = arith.constant 0 : i32
      %dma_start3A_287 = tpu.memref_slice %arg23[%dma_start3A_285, %dma_start3A_286] : memref<10000x144xf32, #tpu.memory_space<vmem_shared>> -> memref<10000x144xf32, #tpu.memory_space<vmem_shared>>
      tpu.enqueue_indirect_dma source(%arg21 : memref<80x144xf32, #tpu.memory_space<vmem>>) target(%dma_start3A_287 : memref<10000x144xf32, #tpu.memory_space<vmem_shared>>) offsets(%arg18 : memref<80xi32, #tpu.memory_space<vmem>>) semaphore(%arg26 : memref<!tpu.dma_semaphore, #tpu.memory_space<semaphore_mem>>) {add = true}
      %mul3A_288 = arith.constant 2 : i32
      %mul3A_289 = arith.muli %scan3A_106, %mul3A_288 : i32
      %add3A_290 = arith.constant 1 : i32
      %add3A_291 = arith.addi %mul3A_289, %add3A_290 : i32
      %add3A_292 = arith.constant 1 : i32
      %add3A_293 = arith.addi %add3A_291, %add3A_292 : i32
      %min3A_294 = arith.constant 249 : i32
      %min3A_295 = arith.minsi %add3A_293, %min3A_294 : i32
      %mul3A_296 = arith.constant 80 : i32
      %mul3A_297 = arith.muli %min3A_295, %mul3A_296 : i32
      %add3A_298 = arith.addi %multiple_of3A_24, %mul3A_297 : i32
      %multiple_of3A_299 = tpu.assume_multiple %add3A_298, 80 : i32
      "tpu.region"() ({
        %run_scoped3A = tpu.sem_alloc : memref<!tpu.dma_semaphore, #tpu.memory_space<semaphore_mem>>
        %dma_start3A_472 = tpu.memref_slice %arg3[%multiple_of3A_299] : memref<320000xi32, #tpu.memory_space<hbm>> -> memref<80xi32, #tpu.memory_space<hbm>>
        %dma_start3A_473 = tpu.memref_slice %arg3[%multiple_of3A_299] : memref<320000xi32, #tpu.memory_space<hbm>> -> memref<80xi32, #tpu.memory_space<hbm>>
        tpu.enqueue_dma source(%dma_start3A_473 : memref<80xi32, #tpu.memory_space<hbm>>) target(%arg12 : memref<80xi32, #tpu.memory_space<vmem>>) target_semaphore(%run_scoped3A : memref<!tpu.dma_semaphore, #tpu.memory_space<semaphore_mem>>)
        %dma_wait3A_474 = tpu.memref_slice %arg3[%multiple_of3A_299] : memref<320000xi32, #tpu.memory_space<hbm>> -> memref<80xi32, #tpu.memory_space<hbm>>
        %dma_wait3A_475 = tpu.memref_slice %arg3[%multiple_of3A_299] : memref<320000xi32, #tpu.memory_space<hbm>> -> memref<80xi32, #tpu.memory_space<hbm>>
        tpu.wait_dma2 semaphore(%run_scoped3A : memref<!tpu.dma_semaphore, #tpu.memory_space<semaphore_mem>>) src(%dma_wait3A_475 : memref<80xi32, #tpu.memory_space<hbm>>) dst(%arg12 : memref<80xi32, #tpu.memory_space<vmem>>)
        tpu.yield
      }) : () -> ()
      "tpu.region"() ({
        %run_scoped3A = tpu.sem_alloc : memref<!tpu.dma_semaphore, #tpu.memory_space<semaphore_mem>>
        %dma_start3A_472 = tpu.memref_slice %arg4[%multiple_of3A_299] : memref<320000xi32, #tpu.memory_space<hbm>> -> memref<80xi32, #tpu.memory_space<hbm>>
        %dma_start3A_473 = tpu.memref_slice %arg4[%multiple_of3A_299] : memref<320000xi32, #tpu.memory_space<hbm>> -> memref<80xi32, #tpu.memory_space<hbm>>
        tpu.enqueue_dma source(%dma_start3A_473 : memref<80xi32, #tpu.memory_space<hbm>>) target(%arg16 : memref<80xi32, #tpu.memory_space<vmem>>) target_semaphore(%run_scoped3A : memref<!tpu.dma_semaphore, #tpu.memory_space<semaphore_mem>>)
        %dma_wait3A_474 = tpu.memref_slice %arg4[%multiple_of3A_299] : memref<320000xi32, #tpu.memory_space<hbm>> -> memref<80xi32, #tpu.memory_space<hbm>>
        %dma_wait3A_475 = tpu.memref_slice %arg4[%multiple_of3A_299] : memref<320000xi32, #tpu.memory_space<hbm>> -> memref<80xi32, #tpu.memory_space<hbm>>
        tpu.wait_dma2 semaphore(%run_scoped3A : memref<!tpu.dma_semaphore, #tpu.memory_space<semaphore_mem>>) src(%dma_wait3A_475 : memref<80xi32, #tpu.memory_space<hbm>>) dst(%arg16 : memref<80xi32, #tpu.memory_space<vmem>>)
        tpu.yield
      }) : () -> ()
      %get3A_300 = arith.constant 0 : index
      %get3A_301 = tpu.vector_load %arg12[%get3A_300] {strides = array<i32>} : memref<80xi32, #tpu.memory_space<vmem>>, vector<16xi32>,
      %mul3A_302 = arith.constant 10000 : i32
      %mul3A_303 = arith.muli %arg0, %mul3A_302 : i32
      %add3A_304 = vector.broadcast %mul3A_303 : i32 to vector<16xi32>
      %add3A_305 = arith.addi %get3A_301, %add3A_304 : vector<16xi32>
      %swap3A_306 = arith.constant 0 : index
      %swap3A_307 = tpu.vector_load %arg14[%swap3A_306] {strides = array<i32>} : memref<80xi32, #tpu.memory_space<vmem>>, vector<16xi32>,
      tpu.vector_store %arg14[%swap3A_306], %add3A_305 {strides = array<i32>} : memref<80xi32, #tpu.memory_space<vmem>>, vector<16xi32>,
      %get3A_308 = arith.constant 16 : index
      %get3A_309 = tpu.vector_load %arg12[%get3A_308] {strides = array<i32>} : memref<80xi32, #tpu.memory_space<vmem>>, vector<16xi32>,
      %mul3A_310 = arith.constant 10000 : i32
      %mul3A_311 = arith.muli %arg0, %mul3A_310 : i32
      %add3A_312 = vector.broadcast %mul3A_311 : i32 to vector<16xi32>
      %add3A_313 = arith.addi %get3A_309, %add3A_312 : vector<16xi32>
      %swap3A_314 = arith.constant 16 : index
      %swap3A_315 = tpu.vector_load %arg14[%swap3A_314] {strides = array<i32>} : memref<80xi32, #tpu.memory_space<vmem>>, vector<16xi32>,
      tpu.vector_store %arg14[%swap3A_314], %add3A_313 {strides = array<i32>} : memref<80xi32, #tpu.memory_space<vmem>>, vector<16xi32>,
      %get3A_316 = arith.constant 32 : index
      %get3A_317 = tpu.vector_load %arg12[%get3A_316] {strides = array<i32>} : memref<80xi32, #tpu.memory_space<vmem>>, vector<16xi32>,
      %mul3A_318 = arith.constant 10000 : i32
      %mul3A_319 = arith.muli %arg0, %mul3A_318 : i32
      %add3A_320 = vector.broadcast %mul3A_319 : i32 to vector<16xi32>
      %add3A_321 = arith.addi %get3A_317, %add3A_320 : vector<16xi32>
      %swap3A_322 = arith.constant 32 : index
      %swap3A_323 = tpu.vector_load %arg14[%swap3A_322] {strides = array<i32>} : memref<80xi32, #tpu.memory_space<vmem>>, vector<16xi32>,
      tpu.vector_store %arg14[%swap3A_322], %add3A_321 {strides = array<i32>} : memref<80xi32, #tpu.memory_space<vmem>>, vector<16xi32>,
      %get3A_324 = arith.constant 48 : index
      %get3A_325 = tpu.vector_load %arg12[%get3A_324] {strides = array<i32>} : memref<80xi32, #tpu.memory_space<vmem>>, vector<16xi32>,
      %mul3A_326 = arith.constant 10000 : i32
      %mul3A_327 = arith.muli %arg0, %mul3A_326 : i32
      %add3A_328 = vector.broadcast %mul3A_327 : i32 to vector<16xi32>
      %add3A_329 = arith.addi %get3A_325, %add3A_328 : vector<16xi32>
      %swap3A_330 = arith.constant 48 : index
      %swap3A_331 = tpu.vector_load %arg14[%swap3A_330] {strides = array<i32>} : memref<80xi32, #tpu.memory_space<vmem>>, vector<16xi32>,
      tpu.vector_store %arg14[%swap3A_330], %add3A_329 {strides = array<i32>} : memref<80xi32, #tpu.memory_space<vmem>>, vector<16xi32>,
      %get3A_332 = arith.constant 64 : index
      %get3A_333 = tpu.vector_load %arg12[%get3A_332] {strides = array<i32>} : memref<80xi32, #tpu.memory_space<vmem>>, vector<16xi32>,
      %mul3A_334 = arith.constant 10000 : i32
      %mul3A_335 = arith.muli %arg0, %mul3A_334 : i32
      %add3A_336 = vector.broadcast %mul3A_335 : i32 to vector<16xi32>
      %add3A_337 = arith.addi %get3A_333, %add3A_336 : vector<16xi32>
      %swap3A_338 = arith.constant 64 : index
      %swap3A_339 = tpu.vector_load %arg14[%swap3A_338] {strides = array<i32>} : memref<80xi32, #tpu.memory_space<vmem>>, vector<16xi32>,
      tpu.vector_store %arg14[%swap3A_338], %add3A_337 {strides = array<i32>} : memref<80xi32, #tpu.memory_space<vmem>>, vector<16xi32>,
      %dma_wait3A_340 = arith.constant 0 : i32
      %dma_wait3A_341 = arith.constant 0 : i32
      %dma_wait3A_342 = tpu.memref_slice %arg2[%dma_wait3A_340, %dma_wait3A_341] : memref<20000x144xf32, #tpu.memory_space<hbm>> -> memref<20000x144xf32, #tpu.memory_space<hbm>>
      tpu.wait_indirect_dma semaphore(%arg25 : memref<!tpu.dma_semaphore, #tpu.memory_space<semaphore_mem>>) src(%dma_wait3A_342 : memref<20000x144xf32, #tpu.memory_space<hbm>>) dst(%arg22 : memref<80x144xf32, #tpu.memory_space<vmem>>)
      %dma_wait3A_343 = arith.constant 0 : i32
      %dma_wait3A_344 = arith.constant 0 : i32
      %dma_wait3A_345 = tpu.memref_slice %arg5[%dma_wait3A_343, %dma_wait3A_344] : memref<10000x8xf32, #tpu.memory_space<hbm>> -> memref<10000x8xf32, #tpu.memory_space<hbm>>
      tpu.wait_indirect_dma semaphore(%arg25 : memref<!tpu.dma_semaphore, #tpu.memory_space<semaphore_mem>>) src(%dma_wait3A_345 : memref<10000x8xf32, #tpu.memory_space<hbm>>) dst(%arg9 : memref<80x8xf32, #tpu.memory_space<vmem>>)
      %dma_wait3A_346 = arith.constant 0 : i32
      %dma_wait3A_347 = arith.constant 0 : i32
      %dma_wait3A_348 = tpu.memref_slice %arg5[%dma_wait3A_346, %dma_wait3A_347] : memref<10000x8xf32, #tpu.memory_space<hbm>> -> memref<10000x8xf32, #tpu.memory_space<hbm>>
      tpu.wait_indirect_dma semaphore(%arg25 : memref<!tpu.dma_semaphore, #tpu.memory_space<semaphore_mem>>) src(%dma_wait3A_348 : memref<10000x8xf32, #tpu.memory_space<hbm>>) dst(%arg11 : memref<80x8xf32, #tpu.memory_space<vmem>>)
      %dma_wait3A_349 = arith.constant 0 : i32
      %dma_wait3A_350 = arith.constant 0 : i32
      %dma_wait3A_351 = tpu.memref_slice %arg23[%dma_wait3A_349, %dma_wait3A_350] : memref<10000x144xf32, #tpu.memory_space<vmem_shared>> -> memref<10000x144xf32, #tpu.memory_space<vmem_shared>>
      tpu.wait_indirect_dma semaphore(%arg26 : memref<!tpu.dma_semaphore, #tpu.memory_space<semaphore_mem>>) src(%arg21 : memref<80x144xf32, #tpu.memory_space<vmem>>) dst(%dma_wait3A_351 : memref<10000x144xf32, #tpu.memory_space<vmem_shared>>)
      %dma_start3A_352 = arith.constant 0 : i32
      %dma_start3A_353 = arith.constant 0 : i32
      %dma_start3A_354 = tpu.memref_slice %arg2[%dma_start3A_352, %dma_start3A_353] : memref<20000x144xf32, #tpu.memory_space<hbm>> -> memref<20000x144xf32, #tpu.memory_space<hbm>>
      tpu.enqueue_indirect_dma source(%dma_start3A_354 : memref<20000x144xf32, #tpu.memory_space<hbm>>) target(%arg21 : memref<80x144xf32, #tpu.memory_space<vmem>>) offsets(%arg14 : memref<80xi32, #tpu.memory_space<vmem>>) semaphore(%arg24 : memref<!tpu.dma_semaphore, #tpu.memory_space<semaphore_mem>>)
      %dma_start3A_355 = arith.constant 0 : i32
      %dma_start3A_356 = arith.constant 0 : i32
      %dma_start3A_357 = tpu.memref_slice %arg5[%dma_start3A_355, %dma_start3A_356] : memref<10000x8xf32, #tpu.memory_space<hbm>> -> memref<10000x8xf32, #tpu.memory_space<hbm>>
      tpu.enqueue_indirect_dma source(%dma_start3A_357 : memref<10000x8xf32, #tpu.memory_space<hbm>>) target(%arg8 : memref<80x8xf32, #tpu.memory_space<vmem>>) offsets(%arg12 : memref<80xi32, #tpu.memory_space<vmem>>) semaphore(%arg24 : memref<!tpu.dma_semaphore, #tpu.memory_space<semaphore_mem>>)
      %dma_start3A_358 = arith.constant 0 : i32
      %dma_start3A_359 = arith.constant 0 : i32
      %dma_start3A_360 = tpu.memref_slice %arg5[%dma_start3A_358, %dma_start3A_359] : memref<10000x8xf32, #tpu.memory_space<hbm>> -> memref<10000x8xf32, #tpu.memory_space<hbm>>
      tpu.enqueue_indirect_dma source(%dma_start3A_360 : memref<10000x8xf32, #tpu.memory_space<hbm>>) target(%arg10 : memref<80x8xf32, #tpu.memory_space<vmem>>) offsets(%arg16 : memref<80xi32, #tpu.memory_space<vmem>>) semaphore(%arg24 : memref<!tpu.dma_semaphore, #tpu.memory_space<semaphore_mem>>)
      %add3A_361 = arith.constant 0 : i32
      %add3A_362 = vector.broadcast %add3A_361 : i32 to vector<16xi32>
      %add3A_363 = arith.addi %iota3A, %add3A_362 : vector<16xi32>
      %gather3A_364 = tpu.vector_load_idx %arg9[%add3A_363, %broadcast_in_dim3A_25] : memref<80x8xf32, #tpu.memory_space<vmem>>[vector<16xi32>, vector<16xi32>], vector<16xf32>,
      %gather3A_365 = tpu.vector_load_idx %arg11[%add3A_363, %broadcast_in_dim3A_27] : memref<80x8xf32, #tpu.memory_space<vmem>>[vector<16xi32>, vector<16xi32>], vector<16xf32>,
      %add3A_366 = arith.addf %gather3A_364, %gather3A_365 : vector<16xf32>
      %ge3A_367 = arith.constant 0.000000e+00 : f32
      %ge3A_368 = vector.broadcast %ge3A_367 : f32 to vector<16xf32>
      %ge3A_369 = arith.cmpf oge, %add3A_366, %ge3A_368 : vector<16xf32>
      %mul3A_370 = arith.constant 2.000000e-01 : f32
      %mul3A_371 = vector.broadcast %mul3A_370 : f32 to vector<16xf32>
      %mul3A_372 = arith.mulf %mul3A_371, %add3A_366 : vector<16xf32>
      %select_n3A_373 = arith.select %ge3A_369, %add3A_366, %mul3A_372 : vector<16xi1>, vector<16xf32>
      %exp3A_374 = math.exp %select_n3A_373 : vector<16xf32>
      %swap3A_375 = arith.constant 0 : index
      %swap3A_376 = tpu.vector_load %arg20[%swap3A_375] {strides = array<i32>} : memref<80xf32, #tpu.memory_space<vmem>>, vector<16xf32>,
      tpu.vector_store %arg20[%swap3A_375], %exp3A_374 {strides = array<i32>} : memref<80xf32, #tpu.memory_space<vmem>>, vector<16xf32>,
      %add3A_377 = arith.constant 16 : i32
      %add3A_378 = vector.broadcast %add3A_377 : i32 to vector<16xi32>
      %add3A_379 = arith.addi %iota3A, %add3A_378 : vector<16xi32>
      %gather3A_380 = tpu.vector_load_idx %arg9[%add3A_379, %broadcast_in_dim3A_25] : memref<80x8xf32, #tpu.memory_space<vmem>>[vector<16xi32>, vector<16xi32>], vector<16xf32>,
      %gather3A_381 = tpu.vector_load_idx %arg11[%add3A_379, %broadcast_in_dim3A_27] : memref<80x8xf32, #tpu.memory_space<vmem>>[vector<16xi32>, vector<16xi32>], vector<16xf32>,
      %add3A_382 = arith.addf %gather3A_380, %gather3A_381 : vector<16xf32>
      %ge3A_383 = arith.constant 0.000000e+00 : f32
      %ge3A_384 = vector.broadcast %ge3A_383 : f32 to vector<16xf32>
      %ge3A_385 = arith.cmpf oge, %add3A_382, %ge3A_384 : vector<16xf32>
      %mul3A_386 = arith.constant 2.000000e-01 : f32
      %mul3A_387 = vector.broadcast %mul3A_386 : f32 to vector<16xf32>
      %mul3A_388 = arith.mulf %mul3A_387, %add3A_382 : vector<16xf32>
      %select_n3A_389 = arith.select %ge3A_385, %add3A_382, %mul3A_388 : vector<16xi1>, vector<16xf32>
      %exp3A_390 = math.exp %select_n3A_389 : vector<16xf32>
      %swap3A_391 = arith.constant 16 : index
      %swap3A_392 = tpu.vector_load %arg20[%swap3A_391] {strides = array<i32>} : memref<80xf32, #tpu.memory_space<vmem>>, vector<16xf32>,
      tpu.vector_store %arg20[%swap3A_391], %exp3A_390 {strides = array<i32>} : memref<80xf32, #tpu.memory_space<vmem>>, vector<16xf32>,
      %add3A_393 = arith.constant 32 : i32
      %add3A_394 = vector.broadcast %add3A_393 : i32 to vector<16xi32>
      %add3A_395 = arith.addi %iota3A, %add3A_394 : vector<16xi32>
      %gather3A_396 = tpu.vector_load_idx %arg9[%add3A_395, %broadcast_in_dim3A_25] : memref<80x8xf32, #tpu.memory_space<vmem>>[vector<16xi32>, vector<16xi32>], vector<16xf32>,
      %gather3A_397 = tpu.vector_load_idx %arg11[%add3A_395, %broadcast_in_dim3A_27] : memref<80x8xf32, #tpu.memory_space<vmem>>[vector<16xi32>, vector<16xi32>], vector<16xf32>,
      %add3A_398 = arith.addf %gather3A_396, %gather3A_397 : vector<16xf32>
      %ge3A_399 = arith.constant 0.000000e+00 : f32
      %ge3A_400 = vector.broadcast %ge3A_399 : f32 to vector<16xf32>
      %ge3A_401 = arith.cmpf oge, %add3A_398, %ge3A_400 : vector<16xf32>
      %mul3A_402 = arith.constant 2.000000e-01 : f32
      %mul3A_403 = vector.broadcast %mul3A_402 : f32 to vector<16xf32>
      %mul3A_404 = arith.mulf %mul3A_403, %add3A_398 : vector<16xf32>
      %select_n3A_405 = arith.select %ge3A_401, %add3A_398, %mul3A_404 : vector<16xi1>, vector<16xf32>
      %exp3A_406 = math.exp %select_n3A_405 : vector<16xf32>
      %swap3A_407 = arith.constant 32 : index
      %swap3A_408 = tpu.vector_load %arg20[%swap3A_407] {strides = array<i32>} : memref<80xf32, #tpu.memory_space<vmem>>, vector<16xf32>,
      tpu.vector_store %arg20[%swap3A_407], %exp3A_406 {strides = array<i32>} : memref<80xf32, #tpu.memory_space<vmem>>, vector<16xf32>,
      %add3A_409 = arith.constant 48 : i32
      %add3A_410 = vector.broadcast %add3A_409 : i32 to vector<16xi32>
      %add3A_411 = arith.addi %iota3A, %add3A_410 : vector<16xi32>
      %gather3A_412 = tpu.vector_load_idx %arg9[%add3A_411, %broadcast_in_dim3A_25] : memref<80x8xf32, #tpu.memory_space<vmem>>[vector<16xi32>, vector<16xi32>], vector<16xf32>,
      %gather3A_413 = tpu.vector_load_idx %arg11[%add3A_411, %broadcast_in_dim3A_27] : memref<80x8xf32, #tpu.memory_space<vmem>>[vector<16xi32>, vector<16xi32>], vector<16xf32>,
      %add3A_414 = arith.addf %gather3A_412, %gather3A_413 : vector<16xf32>
      %ge3A_415 = arith.constant 0.000000e+00 : f32
      %ge3A_416 = vector.broadcast %ge3A_415 : f32 to vector<16xf32>
      %ge3A_417 = arith.cmpf oge, %add3A_414, %ge3A_416 : vector<16xf32>
      %mul3A_418 = arith.constant 2.000000e-01 : f32
      %mul3A_419 = vector.broadcast %mul3A_418 : f32 to vector<16xf32>
      %mul3A_420 = arith.mulf %mul3A_419, %add3A_414 : vector<16xf32>
      %select_n3A_421 = arith.select %ge3A_417, %add3A_414, %mul3A_420 : vector<16xi1>, vector<16xf32>
      %exp3A_422 = math.exp %select_n3A_421 : vector<16xf32>
      %swap3A_423 = arith.constant 48 : index
      %swap3A_424 = tpu.vector_load %arg20[%swap3A_423] {strides = array<i32>} : memref<80xf32, #tpu.memory_space<vmem>>, vector<16xf32>,
      tpu.vector_store %arg20[%swap3A_423], %exp3A_422 {strides = array<i32>} : memref<80xf32, #tpu.memory_space<vmem>>, vector<16xf32>,
      %add3A_425 = arith.constant 64 : i32
      %add3A_426 = vector.broadcast %add3A_425 : i32 to vector<16xi32>
      %add3A_427 = arith.addi %iota3A, %add3A_426 : vector<16xi32>
      %gather3A_428 = tpu.vector_load_idx %arg9[%add3A_427, %broadcast_in_dim3A_25] : memref<80x8xf32, #tpu.memory_space<vmem>>[vector<16xi32>, vector<16xi32>], vector<16xf32>,
      %gather3A_429 = tpu.vector_load_idx %arg11[%add3A_427, %broadcast_in_dim3A_27] : memref<80x8xf32, #tpu.memory_space<vmem>>[vector<16xi32>, vector<16xi32>], vector<16xf32>,
      %add3A_430 = arith.addf %gather3A_428, %gather3A_429 : vector<16xf32>
      %ge3A_431 = arith.constant 0.000000e+00 : f32
      %ge3A_432 = vector.broadcast %ge3A_431 : f32 to vector<16xf32>
      %ge3A_433 = arith.cmpf oge, %add3A_430, %ge3A_432 : vector<16xf32>
      %mul3A_434 = arith.constant 2.000000e-01 : f32
      %mul3A_435 = vector.broadcast %mul3A_434 : f32 to vector<16xf32>
      %mul3A_436 = arith.mulf %mul3A_435, %add3A_430 : vector<16xf32>
      %select_n3A_437 = arith.select %ge3A_433, %add3A_430, %mul3A_436 : vector<16xi1>, vector<16xf32>
      %exp3A_438 = math.exp %select_n3A_437 : vector<16xf32>
      %swap3A_439 = arith.constant 64 : index
      %swap3A_440 = tpu.vector_load %arg20[%swap3A_439] {strides = array<i32>} : memref<80xf32, #tpu.memory_space<vmem>>, vector<16xf32>,
      tpu.vector_store %arg20[%swap3A_439], %exp3A_438 {strides = array<i32>} : memref<80xf32, #tpu.memory_space<vmem>>, vector<16xf32>,
      %scan3A_441 = arith.constant 0 : i32
      %scan3A_442 = arith.constant 0 : i32
      %scan3A_443 = arith.constant 80 : i32
      %scan3A_444 = arith.addi %scan3A_442, %scan3A_443 : i32
      %scan3A_445 = arith.constant 1 : i32
      %scan3A_446 = scf.for %scan3A_472 = %scan3A_442 to %scan3A_444 step %scan3A_445 iter_args(%scan3A_473 = %scan3A_441) -> (i32)  : i32 {
        %broadcast_in_dim3A_474 = vector.broadcast %scan3A_472 : i32 to vector<16xi32>
        %gather3A_475 = tpu.vector_load_idx %arg20[%broadcast_in_dim3A_474] : memref<80xf32, #tpu.memory_space<vmem>>[vector<16xi32>], vector<16xf32>,
        %get3A_476 = arith.index_cast %scan3A_472 : i32 to index
        %get3A_477 = arith.constant 0 : index
        %get3A_478 = tpu.vector_load %arg22[%get3A_476, %get3A_477] {strides = array<i32>} : memref<80x144xf32, #tpu.memory_space<vmem>>, vector<16xf32>,
        %mul3A_479 = arith.mulf %get3A_478, %gather3A_475 : vector<16xf32>
        %swap3A_480 = arith.index_cast %scan3A_472 : i32 to index
        %swap3A_481 = arith.constant 0 : index
        %swap3A_482 = tpu.vector_load %arg22[%swap3A_480, %swap3A_481] {strides = array<i32>} : memref<80x144xf32, #tpu.memory_space<vmem>>, vector<16xf32>,
        tpu.vector_store %arg22[%swap3A_480, %swap3A_481], %mul3A_479 {strides = array<i32>} : memref<80x144xf32, #tpu.memory_space<vmem>>, vector<16xf32>,
        %get3A_483 = arith.index_cast %scan3A_472 : i32 to index
        %get3A_484 = arith.constant 16 : index
        %get3A_485 = tpu.vector_load %arg22[%get3A_483, %get3A_484] {strides = array<i32>} : memref<80x144xf32, #tpu.memory_space<vmem>>, vector<16xf32>,
        %mul3A_486 = arith.mulf %get3A_485, %gather3A_475 : vector<16xf32>
        %swap3A_487 = arith.index_cast %scan3A_472 : i32 to index
        %swap3A_488 = arith.constant 16 : index
        %swap3A_489 = tpu.vector_load %arg22[%swap3A_487, %swap3A_488] {strides = array<i32>} : memref<80x144xf32, #tpu.memory_space<vmem>>, vector<16xf32>,
        tpu.vector_store %arg22[%swap3A_487, %swap3A_488], %mul3A_486 {strides = array<i32>} : memref<80x144xf32, #tpu.memory_space<vmem>>, vector<16xf32>,
        %get3A_490 = arith.index_cast %scan3A_472 : i32 to index
        %get3A_491 = arith.constant 32 : index
        %get3A_492 = tpu.vector_load %arg22[%get3A_490, %get3A_491] {strides = array<i32>} : memref<80x144xf32, #tpu.memory_space<vmem>>, vector<16xf32>,
        %mul3A_493 = arith.mulf %get3A_492, %gather3A_475 : vector<16xf32>
        %swap3A_494 = arith.index_cast %scan3A_472 : i32 to index
        %swap3A_495 = arith.constant 32 : index
        %swap3A_496 = tpu.vector_load %arg22[%swap3A_494, %swap3A_495] {strides = array<i32>} : memref<80x144xf32, #tpu.memory_space<vmem>>, vector<16xf32>,
        tpu.vector_store %arg22[%swap3A_494, %swap3A_495], %mul3A_493 {strides = array<i32>} : memref<80x144xf32, #tpu.memory_space<vmem>>, vector<16xf32>,
        %get3A_497 = arith.index_cast %scan3A_472 : i32 to index
        %get3A_498 = arith.constant 48 : index
        %get3A_499 = tpu.vector_load %arg22[%get3A_497, %get3A_498] {strides = array<i32>} : memref<80x144xf32, #tpu.memory_space<vmem>>, vector<16xf32>,
        %mul3A_500 = arith.mulf %get3A_499, %gather3A_475 : vector<16xf32>
        %swap3A_501 = arith.index_cast %scan3A_472 : i32 to index
        %swap3A_502 = arith.constant 48 : index
        %swap3A_503 = tpu.vector_load %arg22[%swap3A_501, %swap3A_502] {strides = array<i32>} : memref<80x144xf32, #tpu.memory_space<vmem>>, vector<16xf32>,
        tpu.vector_store %arg22[%swap3A_501, %swap3A_502], %mul3A_500 {strides = array<i32>} : memref<80x144xf32, #tpu.memory_space<vmem>>, vector<16xf32>,
        %get3A_504 = arith.index_cast %scan3A_472 : i32 to index
        %get3A_505 = arith.constant 64 : index
        %get3A_506 = tpu.vector_load %arg22[%get3A_504, %get3A_505] {strides = array<i32>} : memref<80x144xf32, #tpu.memory_space<vmem>>, vector<16xf32>,
        %mul3A_507 = arith.mulf %get3A_506, %gather3A_475 : vector<16xf32>
        %swap3A_508 = arith.index_cast %scan3A_472 : i32 to index
        %swap3A_509 = arith.constant 64 : index
        %swap3A_510 = tpu.vector_load %arg22[%swap3A_508, %swap3A_509] {strides = array<i32>} : memref<80x144xf32, #tpu.memory_space<vmem>>, vector<16xf32>,
        tpu.vector_store %arg22[%swap3A_508, %swap3A_509], %mul3A_507 {strides = array<i32>} : memref<80x144xf32, #tpu.memory_space<vmem>>, vector<16xf32>,
        %get3A_511 = arith.index_cast %scan3A_472 : i32 to index
        %get3A_512 = arith.constant 80 : index
        %get3A_513 = tpu.vector_load %arg22[%get3A_511, %get3A_512] {strides = array<i32>} : memref<80x144xf32, #tpu.memory_space<vmem>>, vector<16xf32>,
        %mul3A_514 = arith.mulf %get3A_513, %gather3A_475 : vector<16xf32>
        %swap3A_515 = arith.index_cast %scan3A_472 : i32 to index
        %swap3A_516 = arith.constant 80 : index
        %swap3A_517 = tpu.vector_load %arg22[%swap3A_515, %swap3A_516] {strides = array<i32>} : memref<80x144xf32, #tpu.memory_space<vmem>>, vector<16xf32>,
        tpu.vector_store %arg22[%swap3A_515, %swap3A_516], %mul3A_514 {strides = array<i32>} : memref<80x144xf32, #tpu.memory_space<vmem>>, vector<16xf32>,
        %get3A_518 = arith.index_cast %scan3A_472 : i32 to index
        %get3A_519 = arith.constant 96 : index
        %get3A_520 = tpu.vector_load %arg22[%get3A_518, %get3A_519] {strides = array<i32>} : memref<80x144xf32, #tpu.memory_space<vmem>>, vector<16xf32>,
        %mul3A_521 = arith.mulf %get3A_520, %gather3A_475 : vector<16xf32>
        %swap3A_522 = arith.index_cast %scan3A_472 : i32 to index
        %swap3A_523 = arith.constant 96 : index
        %swap3A_524 = tpu.vector_load %arg22[%swap3A_522, %swap3A_523] {strides = array<i32>} : memref<80x144xf32, #tpu.memory_space<vmem>>, vector<16xf32>,
        tpu.vector_store %arg22[%swap3A_522, %swap3A_523], %mul3A_521 {strides = array<i32>} : memref<80x144xf32, #tpu.memory_space<vmem>>, vector<16xf32>,
        %get3A_525 = arith.index_cast %scan3A_472 : i32 to index
        %get3A_526 = arith.constant 112 : index
        %get3A_527 = tpu.vector_load %arg22[%get3A_525, %get3A_526] {strides = array<i32>} : memref<80x144xf32, #tpu.memory_space<vmem>>, vector<16xf32>,
        %mul3A_528 = arith.mulf %get3A_527, %gather3A_475 : vector<16xf32>
        %swap3A_529 = arith.index_cast %scan3A_472 : i32 to index
        %swap3A_530 = arith.constant 112 : index
        %swap3A_531 = tpu.vector_load %arg22[%swap3A_529, %swap3A_530] {strides = array<i32>} : memref<80x144xf32, #tpu.memory_space<vmem>>, vector<16xf32>,
        tpu.vector_store %arg22[%swap3A_529, %swap3A_530], %mul3A_528 {strides = array<i32>} : memref<80x144xf32, #tpu.memory_space<vmem>>, vector<16xf32>,
        %get3A_532 = arith.index_cast %scan3A_472 : i32 to index
        %get3A_533 = arith.constant 128 : index
        %get3A_534 = tpu.vector_load %arg22[%get3A_532, %get3A_533] {strides = array<i32>} : memref<80x144xf32, #tpu.memory_space<vmem>>, vector<16xf32>,
        %mul3A_535 = arith.mulf %get3A_534, %gather3A_475 : vector<16xf32>
        %swap3A_536 = arith.index_cast %scan3A_472 : i32 to index
        %swap3A_537 = arith.constant 128 : index
        %swap3A_538 = tpu.vector_load %arg22[%swap3A_536, %swap3A_537] {strides = array<i32>} : memref<80x144xf32, #tpu.memory_space<vmem>>, vector<16xf32>,
        tpu.vector_store %arg22[%swap3A_536, %swap3A_537], %mul3A_535 {strides = array<i32>} : memref<80x144xf32, #tpu.memory_space<vmem>>, vector<16xf32>,
        %scan3A_539 = arith.constant 0 : i32
        scf.yield %scan3A_539 : i32
      }
      %scan3A_447 = arith.constant 80 : i32
      %get3A_448 = arith.constant 0 : index
      %get3A_449 = tpu.vector_load %arg17[%get3A_448] {strides = array<i32>} : memref<80xi32, #tpu.memory_space<vmem>>, vector<16xi32>,
      %swap3A_450 = arith.constant 0 : index
      %swap3A_451 = tpu.vector_load %arg19[%swap3A_450] {strides = array<i32>} : memref<80xi32, #tpu.memory_space<vmem>>, vector<16xi32>,
      tpu.vector_store %arg19[%swap3A_450], %get3A_449 {strides = array<i32>} : memref<80xi32, #tpu.memory_space<vmem>>, vector<16xi32>,
      %get3A_452 = arith.constant 16 : index
      %get3A_453 = tpu.vector_load %arg17[%get3A_452] {strides = array<i32>} : memref<80xi32, #tpu.memory_space<vmem>>, vector<16xi32>,
      %swap3A_454 = arith.constant 16 : index
      %swap3A_455 = tpu.vector_load %arg19[%swap3A_454] {strides = array<i32>} : memref<80xi32, #tpu.memory_space<vmem>>, vector<16xi32>,
      tpu.vector_store %arg19[%swap3A_454], %get3A_453 {strides = array<i32>} : memref<80xi32, #tpu.memory_space<vmem>>, vector<16xi32>,
      %get3A_456 = arith.constant 32 : index
      %get3A_457 = tpu.vector_load %arg17[%get3A_456] {strides = array<i32>} : memref<80xi32, #tpu.memory_space<vmem>>, vector<16xi32>,
      %swap3A_458 = arith.constant 32 : index
      %swap3A_459 = tpu.vector_load %arg19[%swap3A_458] {strides = array<i32>} : memref<80xi32, #tpu.memory_space<vmem>>, vector<16xi32>,
      tpu.vector_store %arg19[%swap3A_458], %get3A_457 {strides = array<i32>} : memref<80xi32, #tpu.memory_space<vmem>>, vector<16xi32>,
      %get3A_460 = arith.constant 48 : index
      %get3A_461 = tpu.vector_load %arg17[%get3A_460] {strides = array<i32>} : memref<80xi32, #tpu.memory_space<vmem>>, vector<16xi32>,
      %swap3A_462 = arith.constant 48 : index
      %swap3A_463 = tpu.vector_load %arg19[%swap3A_462] {strides = array<i32>} : memref<80xi32, #tpu.memory_space<vmem>>, vector<16xi32>,
      tpu.vector_store %arg19[%swap3A_462], %get3A_461 {strides = array<i32>} : memref<80xi32, #tpu.memory_space<vmem>>, vector<16xi32>,
      %get3A_464 = arith.constant 64 : index
      %get3A_465 = tpu.vector_load %arg17[%get3A_464] {strides = array<i32>} : memref<80xi32, #tpu.memory_space<vmem>>, vector<16xi32>,
      %swap3A_466 = arith.constant 64 : index
      %swap3A_467 = tpu.vector_load %arg19[%swap3A_466] {strides = array<i32>} : memref<80xi32, #tpu.memory_space<vmem>>, vector<16xi32>,
      tpu.vector_store %arg19[%swap3A_466], %get3A_465 {strides = array<i32>} : memref<80xi32, #tpu.memory_space<vmem>>, vector<16xi32>,
      %dma_start3A_468 = arith.constant 0 : i32
      %dma_start3A_469 = arith.constant 0 : i32
      %dma_start3A_470 = tpu.memref_slice %arg23[%dma_start3A_468, %dma_start3A_469] : memref<10000x144xf32, #tpu.memory_space<vmem_shared>> -> memref<10000x144xf32, #tpu.memory_space<vmem_shared>>
      tpu.enqueue_indirect_dma source(%arg22 : memref<80x144xf32, #tpu.memory_space<vmem>>) target(%dma_start3A_470 : memref<10000x144xf32, #tpu.memory_space<vmem_shared>>) offsets(%arg19 : memref<80xi32, #tpu.memory_space<vmem>>) semaphore(%arg27 : memref<!tpu.dma_semaphore, #tpu.memory_space<semaphore_mem>>) {add = true}
      %scan3A_471 = arith.constant 0 : i32
      scf.yield %scan3A_471 : i32
    }
    %scan3A_86 = arith.constant 125 : i32
    %dma_wait3A = arith.constant 0 : i32
    %dma_wait3A_87 = arith.constant 0 : i32
    %dma_wait3A_88 = tpu.memref_slice %arg2[%dma_wait3A, %dma_wait3A_87] : memref<20000x144xf32, #tpu.memory_space<hbm>> -> memref<20000x144xf32, #tpu.memory_space<hbm>>
    tpu.wait_indirect_dma semaphore(%arg24 : memref<!tpu.dma_semaphore, #tpu.memory_space<semaphore_mem>>) src(%dma_wait3A_88 : memref<20000x144xf32, #tpu.memory_space<hbm>>) dst(%arg21 : memref<80x144xf32, #tpu.memory_space<vmem>>)
    %dma_wait3A_89 = arith.constant 0 : i32
    %dma_wait3A_90 = arith.constant 0 : i32
    %dma_wait3A_91 = tpu.memref_slice %arg5[%dma_wait3A_89, %dma_wait3A_90] : memref<10000x8xf32, #tpu.memory_space<hbm>> -> memref<10000x8xf32, #tpu.memory_space<hbm>>
    tpu.wait_indirect_dma semaphore(%arg24 : memref<!tpu.dma_semaphore, #tpu.memory_space<semaphore_mem>>) src(%dma_wait3A_91 : memref<10000x8xf32, #tpu.memory_space<hbm>>) dst(%arg8 : memref<80x8xf32, #tpu.memory_space<vmem>>)
    %dma_wait3A_92 = arith.constant 0 : i32
    %dma_wait3A_93 = arith.constant 0 : i32
    %dma_wait3A_94 = tpu.memref_slice %arg5[%dma_wait3A_92, %dma_wait3A_93] : memref<10000x8xf32, #tpu.memory_space<hbm>> -> memref<10000x8xf32, #tpu.memory_space<hbm>>
    tpu.wait_indirect_dma semaphore(%arg24 : memref<!tpu.dma_semaphore, #tpu.memory_space<semaphore_mem>>) src(%dma_wait3A_94 : memref<10000x8xf32, #tpu.memory_space<hbm>>) dst(%arg10 : memref<80x8xf32, #tpu.memory_space<vmem>>)
    %dma_wait3A_95 = arith.constant 0 : i32
    %dma_wait3A_96 = arith.constant 0 : i32
    %dma_wait3A_97 = tpu.memref_slice %arg23[%dma_wait3A_95, %dma_wait3A_96] : memref<10000x144xf32, #tpu.memory_space<vmem_shared>> -> memref<10000x144xf32, #tpu.memory_space<vmem_shared>>
    tpu.wait_indirect_dma semaphore(%arg27 : memref<!tpu.dma_semaphore, #tpu.memory_space<semaphore_mem>>) src(%arg22 : memref<80x144xf32, #tpu.memory_space<vmem>>) dst(%dma_wait3A_97 : memref<10000x144xf32, #tpu.memory_space<vmem_shared>>)
    %barrier3A_98 = arith.constant 0 : index
    tpu.barrier barrier_id(%barrier3A_98)
    %eq3A = arith.constant 0 : i32
    %eq3A_99 = arith.cmpi eq, %arg0, %eq3A : i32
    %convert_element_type3A = arith.extui %eq3A_99 : i1 to i32
    %cond3A = arith.constant 0 : i32
    %cond3A_100 = arith.cmpi ne, %convert_element_type3A, %cond3A : i32
    scf.if %cond3A_100 {
      "tpu.region"() ({
        %run_scoped3A = tpu.sem_alloc : memref<!tpu.dma_semaphore, #tpu.memory_space<semaphore_mem>>
        %dma_start3A_106 = arith.constant 0 : i32
        %dma_start3A_107 = tpu.memref_slice %arg6[%multiple_of3A, %dma_start3A_106] : memref<10000x144xf32, #tpu.memory_space<hbm>> -> memref<625x144xf32, #tpu.memory_space<hbm>>
        %dma_start3A_108 = arith.constant 0 : i32
        %dma_start3A_109 = tpu.memref_slice %arg23[%multiple_of3A, %dma_start3A_108] : memref<10000x144xf32, #tpu.memory_space<vmem_shared>> -> memref<625x144xf32, #tpu.memory_space<vmem_shared>>
        tpu.enqueue_dma source(%dma_start3A_109 : memref<625x144xf32, #tpu.memory_space<vmem_shared>>) target(%dma_start3A_107 : memref<625x144xf32, #tpu.memory_space<hbm>>) target_semaphore(%run_scoped3A : memref<!tpu.dma_semaphore, #tpu.memory_space<semaphore_mem>>)
        %dma_wait3A_110 = arith.constant 0 : i32
        %dma_wait3A_111 = tpu.memref_slice %arg6[%multiple_of3A, %dma_wait3A_110] : memref<10000x144xf32, #tpu.memory_space<hbm>> -> memref<625x144xf32, #tpu.memory_space<hbm>>
        %dma_wait3A_112 = arith.constant 0 : i32
        %dma_wait3A_113 = tpu.memref_slice %arg23[%multiple_of3A, %dma_wait3A_112] : memref<10000x144xf32, #tpu.memory_space<vmem_shared>> -> memref<625x144xf32, #tpu.memory_space<vmem_shared>>
        tpu.wait_dma2 semaphore(%run_scoped3A : memref<!tpu.dma_semaphore, #tpu.memory_space<semaphore_mem>>) src(%dma_wait3A_113 : memref<625x144xf32, #tpu.memory_space<vmem_shared>>) dst(%dma_wait3A_111 : memref<625x144xf32, #tpu.memory_space<hbm>>)
        tpu.yield
      }) : () -> ()
    } else {
    }
    %eq3A_101 = arith.constant 1 : i32
    %eq3A_102 = arith.cmpi eq, %arg0, %eq3A_101 : i32
    %convert_element_type3A_103 = arith.extui %eq3A_102 : i1 to i32
    %cond3A_104 = arith.constant 0 : i32
    %cond3A_105 = arith.cmpi ne, %convert_element_type3A_103, %cond3A_104 : i32
    scf.if %cond3A_105 {
      "tpu.region"() ({
        %run_scoped3A = tpu.sem_alloc : memref<!tpu.dma_semaphore, #tpu.memory_space<semaphore_mem>>
        %dma_start3A_106 = arith.constant 0 : i32
        %dma_start3A_107 = tpu.memref_slice %arg7[%multiple_of3A, %dma_start3A_106] : memref<10000x144xf32, #tpu.memory_space<hbm>> -> memref<625x144xf32, #tpu.memory_space<hbm>>
        %dma_start3A_108 = arith.constant 0 : i32
        %dma_start3A_109 = tpu.memref_slice %arg23[%multiple_of3A, %dma_start3A_108] : memref<10000x144xf32, #tpu.memory_space<vmem_shared>> -> memref<625x144xf32, #tpu.memory_space<vmem_shared>>
        tpu.enqueue_dma source(%dma_start3A_109 : memref<625x144xf32, #tpu.memory_space<vmem_shared>>) target(%dma_start3A_107 : memref<625x144xf32, #tpu.memory_space<hbm>>) target_semaphore(%run_scoped3A : memref<!tpu.dma_semaphore, #tpu.memory_space<semaphore_mem>>)
        %dma_wait3A_110 = arith.constant 0 : i32
        %dma_wait3A_111 = tpu.memref_slice %arg7[%multiple_of3A, %dma_wait3A_110] : memref<10000x144xf32, #tpu.memory_space<hbm>> -> memref<625x144xf32, #tpu.memory_space<hbm>>
        %dma_wait3A_112 = arith.constant 0 : i32
        %dma_wait3A_113 = tpu.memref_slice %arg23[%multiple_of3A, %dma_wait3A_112] : memref<10000x144xf32, #tpu.memory_space<vmem_shared>> -> memref<625x144xf32, #tpu.memory_space<vmem_shared>>
        tpu.wait_dma2 semaphore(%run_scoped3A : memref<!tpu.dma_semaphore, #tpu.memory_space<semaphore_mem>>) src(%dma_wait3A_113 : memref<625x144xf32, #tpu.memory_space<vmem_shared>>) dst(%dma_wait3A_111 : memref<625x144xf32, #tpu.memory_space<hbm>>)
        tpu.yield
      }) : () -> ()
    } else {
    }
    return
  }
}

module attributes {stable_mosaic.version = 14 : i64} {
  func.func @_prep_body(%arg0: i32, %arg1: memref<400x128xf32, #tpu.memory_space<vmem>>, %arg2: memref<128x256xf32, #tpu.memory_space<vmem>>, %arg3: memref<256x1xf32, #tpu.memory_space<vmem>>, %arg4: memref<256x1xf32, #tpu.memory_space<vmem>>, %arg5: memref<400x144xf32, #tpu.memory_space<vmem>>, %arg6: memref<400x144xf32, #tpu.memory_space<vmem>>, %arg7: memref<400x8xf32, #tpu.memory_space<vmem>>) attributes {dimension_semantics = [#tpu.dimension_semantics<arbitrary>], iteration_bounds = array<i64: 25>, scalar_prefetch = 0 : i64, scratch_operands = 0 : i64, tpu.core_type = #tpu.core_type<tc>, window_params = [{transform_indices = @transform_0, window_bounds = array<i64: 400, 128>}, {pipeline_mode = #tpu.pipeline_mode<synchronous>, transform_indices = @transform_1, window_bounds = array<i64: 128, 256>}, {pipeline_mode = #tpu.pipeline_mode<synchronous>, transform_indices = @transform_2, window_bounds = array<i64: 256, 1>}, {pipeline_mode = #tpu.pipeline_mode<synchronous>, transform_indices = @transform_3, window_bounds = array<i64: 256, 1>}, {transform_indices = @transform_4, window_bounds = array<i64: 400, 144>}, {transform_indices = @transform_5, window_bounds = array<i64: 400, 144>}, {transform_indices = @transform_6, window_bounds = array<i64: 400, 8>}]} {
    %get3A = arith.constant 0 : index
    %get3A_0 = arith.constant 0 : index
    %get3A_1 = vector.load %arg1[%get3A, %get3A_0] : memref<400x128xf32, #tpu.memory_space<vmem>>, vector<400x128xf32>
    %get3A_2 = arith.constant 0 : index
    %get3A_3 = arith.constant 0 : index
    %get3A_4 = vector.load %arg2[%get3A_2, %get3A_3] : memref<128x256xf32, #tpu.memory_space<vmem>>, vector<128x256xf32>
    %dot_general3A = arith.constant dense<0.000000e+00> : vector<400x256xf32>
    %dot_general3A_5 = tpu.matmul %get3A_1, %get3A_4, %dot_general3A {dimension_numbers = #tpu.dot_dimension_numbers<[1], [0], [0], [1], [0, 0, 1, 1], [], []>, transpose_lhs_hint = false} : vector<400x128xf32>, vector<128x256xf32>, vector<400x256xf32> -> vector<400x256xf32>
    %get3A_6 = arith.constant 0 : index
    %get3A_7 = arith.constant 0 : index
    %get3A_8 = vector.load %arg3[%get3A_6, %get3A_7] : memref<256x1xf32, #tpu.memory_space<vmem>>, vector<256x1xf32>
    %dot_general3A_9 = arith.constant dense<0.000000e+00> : vector<400x1xf32>
    %dot_general3A_10 = tpu.matmul %dot_general3A_5, %get3A_8, %dot_general3A_9 {dimension_numbers = #tpu.dot_dimension_numbers<[1], [0], [0], [1], [0, 0, 1, 1], [], []>, transpose_lhs_hint = false} : vector<400x256xf32>, vector<256x1xf32>, vector<400x1xf32> -> vector<400x1xf32>
    %get3A_11 = arith.constant 0 : index
    %get3A_12 = arith.constant 0 : index
    %get3A_13 = vector.load %arg4[%get3A_11, %get3A_12] : memref<256x1xf32, #tpu.memory_space<vmem>>, vector<256x1xf32>
    %dot_general3A_14 = arith.constant dense<0.000000e+00> : vector<400x1xf32>
    %dot_general3A_15 = tpu.matmul %dot_general3A_5, %get3A_13, %dot_general3A_14 {dimension_numbers = #tpu.dot_dimension_numbers<[1], [0], [0], [1], [0, 0, 1, 1], [], []>, transpose_lhs_hint = false} : vector<400x256xf32>, vector<256x1xf32>, vector<400x1xf32> -> vector<400x1xf32>
    %iota3A = tpu.iota {dimensions = array<i32: 1>} : vector<400x16xi32>
    %eq3A = arith.constant 0 : i32
    %eq3A_16 = vector.broadcast %eq3A : i32 to vector<400x16xi32>
    %eq3A_17 = arith.cmpi eq, %iota3A, %eq3A_16 : vector<400x16xi32>
    %jit3A = arith.constant 1.000000e+00 : f32
    %jit3A_18 = arith.constant 0.000000e+00 : f32
    %broadcast_in_dim3A = vector.broadcast %jit3A : f32 to vector<400x16xf32>
    %broadcast_in_dim3A_19 = vector.broadcast %jit3A_18 : f32 to vector<400x16xf32>
    %select_n3A = arith.select %eq3A_17, %broadcast_in_dim3A, %broadcast_in_dim3A_19 : vector<400x16xi1>, vector<400x16xf32>
    %slice3A = vector.extract_strided_slice %dot_general3A_5 {offsets = [0, 0], sizes = [400, 128], strides = [1, 1]} : vector<400x256xf32> to vector<400x128xf32>
    %swap3A = arith.constant 0 : index
    %swap3A_20 = arith.constant 0 : index
    %swap3A_21 = vector.load %arg5[%swap3A, %swap3A_20] : memref<400x144xf32, #tpu.memory_space<vmem>>, vector<400x128xf32>
    tpu.vector_store %arg5[%swap3A, %swap3A_20], %slice3A {strides = array<i32>} : memref<400x144xf32, #tpu.memory_space<vmem>>, vector<400x128xf32>,
    %swap3A_22 = arith.constant 0 : index
    %swap3A_23 = arith.constant 128 : index
    %swap3A_24 = vector.load %arg5[%swap3A_22, %swap3A_23] : memref<400x144xf32, #tpu.memory_space<vmem>>, vector<400x16xf32>
    tpu.vector_store %arg5[%swap3A_22, %swap3A_23], %select_n3A {strides = array<i32>} : memref<400x144xf32, #tpu.memory_space<vmem>>, vector<400x16xf32>,
    %slice3A_25 = vector.extract_strided_slice %dot_general3A_5 {offsets = [0, 128], sizes = [400, 128], strides = [1, 1]} : vector<400x256xf32> to vector<400x128xf32>
    %swap3A_26 = arith.constant 0 : index
    %swap3A_27 = arith.constant 0 : index
    %swap3A_28 = vector.load %arg6[%swap3A_26, %swap3A_27] : memref<400x144xf32, #tpu.memory_space<vmem>>, vector<400x128xf32>
    tpu.vector_store %arg6[%swap3A_26, %swap3A_27], %slice3A_25 {strides = array<i32>} : memref<400x144xf32, #tpu.memory_space<vmem>>, vector<400x128xf32>,
    %swap3A_29 = arith.constant 0 : index
    %swap3A_30 = arith.constant 128 : index
    %swap3A_31 = vector.load %arg6[%swap3A_29, %swap3A_30] : memref<400x144xf32, #tpu.memory_space<vmem>>, vector<400x16xf32>
    tpu.vector_store %arg6[%swap3A_29, %swap3A_30], %select_n3A {strides = array<i32>} : memref<400x144xf32, #tpu.memory_space<vmem>>, vector<400x16xf32>,
    %iota3A_32 = tpu.iota {dimensions = array<i32: 1>} : vector<400x8xi32>
    %eq3A_33 = arith.constant 0 : i32
    %eq3A_34 = vector.broadcast %eq3A_33 : i32 to vector<400x8xi32>
    %eq3A_35 = arith.cmpi eq, %iota3A_32, %eq3A_34 : vector<400x8xi32>
    %eq3A_36 = arith.constant 1 : i32
    %eq3A_37 = vector.broadcast %eq3A_36 : i32 to vector<400x8xi32>
    %eq3A_38 = arith.cmpi eq, %iota3A_32, %eq3A_37 : vector<400x8xi32>
    %jit3A_39 = arith.constant 0.000000e+00 : f32
    %broadcast_in_dim3A_40 = vector.shape_cast %dot_general3A_15 : vector<400x1xf32> to vector<400x1xf32>
    %broadcast_in_dim3A_41 = vector.broadcast %broadcast_in_dim3A_40 : vector<400x1xf32> to vector<400x8xf32>
    %broadcast_in_dim3A_42 = vector.broadcast %jit3A_39 : f32 to vector<400x8xf32>
    %select_n3A_43 = arith.select %eq3A_38, %broadcast_in_dim3A_41, %broadcast_in_dim3A_42 : vector<400x8xi1>, vector<400x8xf32>
    %broadcast_in_dim3A_44 = vector.shape_cast %dot_general3A_10 : vector<400x1xf32> to vector<400x1xf32>
    %broadcast_in_dim3A_45 = vector.broadcast %broadcast_in_dim3A_44 : vector<400x1xf32> to vector<400x8xf32>
    %select_n3A_46 = arith.select %eq3A_35, %broadcast_in_dim3A_45, %select_n3A_43 : vector<400x8xi1>, vector<400x8xf32>
    %swap3A_47 = arith.constant 0 : index
    %swap3A_48 = arith.constant 0 : index
    %swap3A_49 = vector.load %arg7[%swap3A_47, %swap3A_48] : memref<400x8xf32, #tpu.memory_space<vmem>>, vector<400x8xf32>
    tpu.vector_store %arg7[%swap3A_47, %swap3A_48], %select_n3A_46 {strides = array<i32>} : memref<400x8xf32, #tpu.memory_space<vmem>>, vector<400x8xf32>,
    return
  }
  func.func @transform_0(%arg0: i32) -> (i32, i32) {
    %c0_i32 = arith.constant 0 : i32
    %c0_i32_0 = arith.constant 0 : i32
    return %arg0, %c0_i32 : i32, i32
  }
  func.func @transform_1(%arg0: i32) -> (i32, i32) {
    %c0_i32 = arith.constant 0 : i32
    %c0_i32_0 = arith.constant 0 : i32
    %c0_i32_1 = arith.constant 0 : i32
    return %c0_i32, %c0_i32_0 : i32, i32
  }
  func.func @transform_2(%arg0: i32) -> (i32, i32) {
    %c0_i32 = arith.constant 0 : i32
    %c0_i32_0 = arith.constant 0 : i32
    %c0_i32_1 = arith.constant 0 : i32
    return %c0_i32, %c0_i32_0 : i32, i32
  }
  func.func @transform_3(%arg0: i32) -> (i32, i32) {
    %c0_i32 = arith.constant 0 : i32
    %c0_i32_0 = arith.constant 0 : i32
    %c0_i32_1 = arith.constant 0 : i32
    return %c0_i32, %c0_i32_0 : i32, i32
  }
  func.func @transform_4(%arg0: i32) -> (i32, i32) {
    %c0_i32 = arith.constant 0 : i32
    %c0_i32_0 = arith.constant 0 : i32
    return %arg0, %c0_i32 : i32, i32
  }
  func.func @transform_5(%arg0: i32) -> (i32, i32) {
    %c0_i32 = arith.constant 0 : i32
    %c0_i32_0 = arith.constant 0 : i32
    return %arg0, %c0_i32 : i32, i32
  }
  func.func @transform_6(%arg0: i32) -> (i32, i32) {
    %c0_i32 = arith.constant 0 : i32
    %c0_i32_0 = arith.constant 0 : i32
    return %arg0, %c0_i32 : i32, i32
  }
}

module attributes {stable_mosaic.version = 14 : i64} {
  func.func @_norm_body(%arg0: i32, %arg1: memref<400x144xf32, #tpu.memory_space<vmem>>, %arg2: memref<400x144xf32, #tpu.memory_space<vmem>>, %arg3: memref<400x144xf32, #tpu.memory_space<vmem>>, %arg4: memref<400x144xf32, #tpu.memory_space<vmem>>, %arg5: memref<400x8xf32, #tpu.memory_space<vmem>>, %arg6: memref<1x256xf32, #tpu.memory_space<vmem>>, %arg7: memref<256x256xf32, #tpu.memory_space<vmem>>, %arg8: memref<256x1xf32, #tpu.memory_space<vmem>>, %arg9: memref<256x1xf32, #tpu.memory_space<vmem>>, %arg10: memref<400x256xf32, #tpu.memory_space<vmem>>, %arg11: memref<400x144xf32, #tpu.memory_space<vmem>>, %arg12: memref<400x144xf32, #tpu.memory_space<vmem>>, %arg13: memref<400x8xf32, #tpu.memory_space<vmem>>) attributes {dimension_semantics = [#tpu.dimension_semantics<arbitrary>], iteration_bounds = array<i64: 25>, scalar_prefetch = 0 : i64, scratch_operands = 0 : i64, tpu.core_type = #tpu.core_type<tc>, window_params = [{transform_indices = @transform_0, window_bounds = array<i64: 400, 144>}, {transform_indices = @transform_1, window_bounds = array<i64: 400, 144>}, {transform_indices = @transform_2, window_bounds = array<i64: 400, 144>}, {transform_indices = @transform_3, window_bounds = array<i64: 400, 144>}, {transform_indices = @transform_4, window_bounds = array<i64: 400, 8>}, {pipeline_mode = #tpu.pipeline_mode<synchronous>, transform_indices = @transform_5, window_bounds = array<i64: 1, 256>}, {pipeline_mode = #tpu.pipeline_mode<synchronous>, transform_indices = @transform_6, window_bounds = array<i64: 256, 256>}, {pipeline_mode = #tpu.pipeline_mode<synchronous>, transform_indices = @transform_7, window_bounds = array<i64: 256, 1>}, {pipeline_mode = #tpu.pipeline_mode<synchronous>, transform_indices = @transform_8, window_bounds = array<i64: 256, 1>}, {transform_indices = @transform_9, window_bounds = array<i64: 400, 256>}, {transform_indices = @transform_10, window_bounds = array<i64: 400, 144>}, {transform_indices = @transform_11, window_bounds = array<i64: 400, 144>}, {transform_indices = @transform_12, window_bounds = array<i64: 400, 8>}]} {
    %get3A = arith.constant 0 : index
    %get3A_0 = arith.constant 0 : index
    %get3A_1 = vector.load %arg5[%get3A, %get3A_0] : memref<400x8xf32, #tpu.memory_space<vmem>>, vector<400x1xf32>
    %get3A_2 = arith.constant 0 : index
    %get3A_3 = arith.constant 1 : index
    %get3A_4 = vector.load %arg5[%get3A_2, %get3A_3] : memref<400x8xf32, #tpu.memory_space<vmem>>, vector<400x1xf32>
    %add3A = arith.addf %get3A_1, %get3A_4 : vector<400x1xf32>
    %ge3A = arith.constant 0.000000e+00 : f32
    %ge3A_5 = vector.broadcast %ge3A : f32 to vector<400x1xf32>
    %ge3A_6 = arith.cmpf oge, %add3A, %ge3A_5 : vector<400x1xf32>
    %mul3A = arith.constant 2.000000e-01 : f32
    %mul3A_7 = vector.broadcast %mul3A : f32 to vector<400x1xf32>
    %mul3A_8 = arith.mulf %mul3A_7, %add3A : vector<400x1xf32>
    %select_n3A = arith.select %ge3A_6, %add3A, %mul3A_8 : vector<400x1xi1>, vector<400x1xf32>
    %exp3A = math.exp %select_n3A : vector<400x1xf32>
    %get3A_9 = arith.constant 0 : index
    %get3A_10 = arith.constant 128 : index
    %get3A_11 = vector.load %arg1[%get3A_9, %get3A_10] : memref<400x144xf32, #tpu.memory_space<vmem>>, vector<400x1xf32>
    %add3A_12 = arith.addf %get3A_11, %exp3A : vector<400x1xf32>
    %add3A_13 = arith.constant 1.000000e-16 : f32
    %add3A_14 = vector.broadcast %add3A_13 : f32 to vector<400x1xf32>
    %add3A_15 = arith.addf %add3A_12, %add3A_14 : vector<400x1xf32>
    %get3A_16 = arith.constant 0 : index
    %get3A_17 = arith.constant 0 : index
    %get3A_18 = vector.load %arg1[%get3A_16, %get3A_17] : memref<400x144xf32, #tpu.memory_space<vmem>>, vector<400x128xf32>
    %get3A_19 = arith.constant 0 : index
    %get3A_20 = arith.constant 0 : index
    %get3A_21 = vector.load %arg3[%get3A_19, %get3A_20] : memref<400x144xf32, #tpu.memory_space<vmem>>, vector<400x128xf32>
    %mul3A_22 = vector.broadcast %exp3A : vector<400x1xf32> to vector<400x128xf32>
    %mul3A_23 = arith.mulf %mul3A_22, %get3A_21 : vector<400x128xf32>
    %add3A_24 = arith.addf %get3A_18, %mul3A_23 : vector<400x128xf32>
    %div3A = vector.broadcast %add3A_15 : vector<400x1xf32> to vector<400x128xf32>
    %div3A_25 = arith.divf %add3A_24, %div3A : vector<400x128xf32>
    %get3A_26 = arith.constant 0 : index
    %get3A_27 = arith.constant 0 : index
    %get3A_28 = vector.load %arg6[%get3A_26, %get3A_27] : memref<1x256xf32, #tpu.memory_space<vmem>>, vector<1x128xf32>
    %add3A_29 = vector.broadcast %get3A_28 : vector<1x128xf32> to vector<400x128xf32>
    %add3A_30 = arith.addf %div3A_25, %add3A_29 : vector<400x128xf32>
    %get3A_31 = arith.constant 0 : index
    %get3A_32 = arith.constant 0 : index
    %get3A_33 = vector.load %arg2[%get3A_31, %get3A_32] : memref<400x144xf32, #tpu.memory_space<vmem>>, vector<400x128xf32>
    %get3A_34 = arith.constant 0 : index
    %get3A_35 = arith.constant 0 : index
    %get3A_36 = vector.load %arg4[%get3A_34, %get3A_35] : memref<400x144xf32, #tpu.memory_space<vmem>>, vector<400x128xf32>
    %mul3A_37 = vector.broadcast %exp3A : vector<400x1xf32> to vector<400x128xf32>
    %mul3A_38 = arith.mulf %mul3A_37, %get3A_36 : vector<400x128xf32>
    %add3A_39 = arith.addf %get3A_33, %mul3A_38 : vector<400x128xf32>
    %div3A_40 = vector.broadcast %add3A_15 : vector<400x1xf32> to vector<400x128xf32>
    %div3A_41 = arith.divf %add3A_39, %div3A_40 : vector<400x128xf32>
    %get3A_42 = arith.constant 0 : index
    %get3A_43 = arith.constant 128 : index
    %get3A_44 = vector.load %arg6[%get3A_42, %get3A_43] : memref<1x256xf32, #tpu.memory_space<vmem>>, vector<1x128xf32>
    %add3A_45 = vector.broadcast %get3A_44 : vector<1x128xf32> to vector<400x128xf32>
    %add3A_46 = arith.addf %div3A_41, %add3A_45 : vector<400x128xf32>
    %concatenate3A = tpu.concatenate %add3A_30, %add3A_46 in 1 : vector<400x128xf32>, vector<400x128xf32> -> vector<400x256xf32>
    %max3A = arith.constant 0.000000e+00 : f32
    %max3A_47 = vector.broadcast %max3A : f32 to vector<400x256xf32>
    %max3A_48 = arith.maximumf %concatenate3A, %max3A_47 : vector<400x256xf32>
    %swap3A = arith.constant 0 : index
    %swap3A_49 = arith.constant 0 : index
    %swap3A_50 = vector.load %arg10[%swap3A, %swap3A_49] : memref<400x256xf32, #tpu.memory_space<vmem>>, vector<400x256xf32>
    tpu.vector_store %arg10[%swap3A, %swap3A_49], %max3A_48 {strides = array<i32>} : memref<400x256xf32, #tpu.memory_space<vmem>>, vector<400x256xf32>,
    %get3A_51 = arith.constant 0 : index
    %get3A_52 = arith.constant 0 : index
    %get3A_53 = vector.load %arg7[%get3A_51, %get3A_52] : memref<256x256xf32, #tpu.memory_space<vmem>>, vector<256x256xf32>
    %dot_general3A = arith.constant dense<0.000000e+00> : vector<400x256xf32>
    %dot_general3A_54 = tpu.matmul %max3A_48, %get3A_53, %dot_general3A {dimension_numbers = #tpu.dot_dimension_numbers<[1], [0], [0], [1], [0, 0, 1, 1], [], []>, transpose_lhs_hint = false} : vector<400x256xf32>, vector<256x256xf32>, vector<400x256xf32> -> vector<400x256xf32>
    %get3A_55 = arith.constant 0 : index
    %get3A_56 = arith.constant 0 : index
    %get3A_57 = vector.load %arg8[%get3A_55, %get3A_56] : memref<256x1xf32, #tpu.memory_space<vmem>>, vector<256x1xf32>
    %dot_general3A_58 = arith.constant dense<0.000000e+00> : vector<400x1xf32>
    %dot_general3A_59 = tpu.matmul %dot_general3A_54, %get3A_57, %dot_general3A_58 {dimension_numbers = #tpu.dot_dimension_numbers<[1], [0], [0], [1], [0, 0, 1, 1], [], []>, transpose_lhs_hint = false} : vector<400x256xf32>, vector<256x1xf32>, vector<400x1xf32> -> vector<400x1xf32>
    %get3A_60 = arith.constant 0 : index
    %get3A_61 = arith.constant 0 : index
    %get3A_62 = vector.load %arg9[%get3A_60, %get3A_61] : memref<256x1xf32, #tpu.memory_space<vmem>>, vector<256x1xf32>
    %dot_general3A_63 = arith.constant dense<0.000000e+00> : vector<400x1xf32>
    %dot_general3A_64 = tpu.matmul %dot_general3A_54, %get3A_62, %dot_general3A_63 {dimension_numbers = #tpu.dot_dimension_numbers<[1], [0], [0], [1], [0, 0, 1, 1], [], []>, transpose_lhs_hint = false} : vector<400x256xf32>, vector<256x1xf32>, vector<400x1xf32> -> vector<400x1xf32>
    %iota3A = tpu.iota {dimensions = array<i32: 1>} : vector<400x16xi32>
    %eq3A = arith.constant 0 : i32
    %eq3A_65 = vector.broadcast %eq3A : i32 to vector<400x16xi32>
    %eq3A_66 = arith.cmpi eq, %iota3A, %eq3A_65 : vector<400x16xi32>
    %jit3A = arith.constant 1.000000e+00 : f32
    %jit3A_67 = arith.constant 0.000000e+00 : f32
    %broadcast_in_dim3A = vector.broadcast %jit3A : f32 to vector<400x16xf32>
    %broadcast_in_dim3A_68 = vector.broadcast %jit3A_67 : f32 to vector<400x16xf32>
    %select_n3A_69 = arith.select %eq3A_66, %broadcast_in_dim3A, %broadcast_in_dim3A_68 : vector<400x16xi1>, vector<400x16xf32>
    %slice3A = vector.extract_strided_slice %dot_general3A_54 {offsets = [0, 0], sizes = [400, 128], strides = [1, 1]} : vector<400x256xf32> to vector<400x128xf32>
    %swap3A_70 = arith.constant 0 : index
    %swap3A_71 = arith.constant 0 : index
    %swap3A_72 = vector.load %arg11[%swap3A_70, %swap3A_71] : memref<400x144xf32, #tpu.memory_space<vmem>>, vector<400x128xf32>
    tpu.vector_store %arg11[%swap3A_70, %swap3A_71], %slice3A {strides = array<i32>} : memref<400x144xf32, #tpu.memory_space<vmem>>, vector<400x128xf32>,
    %swap3A_73 = arith.constant 0 : index
    %swap3A_74 = arith.constant 128 : index
    %swap3A_75 = vector.load %arg11[%swap3A_73, %swap3A_74] : memref<400x144xf32, #tpu.memory_space<vmem>>, vector<400x16xf32>
    tpu.vector_store %arg11[%swap3A_73, %swap3A_74], %select_n3A_69 {strides = array<i32>} : memref<400x144xf32, #tpu.memory_space<vmem>>, vector<400x16xf32>,
    %slice3A_76 = vector.extract_strided_slice %dot_general3A_54 {offsets = [0, 128], sizes = [400, 128], strides = [1, 1]} : vector<400x256xf32> to vector<400x128xf32>
    %swap3A_77 = arith.constant 0 : index
    %swap3A_78 = arith.constant 0 : index
    %swap3A_79 = vector.load %arg12[%swap3A_77, %swap3A_78] : memref<400x144xf32, #tpu.memory_space<vmem>>, vector<400x128xf32>
    tpu.vector_store %arg12[%swap3A_77, %swap3A_78], %slice3A_76 {strides = array<i32>} : memref<400x144xf32, #tpu.memory_space<vmem>>, vector<400x128xf32>,
    %swap3A_80 = arith.constant 0 : index
    %swap3A_81 = arith.constant 128 : index
    %swap3A_82 = vector.load %arg12[%swap3A_80, %swap3A_81] : memref<400x144xf32, #tpu.memory_space<vmem>>, vector<400x16xf32>
    tpu.vector_store %arg12[%swap3A_80, %swap3A_81], %select_n3A_69 {strides = array<i32>} : memref<400x144xf32, #tpu.memory_space<vmem>>, vector<400x16xf32>,
    %iota3A_83 = tpu.iota {dimensions = array<i32: 1>} : vector<400x8xi32>
    %eq3A_84 = arith.constant 0 : i32
    %eq3A_85 = vector.broadcast %eq3A_84 : i32 to vector<400x8xi32>
    %eq3A_86 = arith.cmpi eq, %iota3A_83, %eq3A_85 : vector<400x8xi32>
    %eq3A_87 = arith.constant 1 : i32
    %eq3A_88 = vector.broadcast %eq3A_87 : i32 to vector<400x8xi32>
    %eq3A_89 = arith.cmpi eq, %iota3A_83, %eq3A_88 : vector<400x8xi32>
    %jit3A_90 = arith.constant 0.000000e+00 : f32
    %broadcast_in_dim3A_91 = vector.shape_cast %dot_general3A_64 : vector<400x1xf32> to vector<400x1xf32>
    %broadcast_in_dim3A_92 = vector.broadcast %broadcast_in_dim3A_91 : vector<400x1xf32> to vector<400x8xf32>
    %broadcast_in_dim3A_93 = vector.broadcast %jit3A_90 : f32 to vector<400x8xf32>
    %select_n3A_94 = arith.select %eq3A_89, %broadcast_in_dim3A_92, %broadcast_in_dim3A_93 : vector<400x8xi1>, vector<400x8xf32>
    %broadcast_in_dim3A_95 = vector.shape_cast %dot_general3A_59 : vector<400x1xf32> to vector<400x1xf32>
    %broadcast_in_dim3A_96 = vector.broadcast %broadcast_in_dim3A_95 : vector<400x1xf32> to vector<400x8xf32>
    %select_n3A_97 = arith.select %eq3A_86, %broadcast_in_dim3A_96, %select_n3A_94 : vector<400x8xi1>, vector<400x8xf32>
    %swap3A_98 = arith.constant 0 : index
    %swap3A_99 = arith.constant 0 : index
    %swap3A_100 = vector.load %arg13[%swap3A_98, %swap3A_99] : memref<400x8xf32, #tpu.memory_space<vmem>>, vector<400x8xf32>
    tpu.vector_store %arg13[%swap3A_98, %swap3A_99], %select_n3A_97 {strides = array<i32>} : memref<400x8xf32, #tpu.memory_space<vmem>>, vector<400x8xf32>,
    return
  }
  func.func @transform_0(%arg0: i32) -> (i32, i32) {
    %c0_i32 = arith.constant 0 : i32
    %c0_i32_0 = arith.constant 0 : i32
    return %arg0, %c0_i32 : i32, i32
  }
  func.func @transform_1(%arg0: i32) -> (i32, i32) {
    %c0_i32 = arith.constant 0 : i32
    %c0_i32_0 = arith.constant 0 : i32
    return %arg0, %c0_i32 : i32, i32
  }
  func.func @transform_2(%arg0: i32) -> (i32, i32) {
    %c0_i32 = arith.constant 0 : i32
    %c0_i32_0 = arith.constant 0 : i32
    return %arg0, %c0_i32 : i32, i32
  }
  func.func @transform_3(%arg0: i32) -> (i32, i32) {
    %c0_i32 = arith.constant 0 : i32
    %c0_i32_0 = arith.constant 0 : i32
    return %arg0, %c0_i32 : i32, i32
  }
  func.func @transform_4(%arg0: i32) -> (i32, i32) {
    %c0_i32 = arith.constant 0 : i32
    %c0_i32_0 = arith.constant 0 : i32
    return %arg0, %c0_i32 : i32, i32
  }
  func.func @transform_5(%arg0: i32) -> (i32, i32) {
    %c0_i32 = arith.constant 0 : i32
    %c0_i32_0 = arith.constant 0 : i32
    %c0_i32_1 = arith.constant 0 : i32
    return %c0_i32, %c0_i32_0 : i32, i32
  }
  func.func @transform_6(%arg0: i32) -> (i32, i32) {
    %c0_i32 = arith.constant 0 : i32
    %c0_i32_0 = arith.constant 0 : i32
    %c0_i32_1 = arith.constant 0 : i32
    return %c0_i32, %c0_i32_0 : i32, i32
  }
  func.func @transform_7(%arg0: i32) -> (i32, i32) {
    %c0_i32 = arith.constant 0 : i32
    %c0_i32_0 = arith.constant 0 : i32
    %c0_i32_1 = arith.constant 0 : i32
    return %c0_i32, %c0_i32_0 : i32, i32
  }
  func.func @transform_8(%arg0: i32) -> (i32, i32) {
    %c0_i32 = arith.constant 0 : i32
    %c0_i32_0 = arith.constant 0 : i32
    %c0_i32_1 = arith.constant 0 : i32
    return %c0_i32, %c0_i32_0 : i32, i32
  }
  func.func @transform_9(%arg0: i32) -> (i32, i32) {
    %c0_i32 = arith.constant 0 : i32
    %c0_i32_0 = arith.constant 0 : i32
    return %arg0, %c0_i32 : i32, i32
  }
  func.func @transform_10(%arg0: i32) -> (i32, i32) {
    %c0_i32 = arith.constant 0 : i32
    %c0_i32_0 = arith.constant 0 : i32
    return %arg0, %c0_i32 : i32, i32
  }
  func.func @transform_11(%arg0: i32) -> (i32, i32) {
    %c0_i32 = arith.constant 0 : i32
    %c0_i32_0 = arith.constant 0 : i32
    return %arg0, %c0_i32 : i32, i32
  }
  func.func @transform_12(%arg0: i32) -> (i32, i32) {
    %c0_i32 = arith.constant 0 : i32
    %c0_i32_0 = arith.constant 0 : i32
    return %arg0, %c0_i32 : i32, i32
  }
}

module attributes {stable_mosaic.version = 14 : i64} {
  func.func @_final_body(%arg0: i32, %arg1: memref<400x144xf32, #tpu.memory_space<vmem>>, %arg2: memref<400x144xf32, #tpu.memory_space<vmem>>, %arg3: memref<400x144xf32, #tpu.memory_space<vmem>>, %arg4: memref<400x144xf32, #tpu.memory_space<vmem>>, %arg5: memref<400x8xf32, #tpu.memory_space<vmem>>, %arg6: memref<1x256xf32, #tpu.memory_space<vmem>>, %arg7: memref<400x256xf32, #tpu.memory_space<vmem>>, %arg8: memref<256x1024xf32, #tpu.memory_space<vmem>>, %arg9: memref<256x1024xf32, #tpu.memory_space<vmem>>, %arg10: memref<256x1024xf32, #tpu.memory_space<vmem>>, %arg11: memref<256x1024xf32, #tpu.memory_space<vmem>>, %arg12: memref<1x1024xf32, #tpu.memory_space<vmem>>, %arg13: memref<1x1024xf32, #tpu.memory_space<vmem>>, %arg14: memref<1x1024xf32, #tpu.memory_space<vmem>>, %arg15: memref<1x1024xf32, #tpu.memory_space<vmem>>, %arg16: memref<256x1xf32, #tpu.memory_space<vmem>>, %arg17: memref<256x1xf32, #tpu.memory_space<vmem>>, %arg18: memref<400x256xf32, #tpu.memory_space<vmem>>) attributes {dimension_semantics = [#tpu.dimension_semantics<arbitrary>], iteration_bounds = array<i64: 25>, scalar_prefetch = 0 : i64, scratch_operands = 0 : i64, tpu.core_type = #tpu.core_type<tc>, window_params = [{transform_indices = @transform_0, window_bounds = array<i64: 400, 144>}, {transform_indices = @transform_1, window_bounds = array<i64: 400, 144>}, {transform_indices = @transform_2, window_bounds = array<i64: 400, 144>}, {transform_indices = @transform_3, window_bounds = array<i64: 400, 144>}, {transform_indices = @transform_4, window_bounds = array<i64: 400, 8>}, {pipeline_mode = #tpu.pipeline_mode<synchronous>, transform_indices = @transform_5, window_bounds = array<i64: 1, 256>}, {transform_indices = @transform_6, window_bounds = array<i64: 400, 256>}, {pipeline_mode = #tpu.pipeline_mode<synchronous>, transform_indices = @transform_7, window_bounds = array<i64: 256, 1024>}, {pipeline_mode = #tpu.pipeline_mode<synchronous>, transform_indices = @transform_8, window_bounds = array<i64: 256, 1024>}, {pipeline_mode = #tpu.pipeline_mode<synchronous>, transform_indices = @transform_9, window_bounds = array<i64: 256, 1024>}, {pipeline_mode = #tpu.pipeline_mode<synchronous>, transform_indices = @transform_10, window_bounds = array<i64: 256, 1024>}, {pipeline_mode = #tpu.pipeline_mode<synchronous>, transform_indices = @transform_11, window_bounds = array<i64: 1, 1024>}, {pipeline_mode = #tpu.pipeline_mode<synchronous>, transform_indices = @transform_12, window_bounds = array<i64: 1, 1024>}, {pipeline_mode = #tpu.pipeline_mode<synchronous>, transform_indices = @transform_13, window_bounds = array<i64: 1, 1024>}, {pipeline_mode = #tpu.pipeline_mode<synchronous>, transform_indices = @transform_14, window_bounds = array<i64: 1, 1024>}, {pipeline_mode = #tpu.pipeline_mode<synchronous>, transform_indices = @transform_15, window_bounds = array<i64: 256, 1>}, {pipeline_mode = #tpu.pipeline_mode<synchronous>, transform_indices = @transform_16, window_bounds = array<i64: 256, 1>}, {transform_indices = @transform_17, window_bounds = array<i64: 400, 256>}]} {
    %get3A = arith.constant 0 : index
    %get3A_0 = arith.constant 0 : index
    %get3A_1 = vector.load %arg5[%get3A, %get3A_0] : memref<400x8xf32, #tpu.memory_space<vmem>>, vector<400x1xf32>
    %get3A_2 = arith.constant 0 : index
    %get3A_3 = arith.constant 1 : index
    %get3A_4 = vector.load %arg5[%get3A_2, %get3A_3] : memref<400x8xf32, #tpu.memory_space<vmem>>, vector<400x1xf32>
    %add3A = arith.addf %get3A_1, %get3A_4 : vector<400x1xf32>
    %ge3A = arith.constant 0.000000e+00 : f32
    %ge3A_5 = vector.broadcast %ge3A : f32 to vector<400x1xf32>
    %ge3A_6 = arith.cmpf oge, %add3A, %ge3A_5 : vector<400x1xf32>
    %mul3A = arith.constant 2.000000e-01 : f32
    %mul3A_7 = vector.broadcast %mul3A : f32 to vector<400x1xf32>
    %mul3A_8 = arith.mulf %mul3A_7, %add3A : vector<400x1xf32>
    %select_n3A = arith.select %ge3A_6, %add3A, %mul3A_8 : vector<400x1xi1>, vector<400x1xf32>
    %exp3A = math.exp %select_n3A : vector<400x1xf32>
    %get3A_9 = arith.constant 0 : index
    %get3A_10 = arith.constant 128 : index
    %get3A_11 = vector.load %arg1[%get3A_9, %get3A_10] : memref<400x144xf32, #tpu.memory_space<vmem>>, vector<400x1xf32>
    %add3A_12 = arith.addf %get3A_11, %exp3A : vector<400x1xf32>
    %add3A_13 = arith.constant 1.000000e-16 : f32
    %add3A_14 = vector.broadcast %add3A_13 : f32 to vector<400x1xf32>
    %add3A_15 = arith.addf %add3A_12, %add3A_14 : vector<400x1xf32>
    %get3A_16 = arith.constant 0 : index
    %get3A_17 = arith.constant 0 : index
    %get3A_18 = vector.load %arg1[%get3A_16, %get3A_17] : memref<400x144xf32, #tpu.memory_space<vmem>>, vector<400x128xf32>
    %get3A_19 = arith.constant 0 : index
    %get3A_20 = arith.constant 0 : index
    %get3A_21 = vector.load %arg3[%get3A_19, %get3A_20] : memref<400x144xf32, #tpu.memory_space<vmem>>, vector<400x128xf32>
    %mul3A_22 = vector.broadcast %exp3A : vector<400x1xf32> to vector<400x128xf32>
    %mul3A_23 = arith.mulf %mul3A_22, %get3A_21 : vector<400x128xf32>
    %add3A_24 = arith.addf %get3A_18, %mul3A_23 : vector<400x128xf32>
    %div3A = vector.broadcast %add3A_15 : vector<400x1xf32> to vector<400x128xf32>
    %div3A_25 = arith.divf %add3A_24, %div3A : vector<400x128xf32>
    %get3A_26 = arith.constant 0 : index
    %get3A_27 = arith.constant 0 : index
    %get3A_28 = vector.load %arg6[%get3A_26, %get3A_27] : memref<1x256xf32, #tpu.memory_space<vmem>>, vector<1x128xf32>
    %add3A_29 = vector.broadcast %get3A_28 : vector<1x128xf32> to vector<400x128xf32>
    %add3A_30 = arith.addf %div3A_25, %add3A_29 : vector<400x128xf32>
    %get3A_31 = arith.constant 0 : index
    %get3A_32 = arith.constant 0 : index
    %get3A_33 = vector.load %arg2[%get3A_31, %get3A_32] : memref<400x144xf32, #tpu.memory_space<vmem>>, vector<400x128xf32>
    %get3A_34 = arith.constant 0 : index
    %get3A_35 = arith.constant 0 : index
    %get3A_36 = vector.load %arg4[%get3A_34, %get3A_35] : memref<400x144xf32, #tpu.memory_space<vmem>>, vector<400x128xf32>
    %mul3A_37 = vector.broadcast %exp3A : vector<400x1xf32> to vector<400x128xf32>
    %mul3A_38 = arith.mulf %mul3A_37, %get3A_36 : vector<400x128xf32>
    %add3A_39 = arith.addf %get3A_33, %mul3A_38 : vector<400x128xf32>
    %div3A_40 = vector.broadcast %add3A_15 : vector<400x1xf32> to vector<400x128xf32>
    %div3A_41 = arith.divf %add3A_39, %div3A_40 : vector<400x128xf32>
    %get3A_42 = arith.constant 0 : index
    %get3A_43 = arith.constant 128 : index
    %get3A_44 = vector.load %arg6[%get3A_42, %get3A_43] : memref<1x256xf32, #tpu.memory_space<vmem>>, vector<1x128xf32>
    %add3A_45 = vector.broadcast %get3A_44 : vector<1x128xf32> to vector<400x128xf32>
    %add3A_46 = arith.addf %div3A_41, %add3A_45 : vector<400x128xf32>
    %concatenate3A = tpu.concatenate %add3A_30, %add3A_46 in 1 : vector<400x128xf32>, vector<400x128xf32> -> vector<400x256xf32>
    %max3A = arith.constant 0.000000e+00 : f32
    %max3A_47 = vector.broadcast %max3A : f32 to vector<400x256xf32>
    %max3A_48 = arith.maximumf %concatenate3A, %max3A_47 : vector<400x256xf32>
    %get3A_49 = arith.constant 0 : index
    %get3A_50 = arith.constant 0 : index
    %get3A_51 = vector.load %arg7[%get3A_49, %get3A_50] : memref<400x256xf32, #tpu.memory_space<vmem>>, vector<400x256xf32>
    %get3A_52 = arith.constant 0 : index
    %get3A_53 = arith.constant 0 : index
    %get3A_54 = vector.load %arg12[%get3A_52, %get3A_53] : memref<1x1024xf32, #tpu.memory_space<vmem>>, vector<1x1024xf32>
    %get3A_55 = arith.constant 0 : index
    %get3A_56 = arith.constant 0 : index
    %get3A_57 = vector.load %arg13[%get3A_55, %get3A_56] : memref<1x1024xf32, #tpu.memory_space<vmem>>, vector<1x1024xf32>
    %add3A_58 = arith.addf %get3A_54, %get3A_57 : vector<1x1024xf32>
    %get3A_59 = arith.constant 0 : index
    %get3A_60 = arith.constant 0 : index
    %get3A_61 = vector.load %arg14[%get3A_59, %get3A_60] : memref<1x1024xf32, #tpu.memory_space<vmem>>, vector<1x1024xf32>
    %get3A_62 = arith.constant 0 : index
    %get3A_63 = arith.constant 0 : index
    %get3A_64 = vector.load %arg15[%get3A_62, %get3A_63] : memref<1x1024xf32, #tpu.memory_space<vmem>>, vector<1x1024xf32>
    %add3A_65 = arith.addf %get3A_61, %get3A_64 : vector<1x1024xf32>
    %convert_element_type3A = arith.truncf %get3A_51 : vector<400x256xf32> to vector<400x256xbf16>
    %get3A_66 = arith.constant 0 : index
    %get3A_67 = arith.constant 0 : index
    %get3A_68 = vector.load %arg8[%get3A_66, %get3A_67] : memref<256x1024xf32, #tpu.memory_space<vmem>>, vector<256x1024xf32>
    %convert_element_type3A_69 = arith.truncf %get3A_68 : vector<256x1024xf32> to vector<256x1024xbf16>
    %dot_general3A = arith.constant dense<0.000000e+00> : vector<400x1024xf32>
    %dot_general3A_70 = tpu.matmul %convert_element_type3A, %convert_element_type3A_69, %dot_general3A {dimension_numbers = #tpu.dot_dimension_numbers<[1], [0], [0], [1], [0, 0, 1, 1], [], []>, transpose_lhs_hint = false} : vector<400x256xbf16>, vector<256x1024xbf16>, vector<400x1024xf32> -> vector<400x1024xf32>
    %add3A_71 = vector.broadcast %add3A_58 : vector<1x1024xf32> to vector<400x1024xf32>
    %add3A_72 = arith.addf %dot_general3A_70, %add3A_71 : vector<400x1024xf32>
    %slice3A = vector.extract_strided_slice %add3A_72 {offsets = [0, 0], sizes = [400, 256], strides = [1, 1]} : vector<400x1024xf32> to vector<400x256xf32>
    %logistic3A = arith.negf %slice3A : vector<400x256xf32>
    %logistic3A_73 = math.exp %logistic3A : vector<400x256xf32>
    %logistic3A_74 = arith.constant 1.000000e+00 : f32
    %logistic3A_75 = vector.broadcast %logistic3A_74 : f32 to vector<400x256xf32>
    %logistic3A_76 = arith.addf %logistic3A_75, %logistic3A_73 : vector<400x256xf32>
    %logistic3A_77 = arith.divf %logistic3A_75, %logistic3A_76 : vector<400x256xf32>
    %slice3A_78 = vector.extract_strided_slice %add3A_72 {offsets = [0, 512], sizes = [400, 256], strides = [1, 1]} : vector<400x1024xf32> to vector<400x256xf32>
    %tanh3A = math.tanh %slice3A_78 : vector<400x256xf32>
    %slice3A_79 = vector.extract_strided_slice %add3A_72 {offsets = [0, 768], sizes = [400, 256], strides = [1, 1]} : vector<400x1024xf32> to vector<400x256xf32>
    %logistic3A_80 = arith.negf %slice3A_79 : vector<400x256xf32>
    %logistic3A_81 = math.exp %logistic3A_80 : vector<400x256xf32>
    %logistic3A_82 = arith.constant 1.000000e+00 : f32
    %logistic3A_83 = vector.broadcast %logistic3A_82 : f32 to vector<400x256xf32>
    %logistic3A_84 = arith.addf %logistic3A_83, %logistic3A_81 : vector<400x256xf32>
    %logistic3A_85 = arith.divf %logistic3A_83, %logistic3A_84 : vector<400x256xf32>
    %mul3A_86 = arith.mulf %logistic3A_77, %tanh3A : vector<400x256xf32>
    %tanh3A_87 = math.tanh %mul3A_86 : vector<400x256xf32>
    %mul3A_88 = arith.mulf %logistic3A_85, %tanh3A_87 : vector<400x256xf32>
    %convert_element_type3A_89 = arith.truncf %max3A_48 : vector<400x256xf32> to vector<400x256xbf16>
    %get3A_90 = arith.constant 0 : index
    %get3A_91 = arith.constant 0 : index
    %get3A_92 = vector.load %arg8[%get3A_90, %get3A_91] : memref<256x1024xf32, #tpu.memory_space<vmem>>, vector<256x1024xf32>
    %convert_element_type3A_93 = arith.truncf %get3A_92 : vector<256x1024xf32> to vector<256x1024xbf16>
    %dot_general3A_94 = arith.constant dense<0.000000e+00> : vector<400x1024xf32>
    %dot_general3A_95 = tpu.matmul %convert_element_type3A_89, %convert_element_type3A_93, %dot_general3A_94 {dimension_numbers = #tpu.dot_dimension_numbers<[1], [0], [0], [1], [0, 0, 1, 1], [], []>, transpose_lhs_hint = false} : vector<400x256xbf16>, vector<256x1024xbf16>, vector<400x1024xf32> -> vector<400x1024xf32>
    %add3A_96 = vector.broadcast %add3A_58 : vector<1x1024xf32> to vector<400x1024xf32>
    %add3A_97 = arith.addf %dot_general3A_95, %add3A_96 : vector<400x1024xf32>
    %convert_element_type3A_98 = arith.truncf %mul3A_88 : vector<400x256xf32> to vector<400x256xbf16>
    %get3A_99 = arith.constant 0 : index
    %get3A_100 = arith.constant 0 : index
    %get3A_101 = vector.load %arg9[%get3A_99, %get3A_100] : memref<256x1024xf32, #tpu.memory_space<vmem>>, vector<256x1024xf32>
    %convert_element_type3A_102 = arith.truncf %get3A_101 : vector<256x1024xf32> to vector<256x1024xbf16>
    %dot_general3A_103 = arith.constant dense<0.000000e+00> : vector<400x1024xf32>
    %dot_general3A_104 = tpu.matmul %convert_element_type3A_98, %convert_element_type3A_102, %dot_general3A_103 {dimension_numbers = #tpu.dot_dimension_numbers<[1], [0], [0], [1], [0, 0, 1, 1], [], []>, transpose_lhs_hint = false} : vector<400x256xbf16>, vector<256x1024xbf16>, vector<400x1024xf32> -> vector<400x1024xf32>
    %add3A_105 = arith.addf %add3A_97, %dot_general3A_104 : vector<400x1024xf32>
    %slice3A_106 = vector.extract_strided_slice %add3A_105 {offsets = [0, 0], sizes = [400, 256], strides = [1, 1]} : vector<400x1024xf32> to vector<400x256xf32>
    %logistic3A_107 = arith.negf %slice3A_106 : vector<400x256xf32>
    %logistic3A_108 = math.exp %logistic3A_107 : vector<400x256xf32>
    %logistic3A_109 = arith.constant 1.000000e+00 : f32
    %logistic3A_110 = vector.broadcast %logistic3A_109 : f32 to vector<400x256xf32>
    %logistic3A_111 = arith.addf %logistic3A_110, %logistic3A_108 : vector<400x256xf32>
    %logistic3A_112 = arith.divf %logistic3A_110, %logistic3A_111 : vector<400x256xf32>
    %slice3A_113 = vector.extract_strided_slice %add3A_105 {offsets = [0, 256], sizes = [400, 256], strides = [1, 1]} : vector<400x1024xf32> to vector<400x256xf32>
    %logistic3A_114 = arith.negf %slice3A_113 : vector<400x256xf32>
    %logistic3A_115 = math.exp %logistic3A_114 : vector<400x256xf32>
    %logistic3A_116 = arith.constant 1.000000e+00 : f32
    %logistic3A_117 = vector.broadcast %logistic3A_116 : f32 to vector<400x256xf32>
    %logistic3A_118 = arith.addf %logistic3A_117, %logistic3A_115 : vector<400x256xf32>
    %logistic3A_119 = arith.divf %logistic3A_117, %logistic3A_118 : vector<400x256xf32>
    %slice3A_120 = vector.extract_strided_slice %add3A_105 {offsets = [0, 512], sizes = [400, 256], strides = [1, 1]} : vector<400x1024xf32> to vector<400x256xf32>
    %tanh3A_121 = math.tanh %slice3A_120 : vector<400x256xf32>
    %slice3A_122 = vector.extract_strided_slice %add3A_105 {offsets = [0, 768], sizes = [400, 256], strides = [1, 1]} : vector<400x1024xf32> to vector<400x256xf32>
    %logistic3A_123 = arith.negf %slice3A_122 : vector<400x256xf32>
    %logistic3A_124 = math.exp %logistic3A_123 : vector<400x256xf32>
    %logistic3A_125 = arith.constant 1.000000e+00 : f32
    %logistic3A_126 = vector.broadcast %logistic3A_125 : f32 to vector<400x256xf32>
    %logistic3A_127 = arith.addf %logistic3A_126, %logistic3A_124 : vector<400x256xf32>
    %logistic3A_128 = arith.divf %logistic3A_126, %logistic3A_127 : vector<400x256xf32>
    %mul3A_129 = arith.mulf %logistic3A_112, %tanh3A_121 : vector<400x256xf32>
    %mul3A_130 = arith.mulf %logistic3A_119, %mul3A_86 : vector<400x256xf32>
    %add3A_131 = arith.addf %mul3A_129, %mul3A_130 : vector<400x256xf32>
    %tanh3A_132 = math.tanh %add3A_131 : vector<400x256xf32>
    %mul3A_133 = arith.mulf %logistic3A_128, %tanh3A_132 : vector<400x256xf32>
    %convert_element_type3A_134 = arith.truncf %max3A_48 : vector<400x256xf32> to vector<400x256xbf16>
    %get3A_135 = arith.constant 0 : index
    %get3A_136 = arith.constant 0 : index
    %get3A_137 = vector.load %arg10[%get3A_135, %get3A_136] : memref<256x1024xf32, #tpu.memory_space<vmem>>, vector<256x1024xf32>
    %convert_element_type3A_138 = arith.truncf %get3A_137 : vector<256x1024xf32> to vector<256x1024xbf16>
    %dot_general3A_139 = arith.constant dense<0.000000e+00> : vector<400x1024xf32>
    %dot_general3A_140 = tpu.matmul %convert_element_type3A_134, %convert_element_type3A_138, %dot_general3A_139 {dimension_numbers = #tpu.dot_dimension_numbers<[1], [0], [0], [1], [0, 0, 1, 1], [], []>, transpose_lhs_hint = false} : vector<400x256xbf16>, vector<256x1024xbf16>, vector<400x1024xf32> -> vector<400x1024xf32>
    %add3A_141 = vector.broadcast %add3A_65 : vector<1x1024xf32> to vector<400x1024xf32>
    %add3A_142 = arith.addf %dot_general3A_140, %add3A_141 : vector<400x1024xf32>
    %slice3A_143 = vector.extract_strided_slice %add3A_142 {offsets = [0, 0], sizes = [400, 256], strides = [1, 1]} : vector<400x1024xf32> to vector<400x256xf32>
    %logistic3A_144 = arith.negf %slice3A_143 : vector<400x256xf32>
    %logistic3A_145 = math.exp %logistic3A_144 : vector<400x256xf32>
    %logistic3A_146 = arith.constant 1.000000e+00 : f32
    %logistic3A_147 = vector.broadcast %logistic3A_146 : f32 to vector<400x256xf32>
    %logistic3A_148 = arith.addf %logistic3A_147, %logistic3A_145 : vector<400x256xf32>
    %logistic3A_149 = arith.divf %logistic3A_147, %logistic3A_148 : vector<400x256xf32>
    %slice3A_150 = vector.extract_strided_slice %add3A_142 {offsets = [0, 512], sizes = [400, 256], strides = [1, 1]} : vector<400x1024xf32> to vector<400x256xf32>
    %tanh3A_151 = math.tanh %slice3A_150 : vector<400x256xf32>
    %slice3A_152 = vector.extract_strided_slice %add3A_142 {offsets = [0, 768], sizes = [400, 256], strides = [1, 1]} : vector<400x1024xf32> to vector<400x256xf32>
    %logistic3A_153 = arith.negf %slice3A_152 : vector<400x256xf32>
    %logistic3A_154 = math.exp %logistic3A_153 : vector<400x256xf32>
    %logistic3A_155 = arith.constant 1.000000e+00 : f32
    %logistic3A_156 = vector.broadcast %logistic3A_155 : f32 to vector<400x256xf32>
    %logistic3A_157 = arith.addf %logistic3A_156, %logistic3A_154 : vector<400x256xf32>
    %logistic3A_158 = arith.divf %logistic3A_156, %logistic3A_157 : vector<400x256xf32>
    %mul3A_159 = arith.mulf %logistic3A_149, %tanh3A_151 : vector<400x256xf32>
    %tanh3A_160 = math.tanh %mul3A_159 : vector<400x256xf32>
    %mul3A_161 = arith.mulf %logistic3A_158, %tanh3A_160 : vector<400x256xf32>
    %convert_element_type3A_162 = arith.truncf %get3A_51 : vector<400x256xf32> to vector<400x256xbf16>
    %get3A_163 = arith.constant 0 : index
    %get3A_164 = arith.constant 0 : index
    %get3A_165 = vector.load %arg10[%get3A_163, %get3A_164] : memref<256x1024xf32, #tpu.memory_space<vmem>>, vector<256x1024xf32>
    %convert_element_type3A_166 = arith.truncf %get3A_165 : vector<256x1024xf32> to vector<256x1024xbf16>
    %dot_general3A_167 = arith.constant dense<0.000000e+00> : vector<400x1024xf32>
    %dot_general3A_168 = tpu.matmul %convert_element_type3A_162, %convert_element_type3A_166, %dot_general3A_167 {dimension_numbers = #tpu.dot_dimension_numbers<[1], [0], [0], [1], [0, 0, 1, 1], [], []>, transpose_lhs_hint = false} : vector<400x256xbf16>, vector<256x1024xbf16>, vector<400x1024xf32> -> vector<400x1024xf32>
    %add3A_169 = vector.broadcast %add3A_65 : vector<1x1024xf32> to vector<400x1024xf32>
    %add3A_170 = arith.addf %dot_general3A_168, %add3A_169 : vector<400x1024xf32>
    %convert_element_type3A_171 = arith.truncf %mul3A_161 : vector<400x256xf32> to vector<400x256xbf16>
    %get3A_172 = arith.constant 0 : index
    %get3A_173 = arith.constant 0 : index
    %get3A_174 = vector.load %arg11[%get3A_172, %get3A_173] : memref<256x1024xf32, #tpu.memory_space<vmem>>, vector<256x1024xf32>
    %convert_element_type3A_175 = arith.truncf %get3A_174 : vector<256x1024xf32> to vector<256x1024xbf16>
    %dot_general3A_176 = arith.constant dense<0.000000e+00> : vector<400x1024xf32>
    %dot_general3A_177 = tpu.matmul %convert_element_type3A_171, %convert_element_type3A_175, %dot_general3A_176 {dimension_numbers = #tpu.dot_dimension_numbers<[1], [0], [0], [1], [0, 0, 1, 1], [], []>, transpose_lhs_hint = false} : vector<400x256xbf16>, vector<256x1024xbf16>, vector<400x1024xf32> -> vector<400x1024xf32>
    %add3A_178 = arith.addf %add3A_170, %dot_general3A_177 : vector<400x1024xf32>
    %slice3A_179 = vector.extract_strided_slice %add3A_178 {offsets = [0, 0], sizes = [400, 256], strides = [1, 1]} : vector<400x1024xf32> to vector<400x256xf32>
    %logistic3A_180 = arith.negf %slice3A_179 : vector<400x256xf32>
    %logistic3A_181 = math.exp %logistic3A_180 : vector<400x256xf32>
    %logistic3A_182 = arith.constant 1.000000e+00 : f32
    %logistic3A_183 = vector.broadcast %logistic3A_182 : f32 to vector<400x256xf32>
    %logistic3A_184 = arith.addf %logistic3A_183, %logistic3A_181 : vector<400x256xf32>
    %logistic3A_185 = arith.divf %logistic3A_183, %logistic3A_184 : vector<400x256xf32>
    %slice3A_186 = vector.extract_strided_slice %add3A_178 {offsets = [0, 256], sizes = [400, 256], strides = [1, 1]} : vector<400x1024xf32> to vector<400x256xf32>
    %logistic3A_187 = arith.negf %slice3A_186 : vector<400x256xf32>
    %logistic3A_188 = math.exp %logistic3A_187 : vector<400x256xf32>
    %logistic3A_189 = arith.constant 1.000000e+00 : f32
    %logistic3A_190 = vector.broadcast %logistic3A_189 : f32 to vector<400x256xf32>
    %logistic3A_191 = arith.addf %logistic3A_190, %logistic3A_188 : vector<400x256xf32>
    %logistic3A_192 = arith.divf %logistic3A_190, %logistic3A_191 : vector<400x256xf32>
    %slice3A_193 = vector.extract_strided_slice %add3A_178 {offsets = [0, 512], sizes = [400, 256], strides = [1, 1]} : vector<400x1024xf32> to vector<400x256xf32>
    %tanh3A_194 = math.tanh %slice3A_193 : vector<400x256xf32>
    %slice3A_195 = vector.extract_strided_slice %add3A_178 {offsets = [0, 768], sizes = [400, 256], strides = [1, 1]} : vector<400x1024xf32> to vector<400x256xf32>
    %logistic3A_196 = arith.negf %slice3A_195 : vector<400x256xf32>
    %logistic3A_197 = math.exp %logistic3A_196 : vector<400x256xf32>
    %logistic3A_198 = arith.constant 1.000000e+00 : f32
    %logistic3A_199 = vector.broadcast %logistic3A_198 : f32 to vector<400x256xf32>
    %logistic3A_200 = arith.addf %logistic3A_199, %logistic3A_197 : vector<400x256xf32>
    %logistic3A_201 = arith.divf %logistic3A_199, %logistic3A_200 : vector<400x256xf32>
    %mul3A_202 = arith.mulf %logistic3A_185, %tanh3A_194 : vector<400x256xf32>
    %mul3A_203 = arith.mulf %logistic3A_192, %mul3A_159 : vector<400x256xf32>
    %add3A_204 = arith.addf %mul3A_202, %mul3A_203 : vector<400x256xf32>
    %tanh3A_205 = math.tanh %add3A_204 : vector<400x256xf32>
    %mul3A_206 = arith.mulf %logistic3A_201, %tanh3A_205 : vector<400x256xf32>
    %get3A_207 = arith.constant 0 : index
    %get3A_208 = arith.constant 0 : index
    %get3A_209 = vector.load %arg16[%get3A_207, %get3A_208] : memref<256x1xf32, #tpu.memory_space<vmem>>, vector<256x1xf32>
    %dot_general3A_210 = arith.constant dense<0.000000e+00> : vector<400x1xf32>
    %dot_general3A_211 = tpu.matmul %mul3A_88, %get3A_209, %dot_general3A_210 {dimension_numbers = #tpu.dot_dimension_numbers<[1], [0], [0], [1], [0, 0, 1, 1], [], []>, transpose_lhs_hint = false} : vector<400x256xf32>, vector<256x1xf32>, vector<400x1xf32> -> vector<400x1xf32>
    %get3A_212 = arith.constant 0 : index
    %get3A_213 = arith.constant 0 : index
    %get3A_214 = vector.load %arg17[%get3A_212, %get3A_213] : memref<256x1xf32, #tpu.memory_space<vmem>>, vector<256x1xf32>
    %dot_general3A_215 = arith.constant dense<0.000000e+00> : vector<400x1xf32>
    %dot_general3A_216 = tpu.matmul %mul3A_206, %get3A_214, %dot_general3A_215 {dimension_numbers = #tpu.dot_dimension_numbers<[1], [0], [0], [1], [0, 0, 1, 1], [], []>, transpose_lhs_hint = false} : vector<400x256xf32>, vector<256x1xf32>, vector<400x1xf32> -> vector<400x1xf32>
    %add3A_217 = arith.addf %dot_general3A_211, %dot_general3A_216 : vector<400x1xf32>
    %get3A_218 = arith.constant 0 : index
    %get3A_219 = arith.constant 0 : index
    %get3A_220 = vector.load %arg16[%get3A_218, %get3A_219] : memref<256x1xf32, #tpu.memory_space<vmem>>, vector<256x1xf32>
    %dot_general3A_221 = arith.constant dense<0.000000e+00> : vector<400x1xf32>
    %dot_general3A_222 = tpu.matmul %mul3A_133, %get3A_220, %dot_general3A_221 {dimension_numbers = #tpu.dot_dimension_numbers<[1], [0], [0], [1], [0, 0, 1, 1], [], []>, transpose_lhs_hint = false} : vector<400x256xf32>, vector<256x1xf32>, vector<400x1xf32> -> vector<400x1xf32>
    %get3A_223 = arith.constant 0 : index
    %get3A_224 = arith.constant 0 : index
    %get3A_225 = vector.load %arg17[%get3A_223, %get3A_224] : memref<256x1xf32, #tpu.memory_space<vmem>>, vector<256x1xf32>
    %dot_general3A_226 = arith.constant dense<0.000000e+00> : vector<400x1xf32>
    %dot_general3A_227 = tpu.matmul %mul3A_161, %get3A_225, %dot_general3A_226 {dimension_numbers = #tpu.dot_dimension_numbers<[1], [0], [0], [1], [0, 0, 1, 1], [], []>, transpose_lhs_hint = false} : vector<400x256xf32>, vector<256x1xf32>, vector<400x1xf32> -> vector<400x1xf32>
    %add3A_228 = arith.addf %dot_general3A_222, %dot_general3A_227 : vector<400x1xf32>
    %sub3A = arith.subf %add3A_217, %add3A_228 : vector<400x1xf32>
    %logistic3A_229 = arith.negf %sub3A : vector<400x1xf32>
    %logistic3A_230 = math.exp %logistic3A_229 : vector<400x1xf32>
    %logistic3A_231 = arith.constant 1.000000e+00 : f32
    %logistic3A_232 = vector.broadcast %logistic3A_231 : f32 to vector<400x1xf32>
    %logistic3A_233 = arith.addf %logistic3A_232, %logistic3A_230 : vector<400x1xf32>
    %logistic3A_234 = arith.divf %logistic3A_232, %logistic3A_233 : vector<400x1xf32>
    %sub3A_235 = arith.subf %add3A_228, %add3A_217 : vector<400x1xf32>
    %logistic3A_236 = arith.negf %sub3A_235 : vector<400x1xf32>
    %logistic3A_237 = math.exp %logistic3A_236 : vector<400x1xf32>
    %logistic3A_238 = arith.constant 1.000000e+00 : f32
    %logistic3A_239 = vector.broadcast %logistic3A_238 : f32 to vector<400x1xf32>
    %logistic3A_240 = arith.addf %logistic3A_239, %logistic3A_237 : vector<400x1xf32>
    %logistic3A_241 = arith.divf %logistic3A_239, %logistic3A_240 : vector<400x1xf32>
    %mul3A_242 = vector.broadcast %logistic3A_234 : vector<400x1xf32> to vector<400x256xf32>
    %mul3A_243 = arith.mulf %mul3A_242, %get3A_51 : vector<400x256xf32>
    %mul3A_244 = vector.broadcast %logistic3A_241 : vector<400x1xf32> to vector<400x256xf32>
    %mul3A_245 = arith.mulf %mul3A_244, %max3A_48 : vector<400x256xf32>
    %add3A_246 = arith.addf %mul3A_243, %mul3A_245 : vector<400x256xf32>
    %swap3A = arith.constant 0 : index
    %swap3A_247 = arith.constant 0 : index
    %swap3A_248 = vector.load %arg18[%swap3A, %swap3A_247] : memref<400x256xf32, #tpu.memory_space<vmem>>, vector<400x256xf32>
    tpu.vector_store %arg18[%swap3A, %swap3A_247], %add3A_246 {strides = array<i32>} : memref<400x256xf32, #tpu.memory_space<vmem>>, vector<400x256xf32>,
    return
  }
  func.func @transform_0(%arg0: i32) -> (i32, i32) {
    %c0_i32 = arith.constant 0 : i32
    %c0_i32_0 = arith.constant 0 : i32
    return %arg0, %c0_i32 : i32, i32
  }
  func.func @transform_1(%arg0: i32) -> (i32, i32) {
    %c0_i32 = arith.constant 0 : i32
    %c0_i32_0 = arith.constant 0 : i32
    return %arg0, %c0_i32 : i32, i32
  }
  func.func @transform_2(%arg0: i32) -> (i32, i32) {
    %c0_i32 = arith.constant 0 : i32
    %c0_i32_0 = arith.constant 0 : i32
    return %arg0, %c0_i32 : i32, i32
  }
  func.func @transform_3(%arg0: i32) -> (i32, i32) {
    %c0_i32 = arith.constant 0 : i32
    %c0_i32_0 = arith.constant 0 : i32
    return %arg0, %c0_i32 : i32, i32
  }
  func.func @transform_4(%arg0: i32) -> (i32, i32) {
    %c0_i32 = arith.constant 0 : i32
    %c0_i32_0 = arith.constant 0 : i32
    return %arg0, %c0_i32 : i32, i32
  }
  func.func @transform_5(%arg0: i32) -> (i32, i32) {
    %c0_i32 = arith.constant 0 : i32
    %c0_i32_0 = arith.constant 0 : i32
    %c0_i32_1 = arith.constant 0 : i32
    return %c0_i32, %c0_i32_0 : i32, i32
  }
  func.func @transform_6(%arg0: i32) -> (i32, i32) {
    %c0_i32 = arith.constant 0 : i32
    %c0_i32_0 = arith.constant 0 : i32
    return %arg0, %c0_i32 : i32, i32
  }
  func.func @transform_7(%arg0: i32) -> (i32, i32) {
    %c0_i32 = arith.constant 0 : i32
    %c0_i32_0 = arith.constant 0 : i32
    %c0_i32_1 = arith.constant 0 : i32
    return %c0_i32, %c0_i32_0 : i32, i32
  }
  func.func @transform_8(%arg0: i32) -> (i32, i32) {
    %c0_i32 = arith.constant 0 : i32
    %c0_i32_0 = arith.constant 0 : i32
    %c0_i32_1 = arith.constant 0 : i32
    return %c0_i32, %c0_i32_0 : i32, i32
  }
  func.func @transform_9(%arg0: i32) -> (i32, i32) {
    %c0_i32 = arith.constant 0 : i32
    %c0_i32_0 = arith.constant 0 : i32
    %c0_i32_1 = arith.constant 0 : i32
    return %c0_i32, %c0_i32_0 : i32, i32
  }
  func.func @transform_10(%arg0: i32) -> (i32, i32) {
    %c0_i32 = arith.constant 0 : i32
    %c0_i32_0 = arith.constant 0 : i32
    %c0_i32_1 = arith.constant 0 : i32
    return %c0_i32, %c0_i32_0 : i32, i32
  }
  func.func @transform_11(%arg0: i32) -> (i32, i32) {
    %c0_i32 = arith.constant 0 : i32
    %c0_i32_0 = arith.constant 0 : i32
    %c0_i32_1 = arith.constant 0 : i32
    return %c0_i32, %c0_i32_0 : i32, i32
  }
  func.func @transform_12(%arg0: i32) -> (i32, i32) {
    %c0_i32 = arith.constant 0 : i32
    %c0_i32_0 = arith.constant 0 : i32
    %c0_i32_1 = arith.constant 0 : i32
    return %c0_i32, %c0_i32_0 : i32, i32
  }
  func.func @transform_13(%arg0: i32) -> (i32, i32) {
    %c0_i32 = arith.constant 0 : i32
    %c0_i32_0 = arith.constant 0 : i32
    %c0_i32_1 = arith.constant 0 : i32
    return %c0_i32, %c0_i32_0 : i32, i32
  }
  func.func @transform_14(%arg0: i32) -> (i32, i32) {
    %c0_i32 = arith.constant 0 : i32
    %c0_i32_0 = arith.constant 0 : i32
    %c0_i32_1 = arith.constant 0 : i32
    return %c0_i32, %c0_i32_0 : i32, i32
  }
  func.func @transform_15(%arg0: i32) -> (i32, i32) {
    %c0_i32 = arith.constant 0 : i32
    %c0_i32_0 = arith.constant 0 : i32
    %c0_i32_1 = arith.constant 0 : i32
    return %c0_i32, %c0_i32_0 : i32, i32
  }
  func.func @transform_16(%arg0: i32) -> (i32, i32) {
    %c0_i32 = arith.constant 0 : i32
    %c0_i32_0 = arith.constant 0 : i32
    %c0_i32_1 = arith.constant 0 : i32
    return %c0_i32, %c0_i32_0 : i32, i32
  }
  func.func @transform_17(%arg0: i32) -> (i32, i32) {
    %c0_i32 = arith.constant 0 : i32
    %c0_i32_0 = arith.constant 0 : i32
    return %arg0, %c0_i32 : i32, i32
  }
}

</mosaic_0001>

<sc_bundles>
// kernel: kernel.10.cloned.1.call-start
scs
__scs_entry_jumppad:
0x0: {  	(pc) =	sbr.rel $0x88, $3  }
0x1: {  	(tag) =	ssettag $0x0;
	lr =	simm.s32 $0x1  }
0x2: {  	[smem:$0x3F8E] =	sst lr;
	_ =	strace $0xD0000000  }
0x3: {  	_ = 	snop  }
0x4: {  	_ = 	snop  }
0x5: {  	_ = 	snop  }
0x6: {  	_ = 	snop  }
0x7: {  	_ = 	snop  }
__scs_overlays_trampoline_lowered:
0x8: {  	[smem:$0x3F9D] =	sst s0  }
0x9: {  	[smem:$0x3F9E] =	sst s1  }
0xa: {  	[smem:$0x3F9F] =	sst s2  }
0xb: {  	[smem:$0x3FA0] =	sst s3  }
0xc: {  	[smem:$0x3FA1] =	sst s4  }
0xd: {  	[smem:$0x3FA2] =	sst s5  }
0xe: {  	[smem:$0x3FA3] =	sst s6  }
0xf: {  	[smem:$0x3FA4] =	sst s7  }
0x10: {  	[smem:$0x3FA5] =	sst s8  }
0x11: {  	[smem:$0x3FA6] =	sst s9;
	s0 =	simm.s32 @!p0 $0x0  }
0x12: {  	s1 =	sld [smem:$0x3F8C];
	s0 =	simm.s32 @p0 $0x1  }
0x13: {  	[smem:$0x3FA7] =	sst s0;
	s0 =	simm.s32 @!p1 $0x0  }
0x14: {  	s2 =	sld [smem:$0x3F8B];
	s0 =	simm.s32 @p1 $0x1  }
0x15: {  	[smem:$0x3FA8] =	sst s0;
	s0 =	simm.s32 @!p2 $0x0  }
0x16: {  	s3 =	sld [smem:$0x3FDB];
	s0 =	simm.s32 @p2 $0x1  }
0x17: {  	s4 =	simm.s32 $0x1BF5;
	[smem:$0x3FAA] =	sst s0  }
0x18: {  	s0 =	sld [smem:$0x3F8D];
	_ =	swait.ge [sflag:s4], $0x0  }
0x19: {  	s7 =	sld [smem:$0x3F8E]  }
0x1a: {  	s8 =	sadd.s32 $0xFFFFE003, lr  }
0x1b: {  	s9 =	sadd.s32 $0xFFFFFEF7, lr;
	s5 =	simm.s32 $0xFFFFFFFF;
	p2 =	slt.u32 s8, $0xFFFFF086  }
0x1c: {  	p1 =	slt.u32 s9, $0xF7A;
	s5 =	simm.s32 @!p2 $0x0  }
0x1d: {  	s5 =	simm.s32 @p1 $0x1;
	p0 =	seq.s32 s7, s2  }
0x1e: {  	s7 =	smul.u32 @!p0 $0xF7A, s2;
	p2 =	seq.s32 @!p0 s5, $0x0  }
0x1f: {  	s9 =	smul.u32 $0xF7A, s1;
	s8 =	simm.s32 @!p0 $0x1BF5;
	p2 =	por !p2, p0  }
0x20: {  	[sflag:s8] =	ssyncset.s32 @!p0 $0xFFFFF086;
	s6 =	sadd.s32 @!p0 s3, s7;
	s7 =	simm.s32 @!p0 $0x108  }
0x21: {  	s3 =	sadd.s32 s3, s9;
	s6 =	sadd.s32 @!p0 $0x88, s6;
	s7 =	simm.s32 @p2 $0x1082  }
0x22: {  	[simem:s7], [sflag:s8] =	dma.local @!p0 [hbm:s6], $0xF7A  }
0x23: {  	s9 =	sor.u32 $0xD0000000, s2;
	s6 =	simm.s32 $0x108;
	_ =	swait.ge @!p0 [sflag:s8], $0x0  }
0x24: {  	s3 =	sadd.s32 $0x88, s3;
	s6 =	simm.s32 @!p1 $0x1082;
	[sflag:s4] =	ssyncset.s32 $0xFFFFF086  }
0x25: {  	[simem:s6], [sflag:s4] =	dma.local [hbm:s3], $0xF7A  }
0x26: {  	[smem:$0x3F8E] =	sst s1;
	(tag) =	ssettag s2;
	_ =	strace s9  }
0x27: {  	s1 =	sld [smem:$0x3F9E]  }
0x28: {  	s2 =	sld [smem:$0x3F9F]  }
0x29: {  	s4 =	sld [smem:$0x3FA1]  }
0x2a: {  	p0 =	seq.s32 s5, $0x0;
	s5 =	sld [smem:$0x3FA2]  }
0x2b: {  	s6 =	sld [smem:$0x3FA3]  }
0x2c: {  	s7 =	sld [smem:$0x3FA4]  }
0x2d: {  	s3 =	simm.s32 $0x108;
	s8 =	sld [smem:$0x3FA5]  }
0x2e: {  	s3 =	simm.s32 @!p0 $0x1082;
	s9 =	sld [smem:$0x3FA6]  }
0x2f: {  	lr =	sadd.s32 s0, s3;
	s0 =	sld [smem:$0x3F9D]  }
0x30: {  	s3 =	sld [smem:$0x3FA0]  }
0x31: {  	[smem:$0x3FA9] =	sst s10  }
0x32: {  	s10 =	sld [smem:$0x3FA7];
	_ =	sdelay $0x3  }
0x33: {  	p0 =	seq.s32 s10, $0x1;
	s10 =	sld [smem:$0x3FA9];
	_ =	sdelay $0x3  }
0x34: {  	[smem:$0x3FA9] =	sst s10  }
0x35: {  	s10 =	sld [smem:$0x3FA8];
	_ =	sdelay $0x3  }
0x36: {  	p1 =	seq.s32 s10, $0x1;
	s10 =	sld [smem:$0x3FA9];
	_ =	sdelay $0x3  }
0x37: {  	[smem:$0x3FA9] =	sst s10  }
0x38: {  	s10 =	sld [smem:$0x3FAA]  }
0x39: {  	_ = 	snop;
	(pc) =	sbr.ind lr, $3  }
0x3a: {  	_ = 	snop  }
0x3b: {  	_ = 	snop  }
0x3c: {  	p2 =	seq.s32 s10, $0x1;
	s10 =	sld [smem:$0x3FA9]  }
0x3d: {  	_ =	shalt  }
0x3e: {  	_ =	shalt  }
0x3f: {  	_ =	shalt  }
0x40: {  	_ =	shalt  }
0x41: {  	_ =	shalt  }
0x42: {  	_ =	shalt  }
0x43: {  	_ =	shalt  }
0x44: {  	_ =	shalt  }
0x45: {  	_ =	shalt  }
0x46: {  	_ =	shalt  }
0x47: {  	_ =	shalt  }
0x48: {  	_ =	shalt  }
0x49: {  	_ =	shalt  }
0x4a: {  	_ =	shalt  }
0x4b: {  	_ =	shalt  }
0x4c: {  	_ =	shalt  }
0x4d: {  	_ =	shalt  }
0x4e: {  	_ =	shalt  }
0x4f: {  	_ =	shalt  }
0x50: {  	_ =	shalt  }
0x51: {  	_ =	shalt  }
0x52: {  	_ =	shalt  }
0x53: {  	_ =	shalt  }
0x54: {  	_ =	shalt  }
0x55: {  	_ =	shalt  }
0x56: {  	_ =	shalt  }
0x57: {  	_ =	shalt  }
0x58: {  	_ =	shalt  }
0x59: {  	_ =	shalt  }
0x5a: {  	_ =	shalt  }
0x5b: {  	_ =	shalt  }
0x5c: {  	_ =	shalt  }
0x5d: {  	_ =	shalt  }
0x5e: {  	_ =	shalt  }
0x5f: {  	_ =	shalt  }
0x60: {  	_ =	shalt  }
0x61: {  	_ =	shalt  }
0x62: {  	_ =	shalt  }
0x63: {  	_ =	shalt  }
0x64: {  	_ =	shalt  }
0x65: {  	_ =	shalt  }
0x66: {  	_ =	shalt  }
0x67: {  	_ =	shalt  }
0x68: {  	_ =	shalt  }
0x69: {  	_ =	shalt  }
0x6a: {  	_ =	shalt  }
0x6b: {  	_ =	shalt  }
0x6c: {  	_ =	shalt  }
0x6d: {  	_ =	shalt  }
0x6e: {  	_ =	shalt  }
0x6f: {  	_ =	shalt  }
0x70: {  	_ =	shalt  }
0x71: {  	_ =	shalt  }
0x72: {  	_ =	shalt  }
0x73: {  	_ =	shalt  }
0x74: {  	_ =	shalt  }
0x75: {  	_ =	shalt  }
0x76: {  	_ =	shalt  }
0x77: {  	_ =	shalt  }
0x78: {  	_ =	shalt  }
0x79: {  	_ =	shalt  }
0x7a: {  	_ =	shalt  }
0x7b: {  	_ =	shalt  }
0x7c: {  	_ =	shalt  }
0x7d: {  	_ =	shalt  }
0x7e: {  	_ =	shalt  }
0x7f: {  	_ =	shalt  }
0x80: {  	_ =	shalt  }
0x81: {  	_ =	shalt  }
0x82: {  	_ =	shalt  }
0x83: {  	_ =	shalt  }
0x84: {  	_ =	shalt  }
0x85: {  	_ =	shalt  }
0x86: {  	_ =	shalt  }
0x87: {  	_ =	shalt  }
.Lfunc_end0:
.L_simem_size_0:
called_computation.1_lowered:
.L_overlay_start_0:
0x88: {  	s2 =	sld [smem:$0x3FD9]  }
0x89: {  	s3 =	sld [smem:$0x3FFE];
	_ =	sdelay $0x1  }
0x8a: {  	s1 =	srdreg.scid  }
0x8b: {  	s0 =	sand.u32 $0x1, s1  }
0x8c: {  	s17 =	sshll.u32 s0, $0xA;
	s2 =	sadd.s32 s3, s2  }
0x8d: {  	s2 =	sadd.s32 s2, s17  }
0x8e: {  	[smem:$0x3FB5] =	sst s2  }
0x8f: {  	_ = 	snop  }
0x90: {  	s2 =	sld [smem:$0x3FD0];
	(tm) =	ssettm $0x1  }
0x91: {  	s18 =	sld [smem:$0x3FFB];
	_ =	sdelay $0x3  }
0x92: {  	_ =	strace s18  }
0x93: {  	s3 =	sld [smem:$0x3FFC];
	_ =	sdelay $0x3  }
0x94: {  	_ =	strace s3  }
0x95: {  	s3 =	sld [smem:$0x3FFD];
	_ =	sdelay $0x3  }
0x96: {  	_ =	strace s3  }
0x97: {  	_ =	strace $0x8FFFFFFF  }
0x98: {  	s19 =	sld [smem:$0x3FDB];
	_ =	sdelay $0x1  }
0x99: {  	s4 =	simm.s32 $_scs_section_size  }
0x9a: {  	s5 =	simm.s32 $_size__tile_overlayer_lowered;
	s6 =	simm.s32 $_tile_overlayer_lowered  }
0x9b: {  	s22 =	simm.s32 $0x1BFF;
	s21 =	sshll.u32 s6, $0x1;
	s3 =	sadd.s32 s4, s19  }
0x9c: {  	s7 =	simm.s32 $0x0;
	s20 =	sshll.u32 s5, $0x1;
	s5 =	sadd.s32 s21, s3  }
0x9d: {  	[timem:s7], [sflag:s22] =	dma.local [hbm:s5], s20  }
0x9e: {  	_ =	swait.ge [sflag:s22], s20  }
0x9f: {  	s4 =	ssub.s32 $0x0, s20;
	[sflag:s22] =	ssyncset.done $0x0  }
0xa0: {  	[sflag:s22] =	ssyncadd.s32 s4;
	_ =	sdelay $0x1  }
0xa1: {  	s23 =	simm.s32 $0x1B8B  }
0xa2: {  	_ =	swait.ge [sflag:s23], $0x1  }
0xa3: {  	[sflag:s23] =	ssyncset.done $0x0  }
0xa4: {  	s25 =	simm.s32 $0x1B8E;
	s24 =	sld [smem:$0x3FFE];
	[sflag:s23] =	ssyncadd.s32 $0xFFFFFFFF  }
0xa5: {  	s26 =	simm.s32 $execute0_lowered;
	[smem:$0x3FD2] =	sst s25  }
0xa6: {  	s5 =	sshll.u32 s26, $0x1;
	_ =	strace $0x80000049;
	[dreg:$0x1] =	wrdreg $0xFFFFFFFF  }
0xa7: {  	s28 =	simm.s32 $_size_execute0_lowered;
	s3 =	sadd.s32 s3, s5;
	[dreg:$0x0] =	wrdreg $0x0  }
0xa8: {  	s5 =	sshll.u32 s28, $0x1;
	[dreg:$0x2] =	wrdreg s3  }
0xa9: {  	[dreg:$0x3] =	wrdreg s5  }
0xaa: {  	[dreg:$0x4] =	wrdreg $0xC0  }
0xab: {  	_ =	task [dreg:s7], $0x5FFFF  }
0xac: {  	[dreg:$0x1] =	wrdreg $0xFFFFFFFF  }
0xad: {  	[dreg:$0x0] =	wrdreg $0x60  }
0xae: {  	[dreg:$0x2] =	wrdreg s24  }
0xaf: {  	[dreg:$0x3] =	wrdreg s2  }
0xb0: {  	[dreg:$0x4] =	wrdreg $0x66D00  }
0xb1: {  	[dreg:$0x5] =	wrdreg $0x9  }
0xb2: {  	_ =	task.clear_ibuf [dreg:s7], $0x6FFFF;
	_ =	strace $0x90000049  }
0xb3: {  	s29 =	simm.s32 $0x9;
	_ =	strace $0x8000004B  }
0xb4: {  	_ =	swait.ge [sflag:s29], $0x1  }
0xb5: {  	[sflag:s29] =	ssyncadd.s32 $0xFFFFFFFF  }
0xb6: {  	_ =	strace $0x9000004B  }
0xb7: {  	_ =	sfence  }
0xb8: {  	s30 =	sld [smem:$0x0];
	_ =	sdelay $0x2  }
0xb9: {  	s31 =	sshll.u32 s1, $0xD;
	s1 =	sshrl.u32 s1, $0x2  }
0xba: {  	s3 =	sand.u32 $0x4000, s31;
	s1 =	sadd.s32 s1, s30  }
0xbb: {  	s0 =	sor.u32 s3, s0;
	s1 =	sshll.u32 s1, $0x11  }
0xbc: {  	s0 =	sor.u32 s1, s0  }
0xbd: {  	s0 =	sadd.s32 $0x8F2B, s0  }
0xbe: {  	[sflag:s0] =	ssyncadd.remote.s32 $0x1  }
0xbf: {  	_ =	sfence.sel $0xFFFF  }
0xc0: {  	[dreg:$0x0] =	wrdreg $0xFFFFFFFF;
	(pc) =	sbr.abs _section_cstart, $3  }
0xc1: {  	[dreg:$0x1] =	wrdreg $0xFFFFFFFF  }
0xc2: {  	_ =	task.clear_ibuf [dreg:s7], $0x2FFFF;
	_ =	strace $0x9FFFFFFF  }
0xc3: {  	(tm) =	ssettm $0x7FFFFFFF  }
tec
execute0_lowered:
.L_overlay_start_1:
0x0: {  	(tag) =	ssettag $0x1  }
0x1: {  	s0 =	rddreg [dreg:$0x0]  }
0x2: {  	s3 =	rddreg [dreg:$0x1]  }
0x3: {  	s1 =	rddreg [dreg:$0x2];
	s2 =	simm.s32 $0x0;
	s6 =	srdreg.scid  }
0x4: {  	s13 =	stileid.u32;
	s22 =	simm.s32 $0xCD0;
	s23 =	simm.s32 $0x5  }
0x5: {  	s29 =	simm.s32 $0x500;
	s30 =	simm.s32 $0xA50;
	s31 =	simm.s32 $0xB90  }
0x6: {  	[smem:$0x7FF] =	sst s2;
	s4 =	sadd.s32 $0x1D2000, s0;
	s5 =	sadd.s32 $0x85C00, s0  }
0x7: {  	s8 =	sand.u32 $0x1, s6;
	s6 =	sadd.s32 $0x7BE00, s0;
	s10 =	smul.u32 $0x57E40, s13  }
0x8: {  	s7 =	sadd.s32 $0x52400, s0;
	s12 =	smul.u32 $0x15F90, s13;
	s0 =	sadd.s32 $0x8FA00, s0  }
0x9: {  	s24 =	smul.u32 $0x4E20, s13;
	_ =	strace $0x8000004A;
	s9 =	ssub.s32 $0x2, s8  }
0xa: {  	s21 =	smul.u32 $0x2710, s8;
	p0 =	seq.s32 s8, $0x1;
	s8 =	simm.s32 $0x0  }
0xb: {  	s11 =	sshrl.u32 s9, $0x1;
	s10 =	sshrl.u32 s10, $0x2;
	s17 =	sadd.s32 s12, s1  }
0xc: {  	s18 =	sshrl.u32 s24, $0x3;
	s25 =	sshrl.u32 s12, $0x3;
	s3 =	smov.u32 @p0 s0  }
0xd: {  	s0 =	simm.s32 $0x1;
	s19 =	sadd.s32 s5, s18;
	[dreg:$0x4] =	wrdreg s17  }
0xe: {  	s10 =	sadd.s32 s10, s1;
	s20 =	sadd.s32 s6, s18;
	[dreg:$0xc] =	wrdreg s19  }
0xf: {  	s12 =	simm.s32 $0xC80;
	s26 =	sadd.s32 $0x2D00, s10;
	[dreg:$0xd] =	wrdreg s20  }
0x10: {  	s9 =	ssub.s32 s9, s11;
	s28 =	sadd.s32 $0x5A00, s10;
	[dreg:$0x5] =	wrdreg s26  }
0x11: {  	s18 =	sadd.s32 $0x50, s24;
	s14 =	sadd.s32 $0x8700, s10;
	[dreg:$0x6] =	wrdreg s28  }
0x12: {  	s11 =	simm.s32 $0x780;
	s15 =	sadd.s32 $0xB400, s10;
	[dreg:$0x7] =	wrdreg s14  }
0x13: {  	v1 =	vmov s21;
	s21 =	simm.s32 $0x0;
	s16 =	sadd.s32 $0xE100, s10;
	[dreg:$0x8] =	wrdreg s15  }
0x14: {  	v0 =	vlaneseq.u32;
	s19 =	sadd.s32 $0xA0, s24;
	[dreg:$0x9] =	wrdreg s16;
	s14 =	sadd.s32 $0x10E00, s10  }
0x15: {  	v0 =	vmul.u32 $0x8, v0;
	s24 =	simm.s32 $0xA00;
	s10 =	sadd.s32 $0x13B00, s10;
	[dreg:$0xa] =	wrdreg s14  }
0x16: {  	v2 =	vimm.f32 $0.0e+00;
	s26 =	smax.u32 s9, $0x1;
	s28 =	sadd.s32 s3, s25;
	[dreg:$0xb] =	wrdreg s10  }
0x17: {  	v3 =	vor.u32 $0x1, v0;
	v4 =	vor.u32 $0x80, v0;
	v5 =	vor.u32 $0x81, v0;
	s25 =	simm.s32 $0xB40;
	s9 =	simm.s32 $0x39D0;
	[dreg:$0xe] =	wrdreg s26  }
0x18: {  	v6 =	vor.u32 $0x100, v0;
	v7 =	vor.u32 $0x101, v0;
	v8 =	vor.u32 $0x180, v0;
	s15 =	simm.s32 $0x3;
	s16 =	simm.s32 $0xC30;
	[dreg:$0xf] =	wrdreg s28  }
0x19: {  	v9 =	vor.u32 $0x181, v0;
	v10 =	vor.u32 $0x200, v0;
	v11 =	vor.u32 $0x201, v0;
	s26 =	simm.s32 $0x50;
	s10 =	simm.s32 $0x280;
	s14 =	simm.s32 $0x2  }
.LBB2_1:
0x1a: {  	[dreg:$0x10] =	wrdreg s8;
	s3 =	simm.s32 $0x0;
	s8 =	simm.s32 $0x240  }
.LBB2_2:
0x1b: {  	p0 =	sne.s32 s8, $0xB1C0;
	[tilespmem:s3+$0xD50] =	vst v2  }
0x1c: {  	[tilespmem:s3+$0xCD0] =	vst v2  }
0x1d: {  	[tilespmem:s3+$0xCE0] =	vst v2  }
0x1e: {  	[tilespmem:s3+$0xCF0] =	vst v2  }
.Ltmp0:
0x1f: {  	[tilespmem:s3+$0xD00] =	vst v2;
	(pc) =	sbr.rel @p0 .LBB2_2-.Ltmp0, $4  }
0x20: {  	[tilespmem:s3+$0xD10] =	vst v2  }
0x21: {  	[tilespmem:s3+$0xD20] =	vst v2  }
0x22: {  	[tilespmem:s3+$0xD30] =	vst v2  }
0x23: {  	[tilespmem:s3+$0xD40] =	vst v2;
	s3 =	sshra.s32 s8, $0x2;
	s8 =	sadd.s32 $0x240, s8  }
0x24: {  	[tilespmem:s3+$0xD50] =	vst v2  }
0x25: {  	[tilespmem:s3+$0xCD0] =	vst v2  }
0x26: {  	[tilespmem:s3+$0xCE0] =	vst v2  }
0x27: {  	[tilespmem:s3+$0xCF0] =	vst v2  }
0x28: {  	[tilespmem:s3+$0xD00] =	vst v2  }
0x29: {  	[tilespmem:s3+$0xD10] =	vst v2  }
0x2a: {  	[tilespmem:s3+$0xD20] =	vst v2  }
0x2b: {  	[tilespmem:s3+$0xD30] =	vst v2  }
0x2c: {  	[tilespmem:s3+$0xD40] =	vst v2  }
0x2d: {  	[spmem:s17] =	stream.linear.scatter [tilespmem:s22], [sflag:$0x5], $0x2D00, $0x38;
	[tilespmem:$0x1C660] =	vst v63  }
0x2e: {  	_ =	swait.ge [sflag:s23], $0x2D00  }
0x2f: {  	[sflag:s23] =	ssyncset.done $0x0  }
0x30: {  	s8 =	rddreg [dreg:$0x5];
	[sflag:s23] =	ssyncadd.s32 $0xFFFFD300  }
0x31: {  	[spmem:s8] =	stream.linear.scatter [tilespmem:s22], [sflag:$0x5], $0x2D00, $0x38;
	[tilespmem:$0x1C660] =	vst v63  }
0x32: {  	_ =	swait.ge [sflag:s23], $0x2D00  }
0x33: {  	[sflag:s23] =	ssyncset.done $0x0  }
0x34: {  	s13 =	rddreg [dreg:$0x6];
	[sflag:s23] =	ssyncadd.s32 $0xFFFFD300  }
0x35: {  	[spmem:s13] =	stream.linear.scatter [tilespmem:s22], [sflag:$0x5], $0x2D00, $0x38;
	[tilespmem:$0x1C660] =	vst v63  }
0x36: {  	_ =	swait.ge [sflag:s23], $0x2D00  }
0x37: {  	[sflag:s23] =	ssyncset.done $0x0  }
0x38: {  	s17 =	rddreg [dreg:$0x7];
	[sflag:s23] =	ssyncadd.s32 $0xFFFFD300  }
0x39: {  	[spmem:s17] =	stream.linear.scatter [tilespmem:s22], [sflag:$0x5], $0x2D00, $0x38;
	[tilespmem:$0x1C660] =	vst v63  }
0x3a: {  	_ =	swait.ge [sflag:s23], $0x2D00  }
0x3b: {  	[sflag:s23] =	ssyncset.done $0x0  }
0x3c: {  	s20 =	rddreg [dreg:$0x8];
	[sflag:s23] =	ssyncadd.s32 $0xFFFFD300  }
0x3d: {  	[spmem:s20] =	stream.linear.scatter [tilespmem:s22], [sflag:$0x5], $0x2D00, $0x38;
	[tilespmem:$0x1C660] =	vst v63  }
0x3e: {  	_ =	swait.ge [sflag:s23], $0x2D00  }
0x3f: {  	[sflag:s23] =	ssyncset.done $0x0  }
0x40: {  	s28 =	rddreg [dreg:$0x9];
	[sflag:s23] =	ssyncadd.s32 $0xFFFFD300  }
0x41: {  	[spmem:s28] =	stream.linear.scatter [tilespmem:s22], [sflag:$0x5], $0x2D00, $0x38;
	[tilespmem:$0x1C660] =	vst v63  }
0x42: {  	_ =	swait.ge [sflag:s23], $0x2D00  }
0x43: {  	[sflag:s23] =	ssyncset.done $0x0  }
0x44: {  	s8 =	rddreg [dreg:$0xa];
	[sflag:s23] =	ssyncadd.s32 $0xFFFFD300  }
0x45: {  	[spmem:s8] =	stream.linear.scatter [tilespmem:s22], [sflag:$0x5], $0x2D00, $0x38;
	[tilespmem:$0x1C660] =	vst v63  }
0x46: {  	_ =	swait.ge [sflag:s23], $0x2D00  }
0x47: {  	[sflag:s23] =	ssyncset.done $0x0  }
0x48: {  	s13 =	rddreg [dreg:$0xb];
	[sflag:s23] =	ssyncadd.s32 $0xFFFFD300  }
0x49: {  	[spmem:s13] =	stream.linear.scatter [tilespmem:s22], [sflag:$0x5], $0x2490, $0x38;
	[tilespmem:$0x1C660] =	vst v63  }
0x4a: {  	_ =	swait.ge [sflag:s23], $0x2490  }
0x4b: {  	[sflag:s23] =	ssyncset.done $0x0  }
0x4c: {  	[sflag:s23] =	ssyncadd.s32 $0xFFFFDB70  }
0x4d: {  	[bflag:$0x0] =	sbarrier.arrive $0xFFFF  }
0x4e: {  	s17 =	rddreg [dreg:$0xc]  }
0x4f: {  	[tilespmem:s24], [sflag:$0x5] =	stream.linear.gather [hbm4b:s17+s21], $0x50, $0x38;
	[tilespmem:$0x1C660] =	vst v63  }
0x50: {  	_ =	swait.ge [sflag:s23], $0x50  }
0x51: {  	[sflag:s23] =	ssyncset.done $0x0  }
0x52: {  	s20 =	rddreg [dreg:$0xd];
	[sflag:s23] =	ssyncadd.s32 $0xFFFFFFB0  }
0x53: {  	[tilespmem:s25], [sflag:$0x5] =	stream.linear.gather [hbm4b:s20+s21], $0x50, $0x38;
	[tilespmem:$0x1C660] =	vst v63  }
0x54: {  	_ =	swait.ge [sflag:s23], $0x50  }
0x55: {  	[sflag:s23] =	ssyncset.done $0x0  }
0x56: {  	[sflag:s23] =	ssyncadd.s32 $0xFFFFFFB0  }
0x57: {  	v12 =	vld [tilespmem:$0xA00]  }
0x58: {  	v13 =	vld [tilespmem:$0xA10]  }
0x59: {  	v14 =	vld [tilespmem:$0xA20]  }
0x5a: {  	v15 =	vld [tilespmem:$0xA30]  }
0x5b: {  	v16 =	vld [tilespmem:$0xA40]  }
0x5c: {  	v12 =	vadd.s32 v1, v12  }
0x5d: {  	v60 =	vadd.s32 v1, v13;
	[tilespmem:$0xAA0] =	vst v12  }
0x5e: {  	v61 =	vadd.s32 v1, v14;
	[tilespmem:$0xAB0] =	vst v60  }
0x5f: {  	v62 =	vadd.s32 v1, v15;
	[tilespmem:$0xAC0] =	vst v61  }
0x60: {  	v63 =	vadd.s32 v1, v16;
	[tilespmem:$0xAD0] =	vst v62  }
0x61: {  	s28 =	simm.s32 $0xAA0;
	[tilespmem:$0xAE0] =	vst v63  }
0x62: {  	[tilespmem:s22], [sflag:$0x1] =	stream.indirect.gather [hbm4b:s4+s26], $0x90, s28, s26, $0xb8;
	[tilespmem:$0x1C660] =	vst v63  }
0x63: {  	_ = 	snop  }
0x64: {  	[tilespmem:s21], [sflag:$0x1] =	stream.indirect.gather [hbm4b:s7+s26], $0x8, s24, s26, $0xb8;
	[tilespmem:$0x1C660] =	vst v63  }
0x65: {  	s17 =	simm.s32 $0x0  }
0x66: {  	[tilespmem:s29], [sflag:$0x1] =	stream.indirect.gather [hbm4b:s7+s26], $0x8, s25, s26, $0xb8;
	[tilespmem:$0x1C660] =	vst v63  }
.LBB2_4:
0x67: {  	s3 =	smul.u32 $0xA0, s17;
	_ =	sdelay $0x1  }
0x68: {  	s3 =	sadd.s32 s3, s18  }
0x69: {  	s3 =	sshrl.u32 s3, $0x3  }
0x6a: {  	s8 =	sadd.s32 s5, s3  }
0x6b: {  	[tilespmem:s30], [sflag:$0x5] =	stream.linear.gather [hbm4b:s8+s2], $0x50, $0x38;
	[tilespmem:$0x1C660] =	vst v63  }
0x6c: {  	_ =	swait.ge [sflag:s23], $0x50  }
0x6d: {  	[sflag:s23] =	ssyncset.done $0x0  }
0x6e: {  	s3 =	sadd.s32 s6, s3;
	[sflag:s23] =	ssyncadd.s32 $0xFFFFFFB0  }
0x6f: {  	[tilespmem:s31], [sflag:$0x5] =	stream.linear.gather [hbm4b:s3+s2], $0x50, $0x38;
	[tilespmem:$0x1C660] =	vst v63  }
0x70: {  	_ =	swait.ge [sflag:s23], $0x50  }
0x71: {  	[sflag:s23] =	ssyncset.done $0x0  }
0x72: {  	[sflag:s23] =	ssyncadd.s32 $0xFFFFFFB0  }
0x73: {  	v12 =	vld [tilespmem:$0xA50]  }
0x74: {  	v13 =	vld [tilespmem:$0xA60]  }
0x75: {  	v14 =	vld [tilespmem:$0xA70]  }
0x76: {  	v15 =	vld [tilespmem:$0xA80]  }
0x77: {  	v16 =	vld [tilespmem:$0xA90]  }
0x78: {  	v12 =	vadd.s32 v1, v12  }
0x79: {  	[tilespmem:$0xAF0] =	vst v12;
	v12 =	vadd.s32 v1, v13  }
0x7a: {  	[tilespmem:$0xB00] =	vst v12;
	v12 =	vadd.s32 v1, v14  }
0x7b: {  	[tilespmem:$0xB10] =	vst v12;
	v12 =	vadd.s32 v1, v15  }
0x7c: {  	[tilespmem:$0xB20] =	vst v12;
	v12 =	vadd.s32 v1, v16  }
0x7d: {  	[tilespmem:$0xB30] =	vst v12  }
0x7e: {  	_ =	swait.ge [sflag:s0], $0x2D00  }
0x7f: {  	[sflag:s0] =	ssyncset.done $0x0  }
0x80: {  	[sflag:s0] =	ssyncadd.s32 $0xFFFFD300  }
0x81: {  	_ =	swait.ge [sflag:s0], $0x280  }
0x82: {  	[sflag:s0] =	ssyncset.done $0x0  }
0x83: {  	[sflag:s0] =	ssyncadd.s32 $0xFFFFFD80  }
0x84: {  	_ =	swait.ge [sflag:s0], $0x280  }
0x85: {  	p0 =	seq.s32 s17, $0x0;
	[sflag:s0] =	ssyncset.done $0x0  }
0x86: {  	s3 =	simm.s32 @!p0 $0x4;
	[sflag:s0] =	ssyncadd.s32 $0xFFFFFD80  }
0x87: {  	_ =	swait.ge @!p0 [sflag:s3], $0x2D00  }
0x88: {  	[sflag:s3] =	ssyncset.done @!p0 $0x0  }
0x89: {  	s20 =	simm.s32 $0xAF0;
	[sflag:s3] =	ssyncadd.s32 @!p0 $0xFFFFD300  }
0x8a: {  	[tilespmem:s9], [sflag:$0x2] =	stream.indirect.gather [hbm4b:s4+s26], $0x90, s20, s26, $0xb8;
	[tilespmem:$0x1C660] =	vst v63  }
0x8b: {  	_ = 	snop  }
0x8c: {  	[tilespmem:s10], [sflag:$0x2] =	stream.indirect.gather [hbm4b:s7+s26], $0x8, s30, s26, $0xb8;
	[tilespmem:$0x1C660] =	vst v63  }
0x8d: {  	_ = 	snop  }
0x8e: {  	[tilespmem:s11], [sflag:$0x2] =	stream.indirect.gather [hbm4b:s7+s26], $0x8, s31, s26, $0xb8;
	[tilespmem:$0x1C660] =	vst v63  }
0x8f: {  	v12 =	vld.idx.msk [tilespmem:v0+s21+$0x0], $0xffff  }
0x90: {  	v13 =	vld.idx.msk [tilespmem:v3+s29+$0x0], $0xffff;
	_ =	sdelay $0x4  }
0x91: {  	v12 =	vadd.f32 v13, v12;
	_ =	sdelay $0x1  }
0x92: {  	v13 =	vmul.f32 $2.000000030e-01, v12  }
0x93: {  	vm0 =	vge.f32 v12, $0.0e+00  }
0x94: {  	v12 =	vsel vm0, v12, v13  }
0x95: {  	v12 =	vmul.f32 $1.442695020e+00, v12;
	_ =	sdelay $0x1  }
0x96: {  	(erf) = vpow2.f32 v12;
	_ =	sdelay $0x8  }
0x97: {  	v12 =	vpop (erf)  }
0x98: {  	[tilespmem:$0xC80] =	vst v12  }
0x99: {  	v12 =	vld.idx.msk [tilespmem:v4+s21+$0x0], $0xffff  }
0x9a: {  	v13 =	vld.idx.msk [tilespmem:v5+s29+$0x0], $0xffff;
	_ =	sdelay $0x4  }
0x9b: {  	v12 =	vadd.f32 v13, v12;
	_ =	sdelay $0x1  }
0x9c: {  	v13 =	vmul.f32 $2.000000030e-01, v12  }
0x9d: {  	vm12 =	vge.f32 v12, $0.0e+00  }
0x9e: {  	v12 =	vsel vm12, v12, v13  }
0x9f: {  	v12 =	vmul.f32 $1.442695020e+00, v12;
	_ =	sdelay $0x1  }
0xa0: {  	(erf) = vpow2.f32 v12;
	_ =	sdelay $0x8  }
0xa1: {  	v12 =	vpop (erf)  }
0xa2: {  	[tilespmem:$0xC90] =	vst v12  }
0xa3: {  	v12 =	vld.idx.msk [tilespmem:v6+s21+$0x0], $0xffff  }
0xa4: {  	v13 =	vld.idx.msk [tilespmem:v7+s29+$0x0], $0xffff;
	_ =	sdelay $0x4  }
0xa5: {  	v12 =	vadd.f32 v13, v12;
	_ =	sdelay $0x1  }
0xa6: {  	v13 =	vmul.f32 $2.000000030e-01, v12  }
0xa7: {  	vm13 =	vge.f32 v12, $0.0e+00  }
0xa8: {  	v12 =	vsel vm13, v12, v13  }
0xa9: {  	v12 =	vmul.f32 $1.442695020e+00, v12;
	_ =	sdelay $0x1  }
0xaa: {  	(erf) = vpow2.f32 v12;
	_ =	sdelay $0x8  }
0xab: {  	v12 =	vpop (erf)  }
0xac: {  	[tilespmem:$0xCA0] =	vst v12  }
0xad: {  	v12 =	vld.idx.msk [tilespmem:v8+s21+$0x0], $0xffff  }
0xae: {  	v13 =	vld.idx.msk [tilespmem:v9+s29+$0x0], $0xffff;
	_ =	sdelay $0x4  }
0xaf: {  	v12 =	vadd.f32 v13, v12;
	_ =	sdelay $0x1  }
0xb0: {  	v13 =	vmul.f32 $2.000000030e-01, v12  }
0xb1: {  	vm14 =	vge.f32 v12, $0.0e+00  }
0xb2: {  	v12 =	vsel vm14, v12, v13  }
0xb3: {  	v12 =	vmul.f32 $1.442695020e+00, v12;
	_ =	sdelay $0x1  }
0xb4: {  	(erf) = vpow2.f32 v12;
	_ =	sdelay $0x8  }
0xb5: {  	v12 =	vpop (erf)  }
0xb6: {  	[tilespmem:$0xCB0] =	vst v12  }
0xb7: {  	v12 =	vld.idx.msk [tilespmem:v10+s21+$0x0], $0xffff  }
0xb8: {  	v13 =	vld.idx.msk [tilespmem:v11+s29+$0x0], $0xffff;
	_ =	sdelay $0x4  }
0xb9: {  	v12 =	vadd.f32 v13, v12;
	_ =	sdelay $0x1  }
0xba: {  	v13 =	vmul.f32 $2.000000030e-01, v12  }
0xbb: {  	vm15 =	vge.f32 v12, $0.0e+00  }
0xbc: {  	v12 =	vsel vm15, v12, v13  }
0xbd: {  	v12 =	vmul.f32 $1.442695020e+00, v12;
	_ =	sdelay $0x1  }
0xbe: {  	(erf) = vpow2.f32 v12;
	_ =	sdelay $0x8  }
0xbf: {  	v13 =	vmov s21;
	v12 =	vpop (erf)  }
0xc0: {  	s8 =	simm.s32 $0xD10;
	[tilespmem:$0xCC0] =	vst v12  }
0xc1: {  	v17 =	vld [tilespmem:s8+$0xFFFFFFC0]  }
0xc2: {  	v20 =	vld [tilespmem:s8+$0x30]  }
0xc3: {  	v18 =	vld [tilespmem:s8+$0x40]  }
0xc4: {  	v13 =	vld.idx.msk [tilespmem:v13+s12+$0x0], $0xffff  }
0xc5: {  	v22 =	vld [tilespmem:s8+$0xFFFFFFE0]  }
0xc6: {  	v12 =	vld [tilespmem:s8+$0xFFFFFFF0]  }
0xc7: {  	v14 =	vld [tilespmem:s8+$0x20]  }
0xc8: {  	v15 =	vld [tilespmem:s8+$0xFFFFFFD0]  }
0xc9: {  	v16 =	vld [tilespmem:s8+$0x10]  }
0xca: {  	v21 =	vmul.f32 v17, v13;
	v19 =	vmul.f32 v18, v13;
	v17 =	vld [tilespmem:s8+$0x0]  }
0xcb: {  	s28 =	simm.s32 $0xD10;
	s3 =	simm.s32 $0x1;
	s20 =	sshll.u32 s17, $0x1;
	v18 =	vmul.f32 v22, v13;
	v20 =	vmul.f32 v20, v13  }
.LBB2_5:
0xcc: {  	p0 =	sne.s32 s3, $0x4F  }
0xcd: {  	[tilespmem:s8+$0xFFFFFFC0] =	vst v21;
	v15 =	vmul.f32 v15, v13;
	v14 =	vmul.f32 v14, v13;
	s28 =	sadd.s32 $0x90, s28;
	s13 =	smov.u32 s3;
	s3 =	sadd.s32 $0x1, s3  }
0xce: {  	v21 =	vmul.f32 v12, v13;
	v12 =	vmul.f32 v16, v13;
	[tilespmem:s8+$0x40] =	vst v19  }
0xcf: {  	v13 =	vmul.f32 v17, v13;
	[tilespmem:s8+$0x30] =	vst v20  }
0xd0: {  	[tilespmem:s8+$0xFFFFFFE0] =	vst v18  }
0xd1: {  	v16 =	vmov s13;
	[tilespmem:s8+$0x10] =	vst v12  }
0xd2: {  	v12 =	vld [tilespmem:s28+$0xFFFFFFF0];
	[tilespmem:s8+$0x0] =	vst v13  }
0xd3: {  	v18 =	vld [tilespmem:s28+$0xFFFFFFC0];
	[tilespmem:s8+$0xFFFFFFF0] =	vst v21  }
0xd4: {  	v20 =	vld [tilespmem:s28+$0x30];
	[tilespmem:s8+$0x20] =	vst v14  }
0xd5: {  	v19 =	vld [tilespmem:s28+$0x40];
	[tilespmem:s8+$0xFFFFFFD0] =	vst v15;
	s8 =	smov.u32 s28  }
0xd6: {  	v13 =	vld.idx.msk [tilespmem:v16+s12+$0x0], $0xffff  }
0xd7: {  	v22 =	vld [tilespmem:s28+$0xFFFFFFE0]  }
0xd8: {  	v14 =	vld [tilespmem:s28+$0x20]  }
.Ltmp1:
0xd9: {  	v15 =	vld [tilespmem:s28+$0xFFFFFFD0];
	(pc) =	sbr.rel @p0 .LBB2_5-.Ltmp1, $4  }
0xda: {  	v16 =	vld [tilespmem:s28+$0x10]  }
0xdb: {  	v17 =	vld [tilespmem:s28+$0x0]  }
0xdc: {  	v21 =	vmul.f32 v18, v13;
	v19 =	vmul.f32 v19, v13  }
0xdd: {  	v20 =	vmul.f32 v20, v13;
	v18 =	vmul.f32 v22, v13  }
0xde: {  	[tilespmem:s8+$0xFFFFFFC0] =	vst v21  }
0xdf: {  	[tilespmem:s8+$0x40] =	vst v19  }
0xe0: {  	v12 =	vmul.f32 v12, v13;
	[tilespmem:s8+$0x30] =	vst v20  }
0xe1: {  	v14 =	vmul.f32 v14, v13;
	[tilespmem:s8+$0xFFFFFFE0] =	vst v18  }
0xe2: {  	v16 =	vmul.f32 v16, v13;
	[tilespmem:s8+$0xFFFFFFF0] =	vst v12  }
0xe3: {  	v17 =	vmul.f32 v17, v13;
	[tilespmem:s8+$0x20] =	vst v14  }
0xe4: {  	v13 =	vmul.f32 v15, v13;
	[tilespmem:s8+$0x10] =	vst v16  }
0xe5: {  	[tilespmem:s8+$0x0] =	vst v17  }
0xe6: {  	[tilespmem:s8+$0xFFFFFFD0] =	vst v13  }
0xe7: {  	v12 =	vld [tilespmem:$0xB40]  }
0xe8: {  	v13 =	vld [tilespmem:$0xB50]  }
0xe9: {  	v14 =	vld [tilespmem:$0xB60]  }
0xea: {  	v15 =	vld [tilespmem:$0xB70]  }
0xeb: {  	v16 =	vld [tilespmem:$0xB80]  }
0xec: {  	s3 =	smin.u32 s20, $0xF7;
	[tilespmem:$0xBE0] =	vst v12  }
0xed: {  	s3 =	smul.u32 $0x50, s3;
	[tilespmem:$0xBF0] =	vst v13  }
0xee: {  	[tilespmem:$0xC00] =	vst v14  }
0xef: {  	s3 =	sadd.s32 s3, s19;
	[tilespmem:$0xC10] =	vst v15  }
0xf0: {  	s13 =	simm.s32 $0xBE0;
	s3 =	sshrl.u32 s3, $0x3;
	[tilespmem:$0xC20] =	vst v16  }
0xf1: {  	[spmem:s1] =	stream.indirect.scatter.add.f32 [tilespmem:s22], [sflag:$0x3], $0x90, s13, s26, $0xb8;
	[tilespmem:$0x1C660] =	vst v63  }
0xf2: {  	s20 =	simm.s32 $0x0;
	s13 =	sadd.s32 s5, s3  }
0xf3: {  	[tilespmem:s24], [sflag:$0x5] =	stream.linear.gather [hbm4b:s13+s20], $0x50, $0x38;
	[tilespmem:$0x1C660] =	vst v63  }
0xf4: {  	_ =	swait.ge [sflag:s23], $0x50  }
0xf5: {  	[sflag:s23] =	ssyncset.done $0x0  }
0xf6: {  	s3 =	sadd.s32 s6, s3;
	[sflag:s23] =	ssyncadd.s32 $0xFFFFFFB0  }
0xf7: {  	[tilespmem:s25], [sflag:$0x5] =	stream.linear.gather [hbm4b:s3+s20], $0x50, $0x38;
	[tilespmem:$0x1C660] =	vst v63  }
0xf8: {  	_ =	swait.ge [sflag:s23], $0x50  }
0xf9: {  	[sflag:s23] =	ssyncset.done $0x0  }
0xfa: {  	[sflag:s23] =	ssyncadd.s32 $0xFFFFFFB0  }
0xfb: {  	v12 =	vld [tilespmem:$0xA00]  }
0xfc: {  	v13 =	vld [tilespmem:$0xA10]  }
0xfd: {  	v14 =	vld [tilespmem:$0xA20]  }
0xfe: {  	v15 =	vld [tilespmem:$0xA30]  }
0xff: {  	v16 =	vld [tilespmem:$0xA40]  }
0x100: {  	v12 =	vadd.s32 v1, v12  }
0x101: {  	[tilespmem:$0xAA0] =	vst v12;
	v12 =	vadd.s32 v1, v13  }
0x102: {  	[tilespmem:$0xAB0] =	vst v12;
	v12 =	vadd.s32 v1, v14  }
0x103: {  	[tilespmem:$0xAC0] =	vst v12;
	v12 =	vadd.s32 v1, v15  }
0x104: {  	[tilespmem:$0xAD0] =	vst v12;
	v12 =	vadd.s32 v1, v16  }
0x105: {  	[tilespmem:$0xAE0] =	vst v12  }
0x106: {  	_ =	swait.ge [sflag:s14], $0x2D00  }
0x107: {  	[sflag:s14] =	ssyncset.done $0x0  }
0x108: {  	[sflag:s14] =	ssyncadd.s32 $0xFFFFD300  }
0x109: {  	_ =	swait.ge [sflag:s14], $0x280  }
0x10a: {  	[sflag:s14] =	ssyncset.done $0x0  }
0x10b: {  	[sflag:s14] =	ssyncadd.s32 $0xFFFFFD80  }
0x10c: {  	_ =	swait.ge [sflag:s14], $0x280  }
0x10d: {  	[sflag:s14] =	ssyncset.done $0x0  }
0x10e: {  	[sflag:s14] =	ssyncadd.s32 $0xFFFFFD80  }
0x10f: {  	_ =	swait.ge [sflag:s15], $0x2D00  }
0x110: {  	[sflag:s15] =	ssyncset.done $0x0  }
0x111: {  	s28 =	simm.s32 $0xAA0;
	[sflag:s15] =	ssyncadd.s32 $0xFFFFD300  }
0x112: {  	[tilespmem:s22], [sflag:$0x1] =	stream.indirect.gather [hbm4b:s4+s26], $0x90, s28, s26, $0xb8;
	[tilespmem:$0x1C660] =	vst v63  }
0x113: {  	_ = 	snop  }
0x114: {  	[tilespmem:s20], [sflag:$0x1] =	stream.indirect.gather [hbm4b:s7+s26], $0x8, s24, s26, $0xb8;
	[tilespmem:$0x1C660] =	vst v63  }
0x115: {  	_ = 	snop  }
0x116: {  	[tilespmem:s29], [sflag:$0x1] =	stream.indirect.gather [hbm4b:s7+s26], $0x8, s25, s26, $0xb8;
	[tilespmem:$0x1C660] =	vst v63  }
0x117: {  	v12 =	vld.idx.msk [tilespmem:v0+s10+$0x0], $0xffff  }
0x118: {  	v13 =	vld.idx.msk [tilespmem:v3+s11+$0x0], $0xffff;
	_ =	sdelay $0x4  }
0x119: {  	v12 =	vadd.f32 v13, v12;
	_ =	sdelay $0x1  }
0x11a: {  	v13 =	vmul.f32 $2.000000030e-01, v12  }
0x11b: {  	vm0 =	vge.f32 v12, $0.0e+00  }
0x11c: {  	v12 =	vsel vm0, v12, v13  }
0x11d: {  	v12 =	vmul.f32 $1.442695020e+00, v12;
	_ =	sdelay $0x1  }
0x11e: {  	(erf) = vpow2.f32 v12;
	_ =	sdelay $0x8  }
0x11f: {  	v12 =	vpop (erf)  }
0x120: {  	[tilespmem:$0xC80] =	vst v12  }
0x121: {  	v12 =	vld.idx.msk [tilespmem:v4+s10+$0x0], $0xffff  }
0x122: {  	v13 =	vld.idx.msk [tilespmem:v5+s11+$0x0], $0xffff;
	_ =	sdelay $0x4  }
0x123: {  	v12 =	vadd.f32 v13, v12;
	_ =	sdelay $0x1  }
0x124: {  	v13 =	vmul.f32 $2.000000030e-01, v12  }
0x125: {  	vm12 =	vge.f32 v12, $0.0e+00  }
0x126: {  	v12 =	vsel vm12, v12, v13  }
0x127: {  	v12 =	vmul.f32 $1.442695020e+00, v12;
	_ =	sdelay $0x1  }
0x128: {  	(erf) = vpow2.f32 v12;
	_ =	sdelay $0x8  }
0x129: {  	v12 =	vpop (erf)  }
0x12a: {  	[tilespmem:$0xC90] =	vst v12  }
0x12b: {  	v12 =	vld.idx.msk [tilespmem:v6+s10+$0x0], $0xffff  }
0x12c: {  	v13 =	vld.idx.msk [tilespmem:v7+s11+$0x0], $0xffff;
	_ =	sdelay $0x4  }
0x12d: {  	v12 =	vadd.f32 v13, v12;
	_ =	sdelay $0x1  }
0x12e: {  	v13 =	vmul.f32 $2.000000030e-01, v12  }
0x12f: {  	vm13 =	vge.f32 v12, $0.0e+00  }
0x130: {  	v12 =	vsel vm13, v12, v13  }
0x131: {  	v12 =	vmul.f32 $1.442695020e+00, v12;
	_ =	sdelay $0x1  }
0x132: {  	(erf) = vpow2.f32 v12;
	_ =	sdelay $0x8  }
0x133: {  	v12 =	vpop (erf)  }
0x134: {  	[tilespmem:$0xCA0] =	vst v12  }
0x135: {  	v12 =	vld.idx.msk [tilespmem:v8+s10+$0x0], $0xffff  }
0x136: {  	v13 =	vld.idx.msk [tilespmem:v9+s11+$0x0], $0xffff;
	_ =	sdelay $0x4  }
0x137: {  	v12 =	vadd.f32 v13, v12;
	_ =	sdelay $0x1  }
0x138: {  	v13 =	vmul.f32 $2.000000030e-01, v12  }
0x139: {  	vm14 =	vge.f32 v12, $0.0e+00  }
0x13a: {  	v12 =	vsel vm14, v12, v13  }
0x13b: {  	v12 =	vmul.f32 $1.442695020e+00, v12;
	_ =	sdelay $0x1  }
0x13c: {  	(erf) = vpow2.f32 v12;
	_ =	sdelay $0x8  }
0x13d: {  	v12 =	vpop (erf)  }
0x13e: {  	[tilespmem:$0xCB0] =	vst v12  }
0x13f: {  	v12 =	vld.idx.msk [tilespmem:v10+s10+$0x0], $0xffff  }
0x140: {  	v13 =	vld.idx.msk [tilespmem:v11+s11+$0x0], $0xffff;
	_ =	sdelay $0x4  }
0x141: {  	v12 =	vadd.f32 v13, v12;
	_ =	sdelay $0x1  }
0x142: {  	v13 =	vmul.f32 $2.000000030e-01, v12  }
0x143: {  	vm15 =	vge.f32 v12, $0.0e+00  }
0x144: {  	v12 =	vsel vm15, v12, v13  }
0x145: {  	v12 =	vmul.f32 $1.442695020e+00, v12;
	_ =	sdelay $0x1  }
0x146: {  	(erf) = vpow2.f32 v12;
	_ =	sdelay $0x8  }
0x147: {  	v13 =	vmov s20;
	v12 =	vpop (erf)  }
0x148: {  	s8 =	simm.s32 $0x3A10;
	[tilespmem:$0xCC0] =	vst v12  }
0x149: {  	v17 =	vld [tilespmem:s8+$0xFFFFFFC0]  }
0x14a: {  	v20 =	vld [tilespmem:s8+$0x30]  }
0x14b: {  	v18 =	vld [tilespmem:s8+$0x40]  }
0x14c: {  	v13 =	vld.idx.msk [tilespmem:v13+s12+$0x0], $0xffff  }
0x14d: {  	v22 =	vld [tilespmem:s8+$0xFFFFFFE0]  }
0x14e: {  	v12 =	vld [tilespmem:s8+$0xFFFFFFF0]  }
0x14f: {  	v14 =	vld [tilespmem:s8+$0x20]  }
0x150: {  	v15 =	vld [tilespmem:s8+$0xFFFFFFD0]  }
0x151: {  	v16 =	vld [tilespmem:s8+$0x10]  }
0x152: {  	v21 =	vmul.f32 v17, v13;
	v19 =	vmul.f32 v18, v13;
	v17 =	vld [tilespmem:s8+$0x0]  }
0x153: {  	s3 =	simm.s32 $0x1;
	s20 =	simm.s32 $0x3A10;
	v18 =	vmul.f32 v22, v13;
	v20 =	vmul.f32 v20, v13  }
.LBB2_7:
0x154: {  	p0 =	sne.s32 s3, $0x4F  }
0x155: {  	[tilespmem:s8+$0xFFFFFFC0] =	vst v21;
	v15 =	vmul.f32 v15, v13;
	v14 =	vmul.f32 v14, v13;
	s20 =	sadd.s32 $0x90, s20;
	s13 =	smov.u32 s3;
	s3 =	sadd.s32 $0x1, s3  }
0x156: {  	v21 =	vmul.f32 v12, v13;
	v12 =	vmul.f32 v16, v13;
	[tilespmem:s8+$0x40] =	vst v19  }
0x157: {  	v13 =	vmul.f32 v17, v13;
	[tilespmem:s8+$0x30] =	vst v20  }
0x158: {  	[tilespmem:s8+$0xFFFFFFE0] =	vst v18  }
0x159: {  	v16 =	vmov s13;
	[tilespmem:s8+$0x10] =	vst v12  }
0x15a: {  	v12 =	vld [tilespmem:s20+$0xFFFFFFF0];
	[tilespmem:s8+$0x0] =	vst v13  }
0x15b: {  	v18 =	vld [tilespmem:s20+$0xFFFFFFC0];
	[tilespmem:s8+$0xFFFFFFF0] =	vst v21  }
0x15c: {  	v20 =	vld [tilespmem:s20+$0x30];
	[tilespmem:s8+$0x20] =	vst v14  }
0x15d: {  	v19 =	vld [tilespmem:s20+$0x40];
	[tilespmem:s8+$0xFFFFFFD0] =	vst v15;
	s8 =	smov.u32 s20  }
0x15e: {  	v13 =	vld.idx.msk [tilespmem:v16+s12+$0x0], $0xffff  }
0x15f: {  	v22 =	vld [tilespmem:s20+$0xFFFFFFE0]  }
0x160: {  	v14 =	vld [tilespmem:s20+$0x20]  }
.Ltmp2:
0x161: {  	v15 =	vld [tilespmem:s20+$0xFFFFFFD0];
	(pc) =	sbr.rel @p0 .LBB2_7-.Ltmp2, $4  }
0x162: {  	v16 =	vld [tilespmem:s20+$0x10]  }
0x163: {  	v17 =	vld [tilespmem:s20+$0x0]  }
0x164: {  	v21 =	vmul.f32 v18, v13;
	v19 =	vmul.f32 v19, v13  }
0x165: {  	v20 =	vmul.f32 v20, v13;
	v18 =	vmul.f32 v22, v13  }
0x166: {  	[tilespmem:s8+$0xFFFFFFC0] =	vst v21  }
0x167: {  	[tilespmem:s8+$0x40] =	vst v19  }
0x168: {  	v12 =	vmul.f32 v12, v13;
	[tilespmem:s8+$0x30] =	vst v20  }
0x169: {  	v14 =	vmul.f32 v14, v13;
	[tilespmem:s8+$0xFFFFFFE0] =	vst v18  }
0x16a: {  	v62 =	vmul.f32 v15, v13;
	[tilespmem:s8+$0xFFFFFFF0] =	vst v12  }
0x16b: {  	v16 =	vmul.f32 v16, v13;
	[tilespmem:s8+$0x20] =	vst v14  }
0x16c: {  	v17 =	vmul.f32 v17, v13;
	[tilespmem:s8+$0xFFFFFFD0] =	vst v62  }
0x16d: {  	[tilespmem:s8+$0x10] =	vst v16  }
0x16e: {  	[tilespmem:s8+$0x0] =	vst v17  }
0x16f: {  	v12 =	vld [tilespmem:$0xB90]  }
0x170: {  	v13 =	vld [tilespmem:$0xBA0]  }
0x171: {  	v14 =	vld [tilespmem:$0xBB0]  }
0x172: {  	v63 =	vld [tilespmem:$0xBC0]  }
0x173: {  	s17 =	sadd.s32 $0x1, s17;
	v16 =	vld [tilespmem:$0xBD0]  }
0x174: {  	p0 =	sne.s32 s17, $0x7D;
	[tilespmem:$0xC30] =	vst v12  }
.Ltmp3:
0x175: {  	[tilespmem:$0xC40] =	vst v13;
	(pc) =	sbr.rel @p0 .LBB2_4-.Ltmp3, $4  }
0x176: {  	[tilespmem:$0xC50] =	vst v14  }
0x177: {  	[tilespmem:$0xC60] =	vst v63  }
0x178: {  	[tilespmem:$0xC70] =	vst v16  }
0x179: {  	[spmem:s1] =	stream.indirect.scatter.add.f32 [tilespmem:s9], [sflag:$0x4], $0x90, s16, s26, $0xb8;
	[tilespmem:$0x1C660] =	vst v63  }
0x17a: {  	_ =	swait.ge [sflag:s0], $0x2D00  }
0x17b: {  	[sflag:s0] =	ssyncset.done $0x0  }
0x17c: {  	[sflag:s0] =	ssyncadd.s32 $0xFFFFD300  }
0x17d: {  	_ =	swait.ge [sflag:s0], $0x280  }
0x17e: {  	[sflag:s0] =	ssyncset.done $0x0  }
0x17f: {  	[sflag:s0] =	ssyncadd.s32 $0xFFFFFD80  }
0x180: {  	_ =	swait.ge [sflag:s0], $0x280  }
0x181: {  	[sflag:s0] =	ssyncset.done $0x0  }
0x182: {  	s3 =	simm.s32 $0x4;
	[sflag:s0] =	ssyncadd.s32 $0xFFFFFD80  }
0x183: {  	_ =	swait.ge [sflag:s3], $0x2D00  }
0x184: {  	[sflag:s3] =	ssyncset.done $0x0  }
0x185: {  	[sflag:s3] =	ssyncadd.s32 $0xFFFFD300  }
0x186: {  	s17 =	stileid.u32;
	[bflag:$0x0] =	sbarrier.arrive $0xFFFF  }
0x187: {  	s3 =	sshll.u32 s17, $0x6;
	s17 =	rddreg [dreg:$0x4]  }
0x188: {  	s3 =	sor.u32 $0x1C05, s3;
	s13 =	rddreg [dreg:$0xf];
	s8 =	sshrl.u32 s17, $0x3  }
0x189: {  	[hbm:s13], [sflag:s3] =	dma.local [spmem:s8], $0x2BF2  }
0x18a: {  	_ =	swait.ge [sflag:s23], $0x2BF2  }
0x18b: {  	s20 =	rddreg [dreg:$0x10]  }
0x18c: {  	s28 =	rddreg [dreg:$0xe];
	s8 =	sadd.s32 $0x1, s20  }
0x18d: {  	p0 =	sne.s32 s8, s28  }
.Ltmp4:
0x18e: {  	_ = 	snop;
	(pc) =	sbr.rel @p0 .LBB2_1-.Ltmp4, $3  }
0x18f: {  	_ =	sdelay $0x1  }
0x190: {  	[sflag:s23] =	ssyncset.done $0x0  }
0x191: {  	[sflag:s23] =	ssyncadd.s32 $0xFFFFD40E  }
0x192: {  	_ =	sfence.sel $0x180000  }
0x193: {  	[bflag:$0x0] =	sbarrier.arrive $0xFFFF  }
0x194: {  	_ =	strace $0x9000004A  }
0x195: {  	s0 =	stileid.u32;
	[bflag:$0x2] =	sbarrier.arrive $0xFFFF  }
0x196: {  	p0 =	sne.s32 s0, $0x0;
	s0 =	rddreg [dreg:$0x3]  }
0x197: {  	s0 =	sadd.s32 @!p0 $0x100000, s0  }
0x198: {  	[sflag:s0] =	ssyncadd.tile.s32 @!p0 $0x1;
	_ =	shalt  }
.Lfunc_end2:
_tile_overlayer_lowered:
.L_overlay_start_2:
0x199: {  	(tag) =	ssettag $0x2  }
0x19a: {  	s0 =	rddreg [dreg:$0x0];
	s2 =	stileid.u32  }
0x19b: {  	s1 =	rddreg [dreg:$0x1];
	p0 =	sne.s32 s2, $0x0  }
0x19c: {  	s3 =	rddreg [dreg:$0x2];
	[bflag:$0x3] =	sbarrier.arrive $0xFFFF;
	s2 =	simm.s32 @!p0 $0x1C05  }
0x19d: {  	[timem:s3], [sflag:s2] =	dma.local @!p0 [hbm:s0], s1  }
0x19e: {  	s0 =	simm.s32 @!p0 $0x5  }
0x19f: {  	_ =	swait.ge @!p0 [sflag:s0], s1  }
0x1a0: {  	s1 =	ssub.s32 @!p0 $0x0, s1;
	[sflag:s0] =	ssyncset.done @!p0 $0x0  }
0x1a1: {  	[sflag:s0] =	ssyncadd.s32 @!p0 s1  }
0x1a2: {  	[bflag:$0x3] =	sbarrier.arrive $0xFFFF  }
0x1a3: {  	_ =	shalt  }

// kernel: kernel.7.cloned.1.call-start
scs
__scs_entry_jumppad:
0x0: {  	(pc) =	sbr.rel $0x88, $3  }
0x1: {  	(tag) =	ssettag $0x0;
	lr =	simm.s32 $0x1  }
0x2: {  	[smem:$0x3F8E] =	sst lr;
	_ =	strace $0xD0000000  }
0x3: {  	_ = 	snop  }
0x4: {  	_ = 	snop  }
0x5: {  	_ = 	snop  }
0x6: {  	_ = 	snop  }
0x7: {  	_ = 	snop  }
__scs_overlays_trampoline_lowered:
0x8: {  	[smem:$0x3F9D] =	sst s0  }
0x9: {  	[smem:$0x3F9E] =	sst s1  }
0xa: {  	[smem:$0x3F9F] =	sst s2  }
0xb: {  	[smem:$0x3FA0] =	sst s3  }
0xc: {  	[smem:$0x3FA1] =	sst s4  }
0xd: {  	[smem:$0x3FA2] =	sst s5  }
0xe: {  	[smem:$0x3FA3] =	sst s6  }
0xf: {  	[smem:$0x3FA4] =	sst s7  }
0x10: {  	[smem:$0x3FA5] =	sst s8  }
0x11: {  	[smem:$0x3FA6] =	sst s9;
	s0 =	simm.s32 @!p0 $0x0  }
0x12: {  	s1 =	sld [smem:$0x3F8C];
	s0 =	simm.s32 @p0 $0x1  }
0x13: {  	[smem:$0x3FA7] =	sst s0;
	s0 =	simm.s32 @!p1 $0x0  }
0x14: {  	s2 =	sld [smem:$0x3F8B];
	s0 =	simm.s32 @p1 $0x1  }
0x15: {  	[smem:$0x3FA8] =	sst s0;
	s0 =	simm.s32 @!p2 $0x0  }
0x16: {  	s3 =	sld [smem:$0x3FDB];
	s0 =	simm.s32 @p2 $0x1  }
0x17: {  	s4 =	simm.s32 $0x1BF5;
	[smem:$0x3FAA] =	sst s0  }
0x18: {  	s0 =	sld [smem:$0x3F8D];
	_ =	swait.ge [sflag:s4], $0x0  }
0x19: {  	s7 =	sld [smem:$0x3F8E]  }
0x1a: {  	s8 =	sadd.s32 $0xFFFFE003, lr  }
0x1b: {  	s9 =	sadd.s32 $0xFFFFFEF7, lr;
	s5 =	simm.s32 $0xFFFFFFFF;
	p2 =	slt.u32 s8, $0xFFFFF086  }
0x1c: {  	p1 =	slt.u32 s9, $0xF7A;
	s5 =	simm.s32 @!p2 $0x0  }
0x1d: {  	s5 =	simm.s32 @p1 $0x1;
	p0 =	seq.s32 s7, s2  }
0x1e: {  	s7 =	smul.u32 @!p0 $0xF7A, s2;
	p2 =	seq.s32 @!p0 s5, $0x0  }
0x1f: {  	s9 =	smul.u32 $0xF7A, s1;
	s8 =	simm.s32 @!p0 $0x1BF5;
	p2 =	por !p2, p0  }
0x20: {  	[sflag:s8] =	ssyncset.s32 @!p0 $0xFFFFF086;
	s6 =	sadd.s32 @!p0 s3, s7;
	s7 =	simm.s32 @!p0 $0x108  }
0x21: {  	s3 =	sadd.s32 s3, s9;
	s6 =	sadd.s32 @!p0 $0x88, s6;
	s7 =	simm.s32 @p2 $0x1082  }
0x22: {  	[simem:s7], [sflag:s8] =	dma.local @!p0 [hbm:s6], $0xF7A  }
0x23: {  	s9 =	sor.u32 $0xD0000000, s2;
	s6 =	simm.s32 $0x108;
	_ =	swait.ge @!p0 [sflag:s8], $0x0  }
0x24: {  	s3 =	sadd.s32 $0x88, s3;
	s6 =	simm.s32 @!p1 $0x1082;
	[sflag:s4] =	ssyncset.s32 $0xFFFFF086  }
0x25: {  	[simem:s6], [sflag:s4] =	dma.local [hbm:s3], $0xF7A  }
0x26: {  	[smem:$0x3F8E] =	sst s1;
	(tag) =	ssettag s2;
	_ =	strace s9  }
0x27: {  	s1 =	sld [smem:$0x3F9E]  }
0x28: {  	s2 =	sld [smem:$0x3F9F]  }
0x29: {  	s4 =	sld [smem:$0x3FA1]  }
0x2a: {  	p0 =	seq.s32 s5, $0x0;
	s5 =	sld [smem:$0x3FA2]  }
0x2b: {  	s6 =	sld [smem:$0x3FA3]  }
0x2c: {  	s7 =	sld [smem:$0x3FA4]  }
0x2d: {  	s3 =	simm.s32 $0x108;
	s8 =	sld [smem:$0x3FA5]  }
0x2e: {  	s3 =	simm.s32 @!p0 $0x1082;
	s9 =	sld [smem:$0x3FA6]  }
0x2f: {  	lr =	sadd.s32 s0, s3;
	s0 =	sld [smem:$0x3F9D]  }
0x30: {  	s3 =	sld [smem:$0x3FA0]  }
0x31: {  	[smem:$0x3FA9] =	sst s10  }
0x32: {  	s10 =	sld [smem:$0x3FA7];
	_ =	sdelay $0x3  }
0x33: {  	p0 =	seq.s32 s10, $0x1;
	s10 =	sld [smem:$0x3FA9];
	_ =	sdelay $0x3  }
0x34: {  	[smem:$0x3FA9] =	sst s10  }
0x35: {  	s10 =	sld [smem:$0x3FA8];
	_ =	sdelay $0x3  }
0x36: {  	p1 =	seq.s32 s10, $0x1;
	s10 =	sld [smem:$0x3FA9];
	_ =	sdelay $0x3  }
0x37: {  	[smem:$0x3FA9] =	sst s10  }
0x38: {  	s10 =	sld [smem:$0x3FAA]  }
0x39: {  	_ = 	snop;
	(pc) =	sbr.ind lr, $3  }
0x3a: {  	_ = 	snop  }
0x3b: {  	_ = 	snop  }
0x3c: {  	p2 =	seq.s32 s10, $0x1;
	s10 =	sld [smem:$0x3FA9]  }
0x3d: {  	_ =	shalt  }
0x3e: {  	_ =	shalt  }
0x3f: {  	_ =	shalt  }
0x40: {  	_ =	shalt  }
0x41: {  	_ =	shalt  }
0x42: {  	_ =	shalt  }
0x43: {  	_ =	shalt  }
0x44: {  	_ =	shalt  }
0x45: {  	_ =	shalt  }
0x46: {  	_ =	shalt  }
0x47: {  	_ =	shalt  }
0x48: {  	_ =	shalt  }
0x49: {  	_ =	shalt  }
0x4a: {  	_ =	shalt  }
0x4b: {  	_ =	shalt  }
0x4c: {  	_ =	shalt  }
0x4d: {  	_ =	shalt  }
0x4e: {  	_ =	shalt  }
0x4f: {  	_ =	shalt  }
0x50: {  	_ =	shalt  }
0x51: {  	_ =	shalt  }
0x52: {  	_ =	shalt  }
0x53: {  	_ =	shalt  }
0x54: {  	_ =	shalt  }
0x55: {  	_ =	shalt  }
0x56: {  	_ =	shalt  }
0x57: {  	_ =	shalt  }
0x58: {  	_ =	shalt  }
0x59: {  	_ =	shalt  }
0x5a: {  	_ =	shalt  }
0x5b: {  	_ =	shalt  }
0x5c: {  	_ =	shalt  }
0x5d: {  	_ =	shalt  }
0x5e: {  	_ =	shalt  }
0x5f: {  	_ =	shalt  }
0x60: {  	_ =	shalt  }
0x61: {  	_ =	shalt  }
0x62: {  	_ =	shalt  }
0x63: {  	_ =	shalt  }
0x64: {  	_ =	shalt  }
0x65: {  	_ =	shalt  }
0x66: {  	_ =	shalt  }
0x67: {  	_ =	shalt  }
0x68: {  	_ =	shalt  }
0x69: {  	_ =	shalt  }
0x6a: {  	_ =	shalt  }
0x6b: {  	_ =	shalt  }
0x6c: {  	_ =	shalt  }
0x6d: {  	_ =	shalt  }
0x6e: {  	_ =	shalt  }
0x6f: {  	_ =	shalt  }
0x70: {  	_ =	shalt  }
0x71: {  	_ =	shalt  }
0x72: {  	_ =	shalt  }
0x73: {  	_ =	shalt  }
0x74: {  	_ =	shalt  }
0x75: {  	_ =	shalt  }
0x76: {  	_ =	shalt  }
0x77: {  	_ =	shalt  }
0x78: {  	_ =	shalt  }
0x79: {  	_ =	shalt  }
0x7a: {  	_ =	shalt  }
0x7b: {  	_ =	shalt  }
0x7c: {  	_ =	shalt  }
0x7d: {  	_ =	shalt  }
0x7e: {  	_ =	shalt  }
0x7f: {  	_ =	shalt  }
0x80: {  	_ =	shalt  }
0x81: {  	_ =	shalt  }
0x82: {  	_ =	shalt  }
0x83: {  	_ =	shalt  }
0x84: {  	_ =	shalt  }
0x85: {  	_ =	shalt  }
0x86: {  	_ =	shalt  }
0x87: {  	_ =	shalt  }
.Lfunc_end0:
.L_simem_size_0:
called_computation_lowered:
.L_overlay_start_0:
0x88: {  	s2 =	sld [smem:$0x3FD9]  }
0x89: {  	s3 =	sld [smem:$0x3FFE];
	_ =	sdelay $0x1  }
0x8a: {  	s1 =	srdreg.scid  }
0x8b: {  	s0 =	sand.u32 $0x1, s1  }
0x8c: {  	s16 =	sshll.u32 s0, $0xA;
	s2 =	sadd.s32 s3, s2  }
0x8d: {  	s2 =	sadd.s32 s2, s16  }
0x8e: {  	[smem:$0x3FB5] =	sst s2  }
0x8f: {  	_ = 	snop  }
0x90: {  	(tm) =	ssettm $0x1  }
0x91: {  	s17 =	sld [smem:$0x3FFB];
	_ =	sdelay $0x3  }
0x92: {  	_ =	strace s17  }
0x93: {  	s2 =	sld [smem:$0x3FFC];
	_ =	sdelay $0x3  }
0x94: {  	_ =	strace s2  }
0x95: {  	s2 =	sld [smem:$0x3FFD];
	_ =	sdelay $0x3  }
0x96: {  	_ =	strace s2  }
0x97: {  	_ =	strace $0x8FFFFFFF  }
0x98: {  	s18 =	sld [smem:$0x3FDB];
	_ =	sdelay $0x1  }
0x99: {  	s19 =	simm.s32 $_scs_section_size  }
0x9a: {  	s4 =	simm.s32 $_size__tile_overlayer_lowered;
	s5 =	simm.s32 $_tile_overlayer_lowered  }
0x9b: {  	s22 =	simm.s32 $0x1BFF;
	s21 =	sshll.u32 s5, $0x1;
	s2 =	sadd.s32 s19, s18  }
0x9c: {  	s6 =	simm.s32 $0x0;
	s20 =	sshll.u32 s4, $0x1;
	s4 =	sadd.s32 s21, s2  }
0x9d: {  	[timem:s6], [sflag:s22] =	dma.local [hbm:s4], s20  }
0x9e: {  	_ =	swait.ge [sflag:s22], s20  }
0x9f: {  	s3 =	ssub.s32 $0x0, s20;
	[sflag:s22] =	ssyncset.done $0x0  }
0xa0: {  	[sflag:s22] =	ssyncadd.s32 s3;
	_ =	sdelay $0x1  }
0xa1: {  	s23 =	simm.s32 $0x1B8B  }
0xa2: {  	_ =	swait.ge [sflag:s23], $0x1  }
0xa3: {  	[sflag:s23] =	ssyncset.done $0x0  }
0xa4: {  	s25 =	simm.s32 $0x1B8E;
	s24 =	sld [smem:$0x3FFE];
	[sflag:s23] =	ssyncadd.s32 $0xFFFFFFFF  }
0xa5: {  	s26 =	simm.s32 $execute0_lowered;
	[smem:$0x3FD2] =	sst s25  }
0xa6: {  	s4 =	sshll.u32 s26, $0x1;
	_ =	strace $0x80000046;
	[dreg:$0x1] =	wrdreg $0xFFFFFFFF  }
0xa7: {  	s28 =	simm.s32 $_size_execute0_lowered;
	s2 =	sadd.s32 s2, s4;
	[dreg:$0x0] =	wrdreg $0x0  }
0xa8: {  	s4 =	sshll.u32 s28, $0x1;
	[dreg:$0x2] =	wrdreg s2  }
0xa9: {  	[dreg:$0x3] =	wrdreg s4  }
0xaa: {  	[dreg:$0x4] =	wrdreg $0xC0  }
0xab: {  	_ =	task [dreg:s6], $0x5FFFF  }
0xac: {  	[dreg:$0x1] =	wrdreg $0xFFFFFFFF  }
0xad: {  	[dreg:$0x0] =	wrdreg $0x60  }
0xae: {  	[dreg:$0x2] =	wrdreg s24  }
0xaf: {  	[dreg:$0x3] =	wrdreg $0x66D00  }
0xb0: {  	[dreg:$0x4] =	wrdreg $0x9  }
0xb1: {  	_ =	task.clear_ibuf [dreg:s6], $0x5FFFF;
	_ =	strace $0x90000046  }
0xb2: {  	s29 =	simm.s32 $0x9;
	_ =	strace $0x80000048  }
0xb3: {  	_ =	swait.ge [sflag:s29], $0x1  }
0xb4: {  	[sflag:s29] =	ssyncadd.s32 $0xFFFFFFFF  }
0xb5: {  	_ =	strace $0x90000048  }
0xb6: {  	_ =	sfence  }
0xb7: {  	s30 =	sld [smem:$0x0];
	_ =	sdelay $0x2  }
0xb8: {  	s31 =	sshll.u32 s1, $0xD;
	s1 =	sshrl.u32 s1, $0x2  }
0xb9: {  	s3 =	sand.u32 $0x4000, s31;
	s1 =	sadd.s32 s1, s30  }
0xba: {  	s0 =	sor.u32 s3, s0;
	s1 =	sshll.u32 s1, $0x11  }
0xbb: {  	s0 =	sor.u32 s1, s0  }
0xbc: {  	s0 =	sadd.s32 $0x8F2B, s0  }
0xbd: {  	[sflag:s0] =	ssyncadd.remote.s32 $0x1  }
0xbe: {  	_ =	sfence.sel $0xFFFF  }
0xbf: {  	[dreg:$0x0] =	wrdreg $0xFFFFFFFF;
	(pc) =	sbr.abs _section_cstart, $3  }
0xc0: {  	[dreg:$0x1] =	wrdreg $0xFFFFFFFF  }
0xc1: {  	_ =	task.clear_ibuf [dreg:s6], $0x2FFFF;
	_ =	strace $0x9FFFFFFF  }
0xc2: {  	(tm) =	ssettm $0x7FFFFFFF  }
0xc3: {  	_ =	shalt  }
tec
execute0_lowered:
.L_overlay_start_1:
0x0: {  	(tag) =	ssettag $0x1  }
0x1: {  	s0 =	rddreg [dreg:$0x0]  }
0x2: {  	s1 =	rddreg [dreg:$0x1]  }
0x3: {  	s2 =	simm.s32 $0x0;
	s3 =	srdreg.scid;
	s12 =	stileid.u32  }
0x4: {  	s29 =	simm.s32 $0x500;
	s30 =	simm.s32 $0xA50;
	s31 =	simm.s32 $0xB90  }
0x5: {  	s14 =	simm.s32 $0x2;
	s15 =	simm.s32 $0x3;
	s16 =	simm.s32 $0xC30  }
0x6: {  	[smem:$0x7FF] =	sst s2;
	s4 =	sadd.s32 $0x115A00, s0;
	s8 =	smul.u32 $0x57E40, s12  }
0x7: {  	s5 =	sadd.s32 $0x85C00, s0;
	s3 =	sand.u32 $0x1, s3;
	s10 =	smul.u32 $0x15F90, s12  }
0x8: {  	s6 =	sadd.s32 $0x7BE00, s0;
	s7 =	sadd.s32 $0x79600, s0;
	s20 =	smul.u32 $0x4E20, s12  }
0x9: {  	s12 =	simm.s32 $0x8FA00;
	_ =	strace $0x80000047;
	s9 =	ssub.s32 $0x2, s3  }
0xa: {  	p0 =	seq.s32 s3, $0x1;
	s3 =	smul.u32 $0x2710, s3;
	s11 =	sshrl.u32 s9, $0x1  }
0xb: {  	s8 =	sshrl.u32 s8, $0x2;
	s13 =	sadd.s32 s10, s1;
	s25 =	sshrl.u32 s20, $0x3  }
0xc: {  	s8 =	sadd.s32 s8, s1;
	s26 =	sadd.s32 s5, s25;
	[dreg:$0x3] =	wrdreg s13  }
0xd: {  	s12 =	simm.s32 @!p0 $0xBBA00;
	s18 =	sadd.s32 $0x2D00, s8;
	[dreg:$0xb] =	wrdreg s26  }
0xe: {  	s28 =	sshrl.u32 s10, $0x3;
	s19 =	sadd.s32 $0x5A00, s8;
	[dreg:$0x4] =	wrdreg s18  }
0xf: {  	s10 =	simm.s32 $0x280;
	s21 =	sadd.s32 $0x8700, s8;
	[dreg:$0x5] =	wrdreg s19  }
0x10: {  	s9 =	ssub.s32 s9, s11;
	s22 =	sadd.s32 $0xB400, s8;
	[dreg:$0x6] =	wrdreg s21  }
0x11: {  	s0 =	sadd.s32 s12, s0;
	s23 =	sadd.s32 $0xE100, s8;
	[dreg:$0x7] =	wrdreg s22  }
0x12: {  	s11 =	simm.s32 $0x780;
	s24 =	sadd.s32 $0x10E00, s8;
	[dreg:$0x8] =	wrdreg s23  }
0x13: {  	v0 =	vlaneseq.u32;
	s12 =	simm.s32 $0xC80;
	s8 =	sadd.s32 $0x13B00, s8;
	[dreg:$0x9] =	wrdreg s24  }
0x14: {  	v0 =	vmul.u32 $0x8, v0;
	s9 =	smax.u32 s9, $0x1;
	s0 =	sadd.s32 s0, s28;
	[dreg:$0xa] =	wrdreg s8  }
0x15: {  	s26 =	simm.s32 $0x50;
	s8 =	sadd.s32 s6, s25;
	[dreg:$0xd] =	wrdreg s9  }
0x16: {  	v2 =	vimm.f32 $0.0e+00;
	v3 =	vor.u32 $0x1, v0;
	s18 =	sadd.s32 $0x50, s20;
	s19 =	sadd.s32 $0xA0, s20;
	[dreg:$0xe] =	wrdreg s0  }
0x17: {  	v4 =	vor.u32 $0x80, v0;
	v5 =	vor.u32 $0x81, v0;
	v6 =	vor.u32 $0x100, v0;
	s22 =	simm.s32 $0xCD0;
	s23 =	simm.s32 $0x5;
	s24 =	simm.s32 $0xA00  }
0x18: {  	v7 =	vor.u32 $0x101, v0;
	v8 =	vor.u32 $0x180, v0;
	v9 =	vor.u32 $0x181, v0;
	s25 =	simm.s32 $0xB40;
	s0 =	simm.s32 $0x1;
	s9 =	simm.s32 $0x39D0  }
0x19: {  	v10 =	vor.u32 $0x200, v0;
	v11 =	vor.u32 $0x201, v0;
	v1 =	vmov s3;
	s21 =	simm.s32 $0x0;
	[dreg:$0xc] =	wrdreg s8;
	s8 =	simm.s32 $0x0  }
.LBB2_1:
0x1a: {  	[dreg:$0xf] =	wrdreg s8;
	s3 =	simm.s32 $0x0;
	s8 =	simm.s32 $0x240  }
.LBB2_2:
0x1b: {  	p0 =	sne.s32 s8, $0xB1C0;
	[tilespmem:s3+$0xD50] =	vst v2  }
0x1c: {  	[tilespmem:s3+$0xCD0] =	vst v2  }
0x1d: {  	[tilespmem:s3+$0xCE0] =	vst v2  }
0x1e: {  	[tilespmem:s3+$0xCF0] =	vst v2  }
.Ltmp0:
0x1f: {  	[tilespmem:s3+$0xD00] =	vst v2;
	(pc) =	sbr.rel @p0 .LBB2_2-.Ltmp0, $4  }
0x20: {  	[tilespmem:s3+$0xD10] =	vst v2  }
0x21: {  	[tilespmem:s3+$0xD20] =	vst v2  }
0x22: {  	[tilespmem:s3+$0xD30] =	vst v2  }
0x23: {  	[tilespmem:s3+$0xD40] =	vst v2;
	s3 =	sshra.s32 s8, $0x2;
	s8 =	sadd.s32 $0x240, s8  }
0x24: {  	[tilespmem:s3+$0xD50] =	vst v2  }
0x25: {  	[tilespmem:s3+$0xCD0] =	vst v2  }
0x26: {  	[tilespmem:s3+$0xCE0] =	vst v2  }
0x27: {  	[tilespmem:s3+$0xCF0] =	vst v2  }
0x28: {  	[tilespmem:s3+$0xD00] =	vst v2  }
0x29: {  	[tilespmem:s3+$0xD10] =	vst v2  }
0x2a: {  	[tilespmem:s3+$0xD20] =	vst v2  }
0x2b: {  	[tilespmem:s3+$0xD30] =	vst v2  }
0x2c: {  	[tilespmem:s3+$0xD40] =	vst v2  }
0x2d: {  	[spmem:s13] =	stream.linear.scatter [tilespmem:s22], [sflag:$0x5], $0x2D00, $0x38;
	[tilespmem:$0x1C660] =	vst v63  }
0x2e: {  	_ =	swait.ge [sflag:s23], $0x2D00  }
0x2f: {  	[sflag:s23] =	ssyncset.done $0x0  }
0x30: {  	s8 =	rddreg [dreg:$0x4];
	[sflag:s23] =	ssyncadd.s32 $0xFFFFD300  }
0x31: {  	[spmem:s8] =	stream.linear.scatter [tilespmem:s22], [sflag:$0x5], $0x2D00, $0x38;
	[tilespmem:$0x1C660] =	vst v63  }
0x32: {  	_ =	swait.ge [sflag:s23], $0x2D00  }
0x33: {  	[sflag:s23] =	ssyncset.done $0x0  }
0x34: {  	s13 =	rddreg [dreg:$0x5];
	[sflag:s23] =	ssyncadd.s32 $0xFFFFD300  }
0x35: {  	[spmem:s13] =	stream.linear.scatter [tilespmem:s22], [sflag:$0x5], $0x2D00, $0x38;
	[tilespmem:$0x1C660] =	vst v63  }
0x36: {  	_ =	swait.ge [sflag:s23], $0x2D00  }
0x37: {  	[sflag:s23] =	ssyncset.done $0x0  }
0x38: {  	s17 =	rddreg [dreg:$0x6];
	[sflag:s23] =	ssyncadd.s32 $0xFFFFD300  }
0x39: {  	[spmem:s17] =	stream.linear.scatter [tilespmem:s22], [sflag:$0x5], $0x2D00, $0x38;
	[tilespmem:$0x1C660] =	vst v63  }
0x3a: {  	_ =	swait.ge [sflag:s23], $0x2D00  }
0x3b: {  	[sflag:s23] =	ssyncset.done $0x0  }
0x3c: {  	s20 =	rddreg [dreg:$0x7];
	[sflag:s23] =	ssyncadd.s32 $0xFFFFD300  }
0x3d: {  	[spmem:s20] =	stream.linear.scatter [tilespmem:s22], [sflag:$0x5], $0x2D00, $0x38;
	[tilespmem:$0x1C660] =	vst v63  }
0x3e: {  	_ =	swait.ge [sflag:s23], $0x2D00  }
0x3f: {  	[sflag:s23] =	ssyncset.done $0x0  }
0x40: {  	s28 =	rddreg [dreg:$0x8];
	[sflag:s23] =	ssyncadd.s32 $0xFFFFD300  }
0x41: {  	[spmem:s28] =	stream.linear.scatter [tilespmem:s22], [sflag:$0x5], $0x2D00, $0x38;
	[tilespmem:$0x1C660] =	vst v63  }
0x42: {  	_ =	swait.ge [sflag:s23], $0x2D00  }
0x43: {  	[sflag:s23] =	ssyncset.done $0x0  }
0x44: {  	s8 =	rddreg [dreg:$0x9];
	[sflag:s23] =	ssyncadd.s32 $0xFFFFD300  }
0x45: {  	[spmem:s8] =	stream.linear.scatter [tilespmem:s22], [sflag:$0x5], $0x2D00, $0x38;
	[tilespmem:$0x1C660] =	vst v63  }
0x46: {  	_ =	swait.ge [sflag:s23], $0x2D00  }
0x47: {  	[sflag:s23] =	ssyncset.done $0x0  }
0x48: {  	s13 =	rddreg [dreg:$0xa];
	[sflag:s23] =	ssyncadd.s32 $0xFFFFD300  }
0x49: {  	[spmem:s13] =	stream.linear.scatter [tilespmem:s22], [sflag:$0x5], $0x2490, $0x38;
	[tilespmem:$0x1C660] =	vst v63  }
0x4a: {  	_ =	swait.ge [sflag:s23], $0x2490  }
0x4b: {  	[sflag:s23] =	ssyncset.done $0x0  }
0x4c: {  	[sflag:s23] =	ssyncadd.s32 $0xFFFFDB70  }
0x4d: {  	[bflag:$0x0] =	sbarrier.arrive $0xFFFF  }
0x4e: {  	s17 =	rddreg [dreg:$0xb]  }
0x4f: {  	[tilespmem:s24], [sflag:$0x5] =	stream.linear.gather [hbm4b:s17+s21], $0x50, $0x38;
	[tilespmem:$0x1C660] =	vst v63  }
0x50: {  	_ =	swait.ge [sflag:s23], $0x50  }
0x51: {  	[sflag:s23] =	ssyncset.done $0x0  }
0x52: {  	s20 =	rddreg [dreg:$0xc];
	[sflag:s23] =	ssyncadd.s32 $0xFFFFFFB0  }
0x53: {  	[tilespmem:s25], [sflag:$0x5] =	stream.linear.gather [hbm4b:s20+s21], $0x50, $0x38;
	[tilespmem:$0x1C660] =	vst v63  }
0x54: {  	_ =	swait.ge [sflag:s23], $0x50  }
0x55: {  	[sflag:s23] =	ssyncset.done $0x0  }
0x56: {  	[sflag:s23] =	ssyncadd.s32 $0xFFFFFFB0  }
0x57: {  	v12 =	vld [tilespmem:$0xA00]  }
0x58: {  	v13 =	vld [tilespmem:$0xA10]  }
0x59: {  	v14 =	vld [tilespmem:$0xA20]  }
0x5a: {  	v15 =	vld [tilespmem:$0xA30]  }
0x5b: {  	v16 =	vld [tilespmem:$0xA40]  }
0x5c: {  	v12 =	vadd.s32 v1, v12  }
0x5d: {  	v60 =	vadd.s32 v1, v13;
	[tilespmem:$0xAA0] =	vst v12  }
0x5e: {  	v61 =	vadd.s32 v1, v14;
	[tilespmem:$0xAB0] =	vst v60  }
0x5f: {  	v62 =	vadd.s32 v1, v15;
	[tilespmem:$0xAC0] =	vst v61  }
0x60: {  	v63 =	vadd.s32 v1, v16;
	[tilespmem:$0xAD0] =	vst v62  }
0x61: {  	s28 =	simm.s32 $0xAA0;
	[tilespmem:$0xAE0] =	vst v63  }
0x62: {  	[tilespmem:s22], [sflag:$0x1] =	stream.indirect.gather [hbm4b:s4+s26], $0x90, s28, s26, $0xb8;
	[tilespmem:$0x1C660] =	vst v63  }
0x63: {  	_ = 	snop  }
0x64: {  	[tilespmem:s21], [sflag:$0x1] =	stream.indirect.gather [hbm4b:s7+s26], $0x8, s24, s26, $0xb8;
	[tilespmem:$0x1C660] =	vst v63  }
0x65: {  	s17 =	simm.s32 $0x0  }
0x66: {  	[tilespmem:s29], [sflag:$0x1] =	stream.indirect.gather [hbm4b:s7+s26], $0x8, s25, s26, $0xb8;
	[tilespmem:$0x1C660] =	vst v63  }
.LBB2_4:
0x67: {  	s3 =	smul.u32 $0xA0, s17;
	_ =	sdelay $0x1  }
0x68: {  	s3 =	sadd.s32 s3, s18  }
0x69: {  	s3 =	sshrl.u32 s3, $0x3  }
0x6a: {  	s8 =	sadd.s32 s5, s3  }
0x6b: {  	[tilespmem:s30], [sflag:$0x5] =	stream.linear.gather [hbm4b:s8+s2], $0x50, $0x38;
	[tilespmem:$0x1C660] =	vst v63  }
0x6c: {  	_ =	swait.ge [sflag:s23], $0x50  }
0x6d: {  	[sflag:s23] =	ssyncset.done $0x0  }
0x6e: {  	s3 =	sadd.s32 s6, s3;
	[sflag:s23] =	ssyncadd.s32 $0xFFFFFFB0  }
0x6f: {  	[tilespmem:s31], [sflag:$0x5] =	stream.linear.gather [hbm4b:s3+s2], $0x50, $0x38;
	[tilespmem:$0x1C660] =	vst v63  }
0x70: {  	_ =	swait.ge [sflag:s23], $0x50  }
0x71: {  	[sflag:s23] =	ssyncset.done $0x0  }
0x72: {  	[sflag:s23] =	ssyncadd.s32 $0xFFFFFFB0  }
0x73: {  	v12 =	vld [tilespmem:$0xA50]  }
0x74: {  	v13 =	vld [tilespmem:$0xA60]  }
0x75: {  	v14 =	vld [tilespmem:$0xA70]  }
0x76: {  	v15 =	vld [tilespmem:$0xA80]  }
0x77: {  	v16 =	vld [tilespmem:$0xA90]  }
0x78: {  	v12 =	vadd.s32 v1, v12  }
0x79: {  	[tilespmem:$0xAF0] =	vst v12;
	v12 =	vadd.s32 v1, v13  }
0x7a: {  	[tilespmem:$0xB00] =	vst v12;
	v12 =	vadd.s32 v1, v14  }
0x7b: {  	[tilespmem:$0xB10] =	vst v12;
	v12 =	vadd.s32 v1, v15  }
0x7c: {  	[tilespmem:$0xB20] =	vst v12;
	v12 =	vadd.s32 v1, v16  }
0x7d: {  	[tilespmem:$0xB30] =	vst v12  }
0x7e: {  	_ =	swait.ge [sflag:s0], $0x2D00  }
0x7f: {  	[sflag:s0] =	ssyncset.done $0x0  }
0x80: {  	[sflag:s0] =	ssyncadd.s32 $0xFFFFD300  }
0x81: {  	_ =	swait.ge [sflag:s0], $0x280  }
0x82: {  	[sflag:s0] =	ssyncset.done $0x0  }
0x83: {  	[sflag:s0] =	ssyncadd.s32 $0xFFFFFD80  }
0x84: {  	_ =	swait.ge [sflag:s0], $0x280  }
0x85: {  	p0 =	seq.s32 s17, $0x0;
	[sflag:s0] =	ssyncset.done $0x0  }
0x86: {  	s3 =	simm.s32 @!p0 $0x4;
	[sflag:s0] =	ssyncadd.s32 $0xFFFFFD80  }
0x87: {  	_ =	swait.ge @!p0 [sflag:s3], $0x2D00  }
0x88: {  	[sflag:s3] =	ssyncset.done @!p0 $0x0  }
0x89: {  	s20 =	simm.s32 $0xAF0;
	[sflag:s3] =	ssyncadd.s32 @!p0 $0xFFFFD300  }
0x8a: {  	[tilespmem:s9], [sflag:$0x2] =	stream.indirect.gather [hbm4b:s4+s26], $0x90, s20, s26, $0xb8;
	[tilespmem:$0x1C660] =	vst v63  }
0x8b: {  	_ = 	snop  }
0x8c: {  	[tilespmem:s10], [sflag:$0x2] =	stream.indirect.gather [hbm4b:s7+s26], $0x8, s30, s26, $0xb8;
	[tilespmem:$0x1C660] =	vst v63  }
0x8d: {  	_ = 	snop  }
0x8e: {  	[tilespmem:s11], [sflag:$0x2] =	stream.indirect.gather [hbm4b:s7+s26], $0x8, s31, s26, $0xb8;
	[tilespmem:$0x1C660] =	vst v63  }
0x8f: {  	v12 =	vld.idx.msk [tilespmem:v0+s21+$0x0], $0xffff  }
0x90: {  	v13 =	vld.idx.msk [tilespmem:v3+s29+$0x0], $0xffff;
	_ =	sdelay $0x4  }
0x91: {  	v12 =	vadd.f32 v13, v12;
	_ =	sdelay $0x1  }
0x92: {  	v13 =	vmul.f32 $2.000000030e-01, v12  }
0x93: {  	vm0 =	vge.f32 v12, $0.0e+00  }
0x94: {  	v12 =	vsel vm0, v12, v13  }
0x95: {  	v12 =	vmul.f32 $1.442695020e+00, v12;
	_ =	sdelay $0x1  }
0x96: {  	(erf) = vpow2.f32 v12;
	_ =	sdelay $0x8  }
0x97: {  	v12 =	vpop (erf)  }
0x98: {  	[tilespmem:$0xC80] =	vst v12  }
0x99: {  	v12 =	vld.idx.msk [tilespmem:v4+s21+$0x0], $0xffff  }
0x9a: {  	v13 =	vld.idx.msk [tilespmem:v5+s29+$0x0], $0xffff;
	_ =	sdelay $0x4  }
0x9b: {  	v12 =	vadd.f32 v13, v12;
	_ =	sdelay $0x1  }
0x9c: {  	v13 =	vmul.f32 $2.000000030e-01, v12  }
0x9d: {  	vm12 =	vge.f32 v12, $0.0e+00  }
0x9e: {  	v12 =	vsel vm12, v12, v13  }
0x9f: {  	v12 =	vmul.f32 $1.442695020e+00, v12;
	_ =	sdelay $0x1  }
0xa0: {  	(erf) = vpow2.f32 v12;
	_ =	sdelay $0x8  }
0xa1: {  	v12 =	vpop (erf)  }
0xa2: {  	[tilespmem:$0xC90] =	vst v12  }
0xa3: {  	v12 =	vld.idx.msk [tilespmem:v6+s21+$0x0], $0xffff  }
0xa4: {  	v13 =	vld.idx.msk [tilespmem:v7+s29+$0x0], $0xffff;
	_ =	sdelay $0x4  }
0xa5: {  	v12 =	vadd.f32 v13, v12;
	_ =	sdelay $0x1  }
0xa6: {  	v13 =	vmul.f32 $2.000000030e-01, v12  }
0xa7: {  	vm13 =	vge.f32 v12, $0.0e+00  }
0xa8: {  	v12 =	vsel vm13, v12, v13  }
0xa9: {  	v12 =	vmul.f32 $1.442695020e+00, v12;
	_ =	sdelay $0x1  }
0xaa: {  	(erf) = vpow2.f32 v12;
	_ =	sdelay $0x8  }
0xab: {  	v12 =	vpop (erf)  }
0xac: {  	[tilespmem:$0xCA0] =	vst v12  }
0xad: {  	v12 =	vld.idx.msk [tilespmem:v8+s21+$0x0], $0xffff  }
0xae: {  	v13 =	vld.idx.msk [tilespmem:v9+s29+$0x0], $0xffff;
	_ =	sdelay $0x4  }
0xaf: {  	v12 =	vadd.f32 v13, v12;
	_ =	sdelay $0x1  }
0xb0: {  	v13 =	vmul.f32 $2.000000030e-01, v12  }
0xb1: {  	vm14 =	vge.f32 v12, $0.0e+00  }
0xb2: {  	v12 =	vsel vm14, v12, v13  }
0xb3: {  	v12 =	vmul.f32 $1.442695020e+00, v12;
	_ =	sdelay $0x1  }
0xb4: {  	(erf) = vpow2.f32 v12;
	_ =	sdelay $0x8  }
0xb5: {  	v12 =	vpop (erf)  }
0xb6: {  	[tilespmem:$0xCB0] =	vst v12  }
0xb7: {  	v12 =	vld.idx.msk [tilespmem:v10+s21+$0x0], $0xffff  }
0xb8: {  	v13 =	vld.idx.msk [tilespmem:v11+s29+$0x0], $0xffff;
	_ =	sdelay $0x4  }
0xb9: {  	v12 =	vadd.f32 v13, v12;
	_ =	sdelay $0x1  }
0xba: {  	v13 =	vmul.f32 $2.000000030e-01, v12  }
0xbb: {  	vm15 =	vge.f32 v12, $0.0e+00  }
0xbc: {  	v12 =	vsel vm15, v12, v13  }
0xbd: {  	v12 =	vmul.f32 $1.442695020e+00, v12;
	_ =	sdelay $0x1  }
0xbe: {  	(erf) = vpow2.f32 v12;
	_ =	sdelay $0x8  }
0xbf: {  	v13 =	vmov s21;
	v12 =	vpop (erf)  }
0xc0: {  	s8 =	simm.s32 $0xD10;
	[tilespmem:$0xCC0] =	vst v12  }
0xc1: {  	v17 =	vld [tilespmem:s8+$0xFFFFFFC0]  }
0xc2: {  	v20 =	vld [tilespmem:s8+$0x30]  }
0xc3: {  	v18 =	vld [tilespmem:s8+$0x40]  }
0xc4: {  	v13 =	vld.idx.msk [tilespmem:v13+s12+$0x0], $0xffff  }
0xc5: {  	v22 =	vld [tilespmem:s8+$0xFFFFFFE0]  }
0xc6: {  	v12 =	vld [tilespmem:s8+$0xFFFFFFF0]  }
0xc7: {  	v14 =	vld [tilespmem:s8+$0x20]  }
0xc8: {  	v15 =	vld [tilespmem:s8+$0xFFFFFFD0]  }
0xc9: {  	v16 =	vld [tilespmem:s8+$0x10]  }
0xca: {  	v21 =	vmul.f32 v17, v13;
	v19 =	vmul.f32 v18, v13;
	v17 =	vld [tilespmem:s8+$0x0]  }
0xcb: {  	s28 =	simm.s32 $0xD10;
	s3 =	simm.s32 $0x1;
	s20 =	sshll.u32 s17, $0x1;
	v18 =	vmul.f32 v22, v13;
	v20 =	vmul.f32 v20, v13  }
.LBB2_5:
0xcc: {  	p0 =	sne.s32 s3, $0x4F  }
0xcd: {  	[tilespmem:s8+$0xFFFFFFC0] =	vst v21;
	v15 =	vmul.f32 v15, v13;
	v14 =	vmul.f32 v14, v13;
	s28 =	sadd.s32 $0x90, s28;
	s13 =	smov.u32 s3;
	s3 =	sadd.s32 $0x1, s3  }
0xce: {  	v21 =	vmul.f32 v12, v13;
	v12 =	vmul.f32 v16, v13;
	[tilespmem:s8+$0x40] =	vst v19  }
0xcf: {  	v13 =	vmul.f32 v17, v13;
	[tilespmem:s8+$0x30] =	vst v20  }
0xd0: {  	[tilespmem:s8+$0xFFFFFFE0] =	vst v18  }
0xd1: {  	v16 =	vmov s13;
	[tilespmem:s8+$0x10] =	vst v12  }
0xd2: {  	v12 =	vld [tilespmem:s28+$0xFFFFFFF0];
	[tilespmem:s8+$0x0] =	vst v13  }
0xd3: {  	v18 =	vld [tilespmem:s28+$0xFFFFFFC0];
	[tilespmem:s8+$0xFFFFFFF0] =	vst v21  }
0xd4: {  	v20 =	vld [tilespmem:s28+$0x30];
	[tilespmem:s8+$0x20] =	vst v14  }
0xd5: {  	v19 =	vld [tilespmem:s28+$0x40];
	[tilespmem:s8+$0xFFFFFFD0] =	vst v15;
	s8 =	smov.u32 s28  }
0xd6: {  	v13 =	vld.idx.msk [tilespmem:v16+s12+$0x0], $0xffff  }
0xd7: {  	v22 =	vld [tilespmem:s28+$0xFFFFFFE0]  }
0xd8: {  	v14 =	vld [tilespmem:s28+$0x20]  }
.Ltmp1:
0xd9: {  	v15 =	vld [tilespmem:s28+$0xFFFFFFD0];
	(pc) =	sbr.rel @p0 .LBB2_5-.Ltmp1, $4  }
0xda: {  	v16 =	vld [tilespmem:s28+$0x10]  }
0xdb: {  	v17 =	vld [tilespmem:s28+$0x0]  }
0xdc: {  	v21 =	vmul.f32 v18, v13;
	v19 =	vmul.f32 v19, v13  }
0xdd: {  	v20 =	vmul.f32 v20, v13;
	v18 =	vmul.f32 v22, v13  }
0xde: {  	[tilespmem:s8+$0xFFFFFFC0] =	vst v21  }
0xdf: {  	[tilespmem:s8+$0x40] =	vst v19  }
0xe0: {  	v12 =	vmul.f32 v12, v13;
	[tilespmem:s8+$0x30] =	vst v20  }
0xe1: {  	v14 =	vmul.f32 v14, v13;
	[tilespmem:s8+$0xFFFFFFE0] =	vst v18  }
0xe2: {  	v16 =	vmul.f32 v16, v13;
	[tilespmem:s8+$0xFFFFFFF0] =	vst v12  }
0xe3: {  	v17 =	vmul.f32 v17, v13;
	[tilespmem:s8+$0x20] =	vst v14  }
0xe4: {  	v13 =	vmul.f32 v15, v13;
	[tilespmem:s8+$0x10] =	vst v16  }
0xe5: {  	[tilespmem:s8+$0x0] =	vst v17  }
0xe6: {  	[tilespmem:s8+$0xFFFFFFD0] =	vst v13  }
0xe7: {  	v12 =	vld [tilespmem:$0xB40]  }
0xe8: {  	v13 =	vld [tilespmem:$0xB50]  }
0xe9: {  	v14 =	vld [tilespmem:$0xB60]  }
0xea: {  	v15 =	vld [tilespmem:$0xB70]  }
0xeb: {  	v16 =	vld [tilespmem:$0xB80]  }
0xec: {  	s3 =	smin.u32 s20, $0xF7;
	[tilespmem:$0xBE0] =	vst v12  }
0xed: {  	s3 =	smul.u32 $0x50, s3;
	[tilespmem:$0xBF0] =	vst v13  }
0xee: {  	[tilespmem:$0xC00] =	vst v14  }
0xef: {  	s3 =	sadd.s32 s3, s19;
	[tilespmem:$0xC10] =	vst v15  }
0xf0: {  	s13 =	simm.s32 $0xBE0;
	s3 =	sshrl.u32 s3, $0x3;
	[tilespmem:$0xC20] =	vst v16  }
0xf1: {  	[spmem:s1] =	stream.indirect.scatter.add.f32 [tilespmem:s22], [sflag:$0x3], $0x90, s13, s26, $0xb8;
	[tilespmem:$0x1C660] =	vst v63  }
0xf2: {  	s20 =	simm.s32 $0x0;
	s13 =	sadd.s32 s5, s3  }
0xf3: {  	[tilespmem:s24], [sflag:$0x5] =	stream.linear.gather [hbm4b:s13+s20], $0x50, $0x38;
	[tilespmem:$0x1C660] =	vst v63  }
0xf4: {  	_ =	swait.ge [sflag:s23], $0x50  }
0xf5: {  	[sflag:s23] =	ssyncset.done $0x0  }
0xf6: {  	s3 =	sadd.s32 s6, s3;
	[sflag:s23] =	ssyncadd.s32 $0xFFFFFFB0  }
0xf7: {  	[tilespmem:s25], [sflag:$0x5] =	stream.linear.gather [hbm4b:s3+s20], $0x50, $0x38;
	[tilespmem:$0x1C660] =	vst v63  }
0xf8: {  	_ =	swait.ge [sflag:s23], $0x50  }
0xf9: {  	[sflag:s23] =	ssyncset.done $0x0  }
0xfa: {  	[sflag:s23] =	ssyncadd.s32 $0xFFFFFFB0  }
0xfb: {  	v12 =	vld [tilespmem:$0xA00]  }
0xfc: {  	v13 =	vld [tilespmem:$0xA10]  }
0xfd: {  	v14 =	vld [tilespmem:$0xA20]  }
0xfe: {  	v15 =	vld [tilespmem:$0xA30]  }
0xff: {  	v16 =	vld [tilespmem:$0xA40]  }
0x100: {  	v12 =	vadd.s32 v1, v12  }
0x101: {  	[tilespmem:$0xAA0] =	vst v12;
	v12 =	vadd.s32 v1, v13  }
0x102: {  	[tilespmem:$0xAB0] =	vst v12;
	v12 =	vadd.s32 v1, v14  }
0x103: {  	[tilespmem:$0xAC0] =	vst v12;
	v12 =	vadd.s32 v1, v15  }
0x104: {  	[tilespmem:$0xAD0] =	vst v12;
	v12 =	vadd.s32 v1, v16  }
0x105: {  	[tilespmem:$0xAE0] =	vst v12  }
0x106: {  	_ =	swait.ge [sflag:s14], $0x2D00  }
0x107: {  	[sflag:s14] =	ssyncset.done $0x0  }
0x108: {  	[sflag:s14] =	ssyncadd.s32 $0xFFFFD300  }
0x109: {  	_ =	swait.ge [sflag:s14], $0x280  }
0x10a: {  	[sflag:s14] =	ssyncset.done $0x0  }
0x10b: {  	[sflag:s14] =	ssyncadd.s32 $0xFFFFFD80  }
0x10c: {  	_ =	swait.ge [sflag:s14], $0x280  }
0x10d: {  	[sflag:s14] =	ssyncset.done $0x0  }
0x10e: {  	[sflag:s14] =	ssyncadd.s32 $0xFFFFFD80  }
0x10f: {  	_ =	swait.ge [sflag:s15], $0x2D00  }
0x110: {  	[sflag:s15] =	ssyncset.done $0x0  }
0x111: {  	s28 =	simm.s32 $0xAA0;
	[sflag:s15] =	ssyncadd.s32 $0xFFFFD300  }
0x112: {  	[tilespmem:s22], [sflag:$0x1] =	stream.indirect.gather [hbm4b:s4+s26], $0x90, s28, s26, $0xb8;
	[tilespmem:$0x1C660] =	vst v63  }
0x113: {  	_ = 	snop  }
0x114: {  	[tilespmem:s20], [sflag:$0x1] =	stream.indirect.gather [hbm4b:s7+s26], $0x8, s24, s26, $0xb8;
	[tilespmem:$0x1C660] =	vst v63  }
0x115: {  	_ = 	snop  }
0x116: {  	[tilespmem:s29], [sflag:$0x1] =	stream.indirect.gather [hbm4b:s7+s26], $0x8, s25, s26, $0xb8;
	[tilespmem:$0x1C660] =	vst v63  }
0x117: {  	v12 =	vld.idx.msk [tilespmem:v0+s10+$0x0], $0xffff  }
0x118: {  	v13 =	vld.idx.msk [tilespmem:v3+s11+$0x0], $0xffff;
	_ =	sdelay $0x4  }
0x119: {  	v12 =	vadd.f32 v13, v12;
	_ =	sdelay $0x1  }
0x11a: {  	v13 =	vmul.f32 $2.000000030e-01, v12  }
0x11b: {  	vm0 =	vge.f32 v12, $0.0e+00  }
0x11c: {  	v12 =	vsel vm0, v12, v13  }
0x11d: {  	v12 =	vmul.f32 $1.442695020e+00, v12;
	_ =	sdelay $0x1  }
0x11e: {  	(erf) = vpow2.f32 v12;
	_ =	sdelay $0x8  }
0x11f: {  	v12 =	vpop (erf)  }
0x120: {  	[tilespmem:$0xC80] =	vst v12  }
0x121: {  	v12 =	vld.idx.msk [tilespmem:v4+s10+$0x0], $0xffff  }
0x122: {  	v13 =	vld.idx.msk [tilespmem:v5+s11+$0x0], $0xffff;
	_ =	sdelay $0x4  }
0x123: {  	v12 =	vadd.f32 v13, v12;
	_ =	sdelay $0x1  }
0x124: {  	v13 =	vmul.f32 $2.000000030e-01, v12  }
0x125: {  	vm12 =	vge.f32 v12, $0.0e+00  }
0x126: {  	v12 =	vsel vm12, v12, v13  }
0x127: {  	v12 =	vmul.f32 $1.442695020e+00, v12;
	_ =	sdelay $0x1  }
0x128: {  	(erf) = vpow2.f32 v12;
	_ =	sdelay $0x8  }
0x129: {  	v12 =	vpop (erf)  }
0x12a: {  	[tilespmem:$0xC90] =	vst v12  }
0x12b: {  	v12 =	vld.idx.msk [tilespmem:v6+s10+$0x0], $0xffff  }
0x12c: {  	v13 =	vld.idx.msk [tilespmem:v7+s11+$0x0], $0xffff;
	_ =	sdelay $0x4  }
0x12d: {  	v12 =	vadd.f32 v13, v12;
	_ =	sdelay $0x1  }
0x12e: {  	v13 =	vmul.f32 $2.000000030e-01, v12  }
0x12f: {  	vm13 =	vge.f32 v12, $0.0e+00  }
0x130: {  	v12 =	vsel vm13, v12, v13  }
0x131: {  	v12 =	vmul.f32 $1.442695020e+00, v12;
	_ =	sdelay $0x1  }
0x132: {  	(erf) = vpow2.f32 v12;
	_ =	sdelay $0x8  }
0x133: {  	v12 =	vpop (erf)  }
0x134: {  	[tilespmem:$0xCA0] =	vst v12  }
0x135: {  	v12 =	vld.idx.msk [tilespmem:v8+s10+$0x0], $0xffff  }
0x136: {  	v13 =	vld.idx.msk [tilespmem:v9+s11+$0x0], $0xffff;
	_ =	sdelay $0x4  }
0x137: {  	v12 =	vadd.f32 v13, v12;
	_ =	sdelay $0x1  }
0x138: {  	v13 =	vmul.f32 $2.000000030e-01, v12  }
0x139: {  	vm14 =	vge.f32 v12, $0.0e+00  }
0x13a: {  	v12 =	vsel vm14, v12, v13  }
0x13b: {  	v12 =	vmul.f32 $1.442695020e+00, v12;
	_ =	sdelay $0x1  }
0x13c: {  	(erf) = vpow2.f32 v12;
	_ =	sdelay $0x8  }
0x13d: {  	v12 =	vpop (erf)  }
0x13e: {  	[tilespmem:$0xCB0] =	vst v12  }
0x13f: {  	v12 =	vld.idx.msk [tilespmem:v10+s10+$0x0], $0xffff  }
0x140: {  	v13 =	vld.idx.msk [tilespmem:v11+s11+$0x0], $0xffff;
	_ =	sdelay $0x4  }
0x141: {  	v12 =	vadd.f32 v13, v12;
	_ =	sdelay $0x1  }
0x142: {  	v13 =	vmul.f32 $2.000000030e-01, v12  }
0x143: {  	vm15 =	vge.f32 v12, $0.0e+00  }
0x144: {  	v12 =	vsel vm15, v12, v13  }
0x145: {  	v12 =	vmul.f32 $1.442695020e+00, v12;
	_ =	sdelay $0x1  }
0x146: {  	(erf) = vpow2.f32 v12;
	_ =	sdelay $0x8  }
0x147: {  	v13 =	vmov s20;
	v12 =	vpop (erf)  }
0x148: {  	s8 =	simm.s32 $0x3A10;
	[tilespmem:$0xCC0] =	vst v12  }
0x149: {  	v17 =	vld [tilespmem:s8+$0xFFFFFFC0]  }
0x14a: {  	v20 =	vld [tilespmem:s8+$0x30]  }
0x14b: {  	v18 =	vld [tilespmem:s8+$0x40]  }
0x14c: {  	v13 =	vld.idx.msk [tilespmem:v13+s12+$0x0], $0xffff  }
0x14d: {  	v22 =	vld [tilespmem:s8+$0xFFFFFFE0]  }
0x14e: {  	v12 =	vld [tilespmem:s8+$0xFFFFFFF0]  }
0x14f: {  	v14 =	vld [tilespmem:s8+$0x20]  }
0x150: {  	v15 =	vld [tilespmem:s8+$0xFFFFFFD0]  }
0x151: {  	v16 =	vld [tilespmem:s8+$0x10]  }
0x152: {  	v21 =	vmul.f32 v17, v13;
	v19 =	vmul.f32 v18, v13;
	v17 =	vld [tilespmem:s8+$0x0]  }
0x153: {  	s3 =	simm.s32 $0x1;
	s20 =	simm.s32 $0x3A10;
	v18 =	vmul.f32 v22, v13;
	v20 =	vmul.f32 v20, v13  }
.LBB2_7:
0x154: {  	p0 =	sne.s32 s3, $0x4F  }
0x155: {  	[tilespmem:s8+$0xFFFFFFC0] =	vst v21;
	v15 =	vmul.f32 v15, v13;
	v14 =	vmul.f32 v14, v13;
	s20 =	sadd.s32 $0x90, s20;
	s13 =	smov.u32 s3;
	s3 =	sadd.s32 $0x1, s3  }
0x156: {  	v21 =	vmul.f32 v12, v13;
	v12 =	vmul.f32 v16, v13;
	[tilespmem:s8+$0x40] =	vst v19  }
0x157: {  	v13 =	vmul.f32 v17, v13;
	[tilespmem:s8+$0x30] =	vst v20  }
0x158: {  	[tilespmem:s8+$0xFFFFFFE0] =	vst v18  }
0x159: {  	v16 =	vmov s13;
	[tilespmem:s8+$0x10] =	vst v12  }
0x15a: {  	v12 =	vld [tilespmem:s20+$0xFFFFFFF0];
	[tilespmem:s8+$0x0] =	vst v13  }
0x15b: {  	v18 =	vld [tilespmem:s20+$0xFFFFFFC0];
	[tilespmem:s8+$0xFFFFFFF0] =	vst v21  }
0x15c: {  	v20 =	vld [tilespmem:s20+$0x30];
	[tilespmem:s8+$0x20] =	vst v14  }
0x15d: {  	v19 =	vld [tilespmem:s20+$0x40];
	[tilespmem:s8+$0xFFFFFFD0] =	vst v15;
	s8 =	smov.u32 s20  }
0x15e: {  	v13 =	vld.idx.msk [tilespmem:v16+s12+$0x0], $0xffff  }
0x15f: {  	v22 =	vld [tilespmem:s20+$0xFFFFFFE0]  }
0x160: {  	v14 =	vld [tilespmem:s20+$0x20]  }
.Ltmp2:
0x161: {  	v15 =	vld [tilespmem:s20+$0xFFFFFFD0];
	(pc) =	sbr.rel @p0 .LBB2_7-.Ltmp2, $4  }
0x162: {  	v16 =	vld [tilespmem:s20+$0x10]  }
0x163: {  	v17 =	vld [tilespmem:s20+$0x0]  }
0x164: {  	v21 =	vmul.f32 v18, v13;
	v19 =	vmul.f32 v19, v13  }
0x165: {  	v20 =	vmul.f32 v20, v13;
	v18 =	vmul.f32 v22, v13  }
0x166: {  	[tilespmem:s8+$0xFFFFFFC0] =	vst v21  }
0x167: {  	[tilespmem:s8+$0x40] =	vst v19  }
0x168: {  	v12 =	vmul.f32 v12, v13;
	[tilespmem:s8+$0x30] =	vst v20  }
0x169: {  	v14 =	vmul.f32 v14, v13;
	[tilespmem:s8+$0xFFFFFFE0] =	vst v18  }
0x16a: {  	v62 =	vmul.f32 v15, v13;
	[tilespmem:s8+$0xFFFFFFF0] =	vst v12  }
0x16b: {  	v16 =	vmul.f32 v16, v13;
	[tilespmem:s8+$0x20] =	vst v14  }
0x16c: {  	v17 =	vmul.f32 v17, v13;
	[tilespmem:s8+$0xFFFFFFD0] =	vst v62  }
0x16d: {  	[tilespmem:s8+$0x10] =	vst v16  }
0x16e: {  	[tilespmem:s8+$0x0] =	vst v17  }
0x16f: {  	v12 =	vld [tilespmem:$0xB90]  }
0x170: {  	v13 =	vld [tilespmem:$0xBA0]  }
0x171: {  	v14 =	vld [tilespmem:$0xBB0]  }
0x172: {  	v63 =	vld [tilespmem:$0xBC0]  }
0x173: {  	s17 =	sadd.s32 $0x1, s17;
	v16 =	vld [tilespmem:$0xBD0]  }
0x174: {  	p0 =	sne.s32 s17, $0x7D;
	[tilespmem:$0xC30] =	vst v12  }
.Ltmp3:
0x175: {  	[tilespmem:$0xC40] =	vst v13;
	(pc) =	sbr.rel @p0 .LBB2_4-.Ltmp3, $4  }
0x176: {  	[tilespmem:$0xC50] =	vst v14  }
0x177: {  	[tilespmem:$0xC60] =	vst v63  }
0x178: {  	[tilespmem:$0xC70] =	vst v16  }
0x179: {  	[spmem:s1] =	stream.indirect.scatter.add.f32 [tilespmem:s9], [sflag:$0x4], $0x90, s16, s26, $0xb8;
	[tilespmem:$0x1C660] =	vst v63  }
0x17a: {  	_ =	swait.ge [sflag:s0], $0x2D00  }
0x17b: {  	[sflag:s0] =	ssyncset.done $0x0  }
0x17c: {  	[sflag:s0] =	ssyncadd.s32 $0xFFFFD300  }
0x17d: {  	_ =	swait.ge [sflag:s0], $0x280  }
0x17e: {  	[sflag:s0] =	ssyncset.done $0x0  }
0x17f: {  	[sflag:s0] =	ssyncadd.s32 $0xFFFFFD80  }
0x180: {  	_ =	swait.ge [sflag:s0], $0x280  }
0x181: {  	[sflag:s0] =	ssyncset.done $0x0  }
0x182: {  	s3 =	simm.s32 $0x4;
	[sflag:s0] =	ssyncadd.s32 $0xFFFFFD80  }
0x183: {  	_ =	swait.ge [sflag:s3], $0x2D00  }
0x184: {  	[sflag:s3] =	ssyncset.done $0x0  }
0x185: {  	[sflag:s3] =	ssyncadd.s32 $0xFFFFD300  }
0x186: {  	s17 =	stileid.u32;
	[bflag:$0x0] =	sbarrier.arrive $0xFFFF  }
0x187: {  	s3 =	sshll.u32 s17, $0x6;
	s13 =	rddreg [dreg:$0x3]  }
0x188: {  	s3 =	sor.u32 $0x1C05, s3;
	s17 =	rddreg [dreg:$0xe];
	s8 =	sshrl.u32 s13, $0x3  }
0x189: {  	[hbm:s17], [sflag:s3] =	dma.local [spmem:s8], $0x2BF2  }
0x18a: {  	_ =	swait.ge [sflag:s23], $0x2BF2  }
0x18b: {  	s20 =	rddreg [dreg:$0xf]  }
0x18c: {  	s28 =	rddreg [dreg:$0xd];
	s8 =	sadd.s32 $0x1, s20  }
0x18d: {  	p0 =	sne.s32 s8, s28  }
.Ltmp4:
0x18e: {  	_ = 	snop;
	(pc) =	sbr.rel @p0 .LBB2_1-.Ltmp4, $3  }
0x18f: {  	_ =	sdelay $0x1  }
0x190: {  	[sflag:s23] =	ssyncset.done $0x0  }
0x191: {  	[sflag:s23] =	ssyncadd.s32 $0xFFFFD40E  }
0x192: {  	_ =	sfence.sel $0x180000  }
0x193: {  	[bflag:$0x0] =	sbarrier.arrive $0xFFFF  }
0x194: {  	_ =	strace $0x90000047  }
0x195: {  	s0 =	stileid.u32;
	[bflag:$0x2] =	sbarrier.arrive $0xFFFF  }
0x196: {  	p0 =	sne.s32 s0, $0x0;
	s0 =	rddreg [dreg:$0x2]  }
0x197: {  	s0 =	sadd.s32 @!p0 $0x100000, s0  }
0x198: {  	[sflag:s0] =	ssyncadd.tile.s32 @!p0 $0x1;
	_ =	shalt  }
.Lfunc_end2:
_tile_overlayer_lowered:
.L_overlay_start_2:
0x199: {  	(tag) =	ssettag $0x2  }
0x19a: {  	s0 =	rddreg [dreg:$0x0];
	s2 =	stileid.u32  }
0x19b: {  	s1 =	rddreg [dreg:$0x1];
	p0 =	sne.s32 s2, $0x0  }
0x19c: {  	s3 =	rddreg [dreg:$0x2];
	[bflag:$0x3] =	sbarrier.arrive $0xFFFF;
	s2 =	simm.s32 @!p0 $0x1C05  }
0x19d: {  	[timem:s3], [sflag:s2] =	dma.local @!p0 [hbm:s0], s1  }
0x19e: {  	s0 =	simm.s32 @!p0 $0x5  }
0x19f: {  	_ =	swait.ge @!p0 [sflag:s0], s1  }
0x1a0: {  	s1 =	ssub.s32 @!p0 $0x0, s1;
	[sflag:s0] =	ssyncset.done @!p0 $0x0  }
0x1a1: {  	[sflag:s0] =	ssyncadd.s32 @!p0 s1  }
0x1a2: {  	[bflag:$0x3] =	sbarrier.arrive $0xFFFF  }
0x1a3: {  	_ =	shalt  }

</sc_bundles>
